<compile_context>
chip_gen: v7x
topology: tpu7x:2x2x1
jax: 0.10.2.dev20260603
libtpu: 0.0.44.dev20260713+nightly
codegen_flags: <defaults>
</compile_context>

<pallas_src>
import functools

import jax
import jax.numpy as jnp
from jax import lax
from jax.experimental import pallas as pl
from jax.experimental.pallas import tpu as pltpu
from jax.experimental.pallas import tpu_sc as plsc

_INFO = plsc.get_sparse_core_info()
_NC = _INFO.num_cores
_NS = _INFO.num_subcores
_NW = _NC * _NS
_L = _INFO.num_lanes

_BATCH = 16384
_BPW = _BATCH // _NW
_CHUNK = 128
_NCHUNK = _BPW // _CHUNK
_NCOL = 10

_N = 1000000
_TILES = 7812
_TPW = _TILES // _NW
_ACHUNK = 4
_CW = (_TPW // _ACHUNK) * 128
_R = 7813 * 128
_TAIL = _TILES * 128


def _detile_body(a3, b3, t3a, t3b, o3a, o3b,
                 bufa, bufb, ra0, ra1, ra2, rb0, rb1, rb2, tb3,
                 rsem, wsem):
    wid = lax.axis_index("s") * _NC + lax.axis_index("c")
    base = wid * _TPW * 128
    bufs = (bufa, bufb)
    rowsets = ((ra0, ra1, ra2), (rb0, rb1, rb2))

    units = [(k, src, out)
             for k in range(_ACHUNK)
             for src, out in ((a3, o3a), (b3, o3b))]

    def read(i):
        k, src, _ = units[i]
        return pltpu.async_copy(
            src.at[:, pl.ds(base + k * _CW, _CW)], bufs[i % 2], rsem)

    def extract(buf, rows):
        def step(i, _):
            for u in range(4):
                o = (i * 4 + u) * _L
                for c in range(3):
                    rows[c][pl.ds(o, _L)] = buf[c, pl.ds(o, _L)]
            return 0
        lax.fori_loop(0, _CW // (_L * 4), step, 0)

    pending_read = read(0)
    pending_writes = ([], [])
    for i, (k, src, out) in enumerate(units):
        pending_read.wait()
        if i + 1 < len(units):
            pending_read = read(i + 1)
        for w in pending_writes[i % 2]:
            w.wait()
        rows = rowsets[i % 2]
        extract(bufs[i % 2], rows)
        pending_writes = (
            [pltpu.async_copy(
                rows[c], out.at[pl.ds(c * _R + base + k * _CW, _CW)], wsem)
             for c in range(3)] if i % 2 == 0 else pending_writes[0],
            [pltpu.async_copy(
                rows[c], out.at[pl.ds(c * _R + base + k * _CW, _CW)], wsem)
             for c in range(3)] if i % 2 == 1 else pending_writes[1],
        )
    for ws in pending_writes:
        for w in ws:
            w.wait()

    @pl.when(wid < 4)
    def _():
        toff = (_TILES - 4) * 128 + wid * 128
        rows = rowsets[0]
        for src, out in ((a3, o3a), (b3, o3b)):
            pltpu.sync_copy(src.at[:, pl.ds(toff, 128)],
                            bufa.at[:, pl.ds(0, 128)])

            def tstep(i, _):
                for c in range(3):
                    rows[c][pl.ds(i * _L, _L)] = bufa[c, pl.ds(i * _L, _L)]
                return 0
            lax.fori_loop(0, 128 // _L, tstep, 0)
            for c in range(3):
                pltpu.sync_copy(rows[c].at[pl.ds(0, 128)],
                                out.at[pl.ds(c * _R + toff, 128)])

    @pl.when(wid == 4)
    def _():
        pltpu.sync_copy(t3a, tb3)
        for c in range(3):
            pltpu.sync_copy(tb3.at[pl.ds(c * 128, 128)],
                            o3a.at[pl.ds(c * _R + _TAIL, 128)])

    @pl.when(wid == 5)
    def _():
        pltpu.sync_copy(t3b, tb3)
        for c in range(3):
            pltpu.sync_copy(tb3.at[pl.ds(c * 128, 128)],
                            o3b.at[pl.ds(c * _R + _TAIL, 128)])


def _gather_body(idx_hbm, i4, f3a, f3b, *refs):
    outs = refs[:_NCOL]
    idx_v, cols_v, sem = refs[_NCOL:]
    wid = lax.axis_index("s") * _NC + lax.axis_index("c")
    base = wid * _BPW

    pltpu.sync_copy(idx_hbm.at[pl.ds(wid * _NCHUNK, _NCHUNK)], idx_v)

    srcs = ([i4.at[c] for c in range(4)]
            + [f3a.at[pl.ds(c * _R, _R)] for c in range(3)]
            + [f3b.at[pl.ds(c * _R, _R)] for c in range(3)])
    copies = []
    for c in range(_NCOL):
        for k in range(_NCHUNK):
            copies.append(pltpu.async_copy(
                srcs[c].at[idx_v.at[k]],
                cols_v.at[c].at[pl.ds(k * _CHUNK, _CHUNK)],
                sem))
    for cp in copies:
        cp.wait()

    writes = [pltpu.async_copy(cols_v.at[c], outs[c].at[pl.ds(base, _BPW)],
                               sem)
              for c in range(_NCOL)]
    for w in writes:
        w.wait()


@jax.jit
def _run(camera_idx, intrinsic_deltas, rotation_deltas, translation_deltas):
    mesh = plsc.VectorSubcoreMesh(core_axis_name="c", subcore_axis_name="s")

    tail3a = jnp.ravel(
        jnp.pad(rotation_deltas[_TAIL:], ((0, 64), (0, 0))).T)
    tail3b = jnp.ravel(
        jnp.pad(translation_deltas[_TAIL:], ((0, 64), (0, 0))).T)

    detile = functools.partial(
        pl.kernel,
        out_type=(jax.ShapeDtypeStruct((3 * _R,), jnp.float32),
                  jax.ShapeDtypeStruct((3 * _R,), jnp.float32)),
        mesh=mesh,
        scratch_types=[
            pltpu.VMEM((3, _CW), jnp.float32),
            pltpu.VMEM((3, _CW), jnp.float32),
            pltpu.VMEM((_CW,), jnp.float32),
            pltpu.VMEM((_CW,), jnp.float32),
            pltpu.VMEM((_CW,), jnp.float32),
            pltpu.VMEM((_CW,), jnp.float32),
            pltpu.VMEM((_CW,), jnp.float32),
            pltpu.VMEM((_CW,), jnp.float32),
            pltpu.VMEM((3 * 128,), jnp.float32),
            pltpu.SemaphoreType.DMA,
            pltpu.SemaphoreType.DMA,
        ],
        compiler_params=pltpu.CompilerParams(
            use_tc_tiling_on_sc=True, needs_layout_passes=False),
    )(_detile_body)
    f3a, f3b = detile(rotation_deltas.T, translation_deltas.T,
                      tail3a, tail3b)

    gather = functools.partial(
        pl.kernel,
        out_type=tuple(jax.ShapeDtypeStruct((_BATCH,), jnp.float32)
                       for _ in range(_NCOL)),
        mesh=mesh,
        scratch_types=[
            pltpu.VMEM((_NCHUNK, _CHUNK), jnp.int32),
            pltpu.VMEM((_NCOL, _BPW), jnp.float32),
            pltpu.SemaphoreType.DMA,
        ],
        compiler_params=pltpu.CompilerParams(
            use_tc_tiling_on_sc=False, needs_layout_passes=False),
    )(_gather_body)
    idx2 = camera_idx.reshape(_NW * _NCHUNK, _CHUNK)
    cols = gather(idx2, intrinsic_deltas.T, f3a, f3b)
    return jnp.stack(cols, axis=1)


def kernel(camera_idx, intrinsic_deltas, rotation_deltas, translation_deltas):
    return _run(camera_idx.astype(jnp.int32), intrinsic_deltas,
                rotation_deltas, translation_deltas)

# --- scband reference (transcript-rebuilt; emitter-appended) ---
"""Pipeline reference for scband-adjustments-90812788506816 (READ-ONLY COPY).

The authoritative reference and input builder live on the scoring server;
editing this copy changes nothing except your own understanding.
"""

import jax, jax.numpy as jnp
import numpy as np

NUM_CAMERAS = 1000000
BATCH = 16384

def setup_inputs(seed: int = 0) -> dict:
    key = jax.random.key(seed)
    k1, k2, k3, k4 = jax.random.split(key, 4)
    camera_idx = jax.random.randint(k1, (BATCH,), 0, NUM_CAMERAS, dtype=jnp.int64 if jax.config.jax_enable_x64 else jnp.int32)
    # Learned adjustment tables (module inits to zeros; use small noise so outputs are nontrivial)
    intrinsic_deltas = jax.random.normal(k2, (NUM_CAMERAS, 4), dtype=jnp.float32) * 0.01
    rotation_deltas = jax.random.normal(k3, (NUM_CAMERAS, 3), dtype=jnp.float32) * 0.01
    translation_deltas = jax.random.normal(k4, (NUM_CAMERAS, 3), dtype=jnp.float32) * 0.01
    return {
        "camera_idx": camera_idx,
        "intrinsic_deltas": intrinsic_deltas,
        "rotation_deltas": rotation_deltas,
        "translation_deltas": translation_deltas,
    }

def reference(camera_idx, intrinsic_deltas, rotation_deltas, translation_deltas):
    # Batched version of get_intrinsic_adjustments / get_extrinsic_adjustments:
    # per-camera parameter row gather (embedding lookup) from three tables.
    intr = jnp.take(intrinsic_deltas, camera_idx, axis=0)      # [B, 4]
    rot = jnp.take(rotation_deltas, camera_idx, axis=0)        # [B, 3]
    trans = jnp.take(translation_deltas, camera_idx, axis=0)   # [B, 3]
    return jnp.concatenate([intr, rot, trans], axis=-1)        # [B, 10]

if __name__ == "__main__":
    import jax
    _d = setup_inputs()
    print(jax.jit(kernel)(*tuple(_d.values())))

</pallas_src>

<mosaic_0001>
#map = affine_map<(d0, d1) -> (0, 0)>
#map1 = affine_map<(d0, d1) -> (0)>
module attributes {stable_mosaic.version = 14 : i64} {
  func.func @_detile_body(%arg0: i32, %arg1: i32, %arg2: memref<3x1000000xf32, #tpu.memory_space<hbm>>, %arg3: memref<3x1000000xf32, #tpu.memory_space<hbm>>, %arg4: memref<384xf32, #tpu.memory_space<hbm>>, %arg5: memref<384xf32, #tpu.memory_space<hbm>>, %arg6: memref<3000192xf32, #tpu.memory_space<hbm>>, %arg7: memref<3000192xf32, #tpu.memory_space<hbm>>, %arg8: memref<3x7808xf32, #tpu.memory_space<vmem>>, %arg9: memref<3x7808xf32, #tpu.memory_space<vmem>>, %arg10: memref<7808xf32, #tpu.memory_space<vmem>>, %arg11: memref<7808xf32, #tpu.memory_space<vmem>>, %arg12: memref<7808xf32, #tpu.memory_space<vmem>>, %arg13: memref<7808xf32, #tpu.memory_space<vmem>>, %arg14: memref<7808xf32, #tpu.memory_space<vmem>>, %arg15: memref<7808xf32, #tpu.memory_space<vmem>>, %arg16: memref<384xf32, #tpu.memory_space<vmem>>, %arg17: memref<!tpu.dma_semaphore, #tpu.memory_space<semaphore_mem>>, %arg18: memref<!tpu.dma_semaphore, #tpu.memory_space<semaphore_mem>>) attributes {dimension_semantics = [#tpu.dimension_semantics<core_parallel>, #tpu.dimension_semantics<subcore_parallel>], iteration_bounds = array<i64: 2, 16>, scalar_prefetch = 0 : i64, scratch_operands = 11 : i64, tpu.core_type = #tpu.core_type<sc_vector_subcore>, window_params = [{transform_indices = #map}, {transform_indices = #map}, {transform_indices = #map1}, {transform_indices = #map1}, {transform_indices = #map1}, {transform_indices = #map1}]} {
    %mul3A = arith.constant 2 : i32
    %mul3A_0 = arith.muli %arg1, %mul3A : i32
    %add3A = arith.addi %mul3A_0, %arg0 : i32
    %mul3A_1 = arith.constant 244 : i32
    %mul3A_2 = arith.muli %add3A, %mul3A_1 : i32
    %mul3A_3 = arith.constant 128 : i32
    %mul3A_4 = arith.muli %mul3A_2, %mul3A_3 : i32
    %add3A_5 = arith.constant 0 : i32
    %add3A_6 = arith.addi %mul3A_4, %add3A_5 : i32
    %dma_start3A = arith.constant 0 : i32
    %dma_start3A_7 = tpu.memref_slice %arg2[%dma_start3A, %add3A_6] : memref<3x1000000xf32, #tpu.memory_space<hbm>> -> memref<3x7808xf32, #tpu.memory_space<hbm>>
    %dma_start3A_8 = arith.constant 0 : i32
    %dma_start3A_9 = tpu.memref_slice %arg2[%dma_start3A_8, %add3A_6] : memref<3x1000000xf32, #tpu.memory_space<hbm>> -> memref<3x7808xf32, #tpu.memory_space<hbm>>
    tpu.enqueue_dma source(%dma_start3A_9 : memref<3x7808xf32, #tpu.memory_space<hbm>>) target(%arg8 : memref<3x7808xf32, #tpu.memory_space<vmem>>) target_semaphore(%arg17 : memref<!tpu.dma_semaphore, #tpu.memory_space<semaphore_mem>>)
    %dma_wait3A = arith.constant 0 : i32
    %dma_wait3A_10 = tpu.memref_slice %arg2[%dma_wait3A, %add3A_6] : memref<3x1000000xf32, #tpu.memory_space<hbm>> -> memref<3x7808xf32, #tpu.memory_space<hbm>>
    %dma_wait3A_11 = arith.constant 0 : i32
    %dma_wait3A_12 = tpu.memref_slice %arg2[%dma_wait3A_11, %add3A_6] : memref<3x1000000xf32, #tpu.memory_space<hbm>> -> memref<3x7808xf32, #tpu.memory_space<hbm>>
    tpu.wait_dma2 semaphore(%arg17 : memref<!tpu.dma_semaphore, #tpu.memory_space<semaphore_mem>>) src(%dma_wait3A_12 : memref<3x7808xf32, #tpu.memory_space<hbm>>) dst(%arg8 : memref<3x7808xf32, #tpu.memory_space<vmem>>)
    %add3A_13 = arith.constant 0 : i32
    %add3A_14 = arith.addi %mul3A_4, %add3A_13 : i32
    %dma_start3A_15 = arith.constant 0 : i32
    %dma_start3A_16 = tpu.memref_slice %arg3[%dma_start3A_15, %add3A_14] : memref<3x1000000xf32, #tpu.memory_space<hbm>> -> memref<3x7808xf32, #tpu.memory_space<hbm>>
    %dma_start3A_17 = arith.constant 0 : i32
    %dma_start3A_18 = tpu.memref_slice %arg3[%dma_start3A_17, %add3A_14] : memref<3x1000000xf32, #tpu.memory_space<hbm>> -> memref<3x7808xf32, #tpu.memory_space<hbm>>
    tpu.enqueue_dma source(%dma_start3A_18 : memref<3x7808xf32, #tpu.memory_space<hbm>>) target(%arg9 : memref<3x7808xf32, #tpu.memory_space<vmem>>) target_semaphore(%arg17 : memref<!tpu.dma_semaphore, #tpu.memory_space<semaphore_mem>>)
    %scan3A = arith.constant 0 : i32
    %scan3A_19 = arith.constant 0 : i32
    %scan3A_20 = arith.constant 122 : i32
    %scan3A_21 = arith.addi %scan3A_19, %scan3A_20 : i32
    %scan3A_22 = arith.constant 1 : i32
    %scan3A_23 = scf.for %scan3A_341 = %scan3A_19 to %scan3A_21 step %scan3A_22 iter_args(%scan3A_342 = %scan3A) -> (i32)  : i32 {
      %mul3A_343 = arith.constant 4 : i32
      %mul3A_344 = arith.muli %scan3A_341, %mul3A_343 : i32
      %add3A_345 = arith.constant 0 : i32
      %add3A_346 = arith.addi %mul3A_344, %add3A_345 : i32
      %mul3A_347 = arith.constant 16 : i32
      %mul3A_348 = arith.muli %add3A_346, %mul3A_347 : i32
      %get3A = arith.constant 0 : i32
      %get3A_349 = arith.index_cast %get3A : i32 to index
      %get3A_350 = arith.index_cast %mul3A_348 : i32 to index
      %get3A_351 = tpu.vector_load %arg8[%get3A_349, %get3A_350] {strides = array<i32>} : memref<3x7808xf32, #tpu.memory_space<vmem>>, vector<16xf32>,
      %swap3A = arith.index_cast %mul3A_348 : i32 to index
      %swap3A_352 = tpu.vector_load %arg10[%swap3A] {strides = array<i32>} : memref<7808xf32, #tpu.memory_space<vmem>>, vector<16xf32>,
      tpu.vector_store %arg10[%swap3A], %get3A_351 {strides = array<i32>} : memref<7808xf32, #tpu.memory_space<vmem>>, vector<16xf32>,
      %get3A_353 = arith.constant 1 : i32
      %get3A_354 = arith.index_cast %get3A_353 : i32 to index
      %get3A_355 = arith.index_cast %mul3A_348 : i32 to index
      %get3A_356 = tpu.vector_load %arg8[%get3A_354, %get3A_355] {strides = array<i32>} : memref<3x7808xf32, #tpu.memory_space<vmem>>, vector<16xf32>,
      %swap3A_357 = arith.index_cast %mul3A_348 : i32 to index
      %swap3A_358 = tpu.vector_load %arg11[%swap3A_357] {strides = array<i32>} : memref<7808xf32, #tpu.memory_space<vmem>>, vector<16xf32>,
      tpu.vector_store %arg11[%swap3A_357], %get3A_356 {strides = array<i32>} : memref<7808xf32, #tpu.memory_space<vmem>>, vector<16xf32>,
      %get3A_359 = arith.constant 2 : i32
      %get3A_360 = arith.index_cast %get3A_359 : i32 to index
      %get3A_361 = arith.index_cast %mul3A_348 : i32 to index
      %get3A_362 = tpu.vector_load %arg8[%get3A_360, %get3A_361] {strides = array<i32>} : memref<3x7808xf32, #tpu.memory_space<vmem>>, vector<16xf32>,
      %swap3A_363 = arith.index_cast %mul3A_348 : i32 to index
      %swap3A_364 = tpu.vector_load %arg12[%swap3A_363] {strides = array<i32>} : memref<7808xf32, #tpu.memory_space<vmem>>, vector<16xf32>,
      tpu.vector_store %arg12[%swap3A_363], %get3A_362 {strides = array<i32>} : memref<7808xf32, #tpu.memory_space<vmem>>, vector<16xf32>,
      %mul3A_365 = arith.constant 4 : i32
      %mul3A_366 = arith.muli %scan3A_341, %mul3A_365 : i32
      %add3A_367 = arith.constant 1 : i32
      %add3A_368 = arith.addi %mul3A_366, %add3A_367 : i32
      %mul3A_369 = arith.constant 16 : i32
      %mul3A_370 = arith.muli %add3A_368, %mul3A_369 : i32
      %get3A_371 = arith.constant 0 : i32
      %get3A_372 = arith.index_cast %get3A_371 : i32 to index
      %get3A_373 = arith.index_cast %mul3A_370 : i32 to index
      %get3A_374 = tpu.vector_load %arg8[%get3A_372, %get3A_373] {strides = array<i32>} : memref<3x7808xf32, #tpu.memory_space<vmem>>, vector<16xf32>,
      %swap3A_375 = arith.index_cast %mul3A_370 : i32 to index
      %swap3A_376 = tpu.vector_load %arg10[%swap3A_375] {strides = array<i32>} : memref<7808xf32, #tpu.memory_space<vmem>>, vector<16xf32>,
      tpu.vector_store %arg10[%swap3A_375], %get3A_374 {strides = array<i32>} : memref<7808xf32, #tpu.memory_space<vmem>>, vector<16xf32>,
      %get3A_377 = arith.constant 1 : i32
      %get3A_378 = arith.index_cast %get3A_377 : i32 to index
      %get3A_379 = arith.index_cast %mul3A_370 : i32 to index
      %get3A_380 = tpu.vector_load %arg8[%get3A_378, %get3A_379] {strides = array<i32>} : memref<3x7808xf32, #tpu.memory_space<vmem>>, vector<16xf32>,
      %swap3A_381 = arith.index_cast %mul3A_370 : i32 to index
      %swap3A_382 = tpu.vector_load %arg11[%swap3A_381] {strides = array<i32>} : memref<7808xf32, #tpu.memory_space<vmem>>, vector<16xf32>,
      tpu.vector_store %arg11[%swap3A_381], %get3A_380 {strides = array<i32>} : memref<7808xf32, #tpu.memory_space<vmem>>, vector<16xf32>,
      %get3A_383 = arith.constant 2 : i32
      %get3A_384 = arith.index_cast %get3A_383 : i32 to index
      %get3A_385 = arith.index_cast %mul3A_370 : i32 to index
      %get3A_386 = tpu.vector_load %arg8[%get3A_384, %get3A_385] {strides = array<i32>} : memref<3x7808xf32, #tpu.memory_space<vmem>>, vector<16xf32>,
      %swap3A_387 = arith.index_cast %mul3A_370 : i32 to index
      %swap3A_388 = tpu.vector_load %arg12[%swap3A_387] {strides = array<i32>} : memref<7808xf32, #tpu.memory_space<vmem>>, vector<16xf32>,
      tpu.vector_store %arg12[%swap3A_387], %get3A_386 {strides = array<i32>} : memref<7808xf32, #tpu.memory_space<vmem>>, vector<16xf32>,
      %mul3A_389 = arith.constant 4 : i32
      %mul3A_390 = arith.muli %scan3A_341, %mul3A_389 : i32
      %add3A_391 = arith.constant 2 : i32
      %add3A_392 = arith.addi %mul3A_390, %add3A_391 : i32
      %mul3A_393 = arith.constant 16 : i32
      %mul3A_394 = arith.muli %add3A_392, %mul3A_393 : i32
      %get3A_395 = arith.constant 0 : i32
      %get3A_396 = arith.index_cast %get3A_395 : i32 to index
      %get3A_397 = arith.index_cast %mul3A_394 : i32 to index
      %get3A_398 = tpu.vector_load %arg8[%get3A_396, %get3A_397] {strides = array<i32>} : memref<3x7808xf32, #tpu.memory_space<vmem>>, vector<16xf32>,
      %swap3A_399 = arith.index_cast %mul3A_394 : i32 to index
      %swap3A_400 = tpu.vector_load %arg10[%swap3A_399] {strides = array<i32>} : memref<7808xf32, #tpu.memory_space<vmem>>, vector<16xf32>,
      tpu.vector_store %arg10[%swap3A_399], %get3A_398 {strides = array<i32>} : memref<7808xf32, #tpu.memory_space<vmem>>, vector<16xf32>,
      %get3A_401 = arith.constant 1 : i32
      %get3A_402 = arith.index_cast %get3A_401 : i32 to index
      %get3A_403 = arith.index_cast %mul3A_394 : i32 to index
      %get3A_404 = tpu.vector_load %arg8[%get3A_402, %get3A_403] {strides = array<i32>} : memref<3x7808xf32, #tpu.memory_space<vmem>>, vector<16xf32>,
      %swap3A_405 = arith.index_cast %mul3A_394 : i32 to index
      %swap3A_406 = tpu.vector_load %arg11[%swap3A_405] {strides = array<i32>} : memref<7808xf32, #tpu.memory_space<vmem>>, vector<16xf32>,
      tpu.vector_store %arg11[%swap3A_405], %get3A_404 {strides = array<i32>} : memref<7808xf32, #tpu.memory_space<vmem>>, vector<16xf32>,
      %get3A_407 = arith.constant 2 : i32
      %get3A_408 = arith.index_cast %get3A_407 : i32 to index
      %get3A_409 = arith.index_cast %mul3A_394 : i32 to index
      %get3A_410 = tpu.vector_load %arg8[%get3A_408, %get3A_409] {strides = array<i32>} : memref<3x7808xf32, #tpu.memory_space<vmem>>, vector<16xf32>,
      %swap3A_411 = arith.index_cast %mul3A_394 : i32 to index
      %swap3A_412 = tpu.vector_load %arg12[%swap3A_411] {strides = array<i32>} : memref<7808xf32, #tpu.memory_space<vmem>>, vector<16xf32>,
      tpu.vector_store %arg12[%swap3A_411], %get3A_410 {strides = array<i32>} : memref<7808xf32, #tpu.memory_space<vmem>>, vector<16xf32>,
      %mul3A_413 = arith.constant 4 : i32
      %mul3A_414 = arith.muli %scan3A_341, %mul3A_413 : i32
      %add3A_415 = arith.constant 3 : i32
      %add3A_416 = arith.addi %mul3A_414, %add3A_415 : i32
      %mul3A_417 = arith.constant 16 : i32
      %mul3A_418 = arith.muli %add3A_416, %mul3A_417 : i32
      %get3A_419 = arith.constant 0 : i32
      %get3A_420 = arith.index_cast %get3A_419 : i32 to index
      %get3A_421 = arith.index_cast %mul3A_418 : i32 to index
      %get3A_422 = tpu.vector_load %arg8[%get3A_420, %get3A_421] {strides = array<i32>} : memref<3x7808xf32, #tpu.memory_space<vmem>>, vector<16xf32>,
      %swap3A_423 = arith.index_cast %mul3A_418 : i32 to index
      %swap3A_424 = tpu.vector_load %arg10[%swap3A_423] {strides = array<i32>} : memref<7808xf32, #tpu.memory_space<vmem>>, vector<16xf32>,
      tpu.vector_store %arg10[%swap3A_423], %get3A_422 {strides = array<i32>} : memref<7808xf32, #tpu.memory_space<vmem>>, vector<16xf32>,
      %get3A_425 = arith.constant 1 : i32
      %get3A_426 = arith.index_cast %get3A_425 : i32 to index
      %get3A_427 = arith.index_cast %mul3A_418 : i32 to index
      %get3A_428 = tpu.vector_load %arg8[%get3A_426, %get3A_427] {strides = array<i32>} : memref<3x7808xf32, #tpu.memory_space<vmem>>, vector<16xf32>,
      %swap3A_429 = arith.index_cast %mul3A_418 : i32 to index
      %swap3A_430 = tpu.vector_load %arg11[%swap3A_429] {strides = array<i32>} : memref<7808xf32, #tpu.memory_space<vmem>>, vector<16xf32>,
      tpu.vector_store %arg11[%swap3A_429], %get3A_428 {strides = array<i32>} : memref<7808xf32, #tpu.memory_space<vmem>>, vector<16xf32>,
      %get3A_431 = arith.constant 2 : i32
      %get3A_432 = arith.index_cast %get3A_431 : i32 to index
      %get3A_433 = arith.index_cast %mul3A_418 : i32 to index
      %get3A_434 = tpu.vector_load %arg8[%get3A_432, %get3A_433] {strides = array<i32>} : memref<3x7808xf32, #tpu.memory_space<vmem>>, vector<16xf32>,
      %swap3A_435 = arith.index_cast %mul3A_418 : i32 to index
      %swap3A_436 = tpu.vector_load %arg12[%swap3A_435] {strides = array<i32>} : memref<7808xf32, #tpu.memory_space<vmem>>, vector<16xf32>,
      tpu.vector_store %arg12[%swap3A_435], %get3A_434 {strides = array<i32>} : memref<7808xf32, #tpu.memory_space<vmem>>, vector<16xf32>,
      %scan3A_437 = arith.constant 0 : i32
      scf.yield %scan3A_437 : i32
    }
    %scan3A_24 = arith.constant 122 : i32
    %add3A_25 = arith.constant 0 : i32
    %add3A_26 = arith.addi %add3A_25, %mul3A_4 : i32
    %add3A_27 = arith.constant 0 : i32
    %add3A_28 = arith.addi %add3A_26, %add3A_27 : i32
    %dma_start3A_29 = tpu.memref_slice %arg6[%add3A_28] : memref<3000192xf32, #tpu.memory_space<hbm>> -> memref<7808xf32, #tpu.memory_space<hbm>>
    %dma_start3A_30 = tpu.memref_slice %arg6[%add3A_28] : memref<3000192xf32, #tpu.memory_space<hbm>> -> memref<7808xf32, #tpu.memory_space<hbm>>
    tpu.enqueue_dma source(%arg10 : memref<7808xf32, #tpu.memory_space<vmem>>) target(%dma_start3A_30 : memref<7808xf32, #tpu.memory_space<hbm>>) target_semaphore(%arg18 : memref<!tpu.dma_semaphore, #tpu.memory_space<semaphore_mem>>)
    %add3A_31 = arith.constant 1000064 : i32
    %add3A_32 = arith.addi %add3A_31, %mul3A_4 : i32
    %add3A_33 = arith.constant 0 : i32
    %add3A_34 = arith.addi %add3A_32, %add3A_33 : i32
    %dma_start3A_35 = tpu.memref_slice %arg6[%add3A_34] : memref<3000192xf32, #tpu.memory_space<hbm>> -> memref<7808xf32, #tpu.memory_space<hbm>>
    %dma_start3A_36 = tpu.memref_slice %arg6[%add3A_34] : memref<3000192xf32, #tpu.memory_space<hbm>> -> memref<7808xf32, #tpu.memory_space<hbm>>
    tpu.enqueue_dma source(%arg11 : memref<7808xf32, #tpu.memory_space<vmem>>) target(%dma_start3A_36 : memref<7808xf32, #tpu.memory_space<hbm>>) target_semaphore(%arg18 : memref<!tpu.dma_semaphore, #tpu.memory_space<semaphore_mem>>)
    %add3A_37 = arith.constant 2000128 : i32
    %add3A_38 = arith.addi %add3A_37, %mul3A_4 : i32
    %add3A_39 = arith.constant 0 : i32
    %add3A_40 = arith.addi %add3A_38, %add3A_39 : i32
    %dma_start3A_41 = tpu.memref_slice %arg6[%add3A_40] : memref<3000192xf32, #tpu.memory_space<hbm>> -> memref<7808xf32, #tpu.memory_space<hbm>>
    %dma_start3A_42 = tpu.memref_slice %arg6[%add3A_40] : memref<3000192xf32, #tpu.memory_space<hbm>> -> memref<7808xf32, #tpu.memory_space<hbm>>
    tpu.enqueue_dma source(%arg12 : memref<7808xf32, #tpu.memory_space<vmem>>) target(%dma_start3A_42 : memref<7808xf32, #tpu.memory_space<hbm>>) target_semaphore(%arg18 : memref<!tpu.dma_semaphore, #tpu.memory_space<semaphore_mem>>)
    %dma_wait3A_43 = arith.constant 0 : i32
    %dma_wait3A_44 = tpu.memref_slice %arg3[%dma_wait3A_43, %add3A_14] : memref<3x1000000xf32, #tpu.memory_space<hbm>> -> memref<3x7808xf32, #tpu.memory_space<hbm>>
    %dma_wait3A_45 = arith.constant 0 : i32
    %dma_wait3A_46 = tpu.memref_slice %arg3[%dma_wait3A_45, %add3A_14] : memref<3x1000000xf32, #tpu.memory_space<hbm>> -> memref<3x7808xf32, #tpu.memory_space<hbm>>
    tpu.wait_dma2 semaphore(%arg17 : memref<!tpu.dma_semaphore, #tpu.memory_space<semaphore_mem>>) src(%dma_wait3A_46 : memref<3x7808xf32, #tpu.memory_space<hbm>>) dst(%arg9 : memref<3x7808xf32, #tpu.memory_space<vmem>>)
    %add3A_47 = arith.constant 7808 : i32
    %add3A_48 = arith.addi %mul3A_4, %add3A_47 : i32
    %dma_start3A_49 = arith.constant 0 : i32
    %dma_start3A_50 = tpu.memref_slice %arg2[%dma_start3A_49, %add3A_48] : memref<3x1000000xf32, #tpu.memory_space<hbm>> -> memref<3x7808xf32, #tpu.memory_space<hbm>>
    %dma_start3A_51 = arith.constant 0 : i32
    %dma_start3A_52 = tpu.memref_slice %arg2[%dma_start3A_51, %add3A_48] : memref<3x1000000xf32, #tpu.memory_space<hbm>> -> memref<3x7808xf32, #tpu.memory_space<hbm>>
    tpu.enqueue_dma source(%dma_start3A_52 : memref<3x7808xf32, #tpu.memory_space<hbm>>) target(%arg8 : memref<3x7808xf32, #tpu.memory_space<vmem>>) target_semaphore(%arg17 : memref<!tpu.dma_semaphore, #tpu.memory_space<semaphore_mem>>)
    %scan3A_53 = arith.constant 0 : i32
    %scan3A_54 = arith.constant 0 : i32
    %scan3A_55 = arith.constant 122 : i32
    %scan3A_56 = arith.addi %scan3A_54, %scan3A_55 : i32
    %scan3A_57 = arith.constant 1 : i32
    %scan3A_58 = scf.for %scan3A_341 = %scan3A_54 to %scan3A_56 step %scan3A_57 iter_args(%scan3A_342 = %scan3A_53) -> (i32)  : i32 {
      %mul3A_343 = arith.constant 4 : i32
      %mul3A_344 = arith.muli %scan3A_341, %mul3A_343 : i32
      %add3A_345 = arith.constant 0 : i32
      %add3A_346 = arith.addi %mul3A_344, %add3A_345 : i32
      %mul3A_347 = arith.constant 16 : i32
      %mul3A_348 = arith.muli %add3A_346, %mul3A_347 : i32
      %get3A = arith.constant 0 : i32
      %get3A_349 = arith.index_cast %get3A : i32 to index
      %get3A_350 = arith.index_cast %mul3A_348 : i32 to index
      %get3A_351 = tpu.vector_load %arg9[%get3A_349, %get3A_350] {strides = array<i32>} : memref<3x7808xf32, #tpu.memory_space<vmem>>, vector<16xf32>,
      %swap3A = arith.index_cast %mul3A_348 : i32 to index
      %swap3A_352 = tpu.vector_load %arg13[%swap3A] {strides = array<i32>} : memref<7808xf32, #tpu.memory_space<vmem>>, vector<16xf32>,
      tpu.vector_store %arg13[%swap3A], %get3A_351 {strides = array<i32>} : memref<7808xf32, #tpu.memory_space<vmem>>, vector<16xf32>,
      %get3A_353 = arith.constant 1 : i32
      %get3A_354 = arith.index_cast %get3A_353 : i32 to index
      %get3A_355 = arith.index_cast %mul3A_348 : i32 to index
      %get3A_356 = tpu.vector_load %arg9[%get3A_354, %get3A_355] {strides = array<i32>} : memref<3x7808xf32, #tpu.memory_space<vmem>>, vector<16xf32>,
      %swap3A_357 = arith.index_cast %mul3A_348 : i32 to index
      %swap3A_358 = tpu.vector_load %arg14[%swap3A_357] {strides = array<i32>} : memref<7808xf32, #tpu.memory_space<vmem>>, vector<16xf32>,
      tpu.vector_store %arg14[%swap3A_357], %get3A_356 {strides = array<i32>} : memref<7808xf32, #tpu.memory_space<vmem>>, vector<16xf32>,
      %get3A_359 = arith.constant 2 : i32
      %get3A_360 = arith.index_cast %get3A_359 : i32 to index
      %get3A_361 = arith.index_cast %mul3A_348 : i32 to index
      %get3A_362 = tpu.vector_load %arg9[%get3A_360, %get3A_361] {strides = array<i32>} : memref<3x7808xf32, #tpu.memory_space<vmem>>, vector<16xf32>,
      %swap3A_363 = arith.index_cast %mul3A_348 : i32 to index
      %swap3A_364 = tpu.vector_load %arg15[%swap3A_363] {strides = array<i32>} : memref<7808xf32, #tpu.memory_space<vmem>>, vector<16xf32>,
      tpu.vector_store %arg15[%swap3A_363], %get3A_362 {strides = array<i32>} : memref<7808xf32, #tpu.memory_space<vmem>>, vector<16xf32>,
      %mul3A_365 = arith.constant 4 : i32
      %mul3A_366 = arith.muli %scan3A_341, %mul3A_365 : i32
      %add3A_367 = arith.constant 1 : i32
      %add3A_368 = arith.addi %mul3A_366, %add3A_367 : i32
      %mul3A_369 = arith.constant 16 : i32
      %mul3A_370 = arith.muli %add3A_368, %mul3A_369 : i32
      %get3A_371 = arith.constant 0 : i32
      %get3A_372 = arith.index_cast %get3A_371 : i32 to index
      %get3A_373 = arith.index_cast %mul3A_370 : i32 to index
      %get3A_374 = tpu.vector_load %arg9[%get3A_372, %get3A_373] {strides = array<i32>} : memref<3x7808xf32, #tpu.memory_space<vmem>>, vector<16xf32>,
      %swap3A_375 = arith.index_cast %mul3A_370 : i32 to index
      %swap3A_376 = tpu.vector_load %arg13[%swap3A_375] {strides = array<i32>} : memref<7808xf32, #tpu.memory_space<vmem>>, vector<16xf32>,
      tpu.vector_store %arg13[%swap3A_375], %get3A_374 {strides = array<i32>} : memref<7808xf32, #tpu.memory_space<vmem>>, vector<16xf32>,
      %get3A_377 = arith.constant 1 : i32
      %get3A_378 = arith.index_cast %get3A_377 : i32 to index
      %get3A_379 = arith.index_cast %mul3A_370 : i32 to index
      %get3A_380 = tpu.vector_load %arg9[%get3A_378, %get3A_379] {strides = array<i32>} : memref<3x7808xf32, #tpu.memory_space<vmem>>, vector<16xf32>,
      %swap3A_381 = arith.index_cast %mul3A_370 : i32 to index
      %swap3A_382 = tpu.vector_load %arg14[%swap3A_381] {strides = array<i32>} : memref<7808xf32, #tpu.memory_space<vmem>>, vector<16xf32>,
      tpu.vector_store %arg14[%swap3A_381], %get3A_380 {strides = array<i32>} : memref<7808xf32, #tpu.memory_space<vmem>>, vector<16xf32>,
      %get3A_383 = arith.constant 2 : i32
      %get3A_384 = arith.index_cast %get3A_383 : i32 to index
      %get3A_385 = arith.index_cast %mul3A_370 : i32 to index
      %get3A_386 = tpu.vector_load %arg9[%get3A_384, %get3A_385] {strides = array<i32>} : memref<3x7808xf32, #tpu.memory_space<vmem>>, vector<16xf32>,
      %swap3A_387 = arith.index_cast %mul3A_370 : i32 to index
      %swap3A_388 = tpu.vector_load %arg15[%swap3A_387] {strides = array<i32>} : memref<7808xf32, #tpu.memory_space<vmem>>, vector<16xf32>,
      tpu.vector_store %arg15[%swap3A_387], %get3A_386 {strides = array<i32>} : memref<7808xf32, #tpu.memory_space<vmem>>, vector<16xf32>,
      %mul3A_389 = arith.constant 4 : i32
      %mul3A_390 = arith.muli %scan3A_341, %mul3A_389 : i32
      %add3A_391 = arith.constant 2 : i32
      %add3A_392 = arith.addi %mul3A_390, %add3A_391 : i32
      %mul3A_393 = arith.constant 16 : i32
      %mul3A_394 = arith.muli %add3A_392, %mul3A_393 : i32
      %get3A_395 = arith.constant 0 : i32
      %get3A_396 = arith.index_cast %get3A_395 : i32 to index
      %get3A_397 = arith.index_cast %mul3A_394 : i32 to index
      %get3A_398 = tpu.vector_load %arg9[%get3A_396, %get3A_397] {strides = array<i32>} : memref<3x7808xf32, #tpu.memory_space<vmem>>, vector<16xf32>,
      %swap3A_399 = arith.index_cast %mul3A_394 : i32 to index
      %swap3A_400 = tpu.vector_load %arg13[%swap3A_399] {strides = array<i32>} : memref<7808xf32, #tpu.memory_space<vmem>>, vector<16xf32>,
      tpu.vector_store %arg13[%swap3A_399], %get3A_398 {strides = array<i32>} : memref<7808xf32, #tpu.memory_space<vmem>>, vector<16xf32>,
      %get3A_401 = arith.constant 1 : i32
      %get3A_402 = arith.index_cast %get3A_401 : i32 to index
      %get3A_403 = arith.index_cast %mul3A_394 : i32 to index
      %get3A_404 = tpu.vector_load %arg9[%get3A_402, %get3A_403] {strides = array<i32>} : memref<3x7808xf32, #tpu.memory_space<vmem>>, vector<16xf32>,
      %swap3A_405 = arith.index_cast %mul3A_394 : i32 to index
      %swap3A_406 = tpu.vector_load %arg14[%swap3A_405] {strides = array<i32>} : memref<7808xf32, #tpu.memory_space<vmem>>, vector<16xf32>,
      tpu.vector_store %arg14[%swap3A_405], %get3A_404 {strides = array<i32>} : memref<7808xf32, #tpu.memory_space<vmem>>, vector<16xf32>,
      %get3A_407 = arith.constant 2 : i32
      %get3A_408 = arith.index_cast %get3A_407 : i32 to index
      %get3A_409 = arith.index_cast %mul3A_394 : i32 to index
      %get3A_410 = tpu.vector_load %arg9[%get3A_408, %get3A_409] {strides = array<i32>} : memref<3x7808xf32, #tpu.memory_space<vmem>>, vector<16xf32>,
      %swap3A_411 = arith.index_cast %mul3A_394 : i32 to index
      %swap3A_412 = tpu.vector_load %arg15[%swap3A_411] {strides = array<i32>} : memref<7808xf32, #tpu.memory_space<vmem>>, vector<16xf32>,
      tpu.vector_store %arg15[%swap3A_411], %get3A_410 {strides = array<i32>} : memref<7808xf32, #tpu.memory_space<vmem>>, vector<16xf32>,
      %mul3A_413 = arith.constant 4 : i32
      %mul3A_414 = arith.muli %scan3A_341, %mul3A_413 : i32
      %add3A_415 = arith.constant 3 : i32
      %add3A_416 = arith.addi %mul3A_414, %add3A_415 : i32
      %mul3A_417 = arith.constant 16 : i32
      %mul3A_418 = arith.muli %add3A_416, %mul3A_417 : i32
      %get3A_419 = arith.constant 0 : i32
      %get3A_420 = arith.index_cast %get3A_419 : i32 to index
      %get3A_421 = arith.index_cast %mul3A_418 : i32 to index
      %get3A_422 = tpu.vector_load %arg9[%get3A_420, %get3A_421] {strides = array<i32>} : memref<3x7808xf32, #tpu.memory_space<vmem>>, vector<16xf32>,
      %swap3A_423 = arith.index_cast %mul3A_418 : i32 to index
      %swap3A_424 = tpu.vector_load %arg13[%swap3A_423] {strides = array<i32>} : memref<7808xf32, #tpu.memory_space<vmem>>, vector<16xf32>,
      tpu.vector_store %arg13[%swap3A_423], %get3A_422 {strides = array<i32>} : memref<7808xf32, #tpu.memory_space<vmem>>, vector<16xf32>,
      %get3A_425 = arith.constant 1 : i32
      %get3A_426 = arith.index_cast %get3A_425 : i32 to index
      %get3A_427 = arith.index_cast %mul3A_418 : i32 to index
      %get3A_428 = tpu.vector_load %arg9[%get3A_426, %get3A_427] {strides = array<i32>} : memref<3x7808xf32, #tpu.memory_space<vmem>>, vector<16xf32>,
      %swap3A_429 = arith.index_cast %mul3A_418 : i32 to index
      %swap3A_430 = tpu.vector_load %arg14[%swap3A_429] {strides = array<i32>} : memref<7808xf32, #tpu.memory_space<vmem>>, vector<16xf32>,
      tpu.vector_store %arg14[%swap3A_429], %get3A_428 {strides = array<i32>} : memref<7808xf32, #tpu.memory_space<vmem>>, vector<16xf32>,
      %get3A_431 = arith.constant 2 : i32
      %get3A_432 = arith.index_cast %get3A_431 : i32 to index
      %get3A_433 = arith.index_cast %mul3A_418 : i32 to index
      %get3A_434 = tpu.vector_load %arg9[%get3A_432, %get3A_433] {strides = array<i32>} : memref<3x7808xf32, #tpu.memory_space<vmem>>, vector<16xf32>,
      %swap3A_435 = arith.index_cast %mul3A_418 : i32 to index
      %swap3A_436 = tpu.vector_load %arg15[%swap3A_435] {strides = array<i32>} : memref<7808xf32, #tpu.memory_space<vmem>>, vector<16xf32>,
      tpu.vector_store %arg15[%swap3A_435], %get3A_434 {strides = array<i32>} : memref<7808xf32, #tpu.memory_space<vmem>>, vector<16xf32>,
      %scan3A_437 = arith.constant 0 : i32
      scf.yield %scan3A_437 : i32
    }
    %scan3A_59 = arith.constant 122 : i32
    %add3A_60 = arith.constant 0 : i32
    %add3A_61 = arith.addi %add3A_60, %mul3A_4 : i32
    %add3A_62 = arith.constant 0 : i32
    %add3A_63 = arith.addi %add3A_61, %add3A_62 : i32
    %dma_start3A_64 = tpu.memref_slice %arg7[%add3A_63] : memref<3000192xf32, #tpu.memory_space<hbm>> -> memref<7808xf32, #tpu.memory_space<hbm>>
    %dma_start3A_65 = tpu.memref_slice %arg7[%add3A_63] : memref<3000192xf32, #tpu.memory_space<hbm>> -> memref<7808xf32, #tpu.memory_space<hbm>>
    tpu.enqueue_dma source(%arg13 : memref<7808xf32, #tpu.memory_space<vmem>>) target(%dma_start3A_65 : memref<7808xf32, #tpu.memory_space<hbm>>) target_semaphore(%arg18 : memref<!tpu.dma_semaphore, #tpu.memory_space<semaphore_mem>>)
    %add3A_66 = arith.constant 1000064 : i32
    %add3A_67 = arith.addi %add3A_66, %mul3A_4 : i32
    %add3A_68 = arith.constant 0 : i32
    %add3A_69 = arith.addi %add3A_67, %add3A_68 : i32
    %dma_start3A_70 = tpu.memref_slice %arg7[%add3A_69] : memref<3000192xf32, #tpu.memory_space<hbm>> -> memref<7808xf32, #tpu.memory_space<hbm>>
    %dma_start3A_71 = tpu.memref_slice %arg7[%add3A_69] : memref<3000192xf32, #tpu.memory_space<hbm>> -> memref<7808xf32, #tpu.memory_space<hbm>>
    tpu.enqueue_dma source(%arg14 : memref<7808xf32, #tpu.memory_space<vmem>>) target(%dma_start3A_71 : memref<7808xf32, #tpu.memory_space<hbm>>) target_semaphore(%arg18 : memref<!tpu.dma_semaphore, #tpu.memory_space<semaphore_mem>>)
    %add3A_72 = arith.constant 2000128 : i32
    %add3A_73 = arith.addi %add3A_72, %mul3A_4 : i32
    %add3A_74 = arith.constant 0 : i32
    %add3A_75 = arith.addi %add3A_73, %add3A_74 : i32
    %dma_start3A_76 = tpu.memref_slice %arg7[%add3A_75] : memref<3000192xf32, #tpu.memory_space<hbm>> -> memref<7808xf32, #tpu.memory_space<hbm>>
    %dma_start3A_77 = tpu.memref_slice %arg7[%add3A_75] : memref<3000192xf32, #tpu.memory_space<hbm>> -> memref<7808xf32, #tpu.memory_space<hbm>>
    tpu.enqueue_dma source(%arg15 : memref<7808xf32, #tpu.memory_space<vmem>>) target(%dma_start3A_77 : memref<7808xf32, #tpu.memory_space<hbm>>) target_semaphore(%arg18 : memref<!tpu.dma_semaphore, #tpu.memory_space<semaphore_mem>>)
    %dma_wait3A_78 = arith.constant 0 : i32
    %dma_wait3A_79 = tpu.memref_slice %arg2[%dma_wait3A_78, %add3A_48] : memref<3x1000000xf32, #tpu.memory_space<hbm>> -> memref<3x7808xf32, #tpu.memory_space<hbm>>
    %dma_wait3A_80 = arith.constant 0 : i32
    %dma_wait3A_81 = tpu.memref_slice %arg2[%dma_wait3A_80, %add3A_48] : memref<3x1000000xf32, #tpu.memory_space<hbm>> -> memref<3x7808xf32, #tpu.memory_space<hbm>>
    tpu.wait_dma2 semaphore(%arg17 : memref<!tpu.dma_semaphore, #tpu.memory_space<semaphore_mem>>) src(%dma_wait3A_81 : memref<3x7808xf32, #tpu.memory_space<hbm>>) dst(%arg8 : memref<3x7808xf32, #tpu.memory_space<vmem>>)
    %add3A_82 = arith.constant 7808 : i32
    %add3A_83 = arith.addi %mul3A_4, %add3A_82 : i32
    %dma_start3A_84 = arith.constant 0 : i32
    %dma_start3A_85 = tpu.memref_slice %arg3[%dma_start3A_84, %add3A_83] : memref<3x1000000xf32, #tpu.memory_space<hbm>> -> memref<3x7808xf32, #tpu.memory_space<hbm>>
    %dma_start3A_86 = arith.constant 0 : i32
    %dma_start3A_87 = tpu.memref_slice %arg3[%dma_start3A_86, %add3A_83] : memref<3x1000000xf32, #tpu.memory_space<hbm>> -> memref<3x7808xf32, #tpu.memory_space<hbm>>
    tpu.enqueue_dma source(%dma_start3A_87 : memref<3x7808xf32, #tpu.memory_space<hbm>>) target(%arg9 : memref<3x7808xf32, #tpu.memory_space<vmem>>) target_semaphore(%arg17 : memref<!tpu.dma_semaphore, #tpu.memory_space<semaphore_mem>>)
    %dma_wait3A_88 = tpu.memref_slice %arg6[%add3A_28] : memref<3000192xf32, #tpu.memory_space<hbm>> -> memref<7808xf32, #tpu.memory_space<hbm>>
    %dma_wait3A_89 = tpu.memref_slice %arg6[%add3A_28] : memref<3000192xf32, #tpu.memory_space<hbm>> -> memref<7808xf32, #tpu.memory_space<hbm>>
    tpu.wait_dma2 semaphore(%arg18 : memref<!tpu.dma_semaphore, #tpu.memory_space<semaphore_mem>>) src(%arg10 : memref<7808xf32, #tpu.memory_space<vmem>>) dst(%dma_wait3A_89 : memref<7808xf32, #tpu.memory_space<hbm>>)
    %dma_wait3A_90 = tpu.memref_slice %arg6[%add3A_34] : memref<3000192xf32, #tpu.memory_space<hbm>> -> memref<7808xf32, #tpu.memory_space<hbm>>
    %dma_wait3A_91 = tpu.memref_slice %arg6[%add3A_34] : memref<3000192xf32, #tpu.memory_space<hbm>> -> memref<7808xf32, #tpu.memory_space<hbm>>
    tpu.wait_dma2 semaphore(%arg18 : memref<!tpu.dma_semaphore, #tpu.memory_space<semaphore_mem>>) src(%arg11 : memref<7808xf32, #tpu.memory_space<vmem>>) dst(%dma_wait3A_91 : memref<7808xf32, #tpu.memory_space<hbm>>)
    %dma_wait3A_92 = tpu.memref_slice %arg6[%add3A_40] : memref<3000192xf32, #tpu.memory_space<hbm>> -> memref<7808xf32, #tpu.memory_space<hbm>>
    %dma_wait3A_93 = tpu.memref_slice %arg6[%add3A_40] : memref<3000192xf32, #tpu.memory_space<hbm>> -> memref<7808xf32, #tpu.memory_space<hbm>>
    tpu.wait_dma2 semaphore(%arg18 : memref<!tpu.dma_semaphore, #tpu.memory_space<semaphore_mem>>) src(%arg12 : memref<7808xf32, #tpu.memory_space<vmem>>) dst(%dma_wait3A_93 : memref<7808xf32, #tpu.memory_space<hbm>>)
    %scan3A_94 = arith.constant 0 : i32
    %scan3A_95 = arith.constant 0 : i32
    %scan3A_96 = arith.constant 122 : i32
    %scan3A_97 = arith.addi %scan3A_95, %scan3A_96 : i32
    %scan3A_98 = arith.constant 1 : i32
    %scan3A_99 = scf.for %scan3A_341 = %scan3A_95 to %scan3A_97 step %scan3A_98 iter_args(%scan3A_342 = %scan3A_94) -> (i32)  : i32 {
      %mul3A_343 = arith.constant 4 : i32
      %mul3A_344 = arith.muli %scan3A_341, %mul3A_343 : i32
      %add3A_345 = arith.constant 0 : i32
      %add3A_346 = arith.addi %mul3A_344, %add3A_345 : i32
      %mul3A_347 = arith.constant 16 : i32
      %mul3A_348 = arith.muli %add3A_346, %mul3A_347 : i32
      %get3A = arith.constant 0 : i32
      %get3A_349 = arith.index_cast %get3A : i32 to index
      %get3A_350 = arith.index_cast %mul3A_348 : i32 to index
      %get3A_351 = tpu.vector_load %arg8[%get3A_349, %get3A_350] {strides = array<i32>} : memref<3x7808xf32, #tpu.memory_space<vmem>>, vector<16xf32>,
      %swap3A = arith.index_cast %mul3A_348 : i32 to index
      %swap3A_352 = tpu.vector_load %arg10[%swap3A] {strides = array<i32>} : memref<7808xf32, #tpu.memory_space<vmem>>, vector<16xf32>,
      tpu.vector_store %arg10[%swap3A], %get3A_351 {strides = array<i32>} : memref<7808xf32, #tpu.memory_space<vmem>>, vector<16xf32>,
      %get3A_353 = arith.constant 1 : i32
      %get3A_354 = arith.index_cast %get3A_353 : i32 to index
      %get3A_355 = arith.index_cast %mul3A_348 : i32 to index
      %get3A_356 = tpu.vector_load %arg8[%get3A_354, %get3A_355] {strides = array<i32>} : memref<3x7808xf32, #tpu.memory_space<vmem>>, vector<16xf32>,
      %swap3A_357 = arith.index_cast %mul3A_348 : i32 to index
      %swap3A_358 = tpu.vector_load %arg11[%swap3A_357] {strides = array<i32>} : memref<7808xf32, #tpu.memory_space<vmem>>, vector<16xf32>,
      tpu.vector_store %arg11[%swap3A_357], %get3A_356 {strides = array<i32>} : memref<7808xf32, #tpu.memory_space<vmem>>, vector<16xf32>,
      %get3A_359 = arith.constant 2 : i32
      %get3A_360 = arith.index_cast %get3A_359 : i32 to index
      %get3A_361 = arith.index_cast %mul3A_348 : i32 to index
      %get3A_362 = tpu.vector_load %arg8[%get3A_360, %get3A_361] {strides = array<i32>} : memref<3x7808xf32, #tpu.memory_space<vmem>>, vector<16xf32>,
      %swap3A_363 = arith.index_cast %mul3A_348 : i32 to index
      %swap3A_364 = tpu.vector_load %arg12[%swap3A_363] {strides = array<i32>} : memref<7808xf32, #tpu.memory_space<vmem>>, vector<16xf32>,
      tpu.vector_store %arg12[%swap3A_363], %get3A_362 {strides = array<i32>} : memref<7808xf32, #tpu.memory_space<vmem>>, vector<16xf32>,
      %mul3A_365 = arith.constant 4 : i32
      %mul3A_366 = arith.muli %scan3A_341, %mul3A_365 : i32
      %add3A_367 = arith.constant 1 : i32
      %add3A_368 = arith.addi %mul3A_366, %add3A_367 : i32
      %mul3A_369 = arith.constant 16 : i32
      %mul3A_370 = arith.muli %add3A_368, %mul3A_369 : i32
      %get3A_371 = arith.constant 0 : i32
      %get3A_372 = arith.index_cast %get3A_371 : i32 to index
      %get3A_373 = arith.index_cast %mul3A_370 : i32 to index
      %get3A_374 = tpu.vector_load %arg8[%get3A_372, %get3A_373] {strides = array<i32>} : memref<3x7808xf32, #tpu.memory_space<vmem>>, vector<16xf32>,
      %swap3A_375 = arith.index_cast %mul3A_370 : i32 to index
      %swap3A_376 = tpu.vector_load %arg10[%swap3A_375] {strides = array<i32>} : memref<7808xf32, #tpu.memory_space<vmem>>, vector<16xf32>,
      tpu.vector_store %arg10[%swap3A_375], %get3A_374 {strides = array<i32>} : memref<7808xf32, #tpu.memory_space<vmem>>, vector<16xf32>,
      %get3A_377 = arith.constant 1 : i32
      %get3A_378 = arith.index_cast %get3A_377 : i32 to index
      %get3A_379 = arith.index_cast %mul3A_370 : i32 to index
      %get3A_380 = tpu.vector_load %arg8[%get3A_378, %get3A_379] {strides = array<i32>} : memref<3x7808xf32, #tpu.memory_space<vmem>>, vector<16xf32>,
      %swap3A_381 = arith.index_cast %mul3A_370 : i32 to index
      %swap3A_382 = tpu.vector_load %arg11[%swap3A_381] {strides = array<i32>} : memref<7808xf32, #tpu.memory_space<vmem>>, vector<16xf32>,
      tpu.vector_store %arg11[%swap3A_381], %get3A_380 {strides = array<i32>} : memref<7808xf32, #tpu.memory_space<vmem>>, vector<16xf32>,
      %get3A_383 = arith.constant 2 : i32
      %get3A_384 = arith.index_cast %get3A_383 : i32 to index
      %get3A_385 = arith.index_cast %mul3A_370 : i32 to index
      %get3A_386 = tpu.vector_load %arg8[%get3A_384, %get3A_385] {strides = array<i32>} : memref<3x7808xf32, #tpu.memory_space<vmem>>, vector<16xf32>,
      %swap3A_387 = arith.index_cast %mul3A_370 : i32 to index
      %swap3A_388 = tpu.vector_load %arg12[%swap3A_387] {strides = array<i32>} : memref<7808xf32, #tpu.memory_space<vmem>>, vector<16xf32>,
      tpu.vector_store %arg12[%swap3A_387], %get3A_386 {strides = array<i32>} : memref<7808xf32, #tpu.memory_space<vmem>>, vector<16xf32>,
      %mul3A_389 = arith.constant 4 : i32
      %mul3A_390 = arith.muli %scan3A_341, %mul3A_389 : i32
      %add3A_391 = arith.constant 2 : i32
      %add3A_392 = arith.addi %mul3A_390, %add3A_391 : i32
      %mul3A_393 = arith.constant 16 : i32
      %mul3A_394 = arith.muli %add3A_392, %mul3A_393 : i32
      %get3A_395 = arith.constant 0 : i32
      %get3A_396 = arith.index_cast %get3A_395 : i32 to index
      %get3A_397 = arith.index_cast %mul3A_394 : i32 to index
      %get3A_398 = tpu.vector_load %arg8[%get3A_396, %get3A_397] {strides = array<i32>} : memref<3x7808xf32, #tpu.memory_space<vmem>>, vector<16xf32>,
      %swap3A_399 = arith.index_cast %mul3A_394 : i32 to index
      %swap3A_400 = tpu.vector_load %arg10[%swap3A_399] {strides = array<i32>} : memref<7808xf32, #tpu.memory_space<vmem>>, vector<16xf32>,
      tpu.vector_store %arg10[%swap3A_399], %get3A_398 {strides = array<i32>} : memref<7808xf32, #tpu.memory_space<vmem>>, vector<16xf32>,
      %get3A_401 = arith.constant 1 : i32
      %get3A_402 = arith.index_cast %get3A_401 : i32 to index
      %get3A_403 = arith.index_cast %mul3A_394 : i32 to index
      %get3A_404 = tpu.vector_load %arg8[%get3A_402, %get3A_403] {strides = array<i32>} : memref<3x7808xf32, #tpu.memory_space<vmem>>, vector<16xf32>,
      %swap3A_405 = arith.index_cast %mul3A_394 : i32 to index
      %swap3A_406 = tpu.vector_load %arg11[%swap3A_405] {strides = array<i32>} : memref<7808xf32, #tpu.memory_space<vmem>>, vector<16xf32>,
      tpu.vector_store %arg11[%swap3A_405], %get3A_404 {strides = array<i32>} : memref<7808xf32, #tpu.memory_space<vmem>>, vector<16xf32>,
      %get3A_407 = arith.constant 2 : i32
      %get3A_408 = arith.index_cast %get3A_407 : i32 to index
      %get3A_409 = arith.index_cast %mul3A_394 : i32 to index
      %get3A_410 = tpu.vector_load %arg8[%get3A_408, %get3A_409] {strides = array<i32>} : memref<3x7808xf32, #tpu.memory_space<vmem>>, vector<16xf32>,
      %swap3A_411 = arith.index_cast %mul3A_394 : i32 to index
      %swap3A_412 = tpu.vector_load %arg12[%swap3A_411] {strides = array<i32>} : memref<7808xf32, #tpu.memory_space<vmem>>, vector<16xf32>,
      tpu.vector_store %arg12[%swap3A_411], %get3A_410 {strides = array<i32>} : memref<7808xf32, #tpu.memory_space<vmem>>, vector<16xf32>,
      %mul3A_413 = arith.constant 4 : i32
      %mul3A_414 = arith.muli %scan3A_341, %mul3A_413 : i32
      %add3A_415 = arith.constant 3 : i32
      %add3A_416 = arith.addi %mul3A_414, %add3A_415 : i32
      %mul3A_417 = arith.constant 16 : i32
      %mul3A_418 = arith.muli %add3A_416, %mul3A_417 : i32
      %get3A_419 = arith.constant 0 : i32
      %get3A_420 = arith.index_cast %get3A_419 : i32 to index
      %get3A_421 = arith.index_cast %mul3A_418 : i32 to index
      %get3A_422 = tpu.vector_load %arg8[%get3A_420, %get3A_421] {strides = array<i32>} : memref<3x7808xf32, #tpu.memory_space<vmem>>, vector<16xf32>,
      %swap3A_423 = arith.index_cast %mul3A_418 : i32 to index
      %swap3A_424 = tpu.vector_load %arg10[%swap3A_423] {strides = array<i32>} : memref<7808xf32, #tpu.memory_space<vmem>>, vector<16xf32>,
      tpu.vector_store %arg10[%swap3A_423], %get3A_422 {strides = array<i32>} : memref<7808xf32, #tpu.memory_space<vmem>>, vector<16xf32>,
      %get3A_425 = arith.constant 1 : i32
      %get3A_426 = arith.index_cast %get3A_425 : i32 to index
      %get3A_427 = arith.index_cast %mul3A_418 : i32 to index
      %get3A_428 = tpu.vector_load %arg8[%get3A_426, %get3A_427] {strides = array<i32>} : memref<3x7808xf32, #tpu.memory_space<vmem>>, vector<16xf32>,
      %swap3A_429 = arith.index_cast %mul3A_418 : i32 to index
      %swap3A_430 = tpu.vector_load %arg11[%swap3A_429] {strides = array<i32>} : memref<7808xf32, #tpu.memory_space<vmem>>, vector<16xf32>,
      tpu.vector_store %arg11[%swap3A_429], %get3A_428 {strides = array<i32>} : memref<7808xf32, #tpu.memory_space<vmem>>, vector<16xf32>,
      %get3A_431 = arith.constant 2 : i32
      %get3A_432 = arith.index_cast %get3A_431 : i32 to index
      %get3A_433 = arith.index_cast %mul3A_418 : i32 to index
      %get3A_434 = tpu.vector_load %arg8[%get3A_432, %get3A_433] {strides = array<i32>} : memref<3x7808xf32, #tpu.memory_space<vmem>>, vector<16xf32>,
      %swap3A_435 = arith.index_cast %mul3A_418 : i32 to index
      %swap3A_436 = tpu.vector_load %arg12[%swap3A_435] {strides = array<i32>} : memref<7808xf32, #tpu.memory_space<vmem>>, vector<16xf32>,
      tpu.vector_store %arg12[%swap3A_435], %get3A_434 {strides = array<i32>} : memref<7808xf32, #tpu.memory_space<vmem>>, vector<16xf32>,
      %scan3A_437 = arith.constant 0 : i32
      scf.yield %scan3A_437 : i32
    }
    %scan3A_100 = arith.constant 122 : i32
    %add3A_101 = arith.constant 0 : i32
    %add3A_102 = arith.addi %add3A_101, %mul3A_4 : i32
    %add3A_103 = arith.constant 7808 : i32
    %add3A_104 = arith.addi %add3A_102, %add3A_103 : i32
    %dma_start3A_105 = tpu.memref_slice %arg6[%add3A_104] : memref<3000192xf32, #tpu.memory_space<hbm>> -> memref<7808xf32, #tpu.memory_space<hbm>>
    %dma_start3A_106 = tpu.memref_slice %arg6[%add3A_104] : memref<3000192xf32, #tpu.memory_space<hbm>> -> memref<7808xf32, #tpu.memory_space<hbm>>
    tpu.enqueue_dma source(%arg10 : memref<7808xf32, #tpu.memory_space<vmem>>) target(%dma_start3A_106 : memref<7808xf32, #tpu.memory_space<hbm>>) target_semaphore(%arg18 : memref<!tpu.dma_semaphore, #tpu.memory_space<semaphore_mem>>)
    %add3A_107 = arith.constant 1000064 : i32
    %add3A_108 = arith.addi %add3A_107, %mul3A_4 : i32
    %add3A_109 = arith.constant 7808 : i32
    %add3A_110 = arith.addi %add3A_108, %add3A_109 : i32
    %dma_start3A_111 = tpu.memref_slice %arg6[%add3A_110] : memref<3000192xf32, #tpu.memory_space<hbm>> -> memref<7808xf32, #tpu.memory_space<hbm>>
    %dma_start3A_112 = tpu.memref_slice %arg6[%add3A_110] : memref<3000192xf32, #tpu.memory_space<hbm>> -> memref<7808xf32, #tpu.memory_space<hbm>>
    tpu.enqueue_dma source(%arg11 : memref<7808xf32, #tpu.memory_space<vmem>>) target(%dma_start3A_112 : memref<7808xf32, #tpu.memory_space<hbm>>) target_semaphore(%arg18 : memref<!tpu.dma_semaphore, #tpu.memory_space<semaphore_mem>>)
    %add3A_113 = arith.constant 2000128 : i32
    %add3A_114 = arith.addi %add3A_113, %mul3A_4 : i32
    %add3A_115 = arith.constant 7808 : i32
    %add3A_116 = arith.addi %add3A_114, %add3A_115 : i32
    %dma_start3A_117 = tpu.memref_slice %arg6[%add3A_116] : memref<3000192xf32, #tpu.memory_space<hbm>> -> memref<7808xf32, #tpu.memory_space<hbm>>
    %dma_start3A_118 = tpu.memref_slice %arg6[%add3A_116] : memref<3000192xf32, #tpu.memory_space<hbm>> -> memref<7808xf32, #tpu.memory_space<hbm>>
    tpu.enqueue_dma source(%arg12 : memref<7808xf32, #tpu.memory_space<vmem>>) target(%dma_start3A_118 : memref<7808xf32, #tpu.memory_space<hbm>>) target_semaphore(%arg18 : memref<!tpu.dma_semaphore, #tpu.memory_space<semaphore_mem>>)
    %dma_wait3A_119 = arith.constant 0 : i32
    %dma_wait3A_120 = tpu.memref_slice %arg3[%dma_wait3A_119, %add3A_83] : memref<3x1000000xf32, #tpu.memory_space<hbm>> -> memref<3x7808xf32, #tpu.memory_space<hbm>>
    %dma_wait3A_121 = arith.constant 0 : i32
    %dma_wait3A_122 = tpu.memref_slice %arg3[%dma_wait3A_121, %add3A_83] : memref<3x1000000xf32, #tpu.memory_space<hbm>> -> memref<3x7808xf32, #tpu.memory_space<hbm>>
    tpu.wait_dma2 semaphore(%arg17 : memref<!tpu.dma_semaphore, #tpu.memory_space<semaphore_mem>>) src(%dma_wait3A_122 : memref<3x7808xf32, #tpu.memory_space<hbm>>) dst(%arg9 : memref<3x7808xf32, #tpu.memory_space<vmem>>)
    %add3A_123 = arith.constant 15616 : i32
    %add3A_124 = arith.addi %mul3A_4, %add3A_123 : i32
    %dma_start3A_125 = arith.constant 0 : i32
    %dma_start3A_126 = tpu.memref_slice %arg2[%dma_start3A_125, %add3A_124] : memref<3x1000000xf32, #tpu.memory_space<hbm>> -> memref<3x7808xf32, #tpu.memory_space<hbm>>
    %dma_start3A_127 = arith.constant 0 : i32
    %dma_start3A_128 = tpu.memref_slice %arg2[%dma_start3A_127, %add3A_124] : memref<3x1000000xf32, #tpu.memory_space<hbm>> -> memref<3x7808xf32, #tpu.memory_space<hbm>>
    tpu.enqueue_dma source(%dma_start3A_128 : memref<3x7808xf32, #tpu.memory_space<hbm>>) target(%arg8 : memref<3x7808xf32, #tpu.memory_space<vmem>>) target_semaphore(%arg17 : memref<!tpu.dma_semaphore, #tpu.memory_space<semaphore_mem>>)
    %dma_wait3A_129 = tpu.memref_slice %arg7[%add3A_63] : memref<3000192xf32, #tpu.memory_space<hbm>> -> memref<7808xf32, #tpu.memory_space<hbm>>
    %dma_wait3A_130 = tpu.memref_slice %arg7[%add3A_63] : memref<3000192xf32, #tpu.memory_space<hbm>> -> memref<7808xf32, #tpu.memory_space<hbm>>
    tpu.wait_dma2 semaphore(%arg18 : memref<!tpu.dma_semaphore, #tpu.memory_space<semaphore_mem>>) src(%arg13 : memref<7808xf32, #tpu.memory_space<vmem>>) dst(%dma_wait3A_130 : memref<7808xf32, #tpu.memory_space<hbm>>)
    %dma_wait3A_131 = tpu.memref_slice %arg7[%add3A_69] : memref<3000192xf32, #tpu.memory_space<hbm>> -> memref<7808xf32, #tpu.memory_space<hbm>>
    %dma_wait3A_132 = tpu.memref_slice %arg7[%add3A_69] : memref<3000192xf32, #tpu.memory_space<hbm>> -> memref<7808xf32, #tpu.memory_space<hbm>>
    tpu.wait_dma2 semaphore(%arg18 : memref<!tpu.dma_semaphore, #tpu.memory_space<semaphore_mem>>) src(%arg14 : memref<7808xf32, #tpu.memory_space<vmem>>) dst(%dma_wait3A_132 : memref<7808xf32, #tpu.memory_space<hbm>>)
    %dma_wait3A_133 = tpu.memref_slice %arg7[%add3A_75] : memref<3000192xf32, #tpu.memory_space<hbm>> -> memref<7808xf32, #tpu.memory_space<hbm>>
    %dma_wait3A_134 = tpu.memref_slice %arg7[%add3A_75] : memref<3000192xf32, #tpu.memory_space<hbm>> -> memref<7808xf32, #tpu.memory_space<hbm>>
    tpu.wait_dma2 semaphore(%arg18 : memref<!tpu.dma_semaphore, #tpu.memory_space<semaphore_mem>>) src(%arg15 : memref<7808xf32, #tpu.memory_space<vmem>>) dst(%dma_wait3A_134 : memref<7808xf32, #tpu.memory_space<hbm>>)
    %scan3A_135 = arith.constant 0 : i32
    %scan3A_136 = arith.constant 0 : i32
    %scan3A_137 = arith.constant 122 : i32
    %scan3A_138 = arith.addi %scan3A_136, %scan3A_137 : i32
    %scan3A_139 = arith.constant 1 : i32
    %scan3A_140 = scf.for %scan3A_341 = %scan3A_136 to %scan3A_138 step %scan3A_139 iter_args(%scan3A_342 = %scan3A_135) -> (i32)  : i32 {
      %mul3A_343 = arith.constant 4 : i32
      %mul3A_344 = arith.muli %scan3A_341, %mul3A_343 : i32
      %add3A_345 = arith.constant 0 : i32
      %add3A_346 = arith.addi %mul3A_344, %add3A_345 : i32
      %mul3A_347 = arith.constant 16 : i32
      %mul3A_348 = arith.muli %add3A_346, %mul3A_347 : i32
      %get3A = arith.constant 0 : i32
      %get3A_349 = arith.index_cast %get3A : i32 to index
      %get3A_350 = arith.index_cast %mul3A_348 : i32 to index
      %get3A_351 = tpu.vector_load %arg9[%get3A_349, %get3A_350] {strides = array<i32>} : memref<3x7808xf32, #tpu.memory_space<vmem>>, vector<16xf32>,
      %swap3A = arith.index_cast %mul3A_348 : i32 to index
      %swap3A_352 = tpu.vector_load %arg13[%swap3A] {strides = array<i32>} : memref<7808xf32, #tpu.memory_space<vmem>>, vector<16xf32>,
      tpu.vector_store %arg13[%swap3A], %get3A_351 {strides = array<i32>} : memref<7808xf32, #tpu.memory_space<vmem>>, vector<16xf32>,
      %get3A_353 = arith.constant 1 : i32
      %get3A_354 = arith.index_cast %get3A_353 : i32 to index
      %get3A_355 = arith.index_cast %mul3A_348 : i32 to index
      %get3A_356 = tpu.vector_load %arg9[%get3A_354, %get3A_355] {strides = array<i32>} : memref<3x7808xf32, #tpu.memory_space<vmem>>, vector<16xf32>,
      %swap3A_357 = arith.index_cast %mul3A_348 : i32 to index
      %swap3A_358 = tpu.vector_load %arg14[%swap3A_357] {strides = array<i32>} : memref<7808xf32, #tpu.memory_space<vmem>>, vector<16xf32>,
      tpu.vector_store %arg14[%swap3A_357], %get3A_356 {strides = array<i32>} : memref<7808xf32, #tpu.memory_space<vmem>>, vector<16xf32>,
      %get3A_359 = arith.constant 2 : i32
      %get3A_360 = arith.index_cast %get3A_359 : i32 to index
      %get3A_361 = arith.index_cast %mul3A_348 : i32 to index
      %get3A_362 = tpu.vector_load %arg9[%get3A_360, %get3A_361] {strides = array<i32>} : memref<3x7808xf32, #tpu.memory_space<vmem>>, vector<16xf32>,
      %swap3A_363 = arith.index_cast %mul3A_348 : i32 to index
      %swap3A_364 = tpu.vector_load %arg15[%swap3A_363] {strides = array<i32>} : memref<7808xf32, #tpu.memory_space<vmem>>, vector<16xf32>,
      tpu.vector_store %arg15[%swap3A_363], %get3A_362 {strides = array<i32>} : memref<7808xf32, #tpu.memory_space<vmem>>, vector<16xf32>,
      %mul3A_365 = arith.constant 4 : i32
      %mul3A_366 = arith.muli %scan3A_341, %mul3A_365 : i32
      %add3A_367 = arith.constant 1 : i32
      %add3A_368 = arith.addi %mul3A_366, %add3A_367 : i32
      %mul3A_369 = arith.constant 16 : i32
      %mul3A_370 = arith.muli %add3A_368, %mul3A_369 : i32
      %get3A_371 = arith.constant 0 : i32
      %get3A_372 = arith.index_cast %get3A_371 : i32 to index
      %get3A_373 = arith.index_cast %mul3A_370 : i32 to index
      %get3A_374 = tpu.vector_load %arg9[%get3A_372, %get3A_373] {strides = array<i32>} : memref<3x7808xf32, #tpu.memory_space<vmem>>, vector<16xf32>,
      %swap3A_375 = arith.index_cast %mul3A_370 : i32 to index
      %swap3A_376 = tpu.vector_load %arg13[%swap3A_375] {strides = array<i32>} : memref<7808xf32, #tpu.memory_space<vmem>>, vector<16xf32>,
      tpu.vector_store %arg13[%swap3A_375], %get3A_374 {strides = array<i32>} : memref<7808xf32, #tpu.memory_space<vmem>>, vector<16xf32>,
      %get3A_377 = arith.constant 1 : i32
      %get3A_378 = arith.index_cast %get3A_377 : i32 to index
      %get3A_379 = arith.index_cast %mul3A_370 : i32 to index
      %get3A_380 = tpu.vector_load %arg9[%get3A_378, %get3A_379] {strides = array<i32>} : memref<3x7808xf32, #tpu.memory_space<vmem>>, vector<16xf32>,
      %swap3A_381 = arith.index_cast %mul3A_370 : i32 to index
      %swap3A_382 = tpu.vector_load %arg14[%swap3A_381] {strides = array<i32>} : memref<7808xf32, #tpu.memory_space<vmem>>, vector<16xf32>,
      tpu.vector_store %arg14[%swap3A_381], %get3A_380 {strides = array<i32>} : memref<7808xf32, #tpu.memory_space<vmem>>, vector<16xf32>,
      %get3A_383 = arith.constant 2 : i32
      %get3A_384 = arith.index_cast %get3A_383 : i32 to index
      %get3A_385 = arith.index_cast %mul3A_370 : i32 to index
      %get3A_386 = tpu.vector_load %arg9[%get3A_384, %get3A_385] {strides = array<i32>} : memref<3x7808xf32, #tpu.memory_space<vmem>>, vector<16xf32>,
      %swap3A_387 = arith.index_cast %mul3A_370 : i32 to index
      %swap3A_388 = tpu.vector_load %arg15[%swap3A_387] {strides = array<i32>} : memref<7808xf32, #tpu.memory_space<vmem>>, vector<16xf32>,
      tpu.vector_store %arg15[%swap3A_387], %get3A_386 {strides = array<i32>} : memref<7808xf32, #tpu.memory_space<vmem>>, vector<16xf32>,
      %mul3A_389 = arith.constant 4 : i32
      %mul3A_390 = arith.muli %scan3A_341, %mul3A_389 : i32
      %add3A_391 = arith.constant 2 : i32
      %add3A_392 = arith.addi %mul3A_390, %add3A_391 : i32
      %mul3A_393 = arith.constant 16 : i32
      %mul3A_394 = arith.muli %add3A_392, %mul3A_393 : i32
      %get3A_395 = arith.constant 0 : i32
      %get3A_396 = arith.index_cast %get3A_395 : i32 to index
      %get3A_397 = arith.index_cast %mul3A_394 : i32 to index
      %get3A_398 = tpu.vector_load %arg9[%get3A_396, %get3A_397] {strides = array<i32>} : memref<3x7808xf32, #tpu.memory_space<vmem>>, vector<16xf32>,
      %swap3A_399 = arith.index_cast %mul3A_394 : i32 to index
      %swap3A_400 = tpu.vector_load %arg13[%swap3A_399] {strides = array<i32>} : memref<7808xf32, #tpu.memory_space<vmem>>, vector<16xf32>,
      tpu.vector_store %arg13[%swap3A_399], %get3A_398 {strides = array<i32>} : memref<7808xf32, #tpu.memory_space<vmem>>, vector<16xf32>,
      %get3A_401 = arith.constant 1 : i32
      %get3A_402 = arith.index_cast %get3A_401 : i32 to index
      %get3A_403 = arith.index_cast %mul3A_394 : i32 to index
      %get3A_404 = tpu.vector_load %arg9[%get3A_402, %get3A_403] {strides = array<i32>} : memref<3x7808xf32, #tpu.memory_space<vmem>>, vector<16xf32>,
      %swap3A_405 = arith.index_cast %mul3A_394 : i32 to index
      %swap3A_406 = tpu.vector_load %arg14[%swap3A_405] {strides = array<i32>} : memref<7808xf32, #tpu.memory_space<vmem>>, vector<16xf32>,
      tpu.vector_store %arg14[%swap3A_405], %get3A_404 {strides = array<i32>} : memref<7808xf32, #tpu.memory_space<vmem>>, vector<16xf32>,
      %get3A_407 = arith.constant 2 : i32
      %get3A_408 = arith.index_cast %get3A_407 : i32 to index
      %get3A_409 = arith.index_cast %mul3A_394 : i32 to index
      %get3A_410 = tpu.vector_load %arg9[%get3A_408, %get3A_409] {strides = array<i32>} : memref<3x7808xf32, #tpu.memory_space<vmem>>, vector<16xf32>,
      %swap3A_411 = arith.index_cast %mul3A_394 : i32 to index
      %swap3A_412 = tpu.vector_load %arg15[%swap3A_411] {strides = array<i32>} : memref<7808xf32, #tpu.memory_space<vmem>>, vector<16xf32>,
      tpu.vector_store %arg15[%swap3A_411], %get3A_410 {strides = array<i32>} : memref<7808xf32, #tpu.memory_space<vmem>>, vector<16xf32>,
      %mul3A_413 = arith.constant 4 : i32
      %mul3A_414 = arith.muli %scan3A_341, %mul3A_413 : i32
      %add3A_415 = arith.constant 3 : i32
      %add3A_416 = arith.addi %mul3A_414, %add3A_415 : i32
      %mul3A_417 = arith.constant 16 : i32
      %mul3A_418 = arith.muli %add3A_416, %mul3A_417 : i32
      %get3A_419 = arith.constant 0 : i32
      %get3A_420 = arith.index_cast %get3A_419 : i32 to index
      %get3A_421 = arith.index_cast %mul3A_418 : i32 to index
      %get3A_422 = tpu.vector_load %arg9[%get3A_420, %get3A_421] {strides = array<i32>} : memref<3x7808xf32, #tpu.memory_space<vmem>>, vector<16xf32>,
      %swap3A_423 = arith.index_cast %mul3A_418 : i32 to index
      %swap3A_424 = tpu.vector_load %arg13[%swap3A_423] {strides = array<i32>} : memref<7808xf32, #tpu.memory_space<vmem>>, vector<16xf32>,
      tpu.vector_store %arg13[%swap3A_423], %get3A_422 {strides = array<i32>} : memref<7808xf32, #tpu.memory_space<vmem>>, vector<16xf32>,
      %get3A_425 = arith.constant 1 : i32
      %get3A_426 = arith.index_cast %get3A_425 : i32 to index
      %get3A_427 = arith.index_cast %mul3A_418 : i32 to index
      %get3A_428 = tpu.vector_load %arg9[%get3A_426, %get3A_427] {strides = array<i32>} : memref<3x7808xf32, #tpu.memory_space<vmem>>, vector<16xf32>,
      %swap3A_429 = arith.index_cast %mul3A_418 : i32 to index
      %swap3A_430 = tpu.vector_load %arg14[%swap3A_429] {strides = array<i32>} : memref<7808xf32, #tpu.memory_space<vmem>>, vector<16xf32>,
      tpu.vector_store %arg14[%swap3A_429], %get3A_428 {strides = array<i32>} : memref<7808xf32, #tpu.memory_space<vmem>>, vector<16xf32>,
      %get3A_431 = arith.constant 2 : i32
      %get3A_432 = arith.index_cast %get3A_431 : i32 to index
      %get3A_433 = arith.index_cast %mul3A_418 : i32 to index
      %get3A_434 = tpu.vector_load %arg9[%get3A_432, %get3A_433] {strides = array<i32>} : memref<3x7808xf32, #tpu.memory_space<vmem>>, vector<16xf32>,
      %swap3A_435 = arith.index_cast %mul3A_418 : i32 to index
      %swap3A_436 = tpu.vector_load %arg15[%swap3A_435] {strides = array<i32>} : memref<7808xf32, #tpu.memory_space<vmem>>, vector<16xf32>,
      tpu.vector_store %arg15[%swap3A_435], %get3A_434 {strides = array<i32>} : memref<7808xf32, #tpu.memory_space<vmem>>, vector<16xf32>,
      %scan3A_437 = arith.constant 0 : i32
      scf.yield %scan3A_437 : i32
    }
    %scan3A_141 = arith.constant 122 : i32
    %add3A_142 = arith.constant 0 : i32
    %add3A_143 = arith.addi %add3A_142, %mul3A_4 : i32
    %add3A_144 = arith.constant 7808 : i32
    %add3A_145 = arith.addi %add3A_143, %add3A_144 : i32
    %dma_start3A_146 = tpu.memref_slice %arg7[%add3A_145] : memref<3000192xf32, #tpu.memory_space<hbm>> -> memref<7808xf32, #tpu.memory_space<hbm>>
    %dma_start3A_147 = tpu.memref_slice %arg7[%add3A_145] : memref<3000192xf32, #tpu.memory_space<hbm>> -> memref<7808xf32, #tpu.memory_space<hbm>>
    tpu.enqueue_dma source(%arg13 : memref<7808xf32, #tpu.memory_space<vmem>>) target(%dma_start3A_147 : memref<7808xf32, #tpu.memory_space<hbm>>) target_semaphore(%arg18 : memref<!tpu.dma_semaphore, #tpu.memory_space<semaphore_mem>>)
    %add3A_148 = arith.constant 1000064 : i32
    %add3A_149 = arith.addi %add3A_148, %mul3A_4 : i32
    %add3A_150 = arith.constant 7808 : i32
    %add3A_151 = arith.addi %add3A_149, %add3A_150 : i32
    %dma_start3A_152 = tpu.memref_slice %arg7[%add3A_151] : memref<3000192xf32, #tpu.memory_space<hbm>> -> memref<7808xf32, #tpu.memory_space<hbm>>
    %dma_start3A_153 = tpu.memref_slice %arg7[%add3A_151] : memref<3000192xf32, #tpu.memory_space<hbm>> -> memref<7808xf32, #tpu.memory_space<hbm>>
    tpu.enqueue_dma source(%arg14 : memref<7808xf32, #tpu.memory_space<vmem>>) target(%dma_start3A_153 : memref<7808xf32, #tpu.memory_space<hbm>>) target_semaphore(%arg18 : memref<!tpu.dma_semaphore, #tpu.memory_space<semaphore_mem>>)
    %add3A_154 = arith.constant 2000128 : i32
    %add3A_155 = arith.addi %add3A_154, %mul3A_4 : i32
    %add3A_156 = arith.constant 7808 : i32
    %add3A_157 = arith.addi %add3A_155, %add3A_156 : i32
    %dma_start3A_158 = tpu.memref_slice %arg7[%add3A_157] : memref<3000192xf32, #tpu.memory_space<hbm>> -> memref<7808xf32, #tpu.memory_space<hbm>>
    %dma_start3A_159 = tpu.memref_slice %arg7[%add3A_157] : memref<3000192xf32, #tpu.memory_space<hbm>> -> memref<7808xf32, #tpu.memory_space<hbm>>
    tpu.enqueue_dma source(%arg15 : memref<7808xf32, #tpu.memory_space<vmem>>) target(%dma_start3A_159 : memref<7808xf32, #tpu.memory_space<hbm>>) target_semaphore(%arg18 : memref<!tpu.dma_semaphore, #tpu.memory_space<semaphore_mem>>)
    %dma_wait3A_160 = arith.constant 0 : i32
    %dma_wait3A_161 = tpu.memref_slice %arg2[%dma_wait3A_160, %add3A_124] : memref<3x1000000xf32, #tpu.memory_space<hbm>> -> memref<3x7808xf32, #tpu.memory_space<hbm>>
    %dma_wait3A_162 = arith.constant 0 : i32
    %dma_wait3A_163 = tpu.memref_slice %arg2[%dma_wait3A_162, %add3A_124] : memref<3x1000000xf32, #tpu.memory_space<hbm>> -> memref<3x7808xf32, #tpu.memory_space<hbm>>
    tpu.wait_dma2 semaphore(%arg17 : memref<!tpu.dma_semaphore, #tpu.memory_space<semaphore_mem>>) src(%dma_wait3A_163 : memref<3x7808xf32, #tpu.memory_space<hbm>>) dst(%arg8 : memref<3x7808xf32, #tpu.memory_space<vmem>>)
    %add3A_164 = arith.constant 15616 : i32
    %add3A_165 = arith.addi %mul3A_4, %add3A_164 : i32
    %dma_start3A_166 = arith.constant 0 : i32
    %dma_start3A_167 = tpu.memref_slice %arg3[%dma_start3A_166, %add3A_165] : memref<3x1000000xf32, #tpu.memory_space<hbm>> -> memref<3x7808xf32, #tpu.memory_space<hbm>>
    %dma_start3A_168 = arith.constant 0 : i32
    %dma_start3A_169 = tpu.memref_slice %arg3[%dma_start3A_168, %add3A_165] : memref<3x1000000xf32, #tpu.memory_space<hbm>> -> memref<3x7808xf32, #tpu.memory_space<hbm>>
    tpu.enqueue_dma source(%dma_start3A_169 : memref<3x7808xf32, #tpu.memory_space<hbm>>) target(%arg9 : memref<3x7808xf32, #tpu.memory_space<vmem>>) target_semaphore(%arg17 : memref<!tpu.dma_semaphore, #tpu.memory_space<semaphore_mem>>)
    %dma_wait3A_170 = tpu.memref_slice %arg6[%add3A_104] : memref<3000192xf32, #tpu.memory_space<hbm>> -> memref<7808xf32, #tpu.memory_space<hbm>>
    %dma_wait3A_171 = tpu.memref_slice %arg6[%add3A_104] : memref<3000192xf32, #tpu.memory_space<hbm>> -> memref<7808xf32, #tpu.memory_space<hbm>>
    tpu.wait_dma2 semaphore(%arg18 : memref<!tpu.dma_semaphore, #tpu.memory_space<semaphore_mem>>) src(%arg10 : memref<7808xf32, #tpu.memory_space<vmem>>) dst(%dma_wait3A_171 : memref<7808xf32, #tpu.memory_space<hbm>>)
    %dma_wait3A_172 = tpu.memref_slice %arg6[%add3A_110] : memref<3000192xf32, #tpu.memory_space<hbm>> -> memref<7808xf32, #tpu.memory_space<hbm>>
    %dma_wait3A_173 = tpu.memref_slice %arg6[%add3A_110] : memref<3000192xf32, #tpu.memory_space<hbm>> -> memref<7808xf32, #tpu.memory_space<hbm>>
    tpu.wait_dma2 semaphore(%arg18 : memref<!tpu.dma_semaphore, #tpu.memory_space<semaphore_mem>>) src(%arg11 : memref<7808xf32, #tpu.memory_space<vmem>>) dst(%dma_wait3A_173 : memref<7808xf32, #tpu.memory_space<hbm>>)
    %dma_wait3A_174 = tpu.memref_slice %arg6[%add3A_116] : memref<3000192xf32, #tpu.memory_space<hbm>> -> memref<7808xf32, #tpu.memory_space<hbm>>
    %dma_wait3A_175 = tpu.memref_slice %arg6[%add3A_116] : memref<3000192xf32, #tpu.memory_space<hbm>> -> memref<7808xf32, #tpu.memory_space<hbm>>
    tpu.wait_dma2 semaphore(%arg18 : memref<!tpu.dma_semaphore, #tpu.memory_space<semaphore_mem>>) src(%arg12 : memref<7808xf32, #tpu.memory_space<vmem>>) dst(%dma_wait3A_175 : memref<7808xf32, #tpu.memory_space<hbm>>)
    %scan3A_176 = arith.constant 0 : i32
    %scan3A_177 = arith.constant 0 : i32
    %scan3A_178 = arith.constant 122 : i32
    %scan3A_179 = arith.addi %scan3A_177, %scan3A_178 : i32
    %scan3A_180 = arith.constant 1 : i32
    %scan3A_181 = scf.for %scan3A_341 = %scan3A_177 to %scan3A_179 step %scan3A_180 iter_args(%scan3A_342 = %scan3A_176) -> (i32)  : i32 {
      %mul3A_343 = arith.constant 4 : i32
      %mul3A_344 = arith.muli %scan3A_341, %mul3A_343 : i32
      %add3A_345 = arith.constant 0 : i32
      %add3A_346 = arith.addi %mul3A_344, %add3A_345 : i32
      %mul3A_347 = arith.constant 16 : i32
      %mul3A_348 = arith.muli %add3A_346, %mul3A_347 : i32
      %get3A = arith.constant 0 : i32
      %get3A_349 = arith.index_cast %get3A : i32 to index
      %get3A_350 = arith.index_cast %mul3A_348 : i32 to index
      %get3A_351 = tpu.vector_load %arg8[%get3A_349, %get3A_350] {strides = array<i32>} : memref<3x7808xf32, #tpu.memory_space<vmem>>, vector<16xf32>,
      %swap3A = arith.index_cast %mul3A_348 : i32 to index
      %swap3A_352 = tpu.vector_load %arg10[%swap3A] {strides = array<i32>} : memref<7808xf32, #tpu.memory_space<vmem>>, vector<16xf32>,
      tpu.vector_store %arg10[%swap3A], %get3A_351 {strides = array<i32>} : memref<7808xf32, #tpu.memory_space<vmem>>, vector<16xf32>,
      %get3A_353 = arith.constant 1 : i32
      %get3A_354 = arith.index_cast %get3A_353 : i32 to index
      %get3A_355 = arith.index_cast %mul3A_348 : i32 to index
      %get3A_356 = tpu.vector_load %arg8[%get3A_354, %get3A_355] {strides = array<i32>} : memref<3x7808xf32, #tpu.memory_space<vmem>>, vector<16xf32>,
      %swap3A_357 = arith.index_cast %mul3A_348 : i32 to index
      %swap3A_358 = tpu.vector_load %arg11[%swap3A_357] {strides = array<i32>} : memref<7808xf32, #tpu.memory_space<vmem>>, vector<16xf32>,
      tpu.vector_store %arg11[%swap3A_357], %get3A_356 {strides = array<i32>} : memref<7808xf32, #tpu.memory_space<vmem>>, vector<16xf32>,
      %get3A_359 = arith.constant 2 : i32
      %get3A_360 = arith.index_cast %get3A_359 : i32 to index
      %get3A_361 = arith.index_cast %mul3A_348 : i32 to index
      %get3A_362 = tpu.vector_load %arg8[%get3A_360, %get3A_361] {strides = array<i32>} : memref<3x7808xf32, #tpu.memory_space<vmem>>, vector<16xf32>,
      %swap3A_363 = arith.index_cast %mul3A_348 : i32 to index
      %swap3A_364 = tpu.vector_load %arg12[%swap3A_363] {strides = array<i32>} : memref<7808xf32, #tpu.memory_space<vmem>>, vector<16xf32>,
      tpu.vector_store %arg12[%swap3A_363], %get3A_362 {strides = array<i32>} : memref<7808xf32, #tpu.memory_space<vmem>>, vector<16xf32>,
      %mul3A_365 = arith.constant 4 : i32
      %mul3A_366 = arith.muli %scan3A_341, %mul3A_365 : i32
      %add3A_367 = arith.constant 1 : i32
      %add3A_368 = arith.addi %mul3A_366, %add3A_367 : i32
      %mul3A_369 = arith.constant 16 : i32
      %mul3A_370 = arith.muli %add3A_368, %mul3A_369 : i32
      %get3A_371 = arith.constant 0 : i32
      %get3A_372 = arith.index_cast %get3A_371 : i32 to index
      %get3A_373 = arith.index_cast %mul3A_370 : i32 to index
      %get3A_374 = tpu.vector_load %arg8[%get3A_372, %get3A_373] {strides = array<i32>} : memref<3x7808xf32, #tpu.memory_space<vmem>>, vector<16xf32>,
      %swap3A_375 = arith.index_cast %mul3A_370 : i32 to index
      %swap3A_376 = tpu.vector_load %arg10[%swap3A_375] {strides = array<i32>} : memref<7808xf32, #tpu.memory_space<vmem>>, vector<16xf32>,
      tpu.vector_store %arg10[%swap3A_375], %get3A_374 {strides = array<i32>} : memref<7808xf32, #tpu.memory_space<vmem>>, vector<16xf32>,
      %get3A_377 = arith.constant 1 : i32
      %get3A_378 = arith.index_cast %get3A_377 : i32 to index
      %get3A_379 = arith.index_cast %mul3A_370 : i32 to index
      %get3A_380 = tpu.vector_load %arg8[%get3A_378, %get3A_379] {strides = array<i32>} : memref<3x7808xf32, #tpu.memory_space<vmem>>, vector<16xf32>,
      %swap3A_381 = arith.index_cast %mul3A_370 : i32 to index
      %swap3A_382 = tpu.vector_load %arg11[%swap3A_381] {strides = array<i32>} : memref<7808xf32, #tpu.memory_space<vmem>>, vector<16xf32>,
      tpu.vector_store %arg11[%swap3A_381], %get3A_380 {strides = array<i32>} : memref<7808xf32, #tpu.memory_space<vmem>>, vector<16xf32>,
      %get3A_383 = arith.constant 2 : i32
      %get3A_384 = arith.index_cast %get3A_383 : i32 to index
      %get3A_385 = arith.index_cast %mul3A_370 : i32 to index
      %get3A_386 = tpu.vector_load %arg8[%get3A_384, %get3A_385] {strides = array<i32>} : memref<3x7808xf32, #tpu.memory_space<vmem>>, vector<16xf32>,
      %swap3A_387 = arith.index_cast %mul3A_370 : i32 to index
      %swap3A_388 = tpu.vector_load %arg12[%swap3A_387] {strides = array<i32>} : memref<7808xf32, #tpu.memory_space<vmem>>, vector<16xf32>,
      tpu.vector_store %arg12[%swap3A_387], %get3A_386 {strides = array<i32>} : memref<7808xf32, #tpu.memory_space<vmem>>, vector<16xf32>,
      %mul3A_389 = arith.constant 4 : i32
      %mul3A_390 = arith.muli %scan3A_341, %mul3A_389 : i32
      %add3A_391 = arith.constant 2 : i32
      %add3A_392 = arith.addi %mul3A_390, %add3A_391 : i32
      %mul3A_393 = arith.constant 16 : i32
      %mul3A_394 = arith.muli %add3A_392, %mul3A_393 : i32
      %get3A_395 = arith.constant 0 : i32
      %get3A_396 = arith.index_cast %get3A_395 : i32 to index
      %get3A_397 = arith.index_cast %mul3A_394 : i32 to index
      %get3A_398 = tpu.vector_load %arg8[%get3A_396, %get3A_397] {strides = array<i32>} : memref<3x7808xf32, #tpu.memory_space<vmem>>, vector<16xf32>,
      %swap3A_399 = arith.index_cast %mul3A_394 : i32 to index
      %swap3A_400 = tpu.vector_load %arg10[%swap3A_399] {strides = array<i32>} : memref<7808xf32, #tpu.memory_space<vmem>>, vector<16xf32>,
      tpu.vector_store %arg10[%swap3A_399], %get3A_398 {strides = array<i32>} : memref<7808xf32, #tpu.memory_space<vmem>>, vector<16xf32>,
      %get3A_401 = arith.constant 1 : i32
      %get3A_402 = arith.index_cast %get3A_401 : i32 to index
      %get3A_403 = arith.index_cast %mul3A_394 : i32 to index
      %get3A_404 = tpu.vector_load %arg8[%get3A_402, %get3A_403] {strides = array<i32>} : memref<3x7808xf32, #tpu.memory_space<vmem>>, vector<16xf32>,
      %swap3A_405 = arith.index_cast %mul3A_394 : i32 to index
      %swap3A_406 = tpu.vector_load %arg11[%swap3A_405] {strides = array<i32>} : memref<7808xf32, #tpu.memory_space<vmem>>, vector<16xf32>,
      tpu.vector_store %arg11[%swap3A_405], %get3A_404 {strides = array<i32>} : memref<7808xf32, #tpu.memory_space<vmem>>, vector<16xf32>,
      %get3A_407 = arith.constant 2 : i32
      %get3A_408 = arith.index_cast %get3A_407 : i32 to index
      %get3A_409 = arith.index_cast %mul3A_394 : i32 to index
      %get3A_410 = tpu.vector_load %arg8[%get3A_408, %get3A_409] {strides = array<i32>} : memref<3x7808xf32, #tpu.memory_space<vmem>>, vector<16xf32>,
      %swap3A_411 = arith.index_cast %mul3A_394 : i32 to index
      %swap3A_412 = tpu.vector_load %arg12[%swap3A_411] {strides = array<i32>} : memref<7808xf32, #tpu.memory_space<vmem>>, vector<16xf32>,
      tpu.vector_store %arg12[%swap3A_411], %get3A_410 {strides = array<i32>} : memref<7808xf32, #tpu.memory_space<vmem>>, vector<16xf32>,
      %mul3A_413 = arith.constant 4 : i32
      %mul3A_414 = arith.muli %scan3A_341, %mul3A_413 : i32
      %add3A_415 = arith.constant 3 : i32
      %add3A_416 = arith.addi %mul3A_414, %add3A_415 : i32
      %mul3A_417 = arith.constant 16 : i32
      %mul3A_418 = arith.muli %add3A_416, %mul3A_417 : i32
      %get3A_419 = arith.constant 0 : i32
      %get3A_420 = arith.index_cast %get3A_419 : i32 to index
      %get3A_421 = arith.index_cast %mul3A_418 : i32 to index
      %get3A_422 = tpu.vector_load %arg8[%get3A_420, %get3A_421] {strides = array<i32>} : memref<3x7808xf32, #tpu.memory_space<vmem>>, vector<16xf32>,
      %swap3A_423 = arith.index_cast %mul3A_418 : i32 to index
      %swap3A_424 = tpu.vector_load %arg10[%swap3A_423] {strides = array<i32>} : memref<7808xf32, #tpu.memory_space<vmem>>, vector<16xf32>,
      tpu.vector_store %arg10[%swap3A_423], %get3A_422 {strides = array<i32>} : memref<7808xf32, #tpu.memory_space<vmem>>, vector<16xf32>,
      %get3A_425 = arith.constant 1 : i32
      %get3A_426 = arith.index_cast %get3A_425 : i32 to index
      %get3A_427 = arith.index_cast %mul3A_418 : i32 to index
      %get3A_428 = tpu.vector_load %arg8[%get3A_426, %get3A_427] {strides = array<i32>} : memref<3x7808xf32, #tpu.memory_space<vmem>>, vector<16xf32>,
      %swap3A_429 = arith.index_cast %mul3A_418 : i32 to index
      %swap3A_430 = tpu.vector_load %arg11[%swap3A_429] {strides = array<i32>} : memref<7808xf32, #tpu.memory_space<vmem>>, vector<16xf32>,
      tpu.vector_store %arg11[%swap3A_429], %get3A_428 {strides = array<i32>} : memref<7808xf32, #tpu.memory_space<vmem>>, vector<16xf32>,
      %get3A_431 = arith.constant 2 : i32
      %get3A_432 = arith.index_cast %get3A_431 : i32 to index
      %get3A_433 = arith.index_cast %mul3A_418 : i32 to index
      %get3A_434 = tpu.vector_load %arg8[%get3A_432, %get3A_433] {strides = array<i32>} : memref<3x7808xf32, #tpu.memory_space<vmem>>, vector<16xf32>,
      %swap3A_435 = arith.index_cast %mul3A_418 : i32 to index
      %swap3A_436 = tpu.vector_load %arg12[%swap3A_435] {strides = array<i32>} : memref<7808xf32, #tpu.memory_space<vmem>>, vector<16xf32>,
      tpu.vector_store %arg12[%swap3A_435], %get3A_434 {strides = array<i32>} : memref<7808xf32, #tpu.memory_space<vmem>>, vector<16xf32>,
      %scan3A_437 = arith.constant 0 : i32
      scf.yield %scan3A_437 : i32
    }
    %scan3A_182 = arith.constant 122 : i32
    %add3A_183 = arith.constant 0 : i32
    %add3A_184 = arith.addi %add3A_183, %mul3A_4 : i32
    %add3A_185 = arith.constant 15616 : i32
    %add3A_186 = arith.addi %add3A_184, %add3A_185 : i32
    %dma_start3A_187 = tpu.memref_slice %arg6[%add3A_186] : memref<3000192xf32, #tpu.memory_space<hbm>> -> memref<7808xf32, #tpu.memory_space<hbm>>
    %dma_start3A_188 = tpu.memref_slice %arg6[%add3A_186] : memref<3000192xf32, #tpu.memory_space<hbm>> -> memref<7808xf32, #tpu.memory_space<hbm>>
    tpu.enqueue_dma source(%arg10 : memref<7808xf32, #tpu.memory_space<vmem>>) target(%dma_start3A_188 : memref<7808xf32, #tpu.memory_space<hbm>>) target_semaphore(%arg18 : memref<!tpu.dma_semaphore, #tpu.memory_space<semaphore_mem>>)
    %add3A_189 = arith.constant 1000064 : i32
    %add3A_190 = arith.addi %add3A_189, %mul3A_4 : i32
    %add3A_191 = arith.constant 15616 : i32
    %add3A_192 = arith.addi %add3A_190, %add3A_191 : i32
    %dma_start3A_193 = tpu.memref_slice %arg6[%add3A_192] : memref<3000192xf32, #tpu.memory_space<hbm>> -> memref<7808xf32, #tpu.memory_space<hbm>>
    %dma_start3A_194 = tpu.memref_slice %arg6[%add3A_192] : memref<3000192xf32, #tpu.memory_space<hbm>> -> memref<7808xf32, #tpu.memory_space<hbm>>
    tpu.enqueue_dma source(%arg11 : memref<7808xf32, #tpu.memory_space<vmem>>) target(%dma_start3A_194 : memref<7808xf32, #tpu.memory_space<hbm>>) target_semaphore(%arg18 : memref<!tpu.dma_semaphore, #tpu.memory_space<semaphore_mem>>)
    %add3A_195 = arith.constant 2000128 : i32
    %add3A_196 = arith.addi %add3A_195, %mul3A_4 : i32
    %add3A_197 = arith.constant 15616 : i32
    %add3A_198 = arith.addi %add3A_196, %add3A_197 : i32
    %dma_start3A_199 = tpu.memref_slice %arg6[%add3A_198] : memref<3000192xf32, #tpu.memory_space<hbm>> -> memref<7808xf32, #tpu.memory_space<hbm>>
    %dma_start3A_200 = tpu.memref_slice %arg6[%add3A_198] : memref<3000192xf32, #tpu.memory_space<hbm>> -> memref<7808xf32, #tpu.memory_space<hbm>>
    tpu.enqueue_dma source(%arg12 : memref<7808xf32, #tpu.memory_space<vmem>>) target(%dma_start3A_200 : memref<7808xf32, #tpu.memory_space<hbm>>) target_semaphore(%arg18 : memref<!tpu.dma_semaphore, #tpu.memory_space<semaphore_mem>>)
    %dma_wait3A_201 = arith.constant 0 : i32
    %dma_wait3A_202 = tpu.memref_slice %arg3[%dma_wait3A_201, %add3A_165] : memref<3x1000000xf32, #tpu.memory_space<hbm>> -> memref<3x7808xf32, #tpu.memory_space<hbm>>
    %dma_wait3A_203 = arith.constant 0 : i32
    %dma_wait3A_204 = tpu.memref_slice %arg3[%dma_wait3A_203, %add3A_165] : memref<3x1000000xf32, #tpu.memory_space<hbm>> -> memref<3x7808xf32, #tpu.memory_space<hbm>>
    tpu.wait_dma2 semaphore(%arg17 : memref<!tpu.dma_semaphore, #tpu.memory_space<semaphore_mem>>) src(%dma_wait3A_204 : memref<3x7808xf32, #tpu.memory_space<hbm>>) dst(%arg9 : memref<3x7808xf32, #tpu.memory_space<vmem>>)
    %add3A_205 = arith.constant 23424 : i32
    %add3A_206 = arith.addi %mul3A_4, %add3A_205 : i32
    %dma_start3A_207 = arith.constant 0 : i32
    %dma_start3A_208 = tpu.memref_slice %arg2[%dma_start3A_207, %add3A_206] : memref<3x1000000xf32, #tpu.memory_space<hbm>> -> memref<3x7808xf32, #tpu.memory_space<hbm>>
    %dma_start3A_209 = arith.constant 0 : i32
    %dma_start3A_210 = tpu.memref_slice %arg2[%dma_start3A_209, %add3A_206] : memref<3x1000000xf32, #tpu.memory_space<hbm>> -> memref<3x7808xf32, #tpu.memory_space<hbm>>
    tpu.enqueue_dma source(%dma_start3A_210 : memref<3x7808xf32, #tpu.memory_space<hbm>>) target(%arg8 : memref<3x7808xf32, #tpu.memory_space<vmem>>) target_semaphore(%arg17 : memref<!tpu.dma_semaphore, #tpu.memory_space<semaphore_mem>>)
    %dma_wait3A_211 = tpu.memref_slice %arg7[%add3A_145] : memref<3000192xf32, #tpu.memory_space<hbm>> -> memref<7808xf32, #tpu.memory_space<hbm>>
    %dma_wait3A_212 = tpu.memref_slice %arg7[%add3A_145] : memref<3000192xf32, #tpu.memory_space<hbm>> -> memref<7808xf32, #tpu.memory_space<hbm>>
    tpu.wait_dma2 semaphore(%arg18 : memref<!tpu.dma_semaphore, #tpu.memory_space<semaphore_mem>>) src(%arg13 : memref<7808xf32, #tpu.memory_space<vmem>>) dst(%dma_wait3A_212 : memref<7808xf32, #tpu.memory_space<hbm>>)
    %dma_wait3A_213 = tpu.memref_slice %arg7[%add3A_151] : memref<3000192xf32, #tpu.memory_space<hbm>> -> memref<7808xf32, #tpu.memory_space<hbm>>
    %dma_wait3A_214 = tpu.memref_slice %arg7[%add3A_151] : memref<3000192xf32, #tpu.memory_space<hbm>> -> memref<7808xf32, #tpu.memory_space<hbm>>
    tpu.wait_dma2 semaphore(%arg18 : memref<!tpu.dma_semaphore, #tpu.memory_space<semaphore_mem>>) src(%arg14 : memref<7808xf32, #tpu.memory_space<vmem>>) dst(%dma_wait3A_214 : memref<7808xf32, #tpu.memory_space<hbm>>)
    %dma_wait3A_215 = tpu.memref_slice %arg7[%add3A_157] : memref<3000192xf32, #tpu.memory_space<hbm>> -> memref<7808xf32, #tpu.memory_space<hbm>>
    %dma_wait3A_216 = tpu.memref_slice %arg7[%add3A_157] : memref<3000192xf32, #tpu.memory_space<hbm>> -> memref<7808xf32, #tpu.memory_space<hbm>>
    tpu.wait_dma2 semaphore(%arg18 : memref<!tpu.dma_semaphore, #tpu.memory_space<semaphore_mem>>) src(%arg15 : memref<7808xf32, #tpu.memory_space<vmem>>) dst(%dma_wait3A_216 : memref<7808xf32, #tpu.memory_space<hbm>>)
    %scan3A_217 = arith.constant 0 : i32
    %scan3A_218 = arith.constant 0 : i32
    %scan3A_219 = arith.constant 122 : i32
    %scan3A_220 = arith.addi %scan3A_218, %scan3A_219 : i32
    %scan3A_221 = arith.constant 1 : i32
    %scan3A_222 = scf.for %scan3A_341 = %scan3A_218 to %scan3A_220 step %scan3A_221 iter_args(%scan3A_342 = %scan3A_217) -> (i32)  : i32 {
      %mul3A_343 = arith.constant 4 : i32
      %mul3A_344 = arith.muli %scan3A_341, %mul3A_343 : i32
      %add3A_345 = arith.constant 0 : i32
      %add3A_346 = arith.addi %mul3A_344, %add3A_345 : i32
      %mul3A_347 = arith.constant 16 : i32
      %mul3A_348 = arith.muli %add3A_346, %mul3A_347 : i32
      %get3A = arith.constant 0 : i32
      %get3A_349 = arith.index_cast %get3A : i32 to index
      %get3A_350 = arith.index_cast %mul3A_348 : i32 to index
      %get3A_351 = tpu.vector_load %arg9[%get3A_349, %get3A_350] {strides = array<i32>} : memref<3x7808xf32, #tpu.memory_space<vmem>>, vector<16xf32>,
      %swap3A = arith.index_cast %mul3A_348 : i32 to index
      %swap3A_352 = tpu.vector_load %arg13[%swap3A] {strides = array<i32>} : memref<7808xf32, #tpu.memory_space<vmem>>, vector<16xf32>,
      tpu.vector_store %arg13[%swap3A], %get3A_351 {strides = array<i32>} : memref<7808xf32, #tpu.memory_space<vmem>>, vector<16xf32>,
      %get3A_353 = arith.constant 1 : i32
      %get3A_354 = arith.index_cast %get3A_353 : i32 to index
      %get3A_355 = arith.index_cast %mul3A_348 : i32 to index
      %get3A_356 = tpu.vector_load %arg9[%get3A_354, %get3A_355] {strides = array<i32>} : memref<3x7808xf32, #tpu.memory_space<vmem>>, vector<16xf32>,
      %swap3A_357 = arith.index_cast %mul3A_348 : i32 to index
      %swap3A_358 = tpu.vector_load %arg14[%swap3A_357] {strides = array<i32>} : memref<7808xf32, #tpu.memory_space<vmem>>, vector<16xf32>,
      tpu.vector_store %arg14[%swap3A_357], %get3A_356 {strides = array<i32>} : memref<7808xf32, #tpu.memory_space<vmem>>, vector<16xf32>,
      %get3A_359 = arith.constant 2 : i32
      %get3A_360 = arith.index_cast %get3A_359 : i32 to index
      %get3A_361 = arith.index_cast %mul3A_348 : i32 to index
      %get3A_362 = tpu.vector_load %arg9[%get3A_360, %get3A_361] {strides = array<i32>} : memref<3x7808xf32, #tpu.memory_space<vmem>>, vector<16xf32>,
      %swap3A_363 = arith.index_cast %mul3A_348 : i32 to index
      %swap3A_364 = tpu.vector_load %arg15[%swap3A_363] {strides = array<i32>} : memref<7808xf32, #tpu.memory_space<vmem>>, vector<16xf32>,
      tpu.vector_store %arg15[%swap3A_363], %get3A_362 {strides = array<i32>} : memref<7808xf32, #tpu.memory_space<vmem>>, vector<16xf32>,
      %mul3A_365 = arith.constant 4 : i32
      %mul3A_366 = arith.muli %scan3A_341, %mul3A_365 : i32
      %add3A_367 = arith.constant 1 : i32
      %add3A_368 = arith.addi %mul3A_366, %add3A_367 : i32
      %mul3A_369 = arith.constant 16 : i32
      %mul3A_370 = arith.muli %add3A_368, %mul3A_369 : i32
      %get3A_371 = arith.constant 0 : i32
      %get3A_372 = arith.index_cast %get3A_371 : i32 to index
      %get3A_373 = arith.index_cast %mul3A_370 : i32 to index
      %get3A_374 = tpu.vector_load %arg9[%get3A_372, %get3A_373] {strides = array<i32>} : memref<3x7808xf32, #tpu.memory_space<vmem>>, vector<16xf32>,
      %swap3A_375 = arith.index_cast %mul3A_370 : i32 to index
      %swap3A_376 = tpu.vector_load %arg13[%swap3A_375] {strides = array<i32>} : memref<7808xf32, #tpu.memory_space<vmem>>, vector<16xf32>,
      tpu.vector_store %arg13[%swap3A_375], %get3A_374 {strides = array<i32>} : memref<7808xf32, #tpu.memory_space<vmem>>, vector<16xf32>,
      %get3A_377 = arith.constant 1 : i32
      %get3A_378 = arith.index_cast %get3A_377 : i32 to index
      %get3A_379 = arith.index_cast %mul3A_370 : i32 to index
      %get3A_380 = tpu.vector_load %arg9[%get3A_378, %get3A_379] {strides = array<i32>} : memref<3x7808xf32, #tpu.memory_space<vmem>>, vector<16xf32>,
      %swap3A_381 = arith.index_cast %mul3A_370 : i32 to index
      %swap3A_382 = tpu.vector_load %arg14[%swap3A_381] {strides = array<i32>} : memref<7808xf32, #tpu.memory_space<vmem>>, vector<16xf32>,
      tpu.vector_store %arg14[%swap3A_381], %get3A_380 {strides = array<i32>} : memref<7808xf32, #tpu.memory_space<vmem>>, vector<16xf32>,
      %get3A_383 = arith.constant 2 : i32
      %get3A_384 = arith.index_cast %get3A_383 : i32 to index
      %get3A_385 = arith.index_cast %mul3A_370 : i32 to index
      %get3A_386 = tpu.vector_load %arg9[%get3A_384, %get3A_385] {strides = array<i32>} : memref<3x7808xf32, #tpu.memory_space<vmem>>, vector<16xf32>,
      %swap3A_387 = arith.index_cast %mul3A_370 : i32 to index
      %swap3A_388 = tpu.vector_load %arg15[%swap3A_387] {strides = array<i32>} : memref<7808xf32, #tpu.memory_space<vmem>>, vector<16xf32>,
      tpu.vector_store %arg15[%swap3A_387], %get3A_386 {strides = array<i32>} : memref<7808xf32, #tpu.memory_space<vmem>>, vector<16xf32>,
      %mul3A_389 = arith.constant 4 : i32
      %mul3A_390 = arith.muli %scan3A_341, %mul3A_389 : i32
      %add3A_391 = arith.constant 2 : i32
      %add3A_392 = arith.addi %mul3A_390, %add3A_391 : i32
      %mul3A_393 = arith.constant 16 : i32
      %mul3A_394 = arith.muli %add3A_392, %mul3A_393 : i32
      %get3A_395 = arith.constant 0 : i32
      %get3A_396 = arith.index_cast %get3A_395 : i32 to index
      %get3A_397 = arith.index_cast %mul3A_394 : i32 to index
      %get3A_398 = tpu.vector_load %arg9[%get3A_396, %get3A_397] {strides = array<i32>} : memref<3x7808xf32, #tpu.memory_space<vmem>>, vector<16xf32>,
      %swap3A_399 = arith.index_cast %mul3A_394 : i32 to index
      %swap3A_400 = tpu.vector_load %arg13[%swap3A_399] {strides = array<i32>} : memref<7808xf32, #tpu.memory_space<vmem>>, vector<16xf32>,
      tpu.vector_store %arg13[%swap3A_399], %get3A_398 {strides = array<i32>} : memref<7808xf32, #tpu.memory_space<vmem>>, vector<16xf32>,
      %get3A_401 = arith.constant 1 : i32
      %get3A_402 = arith.index_cast %get3A_401 : i32 to index
      %get3A_403 = arith.index_cast %mul3A_394 : i32 to index
      %get3A_404 = tpu.vector_load %arg9[%get3A_402, %get3A_403] {strides = array<i32>} : memref<3x7808xf32, #tpu.memory_space<vmem>>, vector<16xf32>,
      %swap3A_405 = arith.index_cast %mul3A_394 : i32 to index
      %swap3A_406 = tpu.vector_load %arg14[%swap3A_405] {strides = array<i32>} : memref<7808xf32, #tpu.memory_space<vmem>>, vector<16xf32>,
      tpu.vector_store %arg14[%swap3A_405], %get3A_404 {strides = array<i32>} : memref<7808xf32, #tpu.memory_space<vmem>>, vector<16xf32>,
      %get3A_407 = arith.constant 2 : i32
      %get3A_408 = arith.index_cast %get3A_407 : i32 to index
      %get3A_409 = arith.index_cast %mul3A_394 : i32 to index
      %get3A_410 = tpu.vector_load %arg9[%get3A_408, %get3A_409] {strides = array<i32>} : memref<3x7808xf32, #tpu.memory_space<vmem>>, vector<16xf32>,
      %swap3A_411 = arith.index_cast %mul3A_394 : i32 to index
      %swap3A_412 = tpu.vector_load %arg15[%swap3A_411] {strides = array<i32>} : memref<7808xf32, #tpu.memory_space<vmem>>, vector<16xf32>,
      tpu.vector_store %arg15[%swap3A_411], %get3A_410 {strides = array<i32>} : memref<7808xf32, #tpu.memory_space<vmem>>, vector<16xf32>,
      %mul3A_413 = arith.constant 4 : i32
      %mul3A_414 = arith.muli %scan3A_341, %mul3A_413 : i32
      %add3A_415 = arith.constant 3 : i32
      %add3A_416 = arith.addi %mul3A_414, %add3A_415 : i32
      %mul3A_417 = arith.constant 16 : i32
      %mul3A_418 = arith.muli %add3A_416, %mul3A_417 : i32
      %get3A_419 = arith.constant 0 : i32
      %get3A_420 = arith.index_cast %get3A_419 : i32 to index
      %get3A_421 = arith.index_cast %mul3A_418 : i32 to index
      %get3A_422 = tpu.vector_load %arg9[%get3A_420, %get3A_421] {strides = array<i32>} : memref<3x7808xf32, #tpu.memory_space<vmem>>, vector<16xf32>,
      %swap3A_423 = arith.index_cast %mul3A_418 : i32 to index
      %swap3A_424 = tpu.vector_load %arg13[%swap3A_423] {strides = array<i32>} : memref<7808xf32, #tpu.memory_space<vmem>>, vector<16xf32>,
      tpu.vector_store %arg13[%swap3A_423], %get3A_422 {strides = array<i32>} : memref<7808xf32, #tpu.memory_space<vmem>>, vector<16xf32>,
      %get3A_425 = arith.constant 1 : i32
      %get3A_426 = arith.index_cast %get3A_425 : i32 to index
      %get3A_427 = arith.index_cast %mul3A_418 : i32 to index
      %get3A_428 = tpu.vector_load %arg9[%get3A_426, %get3A_427] {strides = array<i32>} : memref<3x7808xf32, #tpu.memory_space<vmem>>, vector<16xf32>,
      %swap3A_429 = arith.index_cast %mul3A_418 : i32 to index
      %swap3A_430 = tpu.vector_load %arg14[%swap3A_429] {strides = array<i32>} : memref<7808xf32, #tpu.memory_space<vmem>>, vector<16xf32>,
      tpu.vector_store %arg14[%swap3A_429], %get3A_428 {strides = array<i32>} : memref<7808xf32, #tpu.memory_space<vmem>>, vector<16xf32>,
      %get3A_431 = arith.constant 2 : i32
      %get3A_432 = arith.index_cast %get3A_431 : i32 to index
      %get3A_433 = arith.index_cast %mul3A_418 : i32 to index
      %get3A_434 = tpu.vector_load %arg9[%get3A_432, %get3A_433] {strides = array<i32>} : memref<3x7808xf32, #tpu.memory_space<vmem>>, vector<16xf32>,
      %swap3A_435 = arith.index_cast %mul3A_418 : i32 to index
      %swap3A_436 = tpu.vector_load %arg15[%swap3A_435] {strides = array<i32>} : memref<7808xf32, #tpu.memory_space<vmem>>, vector<16xf32>,
      tpu.vector_store %arg15[%swap3A_435], %get3A_434 {strides = array<i32>} : memref<7808xf32, #tpu.memory_space<vmem>>, vector<16xf32>,
      %scan3A_437 = arith.constant 0 : i32
      scf.yield %scan3A_437 : i32
    }
    %scan3A_223 = arith.constant 122 : i32
    %add3A_224 = arith.constant 0 : i32
    %add3A_225 = arith.addi %add3A_224, %mul3A_4 : i32
    %add3A_226 = arith.constant 15616 : i32
    %add3A_227 = arith.addi %add3A_225, %add3A_226 : i32
    %dma_start3A_228 = tpu.memref_slice %arg7[%add3A_227] : memref<3000192xf32, #tpu.memory_space<hbm>> -> memref<7808xf32, #tpu.memory_space<hbm>>
    %dma_start3A_229 = tpu.memref_slice %arg7[%add3A_227] : memref<3000192xf32, #tpu.memory_space<hbm>> -> memref<7808xf32, #tpu.memory_space<hbm>>
    tpu.enqueue_dma source(%arg13 : memref<7808xf32, #tpu.memory_space<vmem>>) target(%dma_start3A_229 : memref<7808xf32, #tpu.memory_space<hbm>>) target_semaphore(%arg18 : memref<!tpu.dma_semaphore, #tpu.memory_space<semaphore_mem>>)
    %add3A_230 = arith.constant 1000064 : i32
    %add3A_231 = arith.addi %add3A_230, %mul3A_4 : i32
    %add3A_232 = arith.constant 15616 : i32
    %add3A_233 = arith.addi %add3A_231, %add3A_232 : i32
    %dma_start3A_234 = tpu.memref_slice %arg7[%add3A_233] : memref<3000192xf32, #tpu.memory_space<hbm>> -> memref<7808xf32, #tpu.memory_space<hbm>>
    %dma_start3A_235 = tpu.memref_slice %arg7[%add3A_233] : memref<3000192xf32, #tpu.memory_space<hbm>> -> memref<7808xf32, #tpu.memory_space<hbm>>
    tpu.enqueue_dma source(%arg14 : memref<7808xf32, #tpu.memory_space<vmem>>) target(%dma_start3A_235 : memref<7808xf32, #tpu.memory_space<hbm>>) target_semaphore(%arg18 : memref<!tpu.dma_semaphore, #tpu.memory_space<semaphore_mem>>)
    %add3A_236 = arith.constant 2000128 : i32
    %add3A_237 = arith.addi %add3A_236, %mul3A_4 : i32
    %add3A_238 = arith.constant 15616 : i32
    %add3A_239 = arith.addi %add3A_237, %add3A_238 : i32
    %dma_start3A_240 = tpu.memref_slice %arg7[%add3A_239] : memref<3000192xf32, #tpu.memory_space<hbm>> -> memref<7808xf32, #tpu.memory_space<hbm>>
    %dma_start3A_241 = tpu.memref_slice %arg7[%add3A_239] : memref<3000192xf32, #tpu.memory_space<hbm>> -> memref<7808xf32, #tpu.memory_space<hbm>>
    tpu.enqueue_dma source(%arg15 : memref<7808xf32, #tpu.memory_space<vmem>>) target(%dma_start3A_241 : memref<7808xf32, #tpu.memory_space<hbm>>) target_semaphore(%arg18 : memref<!tpu.dma_semaphore, #tpu.memory_space<semaphore_mem>>)
    %dma_wait3A_242 = arith.constant 0 : i32
    %dma_wait3A_243 = tpu.memref_slice %arg2[%dma_wait3A_242, %add3A_206] : memref<3x1000000xf32, #tpu.memory_space<hbm>> -> memref<3x7808xf32, #tpu.memory_space<hbm>>
    %dma_wait3A_244 = arith.constant 0 : i32
    %dma_wait3A_245 = tpu.memref_slice %arg2[%dma_wait3A_244, %add3A_206] : memref<3x1000000xf32, #tpu.memory_space<hbm>> -> memref<3x7808xf32, #tpu.memory_space<hbm>>
    tpu.wait_dma2 semaphore(%arg17 : memref<!tpu.dma_semaphore, #tpu.memory_space<semaphore_mem>>) src(%dma_wait3A_245 : memref<3x7808xf32, #tpu.memory_space<hbm>>) dst(%arg8 : memref<3x7808xf32, #tpu.memory_space<vmem>>)
    %add3A_246 = arith.constant 23424 : i32
    %add3A_247 = arith.addi %mul3A_4, %add3A_246 : i32
    %dma_start3A_248 = arith.constant 0 : i32
    %dma_start3A_249 = tpu.memref_slice %arg3[%dma_start3A_248, %add3A_247] : memref<3x1000000xf32, #tpu.memory_space<hbm>> -> memref<3x7808xf32, #tpu.memory_space<hbm>>
    %dma_start3A_250 = arith.constant 0 : i32
    %dma_start3A_251 = tpu.memref_slice %arg3[%dma_start3A_250, %add3A_247] : memref<3x1000000xf32, #tpu.memory_space<hbm>> -> memref<3x7808xf32, #tpu.memory_space<hbm>>
    tpu.enqueue_dma source(%dma_start3A_251 : memref<3x7808xf32, #tpu.memory_space<hbm>>) target(%arg9 : memref<3x7808xf32, #tpu.memory_space<vmem>>) target_semaphore(%arg17 : memref<!tpu.dma_semaphore, #tpu.memory_space<semaphore_mem>>)
    %dma_wait3A_252 = tpu.memref_slice %arg6[%add3A_186] : memref<3000192xf32, #tpu.memory_space<hbm>> -> memref<7808xf32, #tpu.memory_space<hbm>>
    %dma_wait3A_253 = tpu.memref_slice %arg6[%add3A_186] : memref<3000192xf32, #tpu.memory_space<hbm>> -> memref<7808xf32, #tpu.memory_space<hbm>>
    tpu.wait_dma2 semaphore(%arg18 : memref<!tpu.dma_semaphore, #tpu.memory_space<semaphore_mem>>) src(%arg10 : memref<7808xf32, #tpu.memory_space<vmem>>) dst(%dma_wait3A_253 : memref<7808xf32, #tpu.memory_space<hbm>>)
    %dma_wait3A_254 = tpu.memref_slice %arg6[%add3A_192] : memref<3000192xf32, #tpu.memory_space<hbm>> -> memref<7808xf32, #tpu.memory_space<hbm>>
    %dma_wait3A_255 = tpu.memref_slice %arg6[%add3A_192] : memref<3000192xf32, #tpu.memory_space<hbm>> -> memref<7808xf32, #tpu.memory_space<hbm>>
    tpu.wait_dma2 semaphore(%arg18 : memref<!tpu.dma_semaphore, #tpu.memory_space<semaphore_mem>>) src(%arg11 : memref<7808xf32, #tpu.memory_space<vmem>>) dst(%dma_wait3A_255 : memref<7808xf32, #tpu.memory_space<hbm>>)
    %dma_wait3A_256 = tpu.memref_slice %arg6[%add3A_198] : memref<3000192xf32, #tpu.memory_space<hbm>> -> memref<7808xf32, #tpu.memory_space<hbm>>
    %dma_wait3A_257 = tpu.memref_slice %arg6[%add3A_198] : memref<3000192xf32, #tpu.memory_space<hbm>> -> memref<7808xf32, #tpu.memory_space<hbm>>
    tpu.wait_dma2 semaphore(%arg18 : memref<!tpu.dma_semaphore, #tpu.memory_space<semaphore_mem>>) src(%arg12 : memref<7808xf32, #tpu.memory_space<vmem>>) dst(%dma_wait3A_257 : memref<7808xf32, #tpu.memory_space<hbm>>)
    %scan3A_258 = arith.constant 0 : i32
    %scan3A_259 = arith.constant 0 : i32
    %scan3A_260 = arith.constant 122 : i32
    %scan3A_261 = arith.addi %scan3A_259, %scan3A_260 : i32
    %scan3A_262 = arith.constant 1 : i32
    %scan3A_263 = scf.for %scan3A_341 = %scan3A_259 to %scan3A_261 step %scan3A_262 iter_args(%scan3A_342 = %scan3A_258) -> (i32)  : i32 {
      %mul3A_343 = arith.constant 4 : i32
      %mul3A_344 = arith.muli %scan3A_341, %mul3A_343 : i32
      %add3A_345 = arith.constant 0 : i32
      %add3A_346 = arith.addi %mul3A_344, %add3A_345 : i32
      %mul3A_347 = arith.constant 16 : i32
      %mul3A_348 = arith.muli %add3A_346, %mul3A_347 : i32
      %get3A = arith.constant 0 : i32
      %get3A_349 = arith.index_cast %get3A : i32 to index
      %get3A_350 = arith.index_cast %mul3A_348 : i32 to index
      %get3A_351 = tpu.vector_load %arg8[%get3A_349, %get3A_350] {strides = array<i32>} : memref<3x7808xf32, #tpu.memory_space<vmem>>, vector<16xf32>,
      %swap3A = arith.index_cast %mul3A_348 : i32 to index
      %swap3A_352 = tpu.vector_load %arg10[%swap3A] {strides = array<i32>} : memref<7808xf32, #tpu.memory_space<vmem>>, vector<16xf32>,
      tpu.vector_store %arg10[%swap3A], %get3A_351 {strides = array<i32>} : memref<7808xf32, #tpu.memory_space<vmem>>, vector<16xf32>,
      %get3A_353 = arith.constant 1 : i32
      %get3A_354 = arith.index_cast %get3A_353 : i32 to index
      %get3A_355 = arith.index_cast %mul3A_348 : i32 to index
      %get3A_356 = tpu.vector_load %arg8[%get3A_354, %get3A_355] {strides = array<i32>} : memref<3x7808xf32, #tpu.memory_space<vmem>>, vector<16xf32>,
      %swap3A_357 = arith.index_cast %mul3A_348 : i32 to index
      %swap3A_358 = tpu.vector_load %arg11[%swap3A_357] {strides = array<i32>} : memref<7808xf32, #tpu.memory_space<vmem>>, vector<16xf32>,
      tpu.vector_store %arg11[%swap3A_357], %get3A_356 {strides = array<i32>} : memref<7808xf32, #tpu.memory_space<vmem>>, vector<16xf32>,
      %get3A_359 = arith.constant 2 : i32
      %get3A_360 = arith.index_cast %get3A_359 : i32 to index
      %get3A_361 = arith.index_cast %mul3A_348 : i32 to index
      %get3A_362 = tpu.vector_load %arg8[%get3A_360, %get3A_361] {strides = array<i32>} : memref<3x7808xf32, #tpu.memory_space<vmem>>, vector<16xf32>,
      %swap3A_363 = arith.index_cast %mul3A_348 : i32 to index
      %swap3A_364 = tpu.vector_load %arg12[%swap3A_363] {strides = array<i32>} : memref<7808xf32, #tpu.memory_space<vmem>>, vector<16xf32>,
      tpu.vector_store %arg12[%swap3A_363], %get3A_362 {strides = array<i32>} : memref<7808xf32, #tpu.memory_space<vmem>>, vector<16xf32>,
      %mul3A_365 = arith.constant 4 : i32
      %mul3A_366 = arith.muli %scan3A_341, %mul3A_365 : i32
      %add3A_367 = arith.constant 1 : i32
      %add3A_368 = arith.addi %mul3A_366, %add3A_367 : i32
      %mul3A_369 = arith.constant 16 : i32
      %mul3A_370 = arith.muli %add3A_368, %mul3A_369 : i32
      %get3A_371 = arith.constant 0 : i32
      %get3A_372 = arith.index_cast %get3A_371 : i32 to index
      %get3A_373 = arith.index_cast %mul3A_370 : i32 to index
      %get3A_374 = tpu.vector_load %arg8[%get3A_372, %get3A_373] {strides = array<i32>} : memref<3x7808xf32, #tpu.memory_space<vmem>>, vector<16xf32>,
      %swap3A_375 = arith.index_cast %mul3A_370 : i32 to index
      %swap3A_376 = tpu.vector_load %arg10[%swap3A_375] {strides = array<i32>} : memref<7808xf32, #tpu.memory_space<vmem>>, vector<16xf32>,
      tpu.vector_store %arg10[%swap3A_375], %get3A_374 {strides = array<i32>} : memref<7808xf32, #tpu.memory_space<vmem>>, vector<16xf32>,
      %get3A_377 = arith.constant 1 : i32
      %get3A_378 = arith.index_cast %get3A_377 : i32 to index
      %get3A_379 = arith.index_cast %mul3A_370 : i32 to index
      %get3A_380 = tpu.vector_load %arg8[%get3A_378, %get3A_379] {strides = array<i32>} : memref<3x7808xf32, #tpu.memory_space<vmem>>, vector<16xf32>,
      %swap3A_381 = arith.index_cast %mul3A_370 : i32 to index
      %swap3A_382 = tpu.vector_load %arg11[%swap3A_381] {strides = array<i32>} : memref<7808xf32, #tpu.memory_space<vmem>>, vector<16xf32>,
      tpu.vector_store %arg11[%swap3A_381], %get3A_380 {strides = array<i32>} : memref<7808xf32, #tpu.memory_space<vmem>>, vector<16xf32>,
      %get3A_383 = arith.constant 2 : i32
      %get3A_384 = arith.index_cast %get3A_383 : i32 to index
      %get3A_385 = arith.index_cast %mul3A_370 : i32 to index
      %get3A_386 = tpu.vector_load %arg8[%get3A_384, %get3A_385] {strides = array<i32>} : memref<3x7808xf32, #tpu.memory_space<vmem>>, vector<16xf32>,
      %swap3A_387 = arith.index_cast %mul3A_370 : i32 to index
      %swap3A_388 = tpu.vector_load %arg12[%swap3A_387] {strides = array<i32>} : memref<7808xf32, #tpu.memory_space<vmem>>, vector<16xf32>,
      tpu.vector_store %arg12[%swap3A_387], %get3A_386 {strides = array<i32>} : memref<7808xf32, #tpu.memory_space<vmem>>, vector<16xf32>,
      %mul3A_389 = arith.constant 4 : i32
      %mul3A_390 = arith.muli %scan3A_341, %mul3A_389 : i32
      %add3A_391 = arith.constant 2 : i32
      %add3A_392 = arith.addi %mul3A_390, %add3A_391 : i32
      %mul3A_393 = arith.constant 16 : i32
      %mul3A_394 = arith.muli %add3A_392, %mul3A_393 : i32
      %get3A_395 = arith.constant 0 : i32
      %get3A_396 = arith.index_cast %get3A_395 : i32 to index
      %get3A_397 = arith.index_cast %mul3A_394 : i32 to index
      %get3A_398 = tpu.vector_load %arg8[%get3A_396, %get3A_397] {strides = array<i32>} : memref<3x7808xf32, #tpu.memory_space<vmem>>, vector<16xf32>,
      %swap3A_399 = arith.index_cast %mul3A_394 : i32 to index
      %swap3A_400 = tpu.vector_load %arg10[%swap3A_399] {strides = array<i32>} : memref<7808xf32, #tpu.memory_space<vmem>>, vector<16xf32>,
      tpu.vector_store %arg10[%swap3A_399], %get3A_398 {strides = array<i32>} : memref<7808xf32, #tpu.memory_space<vmem>>, vector<16xf32>,
      %get3A_401 = arith.constant 1 : i32
      %get3A_402 = arith.index_cast %get3A_401 : i32 to index
      %get3A_403 = arith.index_cast %mul3A_394 : i32 to index
      %get3A_404 = tpu.vector_load %arg8[%get3A_402, %get3A_403] {strides = array<i32>} : memref<3x7808xf32, #tpu.memory_space<vmem>>, vector<16xf32>,
      %swap3A_405 = arith.index_cast %mul3A_394 : i32 to index
      %swap3A_406 = tpu.vector_load %arg11[%swap3A_405] {strides = array<i32>} : memref<7808xf32, #tpu.memory_space<vmem>>, vector<16xf32>,
      tpu.vector_store %arg11[%swap3A_405], %get3A_404 {strides = array<i32>} : memref<7808xf32, #tpu.memory_space<vmem>>, vector<16xf32>,
      %get3A_407 = arith.constant 2 : i32
      %get3A_408 = arith.index_cast %get3A_407 : i32 to index
      %get3A_409 = arith.index_cast %mul3A_394 : i32 to index
      %get3A_410 = tpu.vector_load %arg8[%get3A_408, %get3A_409] {strides = array<i32>} : memref<3x7808xf32, #tpu.memory_space<vmem>>, vector<16xf32>,
      %swap3A_411 = arith.index_cast %mul3A_394 : i32 to index
      %swap3A_412 = tpu.vector_load %arg12[%swap3A_411] {strides = array<i32>} : memref<7808xf32, #tpu.memory_space<vmem>>, vector<16xf32>,
      tpu.vector_store %arg12[%swap3A_411], %get3A_410 {strides = array<i32>} : memref<7808xf32, #tpu.memory_space<vmem>>, vector<16xf32>,
      %mul3A_413 = arith.constant 4 : i32
      %mul3A_414 = arith.muli %scan3A_341, %mul3A_413 : i32
      %add3A_415 = arith.constant 3 : i32
      %add3A_416 = arith.addi %mul3A_414, %add3A_415 : i32
      %mul3A_417 = arith.constant 16 : i32
      %mul3A_418 = arith.muli %add3A_416, %mul3A_417 : i32
      %get3A_419 = arith.constant 0 : i32
      %get3A_420 = arith.index_cast %get3A_419 : i32 to index
      %get3A_421 = arith.index_cast %mul3A_418 : i32 to index
      %get3A_422 = tpu.vector_load %arg8[%get3A_420, %get3A_421] {strides = array<i32>} : memref<3x7808xf32, #tpu.memory_space<vmem>>, vector<16xf32>,
      %swap3A_423 = arith.index_cast %mul3A_418 : i32 to index
      %swap3A_424 = tpu.vector_load %arg10[%swap3A_423] {strides = array<i32>} : memref<7808xf32, #tpu.memory_space<vmem>>, vector<16xf32>,
      tpu.vector_store %arg10[%swap3A_423], %get3A_422 {strides = array<i32>} : memref<7808xf32, #tpu.memory_space<vmem>>, vector<16xf32>,
      %get3A_425 = arith.constant 1 : i32
      %get3A_426 = arith.index_cast %get3A_425 : i32 to index
      %get3A_427 = arith.index_cast %mul3A_418 : i32 to index
      %get3A_428 = tpu.vector_load %arg8[%get3A_426, %get3A_427] {strides = array<i32>} : memref<3x7808xf32, #tpu.memory_space<vmem>>, vector<16xf32>,
      %swap3A_429 = arith.index_cast %mul3A_418 : i32 to index
      %swap3A_430 = tpu.vector_load %arg11[%swap3A_429] {strides = array<i32>} : memref<7808xf32, #tpu.memory_space<vmem>>, vector<16xf32>,
      tpu.vector_store %arg11[%swap3A_429], %get3A_428 {strides = array<i32>} : memref<7808xf32, #tpu.memory_space<vmem>>, vector<16xf32>,
      %get3A_431 = arith.constant 2 : i32
      %get3A_432 = arith.index_cast %get3A_431 : i32 to index
      %get3A_433 = arith.index_cast %mul3A_418 : i32 to index
      %get3A_434 = tpu.vector_load %arg8[%get3A_432, %get3A_433] {strides = array<i32>} : memref<3x7808xf32, #tpu.memory_space<vmem>>, vector<16xf32>,
      %swap3A_435 = arith.index_cast %mul3A_418 : i32 to index
      %swap3A_436 = tpu.vector_load %arg12[%swap3A_435] {strides = array<i32>} : memref<7808xf32, #tpu.memory_space<vmem>>, vector<16xf32>,
      tpu.vector_store %arg12[%swap3A_435], %get3A_434 {strides = array<i32>} : memref<7808xf32, #tpu.memory_space<vmem>>, vector<16xf32>,
      %scan3A_437 = arith.constant 0 : i32
      scf.yield %scan3A_437 : i32
    }
    %scan3A_264 = arith.constant 122 : i32
    %add3A_265 = arith.constant 0 : i32
    %add3A_266 = arith.addi %add3A_265, %mul3A_4 : i32
    %add3A_267 = arith.constant 23424 : i32
    %add3A_268 = arith.addi %add3A_266, %add3A_267 : i32
    %dma_start3A_269 = tpu.memref_slice %arg6[%add3A_268] : memref<3000192xf32, #tpu.memory_space<hbm>> -> memref<7808xf32, #tpu.memory_space<hbm>>
    %dma_start3A_270 = tpu.memref_slice %arg6[%add3A_268] : memref<3000192xf32, #tpu.memory_space<hbm>> -> memref<7808xf32, #tpu.memory_space<hbm>>
    tpu.enqueue_dma source(%arg10 : memref<7808xf32, #tpu.memory_space<vmem>>) target(%dma_start3A_270 : memref<7808xf32, #tpu.memory_space<hbm>>) target_semaphore(%arg18 : memref<!tpu.dma_semaphore, #tpu.memory_space<semaphore_mem>>)
    %add3A_271 = arith.constant 1000064 : i32
    %add3A_272 = arith.addi %add3A_271, %mul3A_4 : i32
    %add3A_273 = arith.constant 23424 : i32
    %add3A_274 = arith.addi %add3A_272, %add3A_273 : i32
    %dma_start3A_275 = tpu.memref_slice %arg6[%add3A_274] : memref<3000192xf32, #tpu.memory_space<hbm>> -> memref<7808xf32, #tpu.memory_space<hbm>>
    %dma_start3A_276 = tpu.memref_slice %arg6[%add3A_274] : memref<3000192xf32, #tpu.memory_space<hbm>> -> memref<7808xf32, #tpu.memory_space<hbm>>
    tpu.enqueue_dma source(%arg11 : memref<7808xf32, #tpu.memory_space<vmem>>) target(%dma_start3A_276 : memref<7808xf32, #tpu.memory_space<hbm>>) target_semaphore(%arg18 : memref<!tpu.dma_semaphore, #tpu.memory_space<semaphore_mem>>)
    %add3A_277 = arith.constant 2000128 : i32
    %add3A_278 = arith.addi %add3A_277, %mul3A_4 : i32
    %add3A_279 = arith.constant 23424 : i32
    %add3A_280 = arith.addi %add3A_278, %add3A_279 : i32
    %dma_start3A_281 = tpu.memref_slice %arg6[%add3A_280] : memref<3000192xf32, #tpu.memory_space<hbm>> -> memref<7808xf32, #tpu.memory_space<hbm>>
    %dma_start3A_282 = tpu.memref_slice %arg6[%add3A_280] : memref<3000192xf32, #tpu.memory_space<hbm>> -> memref<7808xf32, #tpu.memory_space<hbm>>
    tpu.enqueue_dma source(%arg12 : memref<7808xf32, #tpu.memory_space<vmem>>) target(%dma_start3A_282 : memref<7808xf32, #tpu.memory_space<hbm>>) target_semaphore(%arg18 : memref<!tpu.dma_semaphore, #tpu.memory_space<semaphore_mem>>)
    %dma_wait3A_283 = arith.constant 0 : i32
    %dma_wait3A_284 = tpu.memref_slice %arg3[%dma_wait3A_283, %add3A_247] : memref<3x1000000xf32, #tpu.memory_space<hbm>> -> memref<3x7808xf32, #tpu.memory_space<hbm>>
    %dma_wait3A_285 = arith.constant 0 : i32
    %dma_wait3A_286 = tpu.memref_slice %arg3[%dma_wait3A_285, %add3A_247] : memref<3x1000000xf32, #tpu.memory_space<hbm>> -> memref<3x7808xf32, #tpu.memory_space<hbm>>
    tpu.wait_dma2 semaphore(%arg17 : memref<!tpu.dma_semaphore, #tpu.memory_space<semaphore_mem>>) src(%dma_wait3A_286 : memref<3x7808xf32, #tpu.memory_space<hbm>>) dst(%arg9 : memref<3x7808xf32, #tpu.memory_space<vmem>>)
    %dma_wait3A_287 = tpu.memref_slice %arg7[%add3A_227] : memref<3000192xf32, #tpu.memory_space<hbm>> -> memref<7808xf32, #tpu.memory_space<hbm>>
    %dma_wait3A_288 = tpu.memref_slice %arg7[%add3A_227] : memref<3000192xf32, #tpu.memory_space<hbm>> -> memref<7808xf32, #tpu.memory_space<hbm>>
    tpu.wait_dma2 semaphore(%arg18 : memref<!tpu.dma_semaphore, #tpu.memory_space<semaphore_mem>>) src(%arg13 : memref<7808xf32, #tpu.memory_space<vmem>>) dst(%dma_wait3A_288 : memref<7808xf32, #tpu.memory_space<hbm>>)
    %dma_wait3A_289 = tpu.memref_slice %arg7[%add3A_233] : memref<3000192xf32, #tpu.memory_space<hbm>> -> memref<7808xf32, #tpu.memory_space<hbm>>
    %dma_wait3A_290 = tpu.memref_slice %arg7[%add3A_233] : memref<3000192xf32, #tpu.memory_space<hbm>> -> memref<7808xf32, #tpu.memory_space<hbm>>
    tpu.wait_dma2 semaphore(%arg18 : memref<!tpu.dma_semaphore, #tpu.memory_space<semaphore_mem>>) src(%arg14 : memref<7808xf32, #tpu.memory_space<vmem>>) dst(%dma_wait3A_290 : memref<7808xf32, #tpu.memory_space<hbm>>)
    %dma_wait3A_291 = tpu.memref_slice %arg7[%add3A_239] : memref<3000192xf32, #tpu.memory_space<hbm>> -> memref<7808xf32, #tpu.memory_space<hbm>>
    %dma_wait3A_292 = tpu.memref_slice %arg7[%add3A_239] : memref<3000192xf32, #tpu.memory_space<hbm>> -> memref<7808xf32, #tpu.memory_space<hbm>>
    tpu.wait_dma2 semaphore(%arg18 : memref<!tpu.dma_semaphore, #tpu.memory_space<semaphore_mem>>) src(%arg15 : memref<7808xf32, #tpu.memory_space<vmem>>) dst(%dma_wait3A_292 : memref<7808xf32, #tpu.memory_space<hbm>>)
    %scan3A_293 = arith.constant 0 : i32
    %scan3A_294 = arith.constant 0 : i32
    %scan3A_295 = arith.constant 122 : i32
    %scan3A_296 = arith.addi %scan3A_294, %scan3A_295 : i32
    %scan3A_297 = arith.constant 1 : i32
    %scan3A_298 = scf.for %scan3A_341 = %scan3A_294 to %scan3A_296 step %scan3A_297 iter_args(%scan3A_342 = %scan3A_293) -> (i32)  : i32 {
      %mul3A_343 = arith.constant 4 : i32
      %mul3A_344 = arith.muli %scan3A_341, %mul3A_343 : i32
      %add3A_345 = arith.constant 0 : i32
      %add3A_346 = arith.addi %mul3A_344, %add3A_345 : i32
      %mul3A_347 = arith.constant 16 : i32
      %mul3A_348 = arith.muli %add3A_346, %mul3A_347 : i32
      %get3A = arith.constant 0 : i32
      %get3A_349 = arith.index_cast %get3A : i32 to index
      %get3A_350 = arith.index_cast %mul3A_348 : i32 to index
      %get3A_351 = tpu.vector_load %arg9[%get3A_349, %get3A_350] {strides = array<i32>} : memref<3x7808xf32, #tpu.memory_space<vmem>>, vector<16xf32>,
      %swap3A = arith.index_cast %mul3A_348 : i32 to index
      %swap3A_352 = tpu.vector_load %arg13[%swap3A] {strides = array<i32>} : memref<7808xf32, #tpu.memory_space<vmem>>, vector<16xf32>,
      tpu.vector_store %arg13[%swap3A], %get3A_351 {strides = array<i32>} : memref<7808xf32, #tpu.memory_space<vmem>>, vector<16xf32>,
      %get3A_353 = arith.constant 1 : i32
      %get3A_354 = arith.index_cast %get3A_353 : i32 to index
      %get3A_355 = arith.index_cast %mul3A_348 : i32 to index
      %get3A_356 = tpu.vector_load %arg9[%get3A_354, %get3A_355] {strides = array<i32>} : memref<3x7808xf32, #tpu.memory_space<vmem>>, vector<16xf32>,
      %swap3A_357 = arith.index_cast %mul3A_348 : i32 to index
      %swap3A_358 = tpu.vector_load %arg14[%swap3A_357] {strides = array<i32>} : memref<7808xf32, #tpu.memory_space<vmem>>, vector<16xf32>,
      tpu.vector_store %arg14[%swap3A_357], %get3A_356 {strides = array<i32>} : memref<7808xf32, #tpu.memory_space<vmem>>, vector<16xf32>,
      %get3A_359 = arith.constant 2 : i32
      %get3A_360 = arith.index_cast %get3A_359 : i32 to index
      %get3A_361 = arith.index_cast %mul3A_348 : i32 to index
      %get3A_362 = tpu.vector_load %arg9[%get3A_360, %get3A_361] {strides = array<i32>} : memref<3x7808xf32, #tpu.memory_space<vmem>>, vector<16xf32>,
      %swap3A_363 = arith.index_cast %mul3A_348 : i32 to index
      %swap3A_364 = tpu.vector_load %arg15[%swap3A_363] {strides = array<i32>} : memref<7808xf32, #tpu.memory_space<vmem>>, vector<16xf32>,
      tpu.vector_store %arg15[%swap3A_363], %get3A_362 {strides = array<i32>} : memref<7808xf32, #tpu.memory_space<vmem>>, vector<16xf32>,
      %mul3A_365 = arith.constant 4 : i32
      %mul3A_366 = arith.muli %scan3A_341, %mul3A_365 : i32
      %add3A_367 = arith.constant 1 : i32
      %add3A_368 = arith.addi %mul3A_366, %add3A_367 : i32
      %mul3A_369 = arith.constant 16 : i32
      %mul3A_370 = arith.muli %add3A_368, %mul3A_369 : i32
      %get3A_371 = arith.constant 0 : i32
      %get3A_372 = arith.index_cast %get3A_371 : i32 to index
      %get3A_373 = arith.index_cast %mul3A_370 : i32 to index
      %get3A_374 = tpu.vector_load %arg9[%get3A_372, %get3A_373] {strides = array<i32>} : memref<3x7808xf32, #tpu.memory_space<vmem>>, vector<16xf32>,
      %swap3A_375 = arith.index_cast %mul3A_370 : i32 to index
      %swap3A_376 = tpu.vector_load %arg13[%swap3A_375] {strides = array<i32>} : memref<7808xf32, #tpu.memory_space<vmem>>, vector<16xf32>,
      tpu.vector_store %arg13[%swap3A_375], %get3A_374 {strides = array<i32>} : memref<7808xf32, #tpu.memory_space<vmem>>, vector<16xf32>,
      %get3A_377 = arith.constant 1 : i32
      %get3A_378 = arith.index_cast %get3A_377 : i32 to index
      %get3A_379 = arith.index_cast %mul3A_370 : i32 to index
      %get3A_380 = tpu.vector_load %arg9[%get3A_378, %get3A_379] {strides = array<i32>} : memref<3x7808xf32, #tpu.memory_space<vmem>>, vector<16xf32>,
      %swap3A_381 = arith.index_cast %mul3A_370 : i32 to index
      %swap3A_382 = tpu.vector_load %arg14[%swap3A_381] {strides = array<i32>} : memref<7808xf32, #tpu.memory_space<vmem>>, vector<16xf32>,
      tpu.vector_store %arg14[%swap3A_381], %get3A_380 {strides = array<i32>} : memref<7808xf32, #tpu.memory_space<vmem>>, vector<16xf32>,
      %get3A_383 = arith.constant 2 : i32
      %get3A_384 = arith.index_cast %get3A_383 : i32 to index
      %get3A_385 = arith.index_cast %mul3A_370 : i32 to index
      %get3A_386 = tpu.vector_load %arg9[%get3A_384, %get3A_385] {strides = array<i32>} : memref<3x7808xf32, #tpu.memory_space<vmem>>, vector<16xf32>,
      %swap3A_387 = arith.index_cast %mul3A_370 : i32 to index
      %swap3A_388 = tpu.vector_load %arg15[%swap3A_387] {strides = array<i32>} : memref<7808xf32, #tpu.memory_space<vmem>>, vector<16xf32>,
      tpu.vector_store %arg15[%swap3A_387], %get3A_386 {strides = array<i32>} : memref<7808xf32, #tpu.memory_space<vmem>>, vector<16xf32>,
      %mul3A_389 = arith.constant 4 : i32
      %mul3A_390 = arith.muli %scan3A_341, %mul3A_389 : i32
      %add3A_391 = arith.constant 2 : i32
      %add3A_392 = arith.addi %mul3A_390, %add3A_391 : i32
      %mul3A_393 = arith.constant 16 : i32
      %mul3A_394 = arith.muli %add3A_392, %mul3A_393 : i32
      %get3A_395 = arith.constant 0 : i32
      %get3A_396 = arith.index_cast %get3A_395 : i32 to index
      %get3A_397 = arith.index_cast %mul3A_394 : i32 to index
      %get3A_398 = tpu.vector_load %arg9[%get3A_396, %get3A_397] {strides = array<i32>} : memref<3x7808xf32, #tpu.memory_space<vmem>>, vector<16xf32>,
      %swap3A_399 = arith.index_cast %mul3A_394 : i32 to index
      %swap3A_400 = tpu.vector_load %arg13[%swap3A_399] {strides = array<i32>} : memref<7808xf32, #tpu.memory_space<vmem>>, vector<16xf32>,
      tpu.vector_store %arg13[%swap3A_399], %get3A_398 {strides = array<i32>} : memref<7808xf32, #tpu.memory_space<vmem>>, vector<16xf32>,
      %get3A_401 = arith.constant 1 : i32
      %get3A_402 = arith.index_cast %get3A_401 : i32 to index
      %get3A_403 = arith.index_cast %mul3A_394 : i32 to index
      %get3A_404 = tpu.vector_load %arg9[%get3A_402, %get3A_403] {strides = array<i32>} : memref<3x7808xf32, #tpu.memory_space<vmem>>, vector<16xf32>,
      %swap3A_405 = arith.index_cast %mul3A_394 : i32 to index
      %swap3A_406 = tpu.vector_load %arg14[%swap3A_405] {strides = array<i32>} : memref<7808xf32, #tpu.memory_space<vmem>>, vector<16xf32>,
      tpu.vector_store %arg14[%swap3A_405], %get3A_404 {strides = array<i32>} : memref<7808xf32, #tpu.memory_space<vmem>>, vector<16xf32>,
      %get3A_407 = arith.constant 2 : i32
      %get3A_408 = arith.index_cast %get3A_407 : i32 to index
      %get3A_409 = arith.index_cast %mul3A_394 : i32 to index
      %get3A_410 = tpu.vector_load %arg9[%get3A_408, %get3A_409] {strides = array<i32>} : memref<3x7808xf32, #tpu.memory_space<vmem>>, vector<16xf32>,
      %swap3A_411 = arith.index_cast %mul3A_394 : i32 to index
      %swap3A_412 = tpu.vector_load %arg15[%swap3A_411] {strides = array<i32>} : memref<7808xf32, #tpu.memory_space<vmem>>, vector<16xf32>,
      tpu.vector_store %arg15[%swap3A_411], %get3A_410 {strides = array<i32>} : memref<7808xf32, #tpu.memory_space<vmem>>, vector<16xf32>,
      %mul3A_413 = arith.constant 4 : i32
      %mul3A_414 = arith.muli %scan3A_341, %mul3A_413 : i32
      %add3A_415 = arith.constant 3 : i32
      %add3A_416 = arith.addi %mul3A_414, %add3A_415 : i32
      %mul3A_417 = arith.constant 16 : i32
      %mul3A_418 = arith.muli %add3A_416, %mul3A_417 : i32
      %get3A_419 = arith.constant 0 : i32
      %get3A_420 = arith.index_cast %get3A_419 : i32 to index
      %get3A_421 = arith.index_cast %mul3A_418 : i32 to index
      %get3A_422 = tpu.vector_load %arg9[%get3A_420, %get3A_421] {strides = array<i32>} : memref<3x7808xf32, #tpu.memory_space<vmem>>, vector<16xf32>,
      %swap3A_423 = arith.index_cast %mul3A_418 : i32 to index
      %swap3A_424 = tpu.vector_load %arg13[%swap3A_423] {strides = array<i32>} : memref<7808xf32, #tpu.memory_space<vmem>>, vector<16xf32>,
      tpu.vector_store %arg13[%swap3A_423], %get3A_422 {strides = array<i32>} : memref<7808xf32, #tpu.memory_space<vmem>>, vector<16xf32>,
      %get3A_425 = arith.constant 1 : i32
      %get3A_426 = arith.index_cast %get3A_425 : i32 to index
      %get3A_427 = arith.index_cast %mul3A_418 : i32 to index
      %get3A_428 = tpu.vector_load %arg9[%get3A_426, %get3A_427] {strides = array<i32>} : memref<3x7808xf32, #tpu.memory_space<vmem>>, vector<16xf32>,
      %swap3A_429 = arith.index_cast %mul3A_418 : i32 to index
      %swap3A_430 = tpu.vector_load %arg14[%swap3A_429] {strides = array<i32>} : memref<7808xf32, #tpu.memory_space<vmem>>, vector<16xf32>,
      tpu.vector_store %arg14[%swap3A_429], %get3A_428 {strides = array<i32>} : memref<7808xf32, #tpu.memory_space<vmem>>, vector<16xf32>,
      %get3A_431 = arith.constant 2 : i32
      %get3A_432 = arith.index_cast %get3A_431 : i32 to index
      %get3A_433 = arith.index_cast %mul3A_418 : i32 to index
      %get3A_434 = tpu.vector_load %arg9[%get3A_432, %get3A_433] {strides = array<i32>} : memref<3x7808xf32, #tpu.memory_space<vmem>>, vector<16xf32>,
      %swap3A_435 = arith.index_cast %mul3A_418 : i32 to index
      %swap3A_436 = tpu.vector_load %arg15[%swap3A_435] {strides = array<i32>} : memref<7808xf32, #tpu.memory_space<vmem>>, vector<16xf32>,
      tpu.vector_store %arg15[%swap3A_435], %get3A_434 {strides = array<i32>} : memref<7808xf32, #tpu.memory_space<vmem>>, vector<16xf32>,
      %scan3A_437 = arith.constant 0 : i32
      scf.yield %scan3A_437 : i32
    }
    %scan3A_299 = arith.constant 122 : i32
    %add3A_300 = arith.constant 0 : i32
    %add3A_301 = arith.addi %add3A_300, %mul3A_4 : i32
    %add3A_302 = arith.constant 23424 : i32
    %add3A_303 = arith.addi %add3A_301, %add3A_302 : i32
    %dma_start3A_304 = tpu.memref_slice %arg7[%add3A_303] : memref<3000192xf32, #tpu.memory_space<hbm>> -> memref<7808xf32, #tpu.memory_space<hbm>>
    %dma_start3A_305 = tpu.memref_slice %arg7[%add3A_303] : memref<3000192xf32, #tpu.memory_space<hbm>> -> memref<7808xf32, #tpu.memory_space<hbm>>
    tpu.enqueue_dma source(%arg13 : memref<7808xf32, #tpu.memory_space<vmem>>) target(%dma_start3A_305 : memref<7808xf32, #tpu.memory_space<hbm>>) target_semaphore(%arg18 : memref<!tpu.dma_semaphore, #tpu.memory_space<semaphore_mem>>)
    %add3A_306 = arith.constant 1000064 : i32
    %add3A_307 = arith.addi %add3A_306, %mul3A_4 : i32
    %add3A_308 = arith.constant 23424 : i32
    %add3A_309 = arith.addi %add3A_307, %add3A_308 : i32
    %dma_start3A_310 = tpu.memref_slice %arg7[%add3A_309] : memref<3000192xf32, #tpu.memory_space<hbm>> -> memref<7808xf32, #tpu.memory_space<hbm>>
    %dma_start3A_311 = tpu.memref_slice %arg7[%add3A_309] : memref<3000192xf32, #tpu.memory_space<hbm>> -> memref<7808xf32, #tpu.memory_space<hbm>>
    tpu.enqueue_dma source(%arg14 : memref<7808xf32, #tpu.memory_space<vmem>>) target(%dma_start3A_311 : memref<7808xf32, #tpu.memory_space<hbm>>) target_semaphore(%arg18 : memref<!tpu.dma_semaphore, #tpu.memory_space<semaphore_mem>>)
    %add3A_312 = arith.constant 2000128 : i32
    %add3A_313 = arith.addi %add3A_312, %mul3A_4 : i32
    %add3A_314 = arith.constant 23424 : i32
    %add3A_315 = arith.addi %add3A_313, %add3A_314 : i32
    %dma_start3A_316 = tpu.memref_slice %arg7[%add3A_315] : memref<3000192xf32, #tpu.memory_space<hbm>> -> memref<7808xf32, #tpu.memory_space<hbm>>
    %dma_start3A_317 = tpu.memref_slice %arg7[%add3A_315] : memref<3000192xf32, #tpu.memory_space<hbm>> -> memref<7808xf32, #tpu.memory_space<hbm>>
    tpu.enqueue_dma source(%arg15 : memref<7808xf32, #tpu.memory_space<vmem>>) target(%dma_start3A_317 : memref<7808xf32, #tpu.memory_space<hbm>>) target_semaphore(%arg18 : memref<!tpu.dma_semaphore, #tpu.memory_space<semaphore_mem>>)
    %dma_wait3A_318 = tpu.memref_slice %arg6[%add3A_268] : memref<3000192xf32, #tpu.memory_space<hbm>> -> memref<7808xf32, #tpu.memory_space<hbm>>
    %dma_wait3A_319 = tpu.memref_slice %arg6[%add3A_268] : memref<3000192xf32, #tpu.memory_space<hbm>> -> memref<7808xf32, #tpu.memory_space<hbm>>
    tpu.wait_dma2 semaphore(%arg18 : memref<!tpu.dma_semaphore, #tpu.memory_space<semaphore_mem>>) src(%arg10 : memref<7808xf32, #tpu.memory_space<vmem>>) dst(%dma_wait3A_319 : memref<7808xf32, #tpu.memory_space<hbm>>)
    %dma_wait3A_320 = tpu.memref_slice %arg6[%add3A_274] : memref<3000192xf32, #tpu.memory_space<hbm>> -> memref<7808xf32, #tpu.memory_space<hbm>>
    %dma_wait3A_321 = tpu.memref_slice %arg6[%add3A_274] : memref<3000192xf32, #tpu.memory_space<hbm>> -> memref<7808xf32, #tpu.memory_space<hbm>>
    tpu.wait_dma2 semaphore(%arg18 : memref<!tpu.dma_semaphore, #tpu.memory_space<semaphore_mem>>) src(%arg11 : memref<7808xf32, #tpu.memory_space<vmem>>) dst(%dma_wait3A_321 : memref<7808xf32, #tpu.memory_space<hbm>>)
    %dma_wait3A_322 = tpu.memref_slice %arg6[%add3A_280] : memref<3000192xf32, #tpu.memory_space<hbm>> -> memref<7808xf32, #tpu.memory_space<hbm>>
    %dma_wait3A_323 = tpu.memref_slice %arg6[%add3A_280] : memref<3000192xf32, #tpu.memory_space<hbm>> -> memref<7808xf32, #tpu.memory_space<hbm>>
    tpu.wait_dma2 semaphore(%arg18 : memref<!tpu.dma_semaphore, #tpu.memory_space<semaphore_mem>>) src(%arg12 : memref<7808xf32, #tpu.memory_space<vmem>>) dst(%dma_wait3A_323 : memref<7808xf32, #tpu.memory_space<hbm>>)
    %dma_wait3A_324 = tpu.memref_slice %arg7[%add3A_303] : memref<3000192xf32, #tpu.memory_space<hbm>> -> memref<7808xf32, #tpu.memory_space<hbm>>
    %dma_wait3A_325 = tpu.memref_slice %arg7[%add3A_303] : memref<3000192xf32, #tpu.memory_space<hbm>> -> memref<7808xf32, #tpu.memory_space<hbm>>
    tpu.wait_dma2 semaphore(%arg18 : memref<!tpu.dma_semaphore, #tpu.memory_space<semaphore_mem>>) src(%arg13 : memref<7808xf32, #tpu.memory_space<vmem>>) dst(%dma_wait3A_325 : memref<7808xf32, #tpu.memory_space<hbm>>)
    %dma_wait3A_326 = tpu.memref_slice %arg7[%add3A_309] : memref<3000192xf32, #tpu.memory_space<hbm>> -> memref<7808xf32, #tpu.memory_space<hbm>>
    %dma_wait3A_327 = tpu.memref_slice %arg7[%add3A_309] : memref<3000192xf32, #tpu.memory_space<hbm>> -> memref<7808xf32, #tpu.memory_space<hbm>>
    tpu.wait_dma2 semaphore(%arg18 : memref<!tpu.dma_semaphore, #tpu.memory_space<semaphore_mem>>) src(%arg14 : memref<7808xf32, #tpu.memory_space<vmem>>) dst(%dma_wait3A_327 : memref<7808xf32, #tpu.memory_space<hbm>>)
    %dma_wait3A_328 = tpu.memref_slice %arg7[%add3A_315] : memref<3000192xf32, #tpu.memory_space<hbm>> -> memref<7808xf32, #tpu.memory_space<hbm>>
    %dma_wait3A_329 = tpu.memref_slice %arg7[%add3A_315] : memref<3000192xf32, #tpu.memory_space<hbm>> -> memref<7808xf32, #tpu.memory_space<hbm>>
    tpu.wait_dma2 semaphore(%arg18 : memref<!tpu.dma_semaphore, #tpu.memory_space<semaphore_mem>>) src(%arg15 : memref<7808xf32, #tpu.memory_space<vmem>>) dst(%dma_wait3A_329 : memref<7808xf32, #tpu.memory_space<hbm>>)
    %lt3A = arith.constant 4 : i32
    %lt3A_330 = arith.cmpi slt, %add3A, %lt3A : i32
    %convert_element_type3A = arith.extui %lt3A_330 : i1 to i32
    %cond3A = arith.constant 0 : i32
    %cond3A_331 = arith.cmpi ne, %convert_element_type3A, %cond3A : i32
    scf.if %cond3A_331 {
      %mul3A_341 = arith.constant 128 : i32
      %mul3A_342 = arith.muli %add3A, %mul3A_341 : i32
      %add3A_343 = arith.constant 999424 : i32
      %add3A_344 = arith.addi %add3A_343, %mul3A_342 : i32
      "tpu.region"() ({
        %run_scoped3A = tpu.sem_alloc : memref<!tpu.dma_semaphore, #tpu.memory_space<semaphore_mem>>
        %dma_start3A_371 = arith.constant 0 : i32
        %dma_start3A_372 = arith.constant 0 : i32
        %dma_start3A_373 = tpu.memref_slice %arg8[%dma_start3A_371, %dma_start3A_372] : memref<3x7808xf32, #tpu.memory_space<vmem>> -> memref<3x128xf32, #tpu.memory_space<vmem>>
        %dma_start3A_374 = arith.constant 0 : i32
        %dma_start3A_375 = tpu.memref_slice %arg2[%dma_start3A_374, %add3A_344] : memref<3x1000000xf32, #tpu.memory_space<hbm>> -> memref<3x128xf32, #tpu.memory_space<hbm>>
        %dma_start3A_376 = arith.constant 0 : i32
        %dma_start3A_377 = arith.constant 0 : i32
        %dma_start3A_378 = tpu.memref_slice %arg8[%dma_start3A_376, %dma_start3A_377] : memref<3x7808xf32, #tpu.memory_space<vmem>> -> memref<3x128xf32, #tpu.memory_space<vmem>>
        %dma_start3A_379 = arith.constant 0 : i32
        %dma_start3A_380 = tpu.memref_slice %arg2[%dma_start3A_379, %add3A_344] : memref<3x1000000xf32, #tpu.memory_space<hbm>> -> memref<3x128xf32, #tpu.memory_space<hbm>>
        tpu.enqueue_dma source(%dma_start3A_380 : memref<3x128xf32, #tpu.memory_space<hbm>>) target(%dma_start3A_378 : memref<3x128xf32, #tpu.memory_space<vmem>>) target_semaphore(%run_scoped3A : memref<!tpu.dma_semaphore, #tpu.memory_space<semaphore_mem>>)
        %dma_wait3A_381 = arith.constant 0 : i32
        %dma_wait3A_382 = arith.constant 0 : i32
        %dma_wait3A_383 = tpu.memref_slice %arg8[%dma_wait3A_381, %dma_wait3A_382] : memref<3x7808xf32, #tpu.memory_space<vmem>> -> memref<3x128xf32, #tpu.memory_space<vmem>>
        %dma_wait3A_384 = arith.constant 0 : i32
        %dma_wait3A_385 = tpu.memref_slice %arg2[%dma_wait3A_384, %add3A_344] : memref<3x1000000xf32, #tpu.memory_space<hbm>> -> memref<3x128xf32, #tpu.memory_space<hbm>>
        %dma_wait3A_386 = arith.constant 0 : i32
        %dma_wait3A_387 = arith.constant 0 : i32
        %dma_wait3A_388 = tpu.memref_slice %arg8[%dma_wait3A_386, %dma_wait3A_387] : memref<3x7808xf32, #tpu.memory_space<vmem>> -> memref<3x128xf32, #tpu.memory_space<vmem>>
        %dma_wait3A_389 = arith.constant 0 : i32
        %dma_wait3A_390 = tpu.memref_slice %arg2[%dma_wait3A_389, %add3A_344] : memref<3x1000000xf32, #tpu.memory_space<hbm>> -> memref<3x128xf32, #tpu.memory_space<hbm>>
        tpu.wait_dma2 semaphore(%run_scoped3A : memref<!tpu.dma_semaphore, #tpu.memory_space<semaphore_mem>>) src(%dma_wait3A_390 : memref<3x128xf32, #tpu.memory_space<hbm>>) dst(%dma_wait3A_388 : memref<3x128xf32, #tpu.memory_space<vmem>>)
        tpu.yield
      }) : () -> ()
      %scan3A_345 = arith.constant 0 : i32
      %scan3A_346 = arith.constant 0 : i32
      %scan3A_347 = arith.constant 8 : i32
      %scan3A_348 = arith.addi %scan3A_346, %scan3A_347 : i32
      %scan3A_349 = arith.constant 1 : i32
      %scan3A_350 = scf.for %scan3A_371 = %scan3A_346 to %scan3A_348 step %scan3A_349 iter_args(%scan3A_372 = %scan3A_345) -> (i32)  : i32 {
        %mul3A_373 = arith.constant 16 : i32
        %mul3A_374 = arith.muli %scan3A_371, %mul3A_373 : i32
        %get3A = arith.constant 0 : i32
        %get3A_375 = arith.index_cast %get3A : i32 to index
        %get3A_376 = arith.index_cast %mul3A_374 : i32 to index
        %get3A_377 = tpu.vector_load %arg8[%get3A_375, %get3A_376] {strides = array<i32>} : memref<3x7808xf32, #tpu.memory_space<vmem>>, vector<16xf32>,
        %mul3A_378 = arith.constant 16 : i32
        %mul3A_379 = arith.muli %scan3A_371, %mul3A_378 : i32
        %swap3A = arith.index_cast %mul3A_379 : i32 to index
        %swap3A_380 = tpu.vector_load %arg10[%swap3A] {strides = array<i32>} : memref<7808xf32, #tpu.memory_space<vmem>>, vector<16xf32>,
        tpu.vector_store %arg10[%swap3A], %get3A_377 {strides = array<i32>} : memref<7808xf32, #tpu.memory_space<vmem>>, vector<16xf32>,
        %mul3A_381 = arith.constant 16 : i32
        %mul3A_382 = arith.muli %scan3A_371, %mul3A_381 : i32
        %get3A_383 = arith.constant 1 : i32
        %get3A_384 = arith.index_cast %get3A_383 : i32 to index
        %get3A_385 = arith.index_cast %mul3A_382 : i32 to index
        %get3A_386 = tpu.vector_load %arg8[%get3A_384, %get3A_385] {strides = array<i32>} : memref<3x7808xf32, #tpu.memory_space<vmem>>, vector<16xf32>,
        %mul3A_387 = arith.constant 16 : i32
        %mul3A_388 = arith.muli %scan3A_371, %mul3A_387 : i32
        %swap3A_389 = arith.index_cast %mul3A_388 : i32 to index
        %swap3A_390 = tpu.vector_load %arg11[%swap3A_389] {strides = array<i32>} : memref<7808xf32, #tpu.memory_space<vmem>>, vector<16xf32>,
        tpu.vector_store %arg11[%swap3A_389], %get3A_386 {strides = array<i32>} : memref<7808xf32, #tpu.memory_space<vmem>>, vector<16xf32>,
        %mul3A_391 = arith.constant 16 : i32
        %mul3A_392 = arith.muli %scan3A_371, %mul3A_391 : i32
        %get3A_393 = arith.constant 2 : i32
        %get3A_394 = arith.index_cast %get3A_393 : i32 to index
        %get3A_395 = arith.index_cast %mul3A_392 : i32 to index
        %get3A_396 = tpu.vector_load %arg8[%get3A_394, %get3A_395] {strides = array<i32>} : memref<3x7808xf32, #tpu.memory_space<vmem>>, vector<16xf32>,
        %mul3A_397 = arith.constant 16 : i32
        %mul3A_398 = arith.muli %scan3A_371, %mul3A_397 : i32
        %swap3A_399 = arith.index_cast %mul3A_398 : i32 to index
        %swap3A_400 = tpu.vector_load %arg12[%swap3A_399] {strides = array<i32>} : memref<7808xf32, #tpu.memory_space<vmem>>, vector<16xf32>,
        tpu.vector_store %arg12[%swap3A_399], %get3A_396 {strides = array<i32>} : memref<7808xf32, #tpu.memory_space<vmem>>, vector<16xf32>,
        %scan3A_401 = arith.constant 0 : i32
        scf.yield %scan3A_401 : i32
      }
      %scan3A_351 = arith.constant 8 : i32
      %add3A_352 = arith.constant 0 : i32
      %add3A_353 = arith.addi %add3A_352, %add3A_344 : i32
      "tpu.region"() ({
        %run_scoped3A = tpu.sem_alloc : memref<!tpu.dma_semaphore, #tpu.memory_space<semaphore_mem>>
        %dma_start3A_371 = arith.constant 0 : i32
        %dma_start3A_372 = tpu.memref_slice %arg10[%dma_start3A_371] : memref<7808xf32, #tpu.memory_space<vmem>> -> memref<128xf32, #tpu.memory_space<vmem>>
        %dma_start3A_373 = tpu.memref_slice %arg6[%add3A_353] : memref<3000192xf32, #tpu.memory_space<hbm>> -> memref<128xf32, #tpu.memory_space<hbm>>
        %dma_start3A_374 = tpu.memref_slice %arg6[%add3A_353] : memref<3000192xf32, #tpu.memory_space<hbm>> -> memref<128xf32, #tpu.memory_space<hbm>>
        %dma_start3A_375 = arith.constant 0 : i32
        %dma_start3A_376 = tpu.memref_slice %arg10[%dma_start3A_375] : memref<7808xf32, #tpu.memory_space<vmem>> -> memref<128xf32, #tpu.memory_space<vmem>>
        tpu.enqueue_dma source(%dma_start3A_376 : memref<128xf32, #tpu.memory_space<vmem>>) target(%dma_start3A_374 : memref<128xf32, #tpu.memory_space<hbm>>) target_semaphore(%run_scoped3A : memref<!tpu.dma_semaphore, #tpu.memory_space<semaphore_mem>>)
        %dma_wait3A_377 = arith.constant 0 : i32
        %dma_wait3A_378 = tpu.memref_slice %arg10[%dma_wait3A_377] : memref<7808xf32, #tpu.memory_space<vmem>> -> memref<128xf32, #tpu.memory_space<vmem>>
        %dma_wait3A_379 = tpu.memref_slice %arg6[%add3A_353] : memref<3000192xf32, #tpu.memory_space<hbm>> -> memref<128xf32, #tpu.memory_space<hbm>>
        %dma_wait3A_380 = tpu.memref_slice %arg6[%add3A_353] : memref<3000192xf32, #tpu.memory_space<hbm>> -> memref<128xf32, #tpu.memory_space<hbm>>
        %dma_wait3A_381 = arith.constant 0 : i32
        %dma_wait3A_382 = tpu.memref_slice %arg10[%dma_wait3A_381] : memref<7808xf32, #tpu.memory_space<vmem>> -> memref<128xf32, #tpu.memory_space<vmem>>
        tpu.wait_dma2 semaphore(%run_scoped3A : memref<!tpu.dma_semaphore, #tpu.memory_space<semaphore_mem>>) src(%dma_wait3A_382 : memref<128xf32, #tpu.memory_space<vmem>>) dst(%dma_wait3A_380 : memref<128xf32, #tpu.memory_space<hbm>>)
        tpu.yield
      }) : () -> ()
      %add3A_354 = arith.constant 1000064 : i32
      %add3A_355 = arith.addi %add3A_354, %add3A_344 : i32
      "tpu.region"() ({
        %run_scoped3A = tpu.sem_alloc : memref<!tpu.dma_semaphore, #tpu.memory_space<semaphore_mem>>
        %dma_start3A_371 = arith.constant 0 : i32
        %dma_start3A_372 = tpu.memref_slice %arg11[%dma_start3A_371] : memref<7808xf32, #tpu.memory_space<vmem>> -> memref<128xf32, #tpu.memory_space<vmem>>
        %dma_start3A_373 = tpu.memref_slice %arg6[%add3A_355] : memref<3000192xf32, #tpu.memory_space<hbm>> -> memref<128xf32, #tpu.memory_space<hbm>>
        %dma_start3A_374 = tpu.memref_slice %arg6[%add3A_355] : memref<3000192xf32, #tpu.memory_space<hbm>> -> memref<128xf32, #tpu.memory_space<hbm>>
        %dma_start3A_375 = arith.constant 0 : i32
        %dma_start3A_376 = tpu.memref_slice %arg11[%dma_start3A_375] : memref<7808xf32, #tpu.memory_space<vmem>> -> memref<128xf32, #tpu.memory_space<vmem>>
        tpu.enqueue_dma source(%dma_start3A_376 : memref<128xf32, #tpu.memory_space<vmem>>) target(%dma_start3A_374 : memref<128xf32, #tpu.memory_space<hbm>>) target_semaphore(%run_scoped3A : memref<!tpu.dma_semaphore, #tpu.memory_space<semaphore_mem>>)
        %dma_wait3A_377 = arith.constant 0 : i32
        %dma_wait3A_378 = tpu.memref_slice %arg11[%dma_wait3A_377] : memref<7808xf32, #tpu.memory_space<vmem>> -> memref<128xf32, #tpu.memory_space<vmem>>
        %dma_wait3A_379 = tpu.memref_slice %arg6[%add3A_355] : memref<3000192xf32, #tpu.memory_space<hbm>> -> memref<128xf32, #tpu.memory_space<hbm>>
        %dma_wait3A_380 = tpu.memref_slice %arg6[%add3A_355] : memref<3000192xf32, #tpu.memory_space<hbm>> -> memref<128xf32, #tpu.memory_space<hbm>>
        %dma_wait3A_381 = arith.constant 0 : i32
        %dma_wait3A_382 = tpu.memref_slice %arg11[%dma_wait3A_381] : memref<7808xf32, #tpu.memory_space<vmem>> -> memref<128xf32, #tpu.memory_space<vmem>>
        tpu.wait_dma2 semaphore(%run_scoped3A : memref<!tpu.dma_semaphore, #tpu.memory_space<semaphore_mem>>) src(%dma_wait3A_382 : memref<128xf32, #tpu.memory_space<vmem>>) dst(%dma_wait3A_380 : memref<128xf32, #tpu.memory_space<hbm>>)
        tpu.yield
      }) : () -> ()
      %add3A_356 = arith.constant 2000128 : i32
      %add3A_357 = arith.addi %add3A_356, %add3A_344 : i32
      "tpu.region"() ({
        %run_scoped3A = tpu.sem_alloc : memref<!tpu.dma_semaphore, #tpu.memory_space<semaphore_mem>>
        %dma_start3A_371 = arith.constant 0 : i32
        %dma_start3A_372 = tpu.memref_slice %arg12[%dma_start3A_371] : memref<7808xf32, #tpu.memory_space<vmem>> -> memref<128xf32, #tpu.memory_space<vmem>>
        %dma_start3A_373 = tpu.memref_slice %arg6[%add3A_357] : memref<3000192xf32, #tpu.memory_space<hbm>> -> memref<128xf32, #tpu.memory_space<hbm>>
        %dma_start3A_374 = tpu.memref_slice %arg6[%add3A_357] : memref<3000192xf32, #tpu.memory_space<hbm>> -> memref<128xf32, #tpu.memory_space<hbm>>
        %dma_start3A_375 = arith.constant 0 : i32
        %dma_start3A_376 = tpu.memref_slice %arg12[%dma_start3A_375] : memref<7808xf32, #tpu.memory_space<vmem>> -> memref<128xf32, #tpu.memory_space<vmem>>
        tpu.enqueue_dma source(%dma_start3A_376 : memref<128xf32, #tpu.memory_space<vmem>>) target(%dma_start3A_374 : memref<128xf32, #tpu.memory_space<hbm>>) target_semaphore(%run_scoped3A : memref<!tpu.dma_semaphore, #tpu.memory_space<semaphore_mem>>)
        %dma_wait3A_377 = arith.constant 0 : i32
        %dma_wait3A_378 = tpu.memref_slice %arg12[%dma_wait3A_377] : memref<7808xf32, #tpu.memory_space<vmem>> -> memref<128xf32, #tpu.memory_space<vmem>>
        %dma_wait3A_379 = tpu.memref_slice %arg6[%add3A_357] : memref<3000192xf32, #tpu.memory_space<hbm>> -> memref<128xf32, #tpu.memory_space<hbm>>
        %dma_wait3A_380 = tpu.memref_slice %arg6[%add3A_357] : memref<3000192xf32, #tpu.memory_space<hbm>> -> memref<128xf32, #tpu.memory_space<hbm>>
        %dma_wait3A_381 = arith.constant 0 : i32
        %dma_wait3A_382 = tpu.memref_slice %arg12[%dma_wait3A_381] : memref<7808xf32, #tpu.memory_space<vmem>> -> memref<128xf32, #tpu.memory_space<vmem>>
        tpu.wait_dma2 semaphore(%run_scoped3A : memref<!tpu.dma_semaphore, #tpu.memory_space<semaphore_mem>>) src(%dma_wait3A_382 : memref<128xf32, #tpu.memory_space<vmem>>) dst(%dma_wait3A_380 : memref<128xf32, #tpu.memory_space<hbm>>)
        tpu.yield
      }) : () -> ()
      "tpu.region"() ({
        %run_scoped3A = tpu.sem_alloc : memref<!tpu.dma_semaphore, #tpu.memory_space<semaphore_mem>>
        %dma_start3A_371 = arith.constant 0 : i32
        %dma_start3A_372 = arith.constant 0 : i32
        %dma_start3A_373 = tpu.memref_slice %arg8[%dma_start3A_371, %dma_start3A_372] : memref<3x7808xf32, #tpu.memory_space<vmem>> -> memref<3x128xf32, #tpu.memory_space<vmem>>
        %dma_start3A_374 = arith.constant 0 : i32
        %dma_start3A_375 = tpu.memref_slice %arg3[%dma_start3A_374, %add3A_344] : memref<3x1000000xf32, #tpu.memory_space<hbm>> -> memref<3x128xf32, #tpu.memory_space<hbm>>
        %dma_start3A_376 = arith.constant 0 : i32
        %dma_start3A_377 = arith.constant 0 : i32
        %dma_start3A_378 = tpu.memref_slice %arg8[%dma_start3A_376, %dma_start3A_377] : memref<3x7808xf32, #tpu.memory_space<vmem>> -> memref<3x128xf32, #tpu.memory_space<vmem>>
        %dma_start3A_379 = arith.constant 0 : i32
        %dma_start3A_380 = tpu.memref_slice %arg3[%dma_start3A_379, %add3A_344] : memref<3x1000000xf32, #tpu.memory_space<hbm>> -> memref<3x128xf32, #tpu.memory_space<hbm>>
        tpu.enqueue_dma source(%dma_start3A_380 : memref<3x128xf32, #tpu.memory_space<hbm>>) target(%dma_start3A_378 : memref<3x128xf32, #tpu.memory_space<vmem>>) target_semaphore(%run_scoped3A : memref<!tpu.dma_semaphore, #tpu.memory_space<semaphore_mem>>)
        %dma_wait3A_381 = arith.constant 0 : i32
        %dma_wait3A_382 = arith.constant 0 : i32
        %dma_wait3A_383 = tpu.memref_slice %arg8[%dma_wait3A_381, %dma_wait3A_382] : memref<3x7808xf32, #tpu.memory_space<vmem>> -> memref<3x128xf32, #tpu.memory_space<vmem>>
        %dma_wait3A_384 = arith.constant 0 : i32
        %dma_wait3A_385 = tpu.memref_slice %arg3[%dma_wait3A_384, %add3A_344] : memref<3x1000000xf32, #tpu.memory_space<hbm>> -> memref<3x128xf32, #tpu.memory_space<hbm>>
        %dma_wait3A_386 = arith.constant 0 : i32
        %dma_wait3A_387 = arith.constant 0 : i32
        %dma_wait3A_388 = tpu.memref_slice %arg8[%dma_wait3A_386, %dma_wait3A_387] : memref<3x7808xf32, #tpu.memory_space<vmem>> -> memref<3x128xf32, #tpu.memory_space<vmem>>
        %dma_wait3A_389 = arith.constant 0 : i32
        %dma_wait3A_390 = tpu.memref_slice %arg3[%dma_wait3A_389, %add3A_344] : memref<3x1000000xf32, #tpu.memory_space<hbm>> -> memref<3x128xf32, #tpu.memory_space<hbm>>
        tpu.wait_dma2 semaphore(%run_scoped3A : memref<!tpu.dma_semaphore, #tpu.memory_space<semaphore_mem>>) src(%dma_wait3A_390 : memref<3x128xf32, #tpu.memory_space<hbm>>) dst(%dma_wait3A_388 : memref<3x128xf32, #tpu.memory_space<vmem>>)
        tpu.yield
      }) : () -> ()
      %scan3A_358 = arith.constant 0 : i32
      %scan3A_359 = arith.constant 0 : i32
      %scan3A_360 = arith.constant 8 : i32
      %scan3A_361 = arith.addi %scan3A_359, %scan3A_360 : i32
      %scan3A_362 = arith.constant 1 : i32
      %scan3A_363 = scf.for %scan3A_371 = %scan3A_359 to %scan3A_361 step %scan3A_362 iter_args(%scan3A_372 = %scan3A_358) -> (i32)  : i32 {
        %mul3A_373 = arith.constant 16 : i32
        %mul3A_374 = arith.muli %scan3A_371, %mul3A_373 : i32
        %get3A = arith.constant 0 : i32
        %get3A_375 = arith.index_cast %get3A : i32 to index
        %get3A_376 = arith.index_cast %mul3A_374 : i32 to index
        %get3A_377 = tpu.vector_load %arg8[%get3A_375, %get3A_376] {strides = array<i32>} : memref<3x7808xf32, #tpu.memory_space<vmem>>, vector<16xf32>,
        %mul3A_378 = arith.constant 16 : i32
        %mul3A_379 = arith.muli %scan3A_371, %mul3A_378 : i32
        %swap3A = arith.index_cast %mul3A_379 : i32 to index
        %swap3A_380 = tpu.vector_load %arg10[%swap3A] {strides = array<i32>} : memref<7808xf32, #tpu.memory_space<vmem>>, vector<16xf32>,
        tpu.vector_store %arg10[%swap3A], %get3A_377 {strides = array<i32>} : memref<7808xf32, #tpu.memory_space<vmem>>, vector<16xf32>,
        %mul3A_381 = arith.constant 16 : i32
        %mul3A_382 = arith.muli %scan3A_371, %mul3A_381 : i32
        %get3A_383 = arith.constant 1 : i32
        %get3A_384 = arith.index_cast %get3A_383 : i32 to index
        %get3A_385 = arith.index_cast %mul3A_382 : i32 to index
        %get3A_386 = tpu.vector_load %arg8[%get3A_384, %get3A_385] {strides = array<i32>} : memref<3x7808xf32, #tpu.memory_space<vmem>>, vector<16xf32>,
        %mul3A_387 = arith.constant 16 : i32
        %mul3A_388 = arith.muli %scan3A_371, %mul3A_387 : i32
        %swap3A_389 = arith.index_cast %mul3A_388 : i32 to index
        %swap3A_390 = tpu.vector_load %arg11[%swap3A_389] {strides = array<i32>} : memref<7808xf32, #tpu.memory_space<vmem>>, vector<16xf32>,
        tpu.vector_store %arg11[%swap3A_389], %get3A_386 {strides = array<i32>} : memref<7808xf32, #tpu.memory_space<vmem>>, vector<16xf32>,
        %mul3A_391 = arith.constant 16 : i32
        %mul3A_392 = arith.muli %scan3A_371, %mul3A_391 : i32
        %get3A_393 = arith.constant 2 : i32
        %get3A_394 = arith.index_cast %get3A_393 : i32 to index
        %get3A_395 = arith.index_cast %mul3A_392 : i32 to index
        %get3A_396 = tpu.vector_load %arg8[%get3A_394, %get3A_395] {strides = array<i32>} : memref<3x7808xf32, #tpu.memory_space<vmem>>, vector<16xf32>,
        %mul3A_397 = arith.constant 16 : i32
        %mul3A_398 = arith.muli %scan3A_371, %mul3A_397 : i32
        %swap3A_399 = arith.index_cast %mul3A_398 : i32 to index
        %swap3A_400 = tpu.vector_load %arg12[%swap3A_399] {strides = array<i32>} : memref<7808xf32, #tpu.memory_space<vmem>>, vector<16xf32>,
        tpu.vector_store %arg12[%swap3A_399], %get3A_396 {strides = array<i32>} : memref<7808xf32, #tpu.memory_space<vmem>>, vector<16xf32>,
        %scan3A_401 = arith.constant 0 : i32
        scf.yield %scan3A_401 : i32
      }
      %scan3A_364 = arith.constant 8 : i32
      %add3A_365 = arith.constant 0 : i32
      %add3A_366 = arith.addi %add3A_365, %add3A_344 : i32
      "tpu.region"() ({
        %run_scoped3A = tpu.sem_alloc : memref<!tpu.dma_semaphore, #tpu.memory_space<semaphore_mem>>
        %dma_start3A_371 = arith.constant 0 : i32
        %dma_start3A_372 = tpu.memref_slice %arg10[%dma_start3A_371] : memref<7808xf32, #tpu.memory_space<vmem>> -> memref<128xf32, #tpu.memory_space<vmem>>
        %dma_start3A_373 = tpu.memref_slice %arg7[%add3A_366] : memref<3000192xf32, #tpu.memory_space<hbm>> -> memref<128xf32, #tpu.memory_space<hbm>>
        %dma_start3A_374 = tpu.memref_slice %arg7[%add3A_366] : memref<3000192xf32, #tpu.memory_space<hbm>> -> memref<128xf32, #tpu.memory_space<hbm>>
        %dma_start3A_375 = arith.constant 0 : i32
        %dma_start3A_376 = tpu.memref_slice %arg10[%dma_start3A_375] : memref<7808xf32, #tpu.memory_space<vmem>> -> memref<128xf32, #tpu.memory_space<vmem>>
        tpu.enqueue_dma source(%dma_start3A_376 : memref<128xf32, #tpu.memory_space<vmem>>) target(%dma_start3A_374 : memref<128xf32, #tpu.memory_space<hbm>>) target_semaphore(%run_scoped3A : memref<!tpu.dma_semaphore, #tpu.memory_space<semaphore_mem>>)
        %dma_wait3A_377 = arith.constant 0 : i32
        %dma_wait3A_378 = tpu.memref_slice %arg10[%dma_wait3A_377] : memref<7808xf32, #tpu.memory_space<vmem>> -> memref<128xf32, #tpu.memory_space<vmem>>
        %dma_wait3A_379 = tpu.memref_slice %arg7[%add3A_366] : memref<3000192xf32, #tpu.memory_space<hbm>> -> memref<128xf32, #tpu.memory_space<hbm>>
        %dma_wait3A_380 = tpu.memref_slice %arg7[%add3A_366] : memref<3000192xf32, #tpu.memory_space<hbm>> -> memref<128xf32, #tpu.memory_space<hbm>>
        %dma_wait3A_381 = arith.constant 0 : i32
        %dma_wait3A_382 = tpu.memref_slice %arg10[%dma_wait3A_381] : memref<7808xf32, #tpu.memory_space<vmem>> -> memref<128xf32, #tpu.memory_space<vmem>>
        tpu.wait_dma2 semaphore(%run_scoped3A : memref<!tpu.dma_semaphore, #tpu.memory_space<semaphore_mem>>) src(%dma_wait3A_382 : memref<128xf32, #tpu.memory_space<vmem>>) dst(%dma_wait3A_380 : memref<128xf32, #tpu.memory_space<hbm>>)
        tpu.yield
      }) : () -> ()
      %add3A_367 = arith.constant 1000064 : i32
      %add3A_368 = arith.addi %add3A_367, %add3A_344 : i32
      "tpu.region"() ({
        %run_scoped3A = tpu.sem_alloc : memref<!tpu.dma_semaphore, #tpu.memory_space<semaphore_mem>>
        %dma_start3A_371 = arith.constant 0 : i32
        %dma_start3A_372 = tpu.memref_slice %arg11[%dma_start3A_371] : memref<7808xf32, #tpu.memory_space<vmem>> -> memref<128xf32, #tpu.memory_space<vmem>>
        %dma_start3A_373 = tpu.memref_slice %arg7[%add3A_368] : memref<3000192xf32, #tpu.memory_space<hbm>> -> memref<128xf32, #tpu.memory_space<hbm>>
        %dma_start3A_374 = tpu.memref_slice %arg7[%add3A_368] : memref<3000192xf32, #tpu.memory_space<hbm>> -> memref<128xf32, #tpu.memory_space<hbm>>
        %dma_start3A_375 = arith.constant 0 : i32
        %dma_start3A_376 = tpu.memref_slice %arg11[%dma_start3A_375] : memref<7808xf32, #tpu.memory_space<vmem>> -> memref<128xf32, #tpu.memory_space<vmem>>
        tpu.enqueue_dma source(%dma_start3A_376 : memref<128xf32, #tpu.memory_space<vmem>>) target(%dma_start3A_374 : memref<128xf32, #tpu.memory_space<hbm>>) target_semaphore(%run_scoped3A : memref<!tpu.dma_semaphore, #tpu.memory_space<semaphore_mem>>)
        %dma_wait3A_377 = arith.constant 0 : i32
        %dma_wait3A_378 = tpu.memref_slice %arg11[%dma_wait3A_377] : memref<7808xf32, #tpu.memory_space<vmem>> -> memref<128xf32, #tpu.memory_space<vmem>>
        %dma_wait3A_379 = tpu.memref_slice %arg7[%add3A_368] : memref<3000192xf32, #tpu.memory_space<hbm>> -> memref<128xf32, #tpu.memory_space<hbm>>
        %dma_wait3A_380 = tpu.memref_slice %arg7[%add3A_368] : memref<3000192xf32, #tpu.memory_space<hbm>> -> memref<128xf32, #tpu.memory_space<hbm>>
        %dma_wait3A_381 = arith.constant 0 : i32
        %dma_wait3A_382 = tpu.memref_slice %arg11[%dma_wait3A_381] : memref<7808xf32, #tpu.memory_space<vmem>> -> memref<128xf32, #tpu.memory_space<vmem>>
        tpu.wait_dma2 semaphore(%run_scoped3A : memref<!tpu.dma_semaphore, #tpu.memory_space<semaphore_mem>>) src(%dma_wait3A_382 : memref<128xf32, #tpu.memory_space<vmem>>) dst(%dma_wait3A_380 : memref<128xf32, #tpu.memory_space<hbm>>)
        tpu.yield
      }) : () -> ()
      %add3A_369 = arith.constant 2000128 : i32
      %add3A_370 = arith.addi %add3A_369, %add3A_344 : i32
      "tpu.region"() ({
        %run_scoped3A = tpu.sem_alloc : memref<!tpu.dma_semaphore, #tpu.memory_space<semaphore_mem>>
        %dma_start3A_371 = arith.constant 0 : i32
        %dma_start3A_372 = tpu.memref_slice %arg12[%dma_start3A_371] : memref<7808xf32, #tpu.memory_space<vmem>> -> memref<128xf32, #tpu.memory_space<vmem>>
        %dma_start3A_373 = tpu.memref_slice %arg7[%add3A_370] : memref<3000192xf32, #tpu.memory_space<hbm>> -> memref<128xf32, #tpu.memory_space<hbm>>
        %dma_start3A_374 = tpu.memref_slice %arg7[%add3A_370] : memref<3000192xf32, #tpu.memory_space<hbm>> -> memref<128xf32, #tpu.memory_space<hbm>>
        %dma_start3A_375 = arith.constant 0 : i32
        %dma_start3A_376 = tpu.memref_slice %arg12[%dma_start3A_375] : memref<7808xf32, #tpu.memory_space<vmem>> -> memref<128xf32, #tpu.memory_space<vmem>>
        tpu.enqueue_dma source(%dma_start3A_376 : memref<128xf32, #tpu.memory_space<vmem>>) target(%dma_start3A_374 : memref<128xf32, #tpu.memory_space<hbm>>) target_semaphore(%run_scoped3A : memref<!tpu.dma_semaphore, #tpu.memory_space<semaphore_mem>>)
        %dma_wait3A_377 = arith.constant 0 : i32
        %dma_wait3A_378 = tpu.memref_slice %arg12[%dma_wait3A_377] : memref<7808xf32, #tpu.memory_space<vmem>> -> memref<128xf32, #tpu.memory_space<vmem>>
        %dma_wait3A_379 = tpu.memref_slice %arg7[%add3A_370] : memref<3000192xf32, #tpu.memory_space<hbm>> -> memref<128xf32, #tpu.memory_space<hbm>>
        %dma_wait3A_380 = tpu.memref_slice %arg7[%add3A_370] : memref<3000192xf32, #tpu.memory_space<hbm>> -> memref<128xf32, #tpu.memory_space<hbm>>
        %dma_wait3A_381 = arith.constant 0 : i32
        %dma_wait3A_382 = tpu.memref_slice %arg12[%dma_wait3A_381] : memref<7808xf32, #tpu.memory_space<vmem>> -> memref<128xf32, #tpu.memory_space<vmem>>
        tpu.wait_dma2 semaphore(%run_scoped3A : memref<!tpu.dma_semaphore, #tpu.memory_space<semaphore_mem>>) src(%dma_wait3A_382 : memref<128xf32, #tpu.memory_space<vmem>>) dst(%dma_wait3A_380 : memref<128xf32, #tpu.memory_space<hbm>>)
        tpu.yield
      }) : () -> ()
    } else {
    }
    %eq3A = arith.constant 4 : i32
    %eq3A_332 = arith.cmpi eq, %add3A, %eq3A : i32
    %convert_element_type3A_333 = arith.extui %eq3A_332 : i1 to i32
    %cond3A_334 = arith.constant 0 : i32
    %cond3A_335 = arith.cmpi ne, %convert_element_type3A_333, %cond3A_334 : i32
    scf.if %cond3A_335 {
      "tpu.region"() ({
        %run_scoped3A = tpu.sem_alloc : memref<!tpu.dma_semaphore, #tpu.memory_space<semaphore_mem>>
        tpu.enqueue_dma source(%arg4 : memref<384xf32, #tpu.memory_space<hbm>>) target(%arg16 : memref<384xf32, #tpu.memory_space<vmem>>) target_semaphore(%run_scoped3A : memref<!tpu.dma_semaphore, #tpu.memory_space<semaphore_mem>>)
        tpu.wait_dma2 semaphore(%run_scoped3A : memref<!tpu.dma_semaphore, #tpu.memory_space<semaphore_mem>>) src(%arg4 : memref<384xf32, #tpu.memory_space<hbm>>) dst(%arg16 : memref<384xf32, #tpu.memory_space<vmem>>)
        tpu.yield
      }) : () -> ()
      "tpu.region"() ({
        %run_scoped3A = tpu.sem_alloc : memref<!tpu.dma_semaphore, #tpu.memory_space<semaphore_mem>>
        %dma_start3A_341 = arith.constant 0 : i32
        %dma_start3A_342 = tpu.memref_slice %arg16[%dma_start3A_341] : memref<384xf32, #tpu.memory_space<vmem>> -> memref<128xf32, #tpu.memory_space<vmem>>
        %dma_start3A_343 = arith.constant 999936 : i32
        %dma_start3A_344 = tpu.memref_slice %arg6[%dma_start3A_343] : memref<3000192xf32, #tpu.memory_space<hbm>> -> memref<128xf32, #tpu.memory_space<hbm>>
        %dma_start3A_345 = arith.constant 999936 : i32
        %dma_start3A_346 = tpu.memref_slice %arg6[%dma_start3A_345] : memref<3000192xf32, #tpu.memory_space<hbm>> -> memref<128xf32, #tpu.memory_space<hbm>>
        %dma_start3A_347 = arith.constant 0 : i32
        %dma_start3A_348 = tpu.memref_slice %arg16[%dma_start3A_347] : memref<384xf32, #tpu.memory_space<vmem>> -> memref<128xf32, #tpu.memory_space<vmem>>
        tpu.enqueue_dma source(%dma_start3A_348 : memref<128xf32, #tpu.memory_space<vmem>>) target(%dma_start3A_346 : memref<128xf32, #tpu.memory_space<hbm>>) target_semaphore(%run_scoped3A : memref<!tpu.dma_semaphore, #tpu.memory_space<semaphore_mem>>)
        %dma_wait3A_349 = arith.constant 0 : i32
        %dma_wait3A_350 = tpu.memref_slice %arg16[%dma_wait3A_349] : memref<384xf32, #tpu.memory_space<vmem>> -> memref<128xf32, #tpu.memory_space<vmem>>
        %dma_wait3A_351 = arith.constant 999936 : i32
        %dma_wait3A_352 = tpu.memref_slice %arg6[%dma_wait3A_351] : memref<3000192xf32, #tpu.memory_space<hbm>> -> memref<128xf32, #tpu.memory_space<hbm>>
        %dma_wait3A_353 = arith.constant 999936 : i32
        %dma_wait3A_354 = tpu.memref_slice %arg6[%dma_wait3A_353] : memref<3000192xf32, #tpu.memory_space<hbm>> -> memref<128xf32, #tpu.memory_space<hbm>>
        %dma_wait3A_355 = arith.constant 0 : i32
        %dma_wait3A_356 = tpu.memref_slice %arg16[%dma_wait3A_355] : memref<384xf32, #tpu.memory_space<vmem>> -> memref<128xf32, #tpu.memory_space<vmem>>
        tpu.wait_dma2 semaphore(%run_scoped3A : memref<!tpu.dma_semaphore, #tpu.memory_space<semaphore_mem>>) src(%dma_wait3A_356 : memref<128xf32, #tpu.memory_space<vmem>>) dst(%dma_wait3A_354 : memref<128xf32, #tpu.memory_space<hbm>>)
        tpu.yield
      }) : () -> ()
      "tpu.region"() ({
        %run_scoped3A = tpu.sem_alloc : memref<!tpu.dma_semaphore, #tpu.memory_space<semaphore_mem>>
        %dma_start3A_341 = arith.constant 128 : i32
        %dma_start3A_342 = tpu.memref_slice %arg16[%dma_start3A_341] : memref<384xf32, #tpu.memory_space<vmem>> -> memref<128xf32, #tpu.memory_space<vmem>>
        %dma_start3A_343 = arith.constant 2000000 : i32
        %dma_start3A_344 = tpu.memref_slice %arg6[%dma_start3A_343] : memref<3000192xf32, #tpu.memory_space<hbm>> -> memref<128xf32, #tpu.memory_space<hbm>>
        %dma_start3A_345 = arith.constant 2000000 : i32
        %dma_start3A_346 = tpu.memref_slice %arg6[%dma_start3A_345] : memref<3000192xf32, #tpu.memory_space<hbm>> -> memref<128xf32, #tpu.memory_space<hbm>>
        %dma_start3A_347 = arith.constant 128 : i32
        %dma_start3A_348 = tpu.memref_slice %arg16[%dma_start3A_347] : memref<384xf32, #tpu.memory_space<vmem>> -> memref<128xf32, #tpu.memory_space<vmem>>
        tpu.enqueue_dma source(%dma_start3A_348 : memref<128xf32, #tpu.memory_space<vmem>>) target(%dma_start3A_346 : memref<128xf32, #tpu.memory_space<hbm>>) target_semaphore(%run_scoped3A : memref<!tpu.dma_semaphore, #tpu.memory_space<semaphore_mem>>)
        %dma_wait3A_349 = arith.constant 128 : i32
        %dma_wait3A_350 = tpu.memref_slice %arg16[%dma_wait3A_349] : memref<384xf32, #tpu.memory_space<vmem>> -> memref<128xf32, #tpu.memory_space<vmem>>
        %dma_wait3A_351 = arith.constant 2000000 : i32
        %dma_wait3A_352 = tpu.memref_slice %arg6[%dma_wait3A_351] : memref<3000192xf32, #tpu.memory_space<hbm>> -> memref<128xf32, #tpu.memory_space<hbm>>
        %dma_wait3A_353 = arith.constant 2000000 : i32
        %dma_wait3A_354 = tpu.memref_slice %arg6[%dma_wait3A_353] : memref<3000192xf32, #tpu.memory_space<hbm>> -> memref<128xf32, #tpu.memory_space<hbm>>
        %dma_wait3A_355 = arith.constant 128 : i32
        %dma_wait3A_356 = tpu.memref_slice %arg16[%dma_wait3A_355] : memref<384xf32, #tpu.memory_space<vmem>> -> memref<128xf32, #tpu.memory_space<vmem>>
        tpu.wait_dma2 semaphore(%run_scoped3A : memref<!tpu.dma_semaphore, #tpu.memory_space<semaphore_mem>>) src(%dma_wait3A_356 : memref<128xf32, #tpu.memory_space<vmem>>) dst(%dma_wait3A_354 : memref<128xf32, #tpu.memory_space<hbm>>)
        tpu.yield
      }) : () -> ()
      "tpu.region"() ({
        %run_scoped3A = tpu.sem_alloc : memref<!tpu.dma_semaphore, #tpu.memory_space<semaphore_mem>>
        %dma_start3A_341 = arith.constant 256 : i32
        %dma_start3A_342 = tpu.memref_slice %arg16[%dma_start3A_341] : memref<384xf32, #tpu.memory_space<vmem>> -> memref<128xf32, #tpu.memory_space<vmem>>
        %dma_start3A_343 = arith.constant 3000064 : i32
        %dma_start3A_344 = tpu.memref_slice %arg6[%dma_start3A_343] : memref<3000192xf32, #tpu.memory_space<hbm>> -> memref<128xf32, #tpu.memory_space<hbm>>
        %dma_start3A_345 = arith.constant 3000064 : i32
        %dma_start3A_346 = tpu.memref_slice %arg6[%dma_start3A_345] : memref<3000192xf32, #tpu.memory_space<hbm>> -> memref<128xf32, #tpu.memory_space<hbm>>
        %dma_start3A_347 = arith.constant 256 : i32
        %dma_start3A_348 = tpu.memref_slice %arg16[%dma_start3A_347] : memref<384xf32, #tpu.memory_space<vmem>> -> memref<128xf32, #tpu.memory_space<vmem>>
        tpu.enqueue_dma source(%dma_start3A_348 : memref<128xf32, #tpu.memory_space<vmem>>) target(%dma_start3A_346 : memref<128xf32, #tpu.memory_space<hbm>>) target_semaphore(%run_scoped3A : memref<!tpu.dma_semaphore, #tpu.memory_space<semaphore_mem>>)
        %dma_wait3A_349 = arith.constant 256 : i32
        %dma_wait3A_350 = tpu.memref_slice %arg16[%dma_wait3A_349] : memref<384xf32, #tpu.memory_space<vmem>> -> memref<128xf32, #tpu.memory_space<vmem>>
        %dma_wait3A_351 = arith.constant 3000064 : i32
        %dma_wait3A_352 = tpu.memref_slice %arg6[%dma_wait3A_351] : memref<3000192xf32, #tpu.memory_space<hbm>> -> memref<128xf32, #tpu.memory_space<hbm>>
        %dma_wait3A_353 = arith.constant 3000064 : i32
        %dma_wait3A_354 = tpu.memref_slice %arg6[%dma_wait3A_353] : memref<3000192xf32, #tpu.memory_space<hbm>> -> memref<128xf32, #tpu.memory_space<hbm>>
        %dma_wait3A_355 = arith.constant 256 : i32
        %dma_wait3A_356 = tpu.memref_slice %arg16[%dma_wait3A_355] : memref<384xf32, #tpu.memory_space<vmem>> -> memref<128xf32, #tpu.memory_space<vmem>>
        tpu.wait_dma2 semaphore(%run_scoped3A : memref<!tpu.dma_semaphore, #tpu.memory_space<semaphore_mem>>) src(%dma_wait3A_356 : memref<128xf32, #tpu.memory_space<vmem>>) dst(%dma_wait3A_354 : memref<128xf32, #tpu.memory_space<hbm>>)
        tpu.yield
      }) : () -> ()
    } else {
    }
    %eq3A_336 = arith.constant 5 : i32
    %eq3A_337 = arith.cmpi eq, %add3A, %eq3A_336 : i32
    %convert_element_type3A_338 = arith.extui %eq3A_337 : i1 to i32
    %cond3A_339 = arith.constant 0 : i32
    %cond3A_340 = arith.cmpi ne, %convert_element_type3A_338, %cond3A_339 : i32
    scf.if %cond3A_340 {
      "tpu.region"() ({
        %run_scoped3A = tpu.sem_alloc : memref<!tpu.dma_semaphore, #tpu.memory_space<semaphore_mem>>
        tpu.enqueue_dma source(%arg5 : memref<384xf32, #tpu.memory_space<hbm>>) target(%arg16 : memref<384xf32, #tpu.memory_space<vmem>>) target_semaphore(%run_scoped3A : memref<!tpu.dma_semaphore, #tpu.memory_space<semaphore_mem>>)
        tpu.wait_dma2 semaphore(%run_scoped3A : memref<!tpu.dma_semaphore, #tpu.memory_space<semaphore_mem>>) src(%arg5 : memref<384xf32, #tpu.memory_space<hbm>>) dst(%arg16 : memref<384xf32, #tpu.memory_space<vmem>>)
        tpu.yield
      }) : () -> ()
      "tpu.region"() ({
        %run_scoped3A = tpu.sem_alloc : memref<!tpu.dma_semaphore, #tpu.memory_space<semaphore_mem>>
        %dma_start3A_341 = arith.constant 0 : i32
        %dma_start3A_342 = tpu.memref_slice %arg16[%dma_start3A_341] : memref<384xf32, #tpu.memory_space<vmem>> -> memref<128xf32, #tpu.memory_space<vmem>>
        %dma_start3A_343 = arith.constant 999936 : i32
        %dma_start3A_344 = tpu.memref_slice %arg7[%dma_start3A_343] : memref<3000192xf32, #tpu.memory_space<hbm>> -> memref<128xf32, #tpu.memory_space<hbm>>
        %dma_start3A_345 = arith.constant 999936 : i32
        %dma_start3A_346 = tpu.memref_slice %arg7[%dma_start3A_345] : memref<3000192xf32, #tpu.memory_space<hbm>> -> memref<128xf32, #tpu.memory_space<hbm>>
        %dma_start3A_347 = arith.constant 0 : i32
        %dma_start3A_348 = tpu.memref_slice %arg16[%dma_start3A_347] : memref<384xf32, #tpu.memory_space<vmem>> -> memref<128xf32, #tpu.memory_space<vmem>>
        tpu.enqueue_dma source(%dma_start3A_348 : memref<128xf32, #tpu.memory_space<vmem>>) target(%dma_start3A_346 : memref<128xf32, #tpu.memory_space<hbm>>) target_semaphore(%run_scoped3A : memref<!tpu.dma_semaphore, #tpu.memory_space<semaphore_mem>>)
        %dma_wait3A_349 = arith.constant 0 : i32
        %dma_wait3A_350 = tpu.memref_slice %arg16[%dma_wait3A_349] : memref<384xf32, #tpu.memory_space<vmem>> -> memref<128xf32, #tpu.memory_space<vmem>>
        %dma_wait3A_351 = arith.constant 999936 : i32
        %dma_wait3A_352 = tpu.memref_slice %arg7[%dma_wait3A_351] : memref<3000192xf32, #tpu.memory_space<hbm>> -> memref<128xf32, #tpu.memory_space<hbm>>
        %dma_wait3A_353 = arith.constant 999936 : i32
        %dma_wait3A_354 = tpu.memref_slice %arg7[%dma_wait3A_353] : memref<3000192xf32, #tpu.memory_space<hbm>> -> memref<128xf32, #tpu.memory_space<hbm>>
        %dma_wait3A_355 = arith.constant 0 : i32
        %dma_wait3A_356 = tpu.memref_slice %arg16[%dma_wait3A_355] : memref<384xf32, #tpu.memory_space<vmem>> -> memref<128xf32, #tpu.memory_space<vmem>>
        tpu.wait_dma2 semaphore(%run_scoped3A : memref<!tpu.dma_semaphore, #tpu.memory_space<semaphore_mem>>) src(%dma_wait3A_356 : memref<128xf32, #tpu.memory_space<vmem>>) dst(%dma_wait3A_354 : memref<128xf32, #tpu.memory_space<hbm>>)
        tpu.yield
      }) : () -> ()
      "tpu.region"() ({
        %run_scoped3A = tpu.sem_alloc : memref<!tpu.dma_semaphore, #tpu.memory_space<semaphore_mem>>
        %dma_start3A_341 = arith.constant 128 : i32
        %dma_start3A_342 = tpu.memref_slice %arg16[%dma_start3A_341] : memref<384xf32, #tpu.memory_space<vmem>> -> memref<128xf32, #tpu.memory_space<vmem>>
        %dma_start3A_343 = arith.constant 2000000 : i32
        %dma_start3A_344 = tpu.memref_slice %arg7[%dma_start3A_343] : memref<3000192xf32, #tpu.memory_space<hbm>> -> memref<128xf32, #tpu.memory_space<hbm>>
        %dma_start3A_345 = arith.constant 2000000 : i32
        %dma_start3A_346 = tpu.memref_slice %arg7[%dma_start3A_345] : memref<3000192xf32, #tpu.memory_space<hbm>> -> memref<128xf32, #tpu.memory_space<hbm>>
        %dma_start3A_347 = arith.constant 128 : i32
        %dma_start3A_348 = tpu.memref_slice %arg16[%dma_start3A_347] : memref<384xf32, #tpu.memory_space<vmem>> -> memref<128xf32, #tpu.memory_space<vmem>>
        tpu.enqueue_dma source(%dma_start3A_348 : memref<128xf32, #tpu.memory_space<vmem>>) target(%dma_start3A_346 : memref<128xf32, #tpu.memory_space<hbm>>) target_semaphore(%run_scoped3A : memref<!tpu.dma_semaphore, #tpu.memory_space<semaphore_mem>>)
        %dma_wait3A_349 = arith.constant 128 : i32
        %dma_wait3A_350 = tpu.memref_slice %arg16[%dma_wait3A_349] : memref<384xf32, #tpu.memory_space<vmem>> -> memref<128xf32, #tpu.memory_space<vmem>>
        %dma_wait3A_351 = arith.constant 2000000 : i32
        %dma_wait3A_352 = tpu.memref_slice %arg7[%dma_wait3A_351] : memref<3000192xf32, #tpu.memory_space<hbm>> -> memref<128xf32, #tpu.memory_space<hbm>>
        %dma_wait3A_353 = arith.constant 2000000 : i32
        %dma_wait3A_354 = tpu.memref_slice %arg7[%dma_wait3A_353] : memref<3000192xf32, #tpu.memory_space<hbm>> -> memref<128xf32, #tpu.memory_space<hbm>>
        %dma_wait3A_355 = arith.constant 128 : i32
        %dma_wait3A_356 = tpu.memref_slice %arg16[%dma_wait3A_355] : memref<384xf32, #tpu.memory_space<vmem>> -> memref<128xf32, #tpu.memory_space<vmem>>
        tpu.wait_dma2 semaphore(%run_scoped3A : memref<!tpu.dma_semaphore, #tpu.memory_space<semaphore_mem>>) src(%dma_wait3A_356 : memref<128xf32, #tpu.memory_space<vmem>>) dst(%dma_wait3A_354 : memref<128xf32, #tpu.memory_space<hbm>>)
        tpu.yield
      }) : () -> ()
      "tpu.region"() ({
        %run_scoped3A = tpu.sem_alloc : memref<!tpu.dma_semaphore, #tpu.memory_space<semaphore_mem>>
        %dma_start3A_341 = arith.constant 256 : i32
        %dma_start3A_342 = tpu.memref_slice %arg16[%dma_start3A_341] : memref<384xf32, #tpu.memory_space<vmem>> -> memref<128xf32, #tpu.memory_space<vmem>>
        %dma_start3A_343 = arith.constant 3000064 : i32
        %dma_start3A_344 = tpu.memref_slice %arg7[%dma_start3A_343] : memref<3000192xf32, #tpu.memory_space<hbm>> -> memref<128xf32, #tpu.memory_space<hbm>>
        %dma_start3A_345 = arith.constant 3000064 : i32
        %dma_start3A_346 = tpu.memref_slice %arg7[%dma_start3A_345] : memref<3000192xf32, #tpu.memory_space<hbm>> -> memref<128xf32, #tpu.memory_space<hbm>>
        %dma_start3A_347 = arith.constant 256 : i32
        %dma_start3A_348 = tpu.memref_slice %arg16[%dma_start3A_347] : memref<384xf32, #tpu.memory_space<vmem>> -> memref<128xf32, #tpu.memory_space<vmem>>
        tpu.enqueue_dma source(%dma_start3A_348 : memref<128xf32, #tpu.memory_space<vmem>>) target(%dma_start3A_346 : memref<128xf32, #tpu.memory_space<hbm>>) target_semaphore(%run_scoped3A : memref<!tpu.dma_semaphore, #tpu.memory_space<semaphore_mem>>)
        %dma_wait3A_349 = arith.constant 256 : i32
        %dma_wait3A_350 = tpu.memref_slice %arg16[%dma_wait3A_349] : memref<384xf32, #tpu.memory_space<vmem>> -> memref<128xf32, #tpu.memory_space<vmem>>
        %dma_wait3A_351 = arith.constant 3000064 : i32
        %dma_wait3A_352 = tpu.memref_slice %arg7[%dma_wait3A_351] : memref<3000192xf32, #tpu.memory_space<hbm>> -> memref<128xf32, #tpu.memory_space<hbm>>
        %dma_wait3A_353 = arith.constant 3000064 : i32
        %dma_wait3A_354 = tpu.memref_slice %arg7[%dma_wait3A_353] : memref<3000192xf32, #tpu.memory_space<hbm>> -> memref<128xf32, #tpu.memory_space<hbm>>
        %dma_wait3A_355 = arith.constant 256 : i32
        %dma_wait3A_356 = tpu.memref_slice %arg16[%dma_wait3A_355] : memref<384xf32, #tpu.memory_space<vmem>> -> memref<128xf32, #tpu.memory_space<vmem>>
        tpu.wait_dma2 semaphore(%run_scoped3A : memref<!tpu.dma_semaphore, #tpu.memory_space<semaphore_mem>>) src(%dma_wait3A_356 : memref<128xf32, #tpu.memory_space<vmem>>) dst(%dma_wait3A_354 : memref<128xf32, #tpu.memory_space<hbm>>)
        tpu.yield
      }) : () -> ()
    } else {
    }
    return
  }
}

#map = affine_map<(d0, d1) -> (0, 0)>
#map1 = affine_map<(d0, d1) -> (0)>
module attributes {stable_mosaic.version = 14 : i64} {
  func.func @_gather_body(%arg0: i32, %arg1: i32, %arg2: memref<128x128xi32, #tpu.memory_space<hbm>>, %arg3: memref<4x1000000xf32, #tpu.memory_space<hbm>>, %arg4: memref<3000192xf32, #tpu.memory_space<hbm>>, %arg5: memref<3000192xf32, #tpu.memory_space<hbm>>, %arg6: memref<16384xf32, #tpu.memory_space<hbm>>, %arg7: memref<16384xf32, #tpu.memory_space<hbm>>, %arg8: memref<16384xf32, #tpu.memory_space<hbm>>, %arg9: memref<16384xf32, #tpu.memory_space<hbm>>, %arg10: memref<16384xf32, #tpu.memory_space<hbm>>, %arg11: memref<16384xf32, #tpu.memory_space<hbm>>, %arg12: memref<16384xf32, #tpu.memory_space<hbm>>, %arg13: memref<16384xf32, #tpu.memory_space<hbm>>, %arg14: memref<16384xf32, #tpu.memory_space<hbm>>, %arg15: memref<16384xf32, #tpu.memory_space<hbm>>, %arg16: memref<4x128xi32, #tpu.memory_space<vmem>>, %arg17: memref<10x512xf32, #tpu.memory_space<vmem>>, %arg18: memref<!tpu.dma_semaphore, #tpu.memory_space<semaphore_mem>>) attributes {dimension_semantics = [#tpu.dimension_semantics<core_parallel>, #tpu.dimension_semantics<subcore_parallel>], iteration_bounds = array<i64: 2, 16>, scalar_prefetch = 0 : i64, scratch_operands = 3 : i64, tpu.core_type = #tpu.core_type<sc_vector_subcore>, window_params = [{transform_indices = #map}, {transform_indices = #map}, {transform_indices = #map1}, {transform_indices = #map1}, {transform_indices = #map1}, {transform_indices = #map1}, {transform_indices = #map1}, {transform_indices = #map1}, {transform_indices = #map1}, {transform_indices = #map1}, {transform_indices = #map1}, {transform_indices = #map1}, {transform_indices = #map1}, {transform_indices = #map1}]} {
    %mul3A = arith.constant 2 : i32
    %mul3A_0 = arith.muli %arg1, %mul3A : i32
    %add3A = arith.addi %mul3A_0, %arg0 : i32
    %mul3A_1 = arith.constant 512 : i32
    %mul3A_2 = arith.muli %add3A, %mul3A_1 : i32
    %mul3A_3 = arith.constant 4 : i32
    %mul3A_4 = arith.muli %add3A, %mul3A_3 : i32
    "tpu.region"() ({
      %run_scoped3A = tpu.sem_alloc : memref<!tpu.dma_semaphore, #tpu.memory_space<semaphore_mem>>
      %dma_start3A_1367 = arith.constant 0 : i32
      %dma_start3A_1368 = tpu.memref_slice %arg2[%mul3A_4, %dma_start3A_1367] : memref<128x128xi32, #tpu.memory_space<hbm>> -> memref<4x128xi32, #tpu.memory_space<hbm>>
      %dma_start3A_1369 = arith.constant 0 : i32
      %dma_start3A_1370 = tpu.memref_slice %arg2[%mul3A_4, %dma_start3A_1369] : memref<128x128xi32, #tpu.memory_space<hbm>> -> memref<4x128xi32, #tpu.memory_space<hbm>>
      tpu.enqueue_dma source(%dma_start3A_1370 : memref<4x128xi32, #tpu.memory_space<hbm>>) target(%arg16 : memref<4x128xi32, #tpu.memory_space<vmem>>) target_semaphore(%run_scoped3A : memref<!tpu.dma_semaphore, #tpu.memory_space<semaphore_mem>>)
      %dma_wait3A_1371 = arith.constant 0 : i32
      %dma_wait3A_1372 = tpu.memref_slice %arg2[%mul3A_4, %dma_wait3A_1371] : memref<128x128xi32, #tpu.memory_space<hbm>> -> memref<4x128xi32, #tpu.memory_space<hbm>>
      %dma_wait3A_1373 = arith.constant 0 : i32
      %dma_wait3A_1374 = tpu.memref_slice %arg2[%mul3A_4, %dma_wait3A_1373] : memref<128x128xi32, #tpu.memory_space<hbm>> -> memref<4x128xi32, #tpu.memory_space<hbm>>
      tpu.wait_dma2 semaphore(%run_scoped3A : memref<!tpu.dma_semaphore, #tpu.memory_space<semaphore_mem>>) src(%dma_wait3A_1374 : memref<4x128xi32, #tpu.memory_space<hbm>>) dst(%arg16 : memref<4x128xi32, #tpu.memory_space<vmem>>)
      tpu.yield
    }) : () -> ()
    %dma_start3A = arith.constant 0 : i32
    %dma_start3A_5 = arith.constant 0 : i32
    %dma_start3A_6 = arith.constant 0 : i32
    %dma_start3A_7 = arith.constant 0 : i32
    %dma_start3A_8 = tpu.memref_slice %arg17[%dma_start3A_6, %dma_start3A_7] : memref<10x512xf32, #tpu.memory_space<vmem>> -> memref<1x512xf32, #tpu.memory_space<vmem>>
    %dma_start3A_9 = tpu.memref_squeeze %dma_start3A_8 : memref<1x512xf32, #tpu.memory_space<vmem>> -> memref<512xf32, #tpu.memory_space<vmem>>
    %dma_start3A_10 = arith.constant 0 : i32
    %dma_start3A_11 = tpu.memref_slice %dma_start3A_9[%dma_start3A_10] : memref<512xf32, #tpu.memory_space<vmem>> -> memref<128xf32, #tpu.memory_space<vmem>>
    %dma_start3A_12 = arith.constant 0 : i32
    %dma_start3A_13 = tpu.memref_slice %arg16[%dma_start3A_5, %dma_start3A_12] : memref<4x128xi32, #tpu.memory_space<vmem>> -> memref<1x128xi32, #tpu.memory_space<vmem>>
    %dma_start3A_14 = tpu.memref_squeeze %dma_start3A_13 : memref<1x128xi32, #tpu.memory_space<vmem>> -> memref<128xi32, #tpu.memory_space<vmem>>
    %dma_start3A_15 = arith.constant 0 : i32
    %dma_start3A_16 = tpu.memref_slice %arg3[%dma_start3A, %dma_start3A_15] : memref<4x1000000xf32, #tpu.memory_space<hbm>> -> memref<1x1000000xf32, #tpu.memory_space<hbm>>
    %dma_start3A_17 = tpu.memref_squeeze %dma_start3A_16 : memref<1x1000000xf32, #tpu.memory_space<hbm>> -> memref<1000000xf32, #tpu.memory_space<hbm>>
    %dma_start3A_18 = arith.constant 0 : i32
    %dma_start3A_19 = tpu.memref_slice %dma_start3A_17[%dma_start3A_18] : memref<1000000xf32, #tpu.memory_space<hbm>> -> memref<1000000xf32, #tpu.memory_space<hbm>>
    tpu.enqueue_indirect_dma source(%dma_start3A_19 : memref<1000000xf32, #tpu.memory_space<hbm>>) target(%dma_start3A_11 : memref<128xf32, #tpu.memory_space<vmem>>) offsets(%dma_start3A_14 : memref<128xi32, #tpu.memory_space<vmem>>) semaphore(%arg18 : memref<!tpu.dma_semaphore, #tpu.memory_space<semaphore_mem>>)
    %dma_start3A_20 = arith.constant 0 : i32
    %dma_start3A_21 = arith.constant 1 : i32
    %dma_start3A_22 = arith.constant 0 : i32
    %dma_start3A_23 = arith.constant 0 : i32
    %dma_start3A_24 = tpu.memref_slice %arg17[%dma_start3A_22, %dma_start3A_23] : memref<10x512xf32, #tpu.memory_space<vmem>> -> memref<1x512xf32, #tpu.memory_space<vmem>>
    %dma_start3A_25 = tpu.memref_squeeze %dma_start3A_24 : memref<1x512xf32, #tpu.memory_space<vmem>> -> memref<512xf32, #tpu.memory_space<vmem>>
    %dma_start3A_26 = arith.constant 128 : i32
    %dma_start3A_27 = tpu.memref_slice %dma_start3A_25[%dma_start3A_26] : memref<512xf32, #tpu.memory_space<vmem>> -> memref<128xf32, #tpu.memory_space<vmem>>
    %dma_start3A_28 = arith.constant 0 : i32
    %dma_start3A_29 = tpu.memref_slice %arg16[%dma_start3A_21, %dma_start3A_28] : memref<4x128xi32, #tpu.memory_space<vmem>> -> memref<1x128xi32, #tpu.memory_space<vmem>>
    %dma_start3A_30 = tpu.memref_squeeze %dma_start3A_29 : memref<1x128xi32, #tpu.memory_space<vmem>> -> memref<128xi32, #tpu.memory_space<vmem>>
    %dma_start3A_31 = arith.constant 0 : i32
    %dma_start3A_32 = tpu.memref_slice %arg3[%dma_start3A_20, %dma_start3A_31] : memref<4x1000000xf32, #tpu.memory_space<hbm>> -> memref<1x1000000xf32, #tpu.memory_space<hbm>>
    %dma_start3A_33 = tpu.memref_squeeze %dma_start3A_32 : memref<1x1000000xf32, #tpu.memory_space<hbm>> -> memref<1000000xf32, #tpu.memory_space<hbm>>
    %dma_start3A_34 = arith.constant 0 : i32
    %dma_start3A_35 = tpu.memref_slice %dma_start3A_33[%dma_start3A_34] : memref<1000000xf32, #tpu.memory_space<hbm>> -> memref<1000000xf32, #tpu.memory_space<hbm>>
    tpu.enqueue_indirect_dma source(%dma_start3A_35 : memref<1000000xf32, #tpu.memory_space<hbm>>) target(%dma_start3A_27 : memref<128xf32, #tpu.memory_space<vmem>>) offsets(%dma_start3A_30 : memref<128xi32, #tpu.memory_space<vmem>>) semaphore(%arg18 : memref<!tpu.dma_semaphore, #tpu.memory_space<semaphore_mem>>)
    %dma_start3A_36 = arith.constant 0 : i32
    %dma_start3A_37 = arith.constant 2 : i32
    %dma_start3A_38 = arith.constant 0 : i32
    %dma_start3A_39 = arith.constant 0 : i32
    %dma_start3A_40 = tpu.memref_slice %arg17[%dma_start3A_38, %dma_start3A_39] : memref<10x512xf32, #tpu.memory_space<vmem>> -> memref<1x512xf32, #tpu.memory_space<vmem>>
    %dma_start3A_41 = tpu.memref_squeeze %dma_start3A_40 : memref<1x512xf32, #tpu.memory_space<vmem>> -> memref<512xf32, #tpu.memory_space<vmem>>
    %dma_start3A_42 = arith.constant 256 : i32
    %dma_start3A_43 = tpu.memref_slice %dma_start3A_41[%dma_start3A_42] : memref<512xf32, #tpu.memory_space<vmem>> -> memref<128xf32, #tpu.memory_space<vmem>>
    %dma_start3A_44 = arith.constant 0 : i32
    %dma_start3A_45 = tpu.memref_slice %arg16[%dma_start3A_37, %dma_start3A_44] : memref<4x128xi32, #tpu.memory_space<vmem>> -> memref<1x128xi32, #tpu.memory_space<vmem>>
    %dma_start3A_46 = tpu.memref_squeeze %dma_start3A_45 : memref<1x128xi32, #tpu.memory_space<vmem>> -> memref<128xi32, #tpu.memory_space<vmem>>
    %dma_start3A_47 = arith.constant 0 : i32
    %dma_start3A_48 = tpu.memref_slice %arg3[%dma_start3A_36, %dma_start3A_47] : memref<4x1000000xf32, #tpu.memory_space<hbm>> -> memref<1x1000000xf32, #tpu.memory_space<hbm>>
    %dma_start3A_49 = tpu.memref_squeeze %dma_start3A_48 : memref<1x1000000xf32, #tpu.memory_space<hbm>> -> memref<1000000xf32, #tpu.memory_space<hbm>>
    %dma_start3A_50 = arith.constant 0 : i32
    %dma_start3A_51 = tpu.memref_slice %dma_start3A_49[%dma_start3A_50] : memref<1000000xf32, #tpu.memory_space<hbm>> -> memref<1000000xf32, #tpu.memory_space<hbm>>
    tpu.enqueue_indirect_dma source(%dma_start3A_51 : memref<1000000xf32, #tpu.memory_space<hbm>>) target(%dma_start3A_43 : memref<128xf32, #tpu.memory_space<vmem>>) offsets(%dma_start3A_46 : memref<128xi32, #tpu.memory_space<vmem>>) semaphore(%arg18 : memref<!tpu.dma_semaphore, #tpu.memory_space<semaphore_mem>>)
    %dma_start3A_52 = arith.constant 0 : i32
    %dma_start3A_53 = arith.constant 3 : i32
    %dma_start3A_54 = arith.constant 0 : i32
    %dma_start3A_55 = arith.constant 0 : i32
    %dma_start3A_56 = tpu.memref_slice %arg17[%dma_start3A_54, %dma_start3A_55] : memref<10x512xf32, #tpu.memory_space<vmem>> -> memref<1x512xf32, #tpu.memory_space<vmem>>
    %dma_start3A_57 = tpu.memref_squeeze %dma_start3A_56 : memref<1x512xf32, #tpu.memory_space<vmem>> -> memref<512xf32, #tpu.memory_space<vmem>>
    %dma_start3A_58 = arith.constant 384 : i32
    %dma_start3A_59 = tpu.memref_slice %dma_start3A_57[%dma_start3A_58] : memref<512xf32, #tpu.memory_space<vmem>> -> memref<128xf32, #tpu.memory_space<vmem>>
    %dma_start3A_60 = arith.constant 0 : i32
    %dma_start3A_61 = tpu.memref_slice %arg16[%dma_start3A_53, %dma_start3A_60] : memref<4x128xi32, #tpu.memory_space<vmem>> -> memref<1x128xi32, #tpu.memory_space<vmem>>
    %dma_start3A_62 = tpu.memref_squeeze %dma_start3A_61 : memref<1x128xi32, #tpu.memory_space<vmem>> -> memref<128xi32, #tpu.memory_space<vmem>>
    %dma_start3A_63 = arith.constant 0 : i32
    %dma_start3A_64 = tpu.memref_slice %arg3[%dma_start3A_52, %dma_start3A_63] : memref<4x1000000xf32, #tpu.memory_space<hbm>> -> memref<1x1000000xf32, #tpu.memory_space<hbm>>
    %dma_start3A_65 = tpu.memref_squeeze %dma_start3A_64 : memref<1x1000000xf32, #tpu.memory_space<hbm>> -> memref<1000000xf32, #tpu.memory_space<hbm>>
    %dma_start3A_66 = arith.constant 0 : i32
    %dma_start3A_67 = tpu.memref_slice %dma_start3A_65[%dma_start3A_66] : memref<1000000xf32, #tpu.memory_space<hbm>> -> memref<1000000xf32, #tpu.memory_space<hbm>>
    tpu.enqueue_indirect_dma source(%dma_start3A_67 : memref<1000000xf32, #tpu.memory_space<hbm>>) target(%dma_start3A_59 : memref<128xf32, #tpu.memory_space<vmem>>) offsets(%dma_start3A_62 : memref<128xi32, #tpu.memory_space<vmem>>) semaphore(%arg18 : memref<!tpu.dma_semaphore, #tpu.memory_space<semaphore_mem>>)
    %dma_start3A_68 = arith.constant 1 : i32
    %dma_start3A_69 = arith.constant 0 : i32
    %dma_start3A_70 = arith.constant 1 : i32
    %dma_start3A_71 = arith.constant 0 : i32
    %dma_start3A_72 = tpu.memref_slice %arg17[%dma_start3A_70, %dma_start3A_71] : memref<10x512xf32, #tpu.memory_space<vmem>> -> memref<1x512xf32, #tpu.memory_space<vmem>>
    %dma_start3A_73 = tpu.memref_squeeze %dma_start3A_72 : memref<1x512xf32, #tpu.memory_space<vmem>> -> memref<512xf32, #tpu.memory_space<vmem>>
    %dma_start3A_74 = arith.constant 0 : i32
    %dma_start3A_75 = tpu.memref_slice %dma_start3A_73[%dma_start3A_74] : memref<512xf32, #tpu.memory_space<vmem>> -> memref<128xf32, #tpu.memory_space<vmem>>
    %dma_start3A_76 = arith.constant 0 : i32
    %dma_start3A_77 = tpu.memref_slice %arg16[%dma_start3A_69, %dma_start3A_76] : memref<4x128xi32, #tpu.memory_space<vmem>> -> memref<1x128xi32, #tpu.memory_space<vmem>>
    %dma_start3A_78 = tpu.memref_squeeze %dma_start3A_77 : memref<1x128xi32, #tpu.memory_space<vmem>> -> memref<128xi32, #tpu.memory_space<vmem>>
    %dma_start3A_79 = arith.constant 0 : i32
    %dma_start3A_80 = tpu.memref_slice %arg3[%dma_start3A_68, %dma_start3A_79] : memref<4x1000000xf32, #tpu.memory_space<hbm>> -> memref<1x1000000xf32, #tpu.memory_space<hbm>>
    %dma_start3A_81 = tpu.memref_squeeze %dma_start3A_80 : memref<1x1000000xf32, #tpu.memory_space<hbm>> -> memref<1000000xf32, #tpu.memory_space<hbm>>
    %dma_start3A_82 = arith.constant 0 : i32
    %dma_start3A_83 = tpu.memref_slice %dma_start3A_81[%dma_start3A_82] : memref<1000000xf32, #tpu.memory_space<hbm>> -> memref<1000000xf32, #tpu.memory_space<hbm>>
    tpu.enqueue_indirect_dma source(%dma_start3A_83 : memref<1000000xf32, #tpu.memory_space<hbm>>) target(%dma_start3A_75 : memref<128xf32, #tpu.memory_space<vmem>>) offsets(%dma_start3A_78 : memref<128xi32, #tpu.memory_space<vmem>>) semaphore(%arg18 : memref<!tpu.dma_semaphore, #tpu.memory_space<semaphore_mem>>)
    %dma_start3A_84 = arith.constant 1 : i32
    %dma_start3A_85 = arith.constant 1 : i32
    %dma_start3A_86 = arith.constant 1 : i32
    %dma_start3A_87 = arith.constant 0 : i32
    %dma_start3A_88 = tpu.memref_slice %arg17[%dma_start3A_86, %dma_start3A_87] : memref<10x512xf32, #tpu.memory_space<vmem>> -> memref<1x512xf32, #tpu.memory_space<vmem>>
    %dma_start3A_89 = tpu.memref_squeeze %dma_start3A_88 : memref<1x512xf32, #tpu.memory_space<vmem>> -> memref<512xf32, #tpu.memory_space<vmem>>
    %dma_start3A_90 = arith.constant 128 : i32
    %dma_start3A_91 = tpu.memref_slice %dma_start3A_89[%dma_start3A_90] : memref<512xf32, #tpu.memory_space<vmem>> -> memref<128xf32, #tpu.memory_space<vmem>>
    %dma_start3A_92 = arith.constant 0 : i32
    %dma_start3A_93 = tpu.memref_slice %arg16[%dma_start3A_85, %dma_start3A_92] : memref<4x128xi32, #tpu.memory_space<vmem>> -> memref<1x128xi32, #tpu.memory_space<vmem>>
    %dma_start3A_94 = tpu.memref_squeeze %dma_start3A_93 : memref<1x128xi32, #tpu.memory_space<vmem>> -> memref<128xi32, #tpu.memory_space<vmem>>
    %dma_start3A_95 = arith.constant 0 : i32
    %dma_start3A_96 = tpu.memref_slice %arg3[%dma_start3A_84, %dma_start3A_95] : memref<4x1000000xf32, #tpu.memory_space<hbm>> -> memref<1x1000000xf32, #tpu.memory_space<hbm>>
    %dma_start3A_97 = tpu.memref_squeeze %dma_start3A_96 : memref<1x1000000xf32, #tpu.memory_space<hbm>> -> memref<1000000xf32, #tpu.memory_space<hbm>>
    %dma_start3A_98 = arith.constant 0 : i32
    %dma_start3A_99 = tpu.memref_slice %dma_start3A_97[%dma_start3A_98] : memref<1000000xf32, #tpu.memory_space<hbm>> -> memref<1000000xf32, #tpu.memory_space<hbm>>
    tpu.enqueue_indirect_dma source(%dma_start3A_99 : memref<1000000xf32, #tpu.memory_space<hbm>>) target(%dma_start3A_91 : memref<128xf32, #tpu.memory_space<vmem>>) offsets(%dma_start3A_94 : memref<128xi32, #tpu.memory_space<vmem>>) semaphore(%arg18 : memref<!tpu.dma_semaphore, #tpu.memory_space<semaphore_mem>>)
    %dma_start3A_100 = arith.constant 1 : i32
    %dma_start3A_101 = arith.constant 2 : i32
    %dma_start3A_102 = arith.constant 1 : i32
    %dma_start3A_103 = arith.constant 0 : i32
    %dma_start3A_104 = tpu.memref_slice %arg17[%dma_start3A_102, %dma_start3A_103] : memref<10x512xf32, #tpu.memory_space<vmem>> -> memref<1x512xf32, #tpu.memory_space<vmem>>
    %dma_start3A_105 = tpu.memref_squeeze %dma_start3A_104 : memref<1x512xf32, #tpu.memory_space<vmem>> -> memref<512xf32, #tpu.memory_space<vmem>>
    %dma_start3A_106 = arith.constant 256 : i32
    %dma_start3A_107 = tpu.memref_slice %dma_start3A_105[%dma_start3A_106] : memref<512xf32, #tpu.memory_space<vmem>> -> memref<128xf32, #tpu.memory_space<vmem>>
    %dma_start3A_108 = arith.constant 0 : i32
    %dma_start3A_109 = tpu.memref_slice %arg16[%dma_start3A_101, %dma_start3A_108] : memref<4x128xi32, #tpu.memory_space<vmem>> -> memref<1x128xi32, #tpu.memory_space<vmem>>
    %dma_start3A_110 = tpu.memref_squeeze %dma_start3A_109 : memref<1x128xi32, #tpu.memory_space<vmem>> -> memref<128xi32, #tpu.memory_space<vmem>>
    %dma_start3A_111 = arith.constant 0 : i32
    %dma_start3A_112 = tpu.memref_slice %arg3[%dma_start3A_100, %dma_start3A_111] : memref<4x1000000xf32, #tpu.memory_space<hbm>> -> memref<1x1000000xf32, #tpu.memory_space<hbm>>
    %dma_start3A_113 = tpu.memref_squeeze %dma_start3A_112 : memref<1x1000000xf32, #tpu.memory_space<hbm>> -> memref<1000000xf32, #tpu.memory_space<hbm>>
    %dma_start3A_114 = arith.constant 0 : i32
    %dma_start3A_115 = tpu.memref_slice %dma_start3A_113[%dma_start3A_114] : memref<1000000xf32, #tpu.memory_space<hbm>> -> memref<1000000xf32, #tpu.memory_space<hbm>>
    tpu.enqueue_indirect_dma source(%dma_start3A_115 : memref<1000000xf32, #tpu.memory_space<hbm>>) target(%dma_start3A_107 : memref<128xf32, #tpu.memory_space<vmem>>) offsets(%dma_start3A_110 : memref<128xi32, #tpu.memory_space<vmem>>) semaphore(%arg18 : memref<!tpu.dma_semaphore, #tpu.memory_space<semaphore_mem>>)
    %dma_start3A_116 = arith.constant 1 : i32
    %dma_start3A_117 = arith.constant 3 : i32
    %dma_start3A_118 = arith.constant 1 : i32
    %dma_start3A_119 = arith.constant 0 : i32
    %dma_start3A_120 = tpu.memref_slice %arg17[%dma_start3A_118, %dma_start3A_119] : memref<10x512xf32, #tpu.memory_space<vmem>> -> memref<1x512xf32, #tpu.memory_space<vmem>>
    %dma_start3A_121 = tpu.memref_squeeze %dma_start3A_120 : memref<1x512xf32, #tpu.memory_space<vmem>> -> memref<512xf32, #tpu.memory_space<vmem>>
    %dma_start3A_122 = arith.constant 384 : i32
    %dma_start3A_123 = tpu.memref_slice %dma_start3A_121[%dma_start3A_122] : memref<512xf32, #tpu.memory_space<vmem>> -> memref<128xf32, #tpu.memory_space<vmem>>
    %dma_start3A_124 = arith.constant 0 : i32
    %dma_start3A_125 = tpu.memref_slice %arg16[%dma_start3A_117, %dma_start3A_124] : memref<4x128xi32, #tpu.memory_space<vmem>> -> memref<1x128xi32, #tpu.memory_space<vmem>>
    %dma_start3A_126 = tpu.memref_squeeze %dma_start3A_125 : memref<1x128xi32, #tpu.memory_space<vmem>> -> memref<128xi32, #tpu.memory_space<vmem>>
    %dma_start3A_127 = arith.constant 0 : i32
    %dma_start3A_128 = tpu.memref_slice %arg3[%dma_start3A_116, %dma_start3A_127] : memref<4x1000000xf32, #tpu.memory_space<hbm>> -> memref<1x1000000xf32, #tpu.memory_space<hbm>>
    %dma_start3A_129 = tpu.memref_squeeze %dma_start3A_128 : memref<1x1000000xf32, #tpu.memory_space<hbm>> -> memref<1000000xf32, #tpu.memory_space<hbm>>
    %dma_start3A_130 = arith.constant 0 : i32
    %dma_start3A_131 = tpu.memref_slice %dma_start3A_129[%dma_start3A_130] : memref<1000000xf32, #tpu.memory_space<hbm>> -> memref<1000000xf32, #tpu.memory_space<hbm>>
    tpu.enqueue_indirect_dma source(%dma_start3A_131 : memref<1000000xf32, #tpu.memory_space<hbm>>) target(%dma_start3A_123 : memref<128xf32, #tpu.memory_space<vmem>>) offsets(%dma_start3A_126 : memref<128xi32, #tpu.memory_space<vmem>>) semaphore(%arg18 : memref<!tpu.dma_semaphore, #tpu.memory_space<semaphore_mem>>)
    %dma_start3A_132 = arith.constant 2 : i32
    %dma_start3A_133 = arith.constant 0 : i32
    %dma_start3A_134 = arith.constant 2 : i32
    %dma_start3A_135 = arith.constant 0 : i32
    %dma_start3A_136 = tpu.memref_slice %arg17[%dma_start3A_134, %dma_start3A_135] : memref<10x512xf32, #tpu.memory_space<vmem>> -> memref<1x512xf32, #tpu.memory_space<vmem>>
    %dma_start3A_137 = tpu.memref_squeeze %dma_start3A_136 : memref<1x512xf32, #tpu.memory_space<vmem>> -> memref<512xf32, #tpu.memory_space<vmem>>
    %dma_start3A_138 = arith.constant 0 : i32
    %dma_start3A_139 = tpu.memref_slice %dma_start3A_137[%dma_start3A_138] : memref<512xf32, #tpu.memory_space<vmem>> -> memref<128xf32, #tpu.memory_space<vmem>>
    %dma_start3A_140 = arith.constant 0 : i32
    %dma_start3A_141 = tpu.memref_slice %arg16[%dma_start3A_133, %dma_start3A_140] : memref<4x128xi32, #tpu.memory_space<vmem>> -> memref<1x128xi32, #tpu.memory_space<vmem>>
    %dma_start3A_142 = tpu.memref_squeeze %dma_start3A_141 : memref<1x128xi32, #tpu.memory_space<vmem>> -> memref<128xi32, #tpu.memory_space<vmem>>
    %dma_start3A_143 = arith.constant 0 : i32
    %dma_start3A_144 = tpu.memref_slice %arg3[%dma_start3A_132, %dma_start3A_143] : memref<4x1000000xf32, #tpu.memory_space<hbm>> -> memref<1x1000000xf32, #tpu.memory_space<hbm>>
    %dma_start3A_145 = tpu.memref_squeeze %dma_start3A_144 : memref<1x1000000xf32, #tpu.memory_space<hbm>> -> memref<1000000xf32, #tpu.memory_space<hbm>>
    %dma_start3A_146 = arith.constant 0 : i32
    %dma_start3A_147 = tpu.memref_slice %dma_start3A_145[%dma_start3A_146] : memref<1000000xf32, #tpu.memory_space<hbm>> -> memref<1000000xf32, #tpu.memory_space<hbm>>
    tpu.enqueue_indirect_dma source(%dma_start3A_147 : memref<1000000xf32, #tpu.memory_space<hbm>>) target(%dma_start3A_139 : memref<128xf32, #tpu.memory_space<vmem>>) offsets(%dma_start3A_142 : memref<128xi32, #tpu.memory_space<vmem>>) semaphore(%arg18 : memref<!tpu.dma_semaphore, #tpu.memory_space<semaphore_mem>>)
    %dma_start3A_148 = arith.constant 2 : i32
    %dma_start3A_149 = arith.constant 1 : i32
    %dma_start3A_150 = arith.constant 2 : i32
    %dma_start3A_151 = arith.constant 0 : i32
    %dma_start3A_152 = tpu.memref_slice %arg17[%dma_start3A_150, %dma_start3A_151] : memref<10x512xf32, #tpu.memory_space<vmem>> -> memref<1x512xf32, #tpu.memory_space<vmem>>
    %dma_start3A_153 = tpu.memref_squeeze %dma_start3A_152 : memref<1x512xf32, #tpu.memory_space<vmem>> -> memref<512xf32, #tpu.memory_space<vmem>>
    %dma_start3A_154 = arith.constant 128 : i32
    %dma_start3A_155 = tpu.memref_slice %dma_start3A_153[%dma_start3A_154] : memref<512xf32, #tpu.memory_space<vmem>> -> memref<128xf32, #tpu.memory_space<vmem>>
    %dma_start3A_156 = arith.constant 0 : i32
    %dma_start3A_157 = tpu.memref_slice %arg16[%dma_start3A_149, %dma_start3A_156] : memref<4x128xi32, #tpu.memory_space<vmem>> -> memref<1x128xi32, #tpu.memory_space<vmem>>
    %dma_start3A_158 = tpu.memref_squeeze %dma_start3A_157 : memref<1x128xi32, #tpu.memory_space<vmem>> -> memref<128xi32, #tpu.memory_space<vmem>>
    %dma_start3A_159 = arith.constant 0 : i32
    %dma_start3A_160 = tpu.memref_slice %arg3[%dma_start3A_148, %dma_start3A_159] : memref<4x1000000xf32, #tpu.memory_space<hbm>> -> memref<1x1000000xf32, #tpu.memory_space<hbm>>
    %dma_start3A_161 = tpu.memref_squeeze %dma_start3A_160 : memref<1x1000000xf32, #tpu.memory_space<hbm>> -> memref<1000000xf32, #tpu.memory_space<hbm>>
    %dma_start3A_162 = arith.constant 0 : i32
    %dma_start3A_163 = tpu.memref_slice %dma_start3A_161[%dma_start3A_162] : memref<1000000xf32, #tpu.memory_space<hbm>> -> memref<1000000xf32, #tpu.memory_space<hbm>>
    tpu.enqueue_indirect_dma source(%dma_start3A_163 : memref<1000000xf32, #tpu.memory_space<hbm>>) target(%dma_start3A_155 : memref<128xf32, #tpu.memory_space<vmem>>) offsets(%dma_start3A_158 : memref<128xi32, #tpu.memory_space<vmem>>) semaphore(%arg18 : memref<!tpu.dma_semaphore, #tpu.memory_space<semaphore_mem>>)
    %dma_start3A_164 = arith.constant 2 : i32
    %dma_start3A_165 = arith.constant 2 : i32
    %dma_start3A_166 = arith.constant 2 : i32
    %dma_start3A_167 = arith.constant 0 : i32
    %dma_start3A_168 = tpu.memref_slice %arg17[%dma_start3A_166, %dma_start3A_167] : memref<10x512xf32, #tpu.memory_space<vmem>> -> memref<1x512xf32, #tpu.memory_space<vmem>>
    %dma_start3A_169 = tpu.memref_squeeze %dma_start3A_168 : memref<1x512xf32, #tpu.memory_space<vmem>> -> memref<512xf32, #tpu.memory_space<vmem>>
    %dma_start3A_170 = arith.constant 256 : i32
    %dma_start3A_171 = tpu.memref_slice %dma_start3A_169[%dma_start3A_170] : memref<512xf32, #tpu.memory_space<vmem>> -> memref<128xf32, #tpu.memory_space<vmem>>
    %dma_start3A_172 = arith.constant 0 : i32
    %dma_start3A_173 = tpu.memref_slice %arg16[%dma_start3A_165, %dma_start3A_172] : memref<4x128xi32, #tpu.memory_space<vmem>> -> memref<1x128xi32, #tpu.memory_space<vmem>>
    %dma_start3A_174 = tpu.memref_squeeze %dma_start3A_173 : memref<1x128xi32, #tpu.memory_space<vmem>> -> memref<128xi32, #tpu.memory_space<vmem>>
    %dma_start3A_175 = arith.constant 0 : i32
    %dma_start3A_176 = tpu.memref_slice %arg3[%dma_start3A_164, %dma_start3A_175] : memref<4x1000000xf32, #tpu.memory_space<hbm>> -> memref<1x1000000xf32, #tpu.memory_space<hbm>>
    %dma_start3A_177 = tpu.memref_squeeze %dma_start3A_176 : memref<1x1000000xf32, #tpu.memory_space<hbm>> -> memref<1000000xf32, #tpu.memory_space<hbm>>
    %dma_start3A_178 = arith.constant 0 : i32
    %dma_start3A_179 = tpu.memref_slice %dma_start3A_177[%dma_start3A_178] : memref<1000000xf32, #tpu.memory_space<hbm>> -> memref<1000000xf32, #tpu.memory_space<hbm>>
    tpu.enqueue_indirect_dma source(%dma_start3A_179 : memref<1000000xf32, #tpu.memory_space<hbm>>) target(%dma_start3A_171 : memref<128xf32, #tpu.memory_space<vmem>>) offsets(%dma_start3A_174 : memref<128xi32, #tpu.memory_space<vmem>>) semaphore(%arg18 : memref<!tpu.dma_semaphore, #tpu.memory_space<semaphore_mem>>)
    %dma_start3A_180 = arith.constant 2 : i32
    %dma_start3A_181 = arith.constant 3 : i32
    %dma_start3A_182 = arith.constant 2 : i32
    %dma_start3A_183 = arith.constant 0 : i32
    %dma_start3A_184 = tpu.memref_slice %arg17[%dma_start3A_182, %dma_start3A_183] : memref<10x512xf32, #tpu.memory_space<vmem>> -> memref<1x512xf32, #tpu.memory_space<vmem>>
    %dma_start3A_185 = tpu.memref_squeeze %dma_start3A_184 : memref<1x512xf32, #tpu.memory_space<vmem>> -> memref<512xf32, #tpu.memory_space<vmem>>
    %dma_start3A_186 = arith.constant 384 : i32
    %dma_start3A_187 = tpu.memref_slice %dma_start3A_185[%dma_start3A_186] : memref<512xf32, #tpu.memory_space<vmem>> -> memref<128xf32, #tpu.memory_space<vmem>>
    %dma_start3A_188 = arith.constant 0 : i32
    %dma_start3A_189 = tpu.memref_slice %arg16[%dma_start3A_181, %dma_start3A_188] : memref<4x128xi32, #tpu.memory_space<vmem>> -> memref<1x128xi32, #tpu.memory_space<vmem>>
    %dma_start3A_190 = tpu.memref_squeeze %dma_start3A_189 : memref<1x128xi32, #tpu.memory_space<vmem>> -> memref<128xi32, #tpu.memory_space<vmem>>
    %dma_start3A_191 = arith.constant 0 : i32
    %dma_start3A_192 = tpu.memref_slice %arg3[%dma_start3A_180, %dma_start3A_191] : memref<4x1000000xf32, #tpu.memory_space<hbm>> -> memref<1x1000000xf32, #tpu.memory_space<hbm>>
    %dma_start3A_193 = tpu.memref_squeeze %dma_start3A_192 : memref<1x1000000xf32, #tpu.memory_space<hbm>> -> memref<1000000xf32, #tpu.memory_space<hbm>>
    %dma_start3A_194 = arith.constant 0 : i32
    %dma_start3A_195 = tpu.memref_slice %dma_start3A_193[%dma_start3A_194] : memref<1000000xf32, #tpu.memory_space<hbm>> -> memref<1000000xf32, #tpu.memory_space<hbm>>
    tpu.enqueue_indirect_dma source(%dma_start3A_195 : memref<1000000xf32, #tpu.memory_space<hbm>>) target(%dma_start3A_187 : memref<128xf32, #tpu.memory_space<vmem>>) offsets(%dma_start3A_190 : memref<128xi32, #tpu.memory_space<vmem>>) semaphore(%arg18 : memref<!tpu.dma_semaphore, #tpu.memory_space<semaphore_mem>>)
    %dma_start3A_196 = arith.constant 3 : i32
    %dma_start3A_197 = arith.constant 0 : i32
    %dma_start3A_198 = arith.constant 3 : i32
    %dma_start3A_199 = arith.constant 0 : i32
    %dma_start3A_200 = tpu.memref_slice %arg17[%dma_start3A_198, %dma_start3A_199] : memref<10x512xf32, #tpu.memory_space<vmem>> -> memref<1x512xf32, #tpu.memory_space<vmem>>
    %dma_start3A_201 = tpu.memref_squeeze %dma_start3A_200 : memref<1x512xf32, #tpu.memory_space<vmem>> -> memref<512xf32, #tpu.memory_space<vmem>>
    %dma_start3A_202 = arith.constant 0 : i32
    %dma_start3A_203 = tpu.memref_slice %dma_start3A_201[%dma_start3A_202] : memref<512xf32, #tpu.memory_space<vmem>> -> memref<128xf32, #tpu.memory_space<vmem>>
    %dma_start3A_204 = arith.constant 0 : i32
    %dma_start3A_205 = tpu.memref_slice %arg16[%dma_start3A_197, %dma_start3A_204] : memref<4x128xi32, #tpu.memory_space<vmem>> -> memref<1x128xi32, #tpu.memory_space<vmem>>
    %dma_start3A_206 = tpu.memref_squeeze %dma_start3A_205 : memref<1x128xi32, #tpu.memory_space<vmem>> -> memref<128xi32, #tpu.memory_space<vmem>>
    %dma_start3A_207 = arith.constant 0 : i32
    %dma_start3A_208 = tpu.memref_slice %arg3[%dma_start3A_196, %dma_start3A_207] : memref<4x1000000xf32, #tpu.memory_space<hbm>> -> memref<1x1000000xf32, #tpu.memory_space<hbm>>
    %dma_start3A_209 = tpu.memref_squeeze %dma_start3A_208 : memref<1x1000000xf32, #tpu.memory_space<hbm>> -> memref<1000000xf32, #tpu.memory_space<hbm>>
    %dma_start3A_210 = arith.constant 0 : i32
    %dma_start3A_211 = tpu.memref_slice %dma_start3A_209[%dma_start3A_210] : memref<1000000xf32, #tpu.memory_space<hbm>> -> memref<1000000xf32, #tpu.memory_space<hbm>>
    tpu.enqueue_indirect_dma source(%dma_start3A_211 : memref<1000000xf32, #tpu.memory_space<hbm>>) target(%dma_start3A_203 : memref<128xf32, #tpu.memory_space<vmem>>) offsets(%dma_start3A_206 : memref<128xi32, #tpu.memory_space<vmem>>) semaphore(%arg18 : memref<!tpu.dma_semaphore, #tpu.memory_space<semaphore_mem>>)
    %dma_start3A_212 = arith.constant 3 : i32
    %dma_start3A_213 = arith.constant 1 : i32
    %dma_start3A_214 = arith.constant 3 : i32
    %dma_start3A_215 = arith.constant 0 : i32
    %dma_start3A_216 = tpu.memref_slice %arg17[%dma_start3A_214, %dma_start3A_215] : memref<10x512xf32, #tpu.memory_space<vmem>> -> memref<1x512xf32, #tpu.memory_space<vmem>>
    %dma_start3A_217 = tpu.memref_squeeze %dma_start3A_216 : memref<1x512xf32, #tpu.memory_space<vmem>> -> memref<512xf32, #tpu.memory_space<vmem>>
    %dma_start3A_218 = arith.constant 128 : i32
    %dma_start3A_219 = tpu.memref_slice %dma_start3A_217[%dma_start3A_218] : memref<512xf32, #tpu.memory_space<vmem>> -> memref<128xf32, #tpu.memory_space<vmem>>
    %dma_start3A_220 = arith.constant 0 : i32
    %dma_start3A_221 = tpu.memref_slice %arg16[%dma_start3A_213, %dma_start3A_220] : memref<4x128xi32, #tpu.memory_space<vmem>> -> memref<1x128xi32, #tpu.memory_space<vmem>>
    %dma_start3A_222 = tpu.memref_squeeze %dma_start3A_221 : memref<1x128xi32, #tpu.memory_space<vmem>> -> memref<128xi32, #tpu.memory_space<vmem>>
    %dma_start3A_223 = arith.constant 0 : i32
    %dma_start3A_224 = tpu.memref_slice %arg3[%dma_start3A_212, %dma_start3A_223] : memref<4x1000000xf32, #tpu.memory_space<hbm>> -> memref<1x1000000xf32, #tpu.memory_space<hbm>>
    %dma_start3A_225 = tpu.memref_squeeze %dma_start3A_224 : memref<1x1000000xf32, #tpu.memory_space<hbm>> -> memref<1000000xf32, #tpu.memory_space<hbm>>
    %dma_start3A_226 = arith.constant 0 : i32
    %dma_start3A_227 = tpu.memref_slice %dma_start3A_225[%dma_start3A_226] : memref<1000000xf32, #tpu.memory_space<hbm>> -> memref<1000000xf32, #tpu.memory_space<hbm>>
    tpu.enqueue_indirect_dma source(%dma_start3A_227 : memref<1000000xf32, #tpu.memory_space<hbm>>) target(%dma_start3A_219 : memref<128xf32, #tpu.memory_space<vmem>>) offsets(%dma_start3A_222 : memref<128xi32, #tpu.memory_space<vmem>>) semaphore(%arg18 : memref<!tpu.dma_semaphore, #tpu.memory_space<semaphore_mem>>)
    %dma_start3A_228 = arith.constant 3 : i32
    %dma_start3A_229 = arith.constant 2 : i32
    %dma_start3A_230 = arith.constant 3 : i32
    %dma_start3A_231 = arith.constant 0 : i32
    %dma_start3A_232 = tpu.memref_slice %arg17[%dma_start3A_230, %dma_start3A_231] : memref<10x512xf32, #tpu.memory_space<vmem>> -> memref<1x512xf32, #tpu.memory_space<vmem>>
    %dma_start3A_233 = tpu.memref_squeeze %dma_start3A_232 : memref<1x512xf32, #tpu.memory_space<vmem>> -> memref<512xf32, #tpu.memory_space<vmem>>
    %dma_start3A_234 = arith.constant 256 : i32
    %dma_start3A_235 = tpu.memref_slice %dma_start3A_233[%dma_start3A_234] : memref<512xf32, #tpu.memory_space<vmem>> -> memref<128xf32, #tpu.memory_space<vmem>>
    %dma_start3A_236 = arith.constant 0 : i32
    %dma_start3A_237 = tpu.memref_slice %arg16[%dma_start3A_229, %dma_start3A_236] : memref<4x128xi32, #tpu.memory_space<vmem>> -> memref<1x128xi32, #tpu.memory_space<vmem>>
    %dma_start3A_238 = tpu.memref_squeeze %dma_start3A_237 : memref<1x128xi32, #tpu.memory_space<vmem>> -> memref<128xi32, #tpu.memory_space<vmem>>
    %dma_start3A_239 = arith.constant 0 : i32
    %dma_start3A_240 = tpu.memref_slice %arg3[%dma_start3A_228, %dma_start3A_239] : memref<4x1000000xf32, #tpu.memory_space<hbm>> -> memref<1x1000000xf32, #tpu.memory_space<hbm>>
    %dma_start3A_241 = tpu.memref_squeeze %dma_start3A_240 : memref<1x1000000xf32, #tpu.memory_space<hbm>> -> memref<1000000xf32, #tpu.memory_space<hbm>>
    %dma_start3A_242 = arith.constant 0 : i32
    %dma_start3A_243 = tpu.memref_slice %dma_start3A_241[%dma_start3A_242] : memref<1000000xf32, #tpu.memory_space<hbm>> -> memref<1000000xf32, #tpu.memory_space<hbm>>
    tpu.enqueue_indirect_dma source(%dma_start3A_243 : memref<1000000xf32, #tpu.memory_space<hbm>>) target(%dma_start3A_235 : memref<128xf32, #tpu.memory_space<vmem>>) offsets(%dma_start3A_238 : memref<128xi32, #tpu.memory_space<vmem>>) semaphore(%arg18 : memref<!tpu.dma_semaphore, #tpu.memory_space<semaphore_mem>>)
    %dma_start3A_244 = arith.constant 3 : i32
    %dma_start3A_245 = arith.constant 3 : i32
    %dma_start3A_246 = arith.constant 3 : i32
    %dma_start3A_247 = arith.constant 0 : i32
    %dma_start3A_248 = tpu.memref_slice %arg17[%dma_start3A_246, %dma_start3A_247] : memref<10x512xf32, #tpu.memory_space<vmem>> -> memref<1x512xf32, #tpu.memory_space<vmem>>
    %dma_start3A_249 = tpu.memref_squeeze %dma_start3A_248 : memref<1x512xf32, #tpu.memory_space<vmem>> -> memref<512xf32, #tpu.memory_space<vmem>>
    %dma_start3A_250 = arith.constant 384 : i32
    %dma_start3A_251 = tpu.memref_slice %dma_start3A_249[%dma_start3A_250] : memref<512xf32, #tpu.memory_space<vmem>> -> memref<128xf32, #tpu.memory_space<vmem>>
    %dma_start3A_252 = arith.constant 0 : i32
    %dma_start3A_253 = tpu.memref_slice %arg16[%dma_start3A_245, %dma_start3A_252] : memref<4x128xi32, #tpu.memory_space<vmem>> -> memref<1x128xi32, #tpu.memory_space<vmem>>
    %dma_start3A_254 = tpu.memref_squeeze %dma_start3A_253 : memref<1x128xi32, #tpu.memory_space<vmem>> -> memref<128xi32, #tpu.memory_space<vmem>>
    %dma_start3A_255 = arith.constant 0 : i32
    %dma_start3A_256 = tpu.memref_slice %arg3[%dma_start3A_244, %dma_start3A_255] : memref<4x1000000xf32, #tpu.memory_space<hbm>> -> memref<1x1000000xf32, #tpu.memory_space<hbm>>
    %dma_start3A_257 = tpu.memref_squeeze %dma_start3A_256 : memref<1x1000000xf32, #tpu.memory_space<hbm>> -> memref<1000000xf32, #tpu.memory_space<hbm>>
    %dma_start3A_258 = arith.constant 0 : i32
    %dma_start3A_259 = tpu.memref_slice %dma_start3A_257[%dma_start3A_258] : memref<1000000xf32, #tpu.memory_space<hbm>> -> memref<1000000xf32, #tpu.memory_space<hbm>>
    tpu.enqueue_indirect_dma source(%dma_start3A_259 : memref<1000000xf32, #tpu.memory_space<hbm>>) target(%dma_start3A_251 : memref<128xf32, #tpu.memory_space<vmem>>) offsets(%dma_start3A_254 : memref<128xi32, #tpu.memory_space<vmem>>) semaphore(%arg18 : memref<!tpu.dma_semaphore, #tpu.memory_space<semaphore_mem>>)
    %dma_start3A_260 = arith.constant 0 : i32
    %dma_start3A_261 = arith.constant 4 : i32
    %dma_start3A_262 = arith.constant 0 : i32
    %dma_start3A_263 = tpu.memref_slice %arg17[%dma_start3A_261, %dma_start3A_262] : memref<10x512xf32, #tpu.memory_space<vmem>> -> memref<1x512xf32, #tpu.memory_space<vmem>>
    %dma_start3A_264 = tpu.memref_squeeze %dma_start3A_263 : memref<1x512xf32, #tpu.memory_space<vmem>> -> memref<512xf32, #tpu.memory_space<vmem>>
    %dma_start3A_265 = arith.constant 0 : i32
    %dma_start3A_266 = tpu.memref_slice %dma_start3A_264[%dma_start3A_265] : memref<512xf32, #tpu.memory_space<vmem>> -> memref<128xf32, #tpu.memory_space<vmem>>
    %dma_start3A_267 = arith.constant 0 : i32
    %dma_start3A_268 = tpu.memref_slice %arg16[%dma_start3A_260, %dma_start3A_267] : memref<4x128xi32, #tpu.memory_space<vmem>> -> memref<1x128xi32, #tpu.memory_space<vmem>>
    %dma_start3A_269 = tpu.memref_squeeze %dma_start3A_268 : memref<1x128xi32, #tpu.memory_space<vmem>> -> memref<128xi32, #tpu.memory_space<vmem>>
    %dma_start3A_270 = arith.constant 0 : i32
    %dma_start3A_271 = tpu.memref_slice %arg4[%dma_start3A_270] : memref<3000192xf32, #tpu.memory_space<hbm>> -> memref<1000064xf32, #tpu.memory_space<hbm>>
    %dma_start3A_272 = arith.constant 0 : i32
    %dma_start3A_273 = tpu.memref_slice %dma_start3A_271[%dma_start3A_272] : memref<1000064xf32, #tpu.memory_space<hbm>> -> memref<1000064xf32, #tpu.memory_space<hbm>>
    tpu.enqueue_indirect_dma source(%dma_start3A_273 : memref<1000064xf32, #tpu.memory_space<hbm>>) target(%dma_start3A_266 : memref<128xf32, #tpu.memory_space<vmem>>) offsets(%dma_start3A_269 : memref<128xi32, #tpu.memory_space<vmem>>) semaphore(%arg18 : memref<!tpu.dma_semaphore, #tpu.memory_space<semaphore_mem>>)
    %dma_start3A_274 = arith.constant 1 : i32
    %dma_start3A_275 = arith.constant 4 : i32
    %dma_start3A_276 = arith.constant 0 : i32
    %dma_start3A_277 = tpu.memref_slice %arg17[%dma_start3A_275, %dma_start3A_276] : memref<10x512xf32, #tpu.memory_space<vmem>> -> memref<1x512xf32, #tpu.memory_space<vmem>>
    %dma_start3A_278 = tpu.memref_squeeze %dma_start3A_277 : memref<1x512xf32, #tpu.memory_space<vmem>> -> memref<512xf32, #tpu.memory_space<vmem>>
    %dma_start3A_279 = arith.constant 128 : i32
    %dma_start3A_280 = tpu.memref_slice %dma_start3A_278[%dma_start3A_279] : memref<512xf32, #tpu.memory_space<vmem>> -> memref<128xf32, #tpu.memory_space<vmem>>
    %dma_start3A_281 = arith.constant 0 : i32
    %dma_start3A_282 = tpu.memref_slice %arg16[%dma_start3A_274, %dma_start3A_281] : memref<4x128xi32, #tpu.memory_space<vmem>> -> memref<1x128xi32, #tpu.memory_space<vmem>>
    %dma_start3A_283 = tpu.memref_squeeze %dma_start3A_282 : memref<1x128xi32, #tpu.memory_space<vmem>> -> memref<128xi32, #tpu.memory_space<vmem>>
    %dma_start3A_284 = arith.constant 0 : i32
    %dma_start3A_285 = tpu.memref_slice %arg4[%dma_start3A_284] : memref<3000192xf32, #tpu.memory_space<hbm>> -> memref<1000064xf32, #tpu.memory_space<hbm>>
    %dma_start3A_286 = arith.constant 0 : i32
    %dma_start3A_287 = tpu.memref_slice %dma_start3A_285[%dma_start3A_286] : memref<1000064xf32, #tpu.memory_space<hbm>> -> memref<1000064xf32, #tpu.memory_space<hbm>>
    tpu.enqueue_indirect_dma source(%dma_start3A_287 : memref<1000064xf32, #tpu.memory_space<hbm>>) target(%dma_start3A_280 : memref<128xf32, #tpu.memory_space<vmem>>) offsets(%dma_start3A_283 : memref<128xi32, #tpu.memory_space<vmem>>) semaphore(%arg18 : memref<!tpu.dma_semaphore, #tpu.memory_space<semaphore_mem>>)
    %dma_start3A_288 = arith.constant 2 : i32
    %dma_start3A_289 = arith.constant 4 : i32
    %dma_start3A_290 = arith.constant 0 : i32
    %dma_start3A_291 = tpu.memref_slice %arg17[%dma_start3A_289, %dma_start3A_290] : memref<10x512xf32, #tpu.memory_space<vmem>> -> memref<1x512xf32, #tpu.memory_space<vmem>>
    %dma_start3A_292 = tpu.memref_squeeze %dma_start3A_291 : memref<1x512xf32, #tpu.memory_space<vmem>> -> memref<512xf32, #tpu.memory_space<vmem>>
    %dma_start3A_293 = arith.constant 256 : i32
    %dma_start3A_294 = tpu.memref_slice %dma_start3A_292[%dma_start3A_293] : memref<512xf32, #tpu.memory_space<vmem>> -> memref<128xf32, #tpu.memory_space<vmem>>
    %dma_start3A_295 = arith.constant 0 : i32
    %dma_start3A_296 = tpu.memref_slice %arg16[%dma_start3A_288, %dma_start3A_295] : memref<4x128xi32, #tpu.memory_space<vmem>> -> memref<1x128xi32, #tpu.memory_space<vmem>>
    %dma_start3A_297 = tpu.memref_squeeze %dma_start3A_296 : memref<1x128xi32, #tpu.memory_space<vmem>> -> memref<128xi32, #tpu.memory_space<vmem>>
    %dma_start3A_298 = arith.constant 0 : i32
    %dma_start3A_299 = tpu.memref_slice %arg4[%dma_start3A_298] : memref<3000192xf32, #tpu.memory_space<hbm>> -> memref<1000064xf32, #tpu.memory_space<hbm>>
    %dma_start3A_300 = arith.constant 0 : i32
    %dma_start3A_301 = tpu.memref_slice %dma_start3A_299[%dma_start3A_300] : memref<1000064xf32, #tpu.memory_space<hbm>> -> memref<1000064xf32, #tpu.memory_space<hbm>>
    tpu.enqueue_indirect_dma source(%dma_start3A_301 : memref<1000064xf32, #tpu.memory_space<hbm>>) target(%dma_start3A_294 : memref<128xf32, #tpu.memory_space<vmem>>) offsets(%dma_start3A_297 : memref<128xi32, #tpu.memory_space<vmem>>) semaphore(%arg18 : memref<!tpu.dma_semaphore, #tpu.memory_space<semaphore_mem>>)
    %dma_start3A_302 = arith.constant 3 : i32
    %dma_start3A_303 = arith.constant 4 : i32
    %dma_start3A_304 = arith.constant 0 : i32
    %dma_start3A_305 = tpu.memref_slice %arg17[%dma_start3A_303, %dma_start3A_304] : memref<10x512xf32, #tpu.memory_space<vmem>> -> memref<1x512xf32, #tpu.memory_space<vmem>>
    %dma_start3A_306 = tpu.memref_squeeze %dma_start3A_305 : memref<1x512xf32, #tpu.memory_space<vmem>> -> memref<512xf32, #tpu.memory_space<vmem>>
    %dma_start3A_307 = arith.constant 384 : i32
    %dma_start3A_308 = tpu.memref_slice %dma_start3A_306[%dma_start3A_307] : memref<512xf32, #tpu.memory_space<vmem>> -> memref<128xf32, #tpu.memory_space<vmem>>
    %dma_start3A_309 = arith.constant 0 : i32
    %dma_start3A_310 = tpu.memref_slice %arg16[%dma_start3A_302, %dma_start3A_309] : memref<4x128xi32, #tpu.memory_space<vmem>> -> memref<1x128xi32, #tpu.memory_space<vmem>>
    %dma_start3A_311 = tpu.memref_squeeze %dma_start3A_310 : memref<1x128xi32, #tpu.memory_space<vmem>> -> memref<128xi32, #tpu.memory_space<vmem>>
    %dma_start3A_312 = arith.constant 0 : i32
    %dma_start3A_313 = tpu.memref_slice %arg4[%dma_start3A_312] : memref<3000192xf32, #tpu.memory_space<hbm>> -> memref<1000064xf32, #tpu.memory_space<hbm>>
    %dma_start3A_314 = arith.constant 0 : i32
    %dma_start3A_315 = tpu.memref_slice %dma_start3A_313[%dma_start3A_314] : memref<1000064xf32, #tpu.memory_space<hbm>> -> memref<1000064xf32, #tpu.memory_space<hbm>>
    tpu.enqueue_indirect_dma source(%dma_start3A_315 : memref<1000064xf32, #tpu.memory_space<hbm>>) target(%dma_start3A_308 : memref<128xf32, #tpu.memory_space<vmem>>) offsets(%dma_start3A_311 : memref<128xi32, #tpu.memory_space<vmem>>) semaphore(%arg18 : memref<!tpu.dma_semaphore, #tpu.memory_space<semaphore_mem>>)
    %dma_start3A_316 = arith.constant 0 : i32
    %dma_start3A_317 = arith.constant 5 : i32
    %dma_start3A_318 = arith.constant 0 : i32
    %dma_start3A_319 = tpu.memref_slice %arg17[%dma_start3A_317, %dma_start3A_318] : memref<10x512xf32, #tpu.memory_space<vmem>> -> memref<1x512xf32, #tpu.memory_space<vmem>>
    %dma_start3A_320 = tpu.memref_squeeze %dma_start3A_319 : memref<1x512xf32, #tpu.memory_space<vmem>> -> memref<512xf32, #tpu.memory_space<vmem>>
    %dma_start3A_321 = arith.constant 0 : i32
    %dma_start3A_322 = tpu.memref_slice %dma_start3A_320[%dma_start3A_321] : memref<512xf32, #tpu.memory_space<vmem>> -> memref<128xf32, #tpu.memory_space<vmem>>
    %dma_start3A_323 = arith.constant 0 : i32
    %dma_start3A_324 = tpu.memref_slice %arg16[%dma_start3A_316, %dma_start3A_323] : memref<4x128xi32, #tpu.memory_space<vmem>> -> memref<1x128xi32, #tpu.memory_space<vmem>>
    %dma_start3A_325 = tpu.memref_squeeze %dma_start3A_324 : memref<1x128xi32, #tpu.memory_space<vmem>> -> memref<128xi32, #tpu.memory_space<vmem>>
    %dma_start3A_326 = arith.constant 1000064 : i32
    %dma_start3A_327 = tpu.memref_slice %arg4[%dma_start3A_326] : memref<3000192xf32, #tpu.memory_space<hbm>> -> memref<1000064xf32, #tpu.memory_space<hbm>>
    %dma_start3A_328 = arith.constant 0 : i32
    %dma_start3A_329 = tpu.memref_slice %dma_start3A_327[%dma_start3A_328] : memref<1000064xf32, #tpu.memory_space<hbm>> -> memref<1000064xf32, #tpu.memory_space<hbm>>
    tpu.enqueue_indirect_dma source(%dma_start3A_329 : memref<1000064xf32, #tpu.memory_space<hbm>>) target(%dma_start3A_322 : memref<128xf32, #tpu.memory_space<vmem>>) offsets(%dma_start3A_325 : memref<128xi32, #tpu.memory_space<vmem>>) semaphore(%arg18 : memref<!tpu.dma_semaphore, #tpu.memory_space<semaphore_mem>>)
    %dma_start3A_330 = arith.constant 1 : i32
    %dma_start3A_331 = arith.constant 5 : i32
    %dma_start3A_332 = arith.constant 0 : i32
    %dma_start3A_333 = tpu.memref_slice %arg17[%dma_start3A_331, %dma_start3A_332] : memref<10x512xf32, #tpu.memory_space<vmem>> -> memref<1x512xf32, #tpu.memory_space<vmem>>
    %dma_start3A_334 = tpu.memref_squeeze %dma_start3A_333 : memref<1x512xf32, #tpu.memory_space<vmem>> -> memref<512xf32, #tpu.memory_space<vmem>>
    %dma_start3A_335 = arith.constant 128 : i32
    %dma_start3A_336 = tpu.memref_slice %dma_start3A_334[%dma_start3A_335] : memref<512xf32, #tpu.memory_space<vmem>> -> memref<128xf32, #tpu.memory_space<vmem>>
    %dma_start3A_337 = arith.constant 0 : i32
    %dma_start3A_338 = tpu.memref_slice %arg16[%dma_start3A_330, %dma_start3A_337] : memref<4x128xi32, #tpu.memory_space<vmem>> -> memref<1x128xi32, #tpu.memory_space<vmem>>
    %dma_start3A_339 = tpu.memref_squeeze %dma_start3A_338 : memref<1x128xi32, #tpu.memory_space<vmem>> -> memref<128xi32, #tpu.memory_space<vmem>>
    %dma_start3A_340 = arith.constant 1000064 : i32
    %dma_start3A_341 = tpu.memref_slice %arg4[%dma_start3A_340] : memref<3000192xf32, #tpu.memory_space<hbm>> -> memref<1000064xf32, #tpu.memory_space<hbm>>
    %dma_start3A_342 = arith.constant 0 : i32
    %dma_start3A_343 = tpu.memref_slice %dma_start3A_341[%dma_start3A_342] : memref<1000064xf32, #tpu.memory_space<hbm>> -> memref<1000064xf32, #tpu.memory_space<hbm>>
    tpu.enqueue_indirect_dma source(%dma_start3A_343 : memref<1000064xf32, #tpu.memory_space<hbm>>) target(%dma_start3A_336 : memref<128xf32, #tpu.memory_space<vmem>>) offsets(%dma_start3A_339 : memref<128xi32, #tpu.memory_space<vmem>>) semaphore(%arg18 : memref<!tpu.dma_semaphore, #tpu.memory_space<semaphore_mem>>)
    %dma_start3A_344 = arith.constant 2 : i32
    %dma_start3A_345 = arith.constant 5 : i32
    %dma_start3A_346 = arith.constant 0 : i32
    %dma_start3A_347 = tpu.memref_slice %arg17[%dma_start3A_345, %dma_start3A_346] : memref<10x512xf32, #tpu.memory_space<vmem>> -> memref<1x512xf32, #tpu.memory_space<vmem>>
    %dma_start3A_348 = tpu.memref_squeeze %dma_start3A_347 : memref<1x512xf32, #tpu.memory_space<vmem>> -> memref<512xf32, #tpu.memory_space<vmem>>
    %dma_start3A_349 = arith.constant 256 : i32
    %dma_start3A_350 = tpu.memref_slice %dma_start3A_348[%dma_start3A_349] : memref<512xf32, #tpu.memory_space<vmem>> -> memref<128xf32, #tpu.memory_space<vmem>>
    %dma_start3A_351 = arith.constant 0 : i32
    %dma_start3A_352 = tpu.memref_slice %arg16[%dma_start3A_344, %dma_start3A_351] : memref<4x128xi32, #tpu.memory_space<vmem>> -> memref<1x128xi32, #tpu.memory_space<vmem>>
    %dma_start3A_353 = tpu.memref_squeeze %dma_start3A_352 : memref<1x128xi32, #tpu.memory_space<vmem>> -> memref<128xi32, #tpu.memory_space<vmem>>
    %dma_start3A_354 = arith.constant 1000064 : i32
    %dma_start3A_355 = tpu.memref_slice %arg4[%dma_start3A_354] : memref<3000192xf32, #tpu.memory_space<hbm>> -> memref<1000064xf32, #tpu.memory_space<hbm>>
    %dma_start3A_356 = arith.constant 0 : i32
    %dma_start3A_357 = tpu.memref_slice %dma_start3A_355[%dma_start3A_356] : memref<1000064xf32, #tpu.memory_space<hbm>> -> memref<1000064xf32, #tpu.memory_space<hbm>>
    tpu.enqueue_indirect_dma source(%dma_start3A_357 : memref<1000064xf32, #tpu.memory_space<hbm>>) target(%dma_start3A_350 : memref<128xf32, #tpu.memory_space<vmem>>) offsets(%dma_start3A_353 : memref<128xi32, #tpu.memory_space<vmem>>) semaphore(%arg18 : memref<!tpu.dma_semaphore, #tpu.memory_space<semaphore_mem>>)
    %dma_start3A_358 = arith.constant 3 : i32
    %dma_start3A_359 = arith.constant 5 : i32
    %dma_start3A_360 = arith.constant 0 : i32
    %dma_start3A_361 = tpu.memref_slice %arg17[%dma_start3A_359, %dma_start3A_360] : memref<10x512xf32, #tpu.memory_space<vmem>> -> memref<1x512xf32, #tpu.memory_space<vmem>>
    %dma_start3A_362 = tpu.memref_squeeze %dma_start3A_361 : memref<1x512xf32, #tpu.memory_space<vmem>> -> memref<512xf32, #tpu.memory_space<vmem>>
    %dma_start3A_363 = arith.constant 384 : i32
    %dma_start3A_364 = tpu.memref_slice %dma_start3A_362[%dma_start3A_363] : memref<512xf32, #tpu.memory_space<vmem>> -> memref<128xf32, #tpu.memory_space<vmem>>
    %dma_start3A_365 = arith.constant 0 : i32
    %dma_start3A_366 = tpu.memref_slice %arg16[%dma_start3A_358, %dma_start3A_365] : memref<4x128xi32, #tpu.memory_space<vmem>> -> memref<1x128xi32, #tpu.memory_space<vmem>>
    %dma_start3A_367 = tpu.memref_squeeze %dma_start3A_366 : memref<1x128xi32, #tpu.memory_space<vmem>> -> memref<128xi32, #tpu.memory_space<vmem>>
    %dma_start3A_368 = arith.constant 1000064 : i32
    %dma_start3A_369 = tpu.memref_slice %arg4[%dma_start3A_368] : memref<3000192xf32, #tpu.memory_space<hbm>> -> memref<1000064xf32, #tpu.memory_space<hbm>>
    %dma_start3A_370 = arith.constant 0 : i32
    %dma_start3A_371 = tpu.memref_slice %dma_start3A_369[%dma_start3A_370] : memref<1000064xf32, #tpu.memory_space<hbm>> -> memref<1000064xf32, #tpu.memory_space<hbm>>
    tpu.enqueue_indirect_dma source(%dma_start3A_371 : memref<1000064xf32, #tpu.memory_space<hbm>>) target(%dma_start3A_364 : memref<128xf32, #tpu.memory_space<vmem>>) offsets(%dma_start3A_367 : memref<128xi32, #tpu.memory_space<vmem>>) semaphore(%arg18 : memref<!tpu.dma_semaphore, #tpu.memory_space<semaphore_mem>>)
    %dma_start3A_372 = arith.constant 0 : i32
    %dma_start3A_373 = arith.constant 6 : i32
    %dma_start3A_374 = arith.constant 0 : i32
    %dma_start3A_375 = tpu.memref_slice %arg17[%dma_start3A_373, %dma_start3A_374] : memref<10x512xf32, #tpu.memory_space<vmem>> -> memref<1x512xf32, #tpu.memory_space<vmem>>
    %dma_start3A_376 = tpu.memref_squeeze %dma_start3A_375 : memref<1x512xf32, #tpu.memory_space<vmem>> -> memref<512xf32, #tpu.memory_space<vmem>>
    %dma_start3A_377 = arith.constant 0 : i32
    %dma_start3A_378 = tpu.memref_slice %dma_start3A_376[%dma_start3A_377] : memref<512xf32, #tpu.memory_space<vmem>> -> memref<128xf32, #tpu.memory_space<vmem>>
    %dma_start3A_379 = arith.constant 0 : i32
    %dma_start3A_380 = tpu.memref_slice %arg16[%dma_start3A_372, %dma_start3A_379] : memref<4x128xi32, #tpu.memory_space<vmem>> -> memref<1x128xi32, #tpu.memory_space<vmem>>
    %dma_start3A_381 = tpu.memref_squeeze %dma_start3A_380 : memref<1x128xi32, #tpu.memory_space<vmem>> -> memref<128xi32, #tpu.memory_space<vmem>>
    %dma_start3A_382 = arith.constant 2000128 : i32
    %dma_start3A_383 = tpu.memref_slice %arg4[%dma_start3A_382] : memref<3000192xf32, #tpu.memory_space<hbm>> -> memref<1000064xf32, #tpu.memory_space<hbm>>
    %dma_start3A_384 = arith.constant 0 : i32
    %dma_start3A_385 = tpu.memref_slice %dma_start3A_383[%dma_start3A_384] : memref<1000064xf32, #tpu.memory_space<hbm>> -> memref<1000064xf32, #tpu.memory_space<hbm>>
    tpu.enqueue_indirect_dma source(%dma_start3A_385 : memref<1000064xf32, #tpu.memory_space<hbm>>) target(%dma_start3A_378 : memref<128xf32, #tpu.memory_space<vmem>>) offsets(%dma_start3A_381 : memref<128xi32, #tpu.memory_space<vmem>>) semaphore(%arg18 : memref<!tpu.dma_semaphore, #tpu.memory_space<semaphore_mem>>)
    %dma_start3A_386 = arith.constant 1 : i32
    %dma_start3A_387 = arith.constant 6 : i32
    %dma_start3A_388 = arith.constant 0 : i32
    %dma_start3A_389 = tpu.memref_slice %arg17[%dma_start3A_387, %dma_start3A_388] : memref<10x512xf32, #tpu.memory_space<vmem>> -> memref<1x512xf32, #tpu.memory_space<vmem>>
    %dma_start3A_390 = tpu.memref_squeeze %dma_start3A_389 : memref<1x512xf32, #tpu.memory_space<vmem>> -> memref<512xf32, #tpu.memory_space<vmem>>
    %dma_start3A_391 = arith.constant 128 : i32
    %dma_start3A_392 = tpu.memref_slice %dma_start3A_390[%dma_start3A_391] : memref<512xf32, #tpu.memory_space<vmem>> -> memref<128xf32, #tpu.memory_space<vmem>>
    %dma_start3A_393 = arith.constant 0 : i32
    %dma_start3A_394 = tpu.memref_slice %arg16[%dma_start3A_386, %dma_start3A_393] : memref<4x128xi32, #tpu.memory_space<vmem>> -> memref<1x128xi32, #tpu.memory_space<vmem>>
    %dma_start3A_395 = tpu.memref_squeeze %dma_start3A_394 : memref<1x128xi32, #tpu.memory_space<vmem>> -> memref<128xi32, #tpu.memory_space<vmem>>
    %dma_start3A_396 = arith.constant 2000128 : i32
    %dma_start3A_397 = tpu.memref_slice %arg4[%dma_start3A_396] : memref<3000192xf32, #tpu.memory_space<hbm>> -> memref<1000064xf32, #tpu.memory_space<hbm>>
    %dma_start3A_398 = arith.constant 0 : i32
    %dma_start3A_399 = tpu.memref_slice %dma_start3A_397[%dma_start3A_398] : memref<1000064xf32, #tpu.memory_space<hbm>> -> memref<1000064xf32, #tpu.memory_space<hbm>>
    tpu.enqueue_indirect_dma source(%dma_start3A_399 : memref<1000064xf32, #tpu.memory_space<hbm>>) target(%dma_start3A_392 : memref<128xf32, #tpu.memory_space<vmem>>) offsets(%dma_start3A_395 : memref<128xi32, #tpu.memory_space<vmem>>) semaphore(%arg18 : memref<!tpu.dma_semaphore, #tpu.memory_space<semaphore_mem>>)
    %dma_start3A_400 = arith.constant 2 : i32
    %dma_start3A_401 = arith.constant 6 : i32
    %dma_start3A_402 = arith.constant 0 : i32
    %dma_start3A_403 = tpu.memref_slice %arg17[%dma_start3A_401, %dma_start3A_402] : memref<10x512xf32, #tpu.memory_space<vmem>> -> memref<1x512xf32, #tpu.memory_space<vmem>>
    %dma_start3A_404 = tpu.memref_squeeze %dma_start3A_403 : memref<1x512xf32, #tpu.memory_space<vmem>> -> memref<512xf32, #tpu.memory_space<vmem>>
    %dma_start3A_405 = arith.constant 256 : i32
    %dma_start3A_406 = tpu.memref_slice %dma_start3A_404[%dma_start3A_405] : memref<512xf32, #tpu.memory_space<vmem>> -> memref<128xf32, #tpu.memory_space<vmem>>
    %dma_start3A_407 = arith.constant 0 : i32
    %dma_start3A_408 = tpu.memref_slice %arg16[%dma_start3A_400, %dma_start3A_407] : memref<4x128xi32, #tpu.memory_space<vmem>> -> memref<1x128xi32, #tpu.memory_space<vmem>>
    %dma_start3A_409 = tpu.memref_squeeze %dma_start3A_408 : memref<1x128xi32, #tpu.memory_space<vmem>> -> memref<128xi32, #tpu.memory_space<vmem>>
    %dma_start3A_410 = arith.constant 2000128 : i32
    %dma_start3A_411 = tpu.memref_slice %arg4[%dma_start3A_410] : memref<3000192xf32, #tpu.memory_space<hbm>> -> memref<1000064xf32, #tpu.memory_space<hbm>>
    %dma_start3A_412 = arith.constant 0 : i32
    %dma_start3A_413 = tpu.memref_slice %dma_start3A_411[%dma_start3A_412] : memref<1000064xf32, #tpu.memory_space<hbm>> -> memref<1000064xf32, #tpu.memory_space<hbm>>
    tpu.enqueue_indirect_dma source(%dma_start3A_413 : memref<1000064xf32, #tpu.memory_space<hbm>>) target(%dma_start3A_406 : memref<128xf32, #tpu.memory_space<vmem>>) offsets(%dma_start3A_409 : memref<128xi32, #tpu.memory_space<vmem>>) semaphore(%arg18 : memref<!tpu.dma_semaphore, #tpu.memory_space<semaphore_mem>>)
    %dma_start3A_414 = arith.constant 3 : i32
    %dma_start3A_415 = arith.constant 6 : i32
    %dma_start3A_416 = arith.constant 0 : i32
    %dma_start3A_417 = tpu.memref_slice %arg17[%dma_start3A_415, %dma_start3A_416] : memref<10x512xf32, #tpu.memory_space<vmem>> -> memref<1x512xf32, #tpu.memory_space<vmem>>
    %dma_start3A_418 = tpu.memref_squeeze %dma_start3A_417 : memref<1x512xf32, #tpu.memory_space<vmem>> -> memref<512xf32, #tpu.memory_space<vmem>>
    %dma_start3A_419 = arith.constant 384 : i32
    %dma_start3A_420 = tpu.memref_slice %dma_start3A_418[%dma_start3A_419] : memref<512xf32, #tpu.memory_space<vmem>> -> memref<128xf32, #tpu.memory_space<vmem>>
    %dma_start3A_421 = arith.constant 0 : i32
    %dma_start3A_422 = tpu.memref_slice %arg16[%dma_start3A_414, %dma_start3A_421] : memref<4x128xi32, #tpu.memory_space<vmem>> -> memref<1x128xi32, #tpu.memory_space<vmem>>
    %dma_start3A_423 = tpu.memref_squeeze %dma_start3A_422 : memref<1x128xi32, #tpu.memory_space<vmem>> -> memref<128xi32, #tpu.memory_space<vmem>>
    %dma_start3A_424 = arith.constant 2000128 : i32
    %dma_start3A_425 = tpu.memref_slice %arg4[%dma_start3A_424] : memref<3000192xf32, #tpu.memory_space<hbm>> -> memref<1000064xf32, #tpu.memory_space<hbm>>
    %dma_start3A_426 = arith.constant 0 : i32
    %dma_start3A_427 = tpu.memref_slice %dma_start3A_425[%dma_start3A_426] : memref<1000064xf32, #tpu.memory_space<hbm>> -> memref<1000064xf32, #tpu.memory_space<hbm>>
    tpu.enqueue_indirect_dma source(%dma_start3A_427 : memref<1000064xf32, #tpu.memory_space<hbm>>) target(%dma_start3A_420 : memref<128xf32, #tpu.memory_space<vmem>>) offsets(%dma_start3A_423 : memref<128xi32, #tpu.memory_space<vmem>>) semaphore(%arg18 : memref<!tpu.dma_semaphore, #tpu.memory_space<semaphore_mem>>)
    %dma_start3A_428 = arith.constant 0 : i32
    %dma_start3A_429 = arith.constant 7 : i32
    %dma_start3A_430 = arith.constant 0 : i32
    %dma_start3A_431 = tpu.memref_slice %arg17[%dma_start3A_429, %dma_start3A_430] : memref<10x512xf32, #tpu.memory_space<vmem>> -> memref<1x512xf32, #tpu.memory_space<vmem>>
    %dma_start3A_432 = tpu.memref_squeeze %dma_start3A_431 : memref<1x512xf32, #tpu.memory_space<vmem>> -> memref<512xf32, #tpu.memory_space<vmem>>
    %dma_start3A_433 = arith.constant 0 : i32
    %dma_start3A_434 = tpu.memref_slice %dma_start3A_432[%dma_start3A_433] : memref<512xf32, #tpu.memory_space<vmem>> -> memref<128xf32, #tpu.memory_space<vmem>>
    %dma_start3A_435 = arith.constant 0 : i32
    %dma_start3A_436 = tpu.memref_slice %arg16[%dma_start3A_428, %dma_start3A_435] : memref<4x128xi32, #tpu.memory_space<vmem>> -> memref<1x128xi32, #tpu.memory_space<vmem>>
    %dma_start3A_437 = tpu.memref_squeeze %dma_start3A_436 : memref<1x128xi32, #tpu.memory_space<vmem>> -> memref<128xi32, #tpu.memory_space<vmem>>
    %dma_start3A_438 = arith.constant 0 : i32
    %dma_start3A_439 = tpu.memref_slice %arg5[%dma_start3A_438] : memref<3000192xf32, #tpu.memory_space<hbm>> -> memref<1000064xf32, #tpu.memory_space<hbm>>
    %dma_start3A_440 = arith.constant 0 : i32
    %dma_start3A_441 = tpu.memref_slice %dma_start3A_439[%dma_start3A_440] : memref<1000064xf32, #tpu.memory_space<hbm>> -> memref<1000064xf32, #tpu.memory_space<hbm>>
    tpu.enqueue_indirect_dma source(%dma_start3A_441 : memref<1000064xf32, #tpu.memory_space<hbm>>) target(%dma_start3A_434 : memref<128xf32, #tpu.memory_space<vmem>>) offsets(%dma_start3A_437 : memref<128xi32, #tpu.memory_space<vmem>>) semaphore(%arg18 : memref<!tpu.dma_semaphore, #tpu.memory_space<semaphore_mem>>)
    %dma_start3A_442 = arith.constant 1 : i32
    %dma_start3A_443 = arith.constant 7 : i32
    %dma_start3A_444 = arith.constant 0 : i32
    %dma_start3A_445 = tpu.memref_slice %arg17[%dma_start3A_443, %dma_start3A_444] : memref<10x512xf32, #tpu.memory_space<vmem>> -> memref<1x512xf32, #tpu.memory_space<vmem>>
    %dma_start3A_446 = tpu.memref_squeeze %dma_start3A_445 : memref<1x512xf32, #tpu.memory_space<vmem>> -> memref<512xf32, #tpu.memory_space<vmem>>
    %dma_start3A_447 = arith.constant 128 : i32
    %dma_start3A_448 = tpu.memref_slice %dma_start3A_446[%dma_start3A_447] : memref<512xf32, #tpu.memory_space<vmem>> -> memref<128xf32, #tpu.memory_space<vmem>>
    %dma_start3A_449 = arith.constant 0 : i32
    %dma_start3A_450 = tpu.memref_slice %arg16[%dma_start3A_442, %dma_start3A_449] : memref<4x128xi32, #tpu.memory_space<vmem>> -> memref<1x128xi32, #tpu.memory_space<vmem>>
    %dma_start3A_451 = tpu.memref_squeeze %dma_start3A_450 : memref<1x128xi32, #tpu.memory_space<vmem>> -> memref<128xi32, #tpu.memory_space<vmem>>
    %dma_start3A_452 = arith.constant 0 : i32
    %dma_start3A_453 = tpu.memref_slice %arg5[%dma_start3A_452] : memref<3000192xf32, #tpu.memory_space<hbm>> -> memref<1000064xf32, #tpu.memory_space<hbm>>
    %dma_start3A_454 = arith.constant 0 : i32
    %dma_start3A_455 = tpu.memref_slice %dma_start3A_453[%dma_start3A_454] : memref<1000064xf32, #tpu.memory_space<hbm>> -> memref<1000064xf32, #tpu.memory_space<hbm>>
    tpu.enqueue_indirect_dma source(%dma_start3A_455 : memref<1000064xf32, #tpu.memory_space<hbm>>) target(%dma_start3A_448 : memref<128xf32, #tpu.memory_space<vmem>>) offsets(%dma_start3A_451 : memref<128xi32, #tpu.memory_space<vmem>>) semaphore(%arg18 : memref<!tpu.dma_semaphore, #tpu.memory_space<semaphore_mem>>)
    %dma_start3A_456 = arith.constant 2 : i32
    %dma_start3A_457 = arith.constant 7 : i32
    %dma_start3A_458 = arith.constant 0 : i32
    %dma_start3A_459 = tpu.memref_slice %arg17[%dma_start3A_457, %dma_start3A_458] : memref<10x512xf32, #tpu.memory_space<vmem>> -> memref<1x512xf32, #tpu.memory_space<vmem>>
    %dma_start3A_460 = tpu.memref_squeeze %dma_start3A_459 : memref<1x512xf32, #tpu.memory_space<vmem>> -> memref<512xf32, #tpu.memory_space<vmem>>
    %dma_start3A_461 = arith.constant 256 : i32
    %dma_start3A_462 = tpu.memref_slice %dma_start3A_460[%dma_start3A_461] : memref<512xf32, #tpu.memory_space<vmem>> -> memref<128xf32, #tpu.memory_space<vmem>>
    %dma_start3A_463 = arith.constant 0 : i32
    %dma_start3A_464 = tpu.memref_slice %arg16[%dma_start3A_456, %dma_start3A_463] : memref<4x128xi32, #tpu.memory_space<vmem>> -> memref<1x128xi32, #tpu.memory_space<vmem>>
    %dma_start3A_465 = tpu.memref_squeeze %dma_start3A_464 : memref<1x128xi32, #tpu.memory_space<vmem>> -> memref<128xi32, #tpu.memory_space<vmem>>
    %dma_start3A_466 = arith.constant 0 : i32
    %dma_start3A_467 = tpu.memref_slice %arg5[%dma_start3A_466] : memref<3000192xf32, #tpu.memory_space<hbm>> -> memref<1000064xf32, #tpu.memory_space<hbm>>
    %dma_start3A_468 = arith.constant 0 : i32
    %dma_start3A_469 = tpu.memref_slice %dma_start3A_467[%dma_start3A_468] : memref<1000064xf32, #tpu.memory_space<hbm>> -> memref<1000064xf32, #tpu.memory_space<hbm>>
    tpu.enqueue_indirect_dma source(%dma_start3A_469 : memref<1000064xf32, #tpu.memory_space<hbm>>) target(%dma_start3A_462 : memref<128xf32, #tpu.memory_space<vmem>>) offsets(%dma_start3A_465 : memref<128xi32, #tpu.memory_space<vmem>>) semaphore(%arg18 : memref<!tpu.dma_semaphore, #tpu.memory_space<semaphore_mem>>)
    %dma_start3A_470 = arith.constant 3 : i32
    %dma_start3A_471 = arith.constant 7 : i32
    %dma_start3A_472 = arith.constant 0 : i32
    %dma_start3A_473 = tpu.memref_slice %arg17[%dma_start3A_471, %dma_start3A_472] : memref<10x512xf32, #tpu.memory_space<vmem>> -> memref<1x512xf32, #tpu.memory_space<vmem>>
    %dma_start3A_474 = tpu.memref_squeeze %dma_start3A_473 : memref<1x512xf32, #tpu.memory_space<vmem>> -> memref<512xf32, #tpu.memory_space<vmem>>
    %dma_start3A_475 = arith.constant 384 : i32
    %dma_start3A_476 = tpu.memref_slice %dma_start3A_474[%dma_start3A_475] : memref<512xf32, #tpu.memory_space<vmem>> -> memref<128xf32, #tpu.memory_space<vmem>>
    %dma_start3A_477 = arith.constant 0 : i32
    %dma_start3A_478 = tpu.memref_slice %arg16[%dma_start3A_470, %dma_start3A_477] : memref<4x128xi32, #tpu.memory_space<vmem>> -> memref<1x128xi32, #tpu.memory_space<vmem>>
    %dma_start3A_479 = tpu.memref_squeeze %dma_start3A_478 : memref<1x128xi32, #tpu.memory_space<vmem>> -> memref<128xi32, #tpu.memory_space<vmem>>
    %dma_start3A_480 = arith.constant 0 : i32
    %dma_start3A_481 = tpu.memref_slice %arg5[%dma_start3A_480] : memref<3000192xf32, #tpu.memory_space<hbm>> -> memref<1000064xf32, #tpu.memory_space<hbm>>
    %dma_start3A_482 = arith.constant 0 : i32
    %dma_start3A_483 = tpu.memref_slice %dma_start3A_481[%dma_start3A_482] : memref<1000064xf32, #tpu.memory_space<hbm>> -> memref<1000064xf32, #tpu.memory_space<hbm>>
    tpu.enqueue_indirect_dma source(%dma_start3A_483 : memref<1000064xf32, #tpu.memory_space<hbm>>) target(%dma_start3A_476 : memref<128xf32, #tpu.memory_space<vmem>>) offsets(%dma_start3A_479 : memref<128xi32, #tpu.memory_space<vmem>>) semaphore(%arg18 : memref<!tpu.dma_semaphore, #tpu.memory_space<semaphore_mem>>)
    %dma_start3A_484 = arith.constant 0 : i32
    %dma_start3A_485 = arith.constant 8 : i32
    %dma_start3A_486 = arith.constant 0 : i32
    %dma_start3A_487 = tpu.memref_slice %arg17[%dma_start3A_485, %dma_start3A_486] : memref<10x512xf32, #tpu.memory_space<vmem>> -> memref<1x512xf32, #tpu.memory_space<vmem>>
    %dma_start3A_488 = tpu.memref_squeeze %dma_start3A_487 : memref<1x512xf32, #tpu.memory_space<vmem>> -> memref<512xf32, #tpu.memory_space<vmem>>
    %dma_start3A_489 = arith.constant 0 : i32
    %dma_start3A_490 = tpu.memref_slice %dma_start3A_488[%dma_start3A_489] : memref<512xf32, #tpu.memory_space<vmem>> -> memref<128xf32, #tpu.memory_space<vmem>>
    %dma_start3A_491 = arith.constant 0 : i32
    %dma_start3A_492 = tpu.memref_slice %arg16[%dma_start3A_484, %dma_start3A_491] : memref<4x128xi32, #tpu.memory_space<vmem>> -> memref<1x128xi32, #tpu.memory_space<vmem>>
    %dma_start3A_493 = tpu.memref_squeeze %dma_start3A_492 : memref<1x128xi32, #tpu.memory_space<vmem>> -> memref<128xi32, #tpu.memory_space<vmem>>
    %dma_start3A_494 = arith.constant 1000064 : i32
    %dma_start3A_495 = tpu.memref_slice %arg5[%dma_start3A_494] : memref<3000192xf32, #tpu.memory_space<hbm>> -> memref<1000064xf32, #tpu.memory_space<hbm>>
    %dma_start3A_496 = arith.constant 0 : i32
    %dma_start3A_497 = tpu.memref_slice %dma_start3A_495[%dma_start3A_496] : memref<1000064xf32, #tpu.memory_space<hbm>> -> memref<1000064xf32, #tpu.memory_space<hbm>>
    tpu.enqueue_indirect_dma source(%dma_start3A_497 : memref<1000064xf32, #tpu.memory_space<hbm>>) target(%dma_start3A_490 : memref<128xf32, #tpu.memory_space<vmem>>) offsets(%dma_start3A_493 : memref<128xi32, #tpu.memory_space<vmem>>) semaphore(%arg18 : memref<!tpu.dma_semaphore, #tpu.memory_space<semaphore_mem>>)
    %dma_start3A_498 = arith.constant 1 : i32
    %dma_start3A_499 = arith.constant 8 : i32
    %dma_start3A_500 = arith.constant 0 : i32
    %dma_start3A_501 = tpu.memref_slice %arg17[%dma_start3A_499, %dma_start3A_500] : memref<10x512xf32, #tpu.memory_space<vmem>> -> memref<1x512xf32, #tpu.memory_space<vmem>>
    %dma_start3A_502 = tpu.memref_squeeze %dma_start3A_501 : memref<1x512xf32, #tpu.memory_space<vmem>> -> memref<512xf32, #tpu.memory_space<vmem>>
    %dma_start3A_503 = arith.constant 128 : i32
    %dma_start3A_504 = tpu.memref_slice %dma_start3A_502[%dma_start3A_503] : memref<512xf32, #tpu.memory_space<vmem>> -> memref<128xf32, #tpu.memory_space<vmem>>
    %dma_start3A_505 = arith.constant 0 : i32
    %dma_start3A_506 = tpu.memref_slice %arg16[%dma_start3A_498, %dma_start3A_505] : memref<4x128xi32, #tpu.memory_space<vmem>> -> memref<1x128xi32, #tpu.memory_space<vmem>>
    %dma_start3A_507 = tpu.memref_squeeze %dma_start3A_506 : memref<1x128xi32, #tpu.memory_space<vmem>> -> memref<128xi32, #tpu.memory_space<vmem>>
    %dma_start3A_508 = arith.constant 1000064 : i32
    %dma_start3A_509 = tpu.memref_slice %arg5[%dma_start3A_508] : memref<3000192xf32, #tpu.memory_space<hbm>> -> memref<1000064xf32, #tpu.memory_space<hbm>>
    %dma_start3A_510 = arith.constant 0 : i32
    %dma_start3A_511 = tpu.memref_slice %dma_start3A_509[%dma_start3A_510] : memref<1000064xf32, #tpu.memory_space<hbm>> -> memref<1000064xf32, #tpu.memory_space<hbm>>
    tpu.enqueue_indirect_dma source(%dma_start3A_511 : memref<1000064xf32, #tpu.memory_space<hbm>>) target(%dma_start3A_504 : memref<128xf32, #tpu.memory_space<vmem>>) offsets(%dma_start3A_507 : memref<128xi32, #tpu.memory_space<vmem>>) semaphore(%arg18 : memref<!tpu.dma_semaphore, #tpu.memory_space<semaphore_mem>>)
    %dma_start3A_512 = arith.constant 2 : i32
    %dma_start3A_513 = arith.constant 8 : i32
    %dma_start3A_514 = arith.constant 0 : i32
    %dma_start3A_515 = tpu.memref_slice %arg17[%dma_start3A_513, %dma_start3A_514] : memref<10x512xf32, #tpu.memory_space<vmem>> -> memref<1x512xf32, #tpu.memory_space<vmem>>
    %dma_start3A_516 = tpu.memref_squeeze %dma_start3A_515 : memref<1x512xf32, #tpu.memory_space<vmem>> -> memref<512xf32, #tpu.memory_space<vmem>>
    %dma_start3A_517 = arith.constant 256 : i32
    %dma_start3A_518 = tpu.memref_slice %dma_start3A_516[%dma_start3A_517] : memref<512xf32, #tpu.memory_space<vmem>> -> memref<128xf32, #tpu.memory_space<vmem>>
    %dma_start3A_519 = arith.constant 0 : i32
    %dma_start3A_520 = tpu.memref_slice %arg16[%dma_start3A_512, %dma_start3A_519] : memref<4x128xi32, #tpu.memory_space<vmem>> -> memref<1x128xi32, #tpu.memory_space<vmem>>
    %dma_start3A_521 = tpu.memref_squeeze %dma_start3A_520 : memref<1x128xi32, #tpu.memory_space<vmem>> -> memref<128xi32, #tpu.memory_space<vmem>>
    %dma_start3A_522 = arith.constant 1000064 : i32
    %dma_start3A_523 = tpu.memref_slice %arg5[%dma_start3A_522] : memref<3000192xf32, #tpu.memory_space<hbm>> -> memref<1000064xf32, #tpu.memory_space<hbm>>
    %dma_start3A_524 = arith.constant 0 : i32
    %dma_start3A_525 = tpu.memref_slice %dma_start3A_523[%dma_start3A_524] : memref<1000064xf32, #tpu.memory_space<hbm>> -> memref<1000064xf32, #tpu.memory_space<hbm>>
    tpu.enqueue_indirect_dma source(%dma_start3A_525 : memref<1000064xf32, #tpu.memory_space<hbm>>) target(%dma_start3A_518 : memref<128xf32, #tpu.memory_space<vmem>>) offsets(%dma_start3A_521 : memref<128xi32, #tpu.memory_space<vmem>>) semaphore(%arg18 : memref<!tpu.dma_semaphore, #tpu.memory_space<semaphore_mem>>)
    %dma_start3A_526 = arith.constant 3 : i32
    %dma_start3A_527 = arith.constant 8 : i32
    %dma_start3A_528 = arith.constant 0 : i32
    %dma_start3A_529 = tpu.memref_slice %arg17[%dma_start3A_527, %dma_start3A_528] : memref<10x512xf32, #tpu.memory_space<vmem>> -> memref<1x512xf32, #tpu.memory_space<vmem>>
    %dma_start3A_530 = tpu.memref_squeeze %dma_start3A_529 : memref<1x512xf32, #tpu.memory_space<vmem>> -> memref<512xf32, #tpu.memory_space<vmem>>
    %dma_start3A_531 = arith.constant 384 : i32
    %dma_start3A_532 = tpu.memref_slice %dma_start3A_530[%dma_start3A_531] : memref<512xf32, #tpu.memory_space<vmem>> -> memref<128xf32, #tpu.memory_space<vmem>>
    %dma_start3A_533 = arith.constant 0 : i32
    %dma_start3A_534 = tpu.memref_slice %arg16[%dma_start3A_526, %dma_start3A_533] : memref<4x128xi32, #tpu.memory_space<vmem>> -> memref<1x128xi32, #tpu.memory_space<vmem>>
    %dma_start3A_535 = tpu.memref_squeeze %dma_start3A_534 : memref<1x128xi32, #tpu.memory_space<vmem>> -> memref<128xi32, #tpu.memory_space<vmem>>
    %dma_start3A_536 = arith.constant 1000064 : i32
    %dma_start3A_537 = tpu.memref_slice %arg5[%dma_start3A_536] : memref<3000192xf32, #tpu.memory_space<hbm>> -> memref<1000064xf32, #tpu.memory_space<hbm>>
    %dma_start3A_538 = arith.constant 0 : i32
    %dma_start3A_539 = tpu.memref_slice %dma_start3A_537[%dma_start3A_538] : memref<1000064xf32, #tpu.memory_space<hbm>> -> memref<1000064xf32, #tpu.memory_space<hbm>>
    tpu.enqueue_indirect_dma source(%dma_start3A_539 : memref<1000064xf32, #tpu.memory_space<hbm>>) target(%dma_start3A_532 : memref<128xf32, #tpu.memory_space<vmem>>) offsets(%dma_start3A_535 : memref<128xi32, #tpu.memory_space<vmem>>) semaphore(%arg18 : memref<!tpu.dma_semaphore, #tpu.memory_space<semaphore_mem>>)
    %dma_start3A_540 = arith.constant 0 : i32
    %dma_start3A_541 = arith.constant 9 : i32
    %dma_start3A_542 = arith.constant 0 : i32
    %dma_start3A_543 = tpu.memref_slice %arg17[%dma_start3A_541, %dma_start3A_542] : memref<10x512xf32, #tpu.memory_space<vmem>> -> memref<1x512xf32, #tpu.memory_space<vmem>>
    %dma_start3A_544 = tpu.memref_squeeze %dma_start3A_543 : memref<1x512xf32, #tpu.memory_space<vmem>> -> memref<512xf32, #tpu.memory_space<vmem>>
    %dma_start3A_545 = arith.constant 0 : i32
    %dma_start3A_546 = tpu.memref_slice %dma_start3A_544[%dma_start3A_545] : memref<512xf32, #tpu.memory_space<vmem>> -> memref<128xf32, #tpu.memory_space<vmem>>
    %dma_start3A_547 = arith.constant 0 : i32
    %dma_start3A_548 = tpu.memref_slice %arg16[%dma_start3A_540, %dma_start3A_547] : memref<4x128xi32, #tpu.memory_space<vmem>> -> memref<1x128xi32, #tpu.memory_space<vmem>>
    %dma_start3A_549 = tpu.memref_squeeze %dma_start3A_548 : memref<1x128xi32, #tpu.memory_space<vmem>> -> memref<128xi32, #tpu.memory_space<vmem>>
    %dma_start3A_550 = arith.constant 2000128 : i32
    %dma_start3A_551 = tpu.memref_slice %arg5[%dma_start3A_550] : memref<3000192xf32, #tpu.memory_space<hbm>> -> memref<1000064xf32, #tpu.memory_space<hbm>>
    %dma_start3A_552 = arith.constant 0 : i32
    %dma_start3A_553 = tpu.memref_slice %dma_start3A_551[%dma_start3A_552] : memref<1000064xf32, #tpu.memory_space<hbm>> -> memref<1000064xf32, #tpu.memory_space<hbm>>
    tpu.enqueue_indirect_dma source(%dma_start3A_553 : memref<1000064xf32, #tpu.memory_space<hbm>>) target(%dma_start3A_546 : memref<128xf32, #tpu.memory_space<vmem>>) offsets(%dma_start3A_549 : memref<128xi32, #tpu.memory_space<vmem>>) semaphore(%arg18 : memref<!tpu.dma_semaphore, #tpu.memory_space<semaphore_mem>>)
    %dma_start3A_554 = arith.constant 1 : i32
    %dma_start3A_555 = arith.constant 9 : i32
    %dma_start3A_556 = arith.constant 0 : i32
    %dma_start3A_557 = tpu.memref_slice %arg17[%dma_start3A_555, %dma_start3A_556] : memref<10x512xf32, #tpu.memory_space<vmem>> -> memref<1x512xf32, #tpu.memory_space<vmem>>
    %dma_start3A_558 = tpu.memref_squeeze %dma_start3A_557 : memref<1x512xf32, #tpu.memory_space<vmem>> -> memref<512xf32, #tpu.memory_space<vmem>>
    %dma_start3A_559 = arith.constant 128 : i32
    %dma_start3A_560 = tpu.memref_slice %dma_start3A_558[%dma_start3A_559] : memref<512xf32, #tpu.memory_space<vmem>> -> memref<128xf32, #tpu.memory_space<vmem>>
    %dma_start3A_561 = arith.constant 0 : i32
    %dma_start3A_562 = tpu.memref_slice %arg16[%dma_start3A_554, %dma_start3A_561] : memref<4x128xi32, #tpu.memory_space<vmem>> -> memref<1x128xi32, #tpu.memory_space<vmem>>
    %dma_start3A_563 = tpu.memref_squeeze %dma_start3A_562 : memref<1x128xi32, #tpu.memory_space<vmem>> -> memref<128xi32, #tpu.memory_space<vmem>>
    %dma_start3A_564 = arith.constant 2000128 : i32
    %dma_start3A_565 = tpu.memref_slice %arg5[%dma_start3A_564] : memref<3000192xf32, #tpu.memory_space<hbm>> -> memref<1000064xf32, #tpu.memory_space<hbm>>
    %dma_start3A_566 = arith.constant 0 : i32
    %dma_start3A_567 = tpu.memref_slice %dma_start3A_565[%dma_start3A_566] : memref<1000064xf32, #tpu.memory_space<hbm>> -> memref<1000064xf32, #tpu.memory_space<hbm>>
    tpu.enqueue_indirect_dma source(%dma_start3A_567 : memref<1000064xf32, #tpu.memory_space<hbm>>) target(%dma_start3A_560 : memref<128xf32, #tpu.memory_space<vmem>>) offsets(%dma_start3A_563 : memref<128xi32, #tpu.memory_space<vmem>>) semaphore(%arg18 : memref<!tpu.dma_semaphore, #tpu.memory_space<semaphore_mem>>)
    %dma_start3A_568 = arith.constant 2 : i32
    %dma_start3A_569 = arith.constant 9 : i32
    %dma_start3A_570 = arith.constant 0 : i32
    %dma_start3A_571 = tpu.memref_slice %arg17[%dma_start3A_569, %dma_start3A_570] : memref<10x512xf32, #tpu.memory_space<vmem>> -> memref<1x512xf32, #tpu.memory_space<vmem>>
    %dma_start3A_572 = tpu.memref_squeeze %dma_start3A_571 : memref<1x512xf32, #tpu.memory_space<vmem>> -> memref<512xf32, #tpu.memory_space<vmem>>
    %dma_start3A_573 = arith.constant 256 : i32
    %dma_start3A_574 = tpu.memref_slice %dma_start3A_572[%dma_start3A_573] : memref<512xf32, #tpu.memory_space<vmem>> -> memref<128xf32, #tpu.memory_space<vmem>>
    %dma_start3A_575 = arith.constant 0 : i32
    %dma_start3A_576 = tpu.memref_slice %arg16[%dma_start3A_568, %dma_start3A_575] : memref<4x128xi32, #tpu.memory_space<vmem>> -> memref<1x128xi32, #tpu.memory_space<vmem>>
    %dma_start3A_577 = tpu.memref_squeeze %dma_start3A_576 : memref<1x128xi32, #tpu.memory_space<vmem>> -> memref<128xi32, #tpu.memory_space<vmem>>
    %dma_start3A_578 = arith.constant 2000128 : i32
    %dma_start3A_579 = tpu.memref_slice %arg5[%dma_start3A_578] : memref<3000192xf32, #tpu.memory_space<hbm>> -> memref<1000064xf32, #tpu.memory_space<hbm>>
    %dma_start3A_580 = arith.constant 0 : i32
    %dma_start3A_581 = tpu.memref_slice %dma_start3A_579[%dma_start3A_580] : memref<1000064xf32, #tpu.memory_space<hbm>> -> memref<1000064xf32, #tpu.memory_space<hbm>>
    tpu.enqueue_indirect_dma source(%dma_start3A_581 : memref<1000064xf32, #tpu.memory_space<hbm>>) target(%dma_start3A_574 : memref<128xf32, #tpu.memory_space<vmem>>) offsets(%dma_start3A_577 : memref<128xi32, #tpu.memory_space<vmem>>) semaphore(%arg18 : memref<!tpu.dma_semaphore, #tpu.memory_space<semaphore_mem>>)
    %dma_start3A_582 = arith.constant 3 : i32
    %dma_start3A_583 = arith.constant 9 : i32
    %dma_start3A_584 = arith.constant 0 : i32
    %dma_start3A_585 = tpu.memref_slice %arg17[%dma_start3A_583, %dma_start3A_584] : memref<10x512xf32, #tpu.memory_space<vmem>> -> memref<1x512xf32, #tpu.memory_space<vmem>>
    %dma_start3A_586 = tpu.memref_squeeze %dma_start3A_585 : memref<1x512xf32, #tpu.memory_space<vmem>> -> memref<512xf32, #tpu.memory_space<vmem>>
    %dma_start3A_587 = arith.constant 384 : i32
    %dma_start3A_588 = tpu.memref_slice %dma_start3A_586[%dma_start3A_587] : memref<512xf32, #tpu.memory_space<vmem>> -> memref<128xf32, #tpu.memory_space<vmem>>
    %dma_start3A_589 = arith.constant 0 : i32
    %dma_start3A_590 = tpu.memref_slice %arg16[%dma_start3A_582, %dma_start3A_589] : memref<4x128xi32, #tpu.memory_space<vmem>> -> memref<1x128xi32, #tpu.memory_space<vmem>>
    %dma_start3A_591 = tpu.memref_squeeze %dma_start3A_590 : memref<1x128xi32, #tpu.memory_space<vmem>> -> memref<128xi32, #tpu.memory_space<vmem>>
    %dma_start3A_592 = arith.constant 2000128 : i32
    %dma_start3A_593 = tpu.memref_slice %arg5[%dma_start3A_592] : memref<3000192xf32, #tpu.memory_space<hbm>> -> memref<1000064xf32, #tpu.memory_space<hbm>>
    %dma_start3A_594 = arith.constant 0 : i32
    %dma_start3A_595 = tpu.memref_slice %dma_start3A_593[%dma_start3A_594] : memref<1000064xf32, #tpu.memory_space<hbm>> -> memref<1000064xf32, #tpu.memory_space<hbm>>
    tpu.enqueue_indirect_dma source(%dma_start3A_595 : memref<1000064xf32, #tpu.memory_space<hbm>>) target(%dma_start3A_588 : memref<128xf32, #tpu.memory_space<vmem>>) offsets(%dma_start3A_591 : memref<128xi32, #tpu.memory_space<vmem>>) semaphore(%arg18 : memref<!tpu.dma_semaphore, #tpu.memory_space<semaphore_mem>>)
    %dma_wait3A = arith.constant 0 : i32
    %dma_wait3A_596 = arith.constant 0 : i32
    %dma_wait3A_597 = arith.constant 0 : i32
    %dma_wait3A_598 = arith.constant 0 : i32
    %dma_wait3A_599 = tpu.memref_slice %arg17[%dma_wait3A_597, %dma_wait3A_598] : memref<10x512xf32, #tpu.memory_space<vmem>> -> memref<1x512xf32, #tpu.memory_space<vmem>>
    %dma_wait3A_600 = tpu.memref_squeeze %dma_wait3A_599 : memref<1x512xf32, #tpu.memory_space<vmem>> -> memref<512xf32, #tpu.memory_space<vmem>>
    %dma_wait3A_601 = arith.constant 0 : i32
    %dma_wait3A_602 = tpu.memref_slice %dma_wait3A_600[%dma_wait3A_601] : memref<512xf32, #tpu.memory_space<vmem>> -> memref<128xf32, #tpu.memory_space<vmem>>
    %dma_wait3A_603 = arith.constant 0 : i32
    %dma_wait3A_604 = tpu.memref_slice %arg16[%dma_wait3A_596, %dma_wait3A_603] : memref<4x128xi32, #tpu.memory_space<vmem>> -> memref<1x128xi32, #tpu.memory_space<vmem>>
    %dma_wait3A_605 = tpu.memref_squeeze %dma_wait3A_604 : memref<1x128xi32, #tpu.memory_space<vmem>> -> memref<128xi32, #tpu.memory_space<vmem>>
    %dma_wait3A_606 = arith.constant 0 : i32
    %dma_wait3A_607 = tpu.memref_slice %arg3[%dma_wait3A, %dma_wait3A_606] : memref<4x1000000xf32, #tpu.memory_space<hbm>> -> memref<1x1000000xf32, #tpu.memory_space<hbm>>
    %dma_wait3A_608 = tpu.memref_squeeze %dma_wait3A_607 : memref<1x1000000xf32, #tpu.memory_space<hbm>> -> memref<1000000xf32, #tpu.memory_space<hbm>>
    %dma_wait3A_609 = arith.constant 0 : i32
    %dma_wait3A_610 = tpu.memref_slice %dma_wait3A_608[%dma_wait3A_609] : memref<1000000xf32, #tpu.memory_space<hbm>> -> memref<1000000xf32, #tpu.memory_space<hbm>>
    tpu.wait_indirect_dma semaphore(%arg18 : memref<!tpu.dma_semaphore, #tpu.memory_space<semaphore_mem>>) src(%dma_wait3A_610 : memref<1000000xf32, #tpu.memory_space<hbm>>) dst(%dma_wait3A_602 : memref<128xf32, #tpu.memory_space<vmem>>)
    %dma_wait3A_611 = arith.constant 0 : i32
    %dma_wait3A_612 = arith.constant 1 : i32
    %dma_wait3A_613 = arith.constant 0 : i32
    %dma_wait3A_614 = arith.constant 0 : i32
    %dma_wait3A_615 = tpu.memref_slice %arg17[%dma_wait3A_613, %dma_wait3A_614] : memref<10x512xf32, #tpu.memory_space<vmem>> -> memref<1x512xf32, #tpu.memory_space<vmem>>
    %dma_wait3A_616 = tpu.memref_squeeze %dma_wait3A_615 : memref<1x512xf32, #tpu.memory_space<vmem>> -> memref<512xf32, #tpu.memory_space<vmem>>
    %dma_wait3A_617 = arith.constant 128 : i32
    %dma_wait3A_618 = tpu.memref_slice %dma_wait3A_616[%dma_wait3A_617] : memref<512xf32, #tpu.memory_space<vmem>> -> memref<128xf32, #tpu.memory_space<vmem>>
    %dma_wait3A_619 = arith.constant 0 : i32
    %dma_wait3A_620 = tpu.memref_slice %arg16[%dma_wait3A_612, %dma_wait3A_619] : memref<4x128xi32, #tpu.memory_space<vmem>> -> memref<1x128xi32, #tpu.memory_space<vmem>>
    %dma_wait3A_621 = tpu.memref_squeeze %dma_wait3A_620 : memref<1x128xi32, #tpu.memory_space<vmem>> -> memref<128xi32, #tpu.memory_space<vmem>>
    %dma_wait3A_622 = arith.constant 0 : i32
    %dma_wait3A_623 = tpu.memref_slice %arg3[%dma_wait3A_611, %dma_wait3A_622] : memref<4x1000000xf32, #tpu.memory_space<hbm>> -> memref<1x1000000xf32, #tpu.memory_space<hbm>>
    %dma_wait3A_624 = tpu.memref_squeeze %dma_wait3A_623 : memref<1x1000000xf32, #tpu.memory_space<hbm>> -> memref<1000000xf32, #tpu.memory_space<hbm>>
    %dma_wait3A_625 = arith.constant 0 : i32
    %dma_wait3A_626 = tpu.memref_slice %dma_wait3A_624[%dma_wait3A_625] : memref<1000000xf32, #tpu.memory_space<hbm>> -> memref<1000000xf32, #tpu.memory_space<hbm>>
    tpu.wait_indirect_dma semaphore(%arg18 : memref<!tpu.dma_semaphore, #tpu.memory_space<semaphore_mem>>) src(%dma_wait3A_626 : memref<1000000xf32, #tpu.memory_space<hbm>>) dst(%dma_wait3A_618 : memref<128xf32, #tpu.memory_space<vmem>>)
    %dma_wait3A_627 = arith.constant 0 : i32
    %dma_wait3A_628 = arith.constant 2 : i32
    %dma_wait3A_629 = arith.constant 0 : i32
    %dma_wait3A_630 = arith.constant 0 : i32
    %dma_wait3A_631 = tpu.memref_slice %arg17[%dma_wait3A_629, %dma_wait3A_630] : memref<10x512xf32, #tpu.memory_space<vmem>> -> memref<1x512xf32, #tpu.memory_space<vmem>>
    %dma_wait3A_632 = tpu.memref_squeeze %dma_wait3A_631 : memref<1x512xf32, #tpu.memory_space<vmem>> -> memref<512xf32, #tpu.memory_space<vmem>>
    %dma_wait3A_633 = arith.constant 256 : i32
    %dma_wait3A_634 = tpu.memref_slice %dma_wait3A_632[%dma_wait3A_633] : memref<512xf32, #tpu.memory_space<vmem>> -> memref<128xf32, #tpu.memory_space<vmem>>
    %dma_wait3A_635 = arith.constant 0 : i32
    %dma_wait3A_636 = tpu.memref_slice %arg16[%dma_wait3A_628, %dma_wait3A_635] : memref<4x128xi32, #tpu.memory_space<vmem>> -> memref<1x128xi32, #tpu.memory_space<vmem>>
    %dma_wait3A_637 = tpu.memref_squeeze %dma_wait3A_636 : memref<1x128xi32, #tpu.memory_space<vmem>> -> memref<128xi32, #tpu.memory_space<vmem>>
    %dma_wait3A_638 = arith.constant 0 : i32
    %dma_wait3A_639 = tpu.memref_slice %arg3[%dma_wait3A_627, %dma_wait3A_638] : memref<4x1000000xf32, #tpu.memory_space<hbm>> -> memref<1x1000000xf32, #tpu.memory_space<hbm>>
    %dma_wait3A_640 = tpu.memref_squeeze %dma_wait3A_639 : memref<1x1000000xf32, #tpu.memory_space<hbm>> -> memref<1000000xf32, #tpu.memory_space<hbm>>
    %dma_wait3A_641 = arith.constant 0 : i32
    %dma_wait3A_642 = tpu.memref_slice %dma_wait3A_640[%dma_wait3A_641] : memref<1000000xf32, #tpu.memory_space<hbm>> -> memref<1000000xf32, #tpu.memory_space<hbm>>
    tpu.wait_indirect_dma semaphore(%arg18 : memref<!tpu.dma_semaphore, #tpu.memory_space<semaphore_mem>>) src(%dma_wait3A_642 : memref<1000000xf32, #tpu.memory_space<hbm>>) dst(%dma_wait3A_634 : memref<128xf32, #tpu.memory_space<vmem>>)
    %dma_wait3A_643 = arith.constant 0 : i32
    %dma_wait3A_644 = arith.constant 3 : i32
    %dma_wait3A_645 = arith.constant 0 : i32
    %dma_wait3A_646 = arith.constant 0 : i32
    %dma_wait3A_647 = tpu.memref_slice %arg17[%dma_wait3A_645, %dma_wait3A_646] : memref<10x512xf32, #tpu.memory_space<vmem>> -> memref<1x512xf32, #tpu.memory_space<vmem>>
    %dma_wait3A_648 = tpu.memref_squeeze %dma_wait3A_647 : memref<1x512xf32, #tpu.memory_space<vmem>> -> memref<512xf32, #tpu.memory_space<vmem>>
    %dma_wait3A_649 = arith.constant 384 : i32
    %dma_wait3A_650 = tpu.memref_slice %dma_wait3A_648[%dma_wait3A_649] : memref<512xf32, #tpu.memory_space<vmem>> -> memref<128xf32, #tpu.memory_space<vmem>>
    %dma_wait3A_651 = arith.constant 0 : i32
    %dma_wait3A_652 = tpu.memref_slice %arg16[%dma_wait3A_644, %dma_wait3A_651] : memref<4x128xi32, #tpu.memory_space<vmem>> -> memref<1x128xi32, #tpu.memory_space<vmem>>
    %dma_wait3A_653 = tpu.memref_squeeze %dma_wait3A_652 : memref<1x128xi32, #tpu.memory_space<vmem>> -> memref<128xi32, #tpu.memory_space<vmem>>
    %dma_wait3A_654 = arith.constant 0 : i32
    %dma_wait3A_655 = tpu.memref_slice %arg3[%dma_wait3A_643, %dma_wait3A_654] : memref<4x1000000xf32, #tpu.memory_space<hbm>> -> memref<1x1000000xf32, #tpu.memory_space<hbm>>
    %dma_wait3A_656 = tpu.memref_squeeze %dma_wait3A_655 : memref<1x1000000xf32, #tpu.memory_space<hbm>> -> memref<1000000xf32, #tpu.memory_space<hbm>>
    %dma_wait3A_657 = arith.constant 0 : i32
    %dma_wait3A_658 = tpu.memref_slice %dma_wait3A_656[%dma_wait3A_657] : memref<1000000xf32, #tpu.memory_space<hbm>> -> memref<1000000xf32, #tpu.memory_space<hbm>>
    tpu.wait_indirect_dma semaphore(%arg18 : memref<!tpu.dma_semaphore, #tpu.memory_space<semaphore_mem>>) src(%dma_wait3A_658 : memref<1000000xf32, #tpu.memory_space<hbm>>) dst(%dma_wait3A_650 : memref<128xf32, #tpu.memory_space<vmem>>)
    %dma_wait3A_659 = arith.constant 1 : i32
    %dma_wait3A_660 = arith.constant 0 : i32
    %dma_wait3A_661 = arith.constant 1 : i32
    %dma_wait3A_662 = arith.constant 0 : i32
    %dma_wait3A_663 = tpu.memref_slice %arg17[%dma_wait3A_661, %dma_wait3A_662] : memref<10x512xf32, #tpu.memory_space<vmem>> -> memref<1x512xf32, #tpu.memory_space<vmem>>
    %dma_wait3A_664 = tpu.memref_squeeze %dma_wait3A_663 : memref<1x512xf32, #tpu.memory_space<vmem>> -> memref<512xf32, #tpu.memory_space<vmem>>
    %dma_wait3A_665 = arith.constant 0 : i32
    %dma_wait3A_666 = tpu.memref_slice %dma_wait3A_664[%dma_wait3A_665] : memref<512xf32, #tpu.memory_space<vmem>> -> memref<128xf32, #tpu.memory_space<vmem>>
    %dma_wait3A_667 = arith.constant 0 : i32
    %dma_wait3A_668 = tpu.memref_slice %arg16[%dma_wait3A_660, %dma_wait3A_667] : memref<4x128xi32, #tpu.memory_space<vmem>> -> memref<1x128xi32, #tpu.memory_space<vmem>>
    %dma_wait3A_669 = tpu.memref_squeeze %dma_wait3A_668 : memref<1x128xi32, #tpu.memory_space<vmem>> -> memref<128xi32, #tpu.memory_space<vmem>>
    %dma_wait3A_670 = arith.constant 0 : i32
    %dma_wait3A_671 = tpu.memref_slice %arg3[%dma_wait3A_659, %dma_wait3A_670] : memref<4x1000000xf32, #tpu.memory_space<hbm>> -> memref<1x1000000xf32, #tpu.memory_space<hbm>>
    %dma_wait3A_672 = tpu.memref_squeeze %dma_wait3A_671 : memref<1x1000000xf32, #tpu.memory_space<hbm>> -> memref<1000000xf32, #tpu.memory_space<hbm>>
    %dma_wait3A_673 = arith.constant 0 : i32
    %dma_wait3A_674 = tpu.memref_slice %dma_wait3A_672[%dma_wait3A_673] : memref<1000000xf32, #tpu.memory_space<hbm>> -> memref<1000000xf32, #tpu.memory_space<hbm>>
    tpu.wait_indirect_dma semaphore(%arg18 : memref<!tpu.dma_semaphore, #tpu.memory_space<semaphore_mem>>) src(%dma_wait3A_674 : memref<1000000xf32, #tpu.memory_space<hbm>>) dst(%dma_wait3A_666 : memref<128xf32, #tpu.memory_space<vmem>>)
    %dma_wait3A_675 = arith.constant 1 : i32
    %dma_wait3A_676 = arith.constant 1 : i32
    %dma_wait3A_677 = arith.constant 1 : i32
    %dma_wait3A_678 = arith.constant 0 : i32
    %dma_wait3A_679 = tpu.memref_slice %arg17[%dma_wait3A_677, %dma_wait3A_678] : memref<10x512xf32, #tpu.memory_space<vmem>> -> memref<1x512xf32, #tpu.memory_space<vmem>>
    %dma_wait3A_680 = tpu.memref_squeeze %dma_wait3A_679 : memref<1x512xf32, #tpu.memory_space<vmem>> -> memref<512xf32, #tpu.memory_space<vmem>>
    %dma_wait3A_681 = arith.constant 128 : i32
    %dma_wait3A_682 = tpu.memref_slice %dma_wait3A_680[%dma_wait3A_681] : memref<512xf32, #tpu.memory_space<vmem>> -> memref<128xf32, #tpu.memory_space<vmem>>
    %dma_wait3A_683 = arith.constant 0 : i32
    %dma_wait3A_684 = tpu.memref_slice %arg16[%dma_wait3A_676, %dma_wait3A_683] : memref<4x128xi32, #tpu.memory_space<vmem>> -> memref<1x128xi32, #tpu.memory_space<vmem>>
    %dma_wait3A_685 = tpu.memref_squeeze %dma_wait3A_684 : memref<1x128xi32, #tpu.memory_space<vmem>> -> memref<128xi32, #tpu.memory_space<vmem>>
    %dma_wait3A_686 = arith.constant 0 : i32
    %dma_wait3A_687 = tpu.memref_slice %arg3[%dma_wait3A_675, %dma_wait3A_686] : memref<4x1000000xf32, #tpu.memory_space<hbm>> -> memref<1x1000000xf32, #tpu.memory_space<hbm>>
    %dma_wait3A_688 = tpu.memref_squeeze %dma_wait3A_687 : memref<1x1000000xf32, #tpu.memory_space<hbm>> -> memref<1000000xf32, #tpu.memory_space<hbm>>
    %dma_wait3A_689 = arith.constant 0 : i32
    %dma_wait3A_690 = tpu.memref_slice %dma_wait3A_688[%dma_wait3A_689] : memref<1000000xf32, #tpu.memory_space<hbm>> -> memref<1000000xf32, #tpu.memory_space<hbm>>
    tpu.wait_indirect_dma semaphore(%arg18 : memref<!tpu.dma_semaphore, #tpu.memory_space<semaphore_mem>>) src(%dma_wait3A_690 : memref<1000000xf32, #tpu.memory_space<hbm>>) dst(%dma_wait3A_682 : memref<128xf32, #tpu.memory_space<vmem>>)
    %dma_wait3A_691 = arith.constant 1 : i32
    %dma_wait3A_692 = arith.constant 2 : i32
    %dma_wait3A_693 = arith.constant 1 : i32
    %dma_wait3A_694 = arith.constant 0 : i32
    %dma_wait3A_695 = tpu.memref_slice %arg17[%dma_wait3A_693, %dma_wait3A_694] : memref<10x512xf32, #tpu.memory_space<vmem>> -> memref<1x512xf32, #tpu.memory_space<vmem>>
    %dma_wait3A_696 = tpu.memref_squeeze %dma_wait3A_695 : memref<1x512xf32, #tpu.memory_space<vmem>> -> memref<512xf32, #tpu.memory_space<vmem>>
    %dma_wait3A_697 = arith.constant 256 : i32
    %dma_wait3A_698 = tpu.memref_slice %dma_wait3A_696[%dma_wait3A_697] : memref<512xf32, #tpu.memory_space<vmem>> -> memref<128xf32, #tpu.memory_space<vmem>>
    %dma_wait3A_699 = arith.constant 0 : i32
    %dma_wait3A_700 = tpu.memref_slice %arg16[%dma_wait3A_692, %dma_wait3A_699] : memref<4x128xi32, #tpu.memory_space<vmem>> -> memref<1x128xi32, #tpu.memory_space<vmem>>
    %dma_wait3A_701 = tpu.memref_squeeze %dma_wait3A_700 : memref<1x128xi32, #tpu.memory_space<vmem>> -> memref<128xi32, #tpu.memory_space<vmem>>
    %dma_wait3A_702 = arith.constant 0 : i32
    %dma_wait3A_703 = tpu.memref_slice %arg3[%dma_wait3A_691, %dma_wait3A_702] : memref<4x1000000xf32, #tpu.memory_space<hbm>> -> memref<1x1000000xf32, #tpu.memory_space<hbm>>
    %dma_wait3A_704 = tpu.memref_squeeze %dma_wait3A_703 : memref<1x1000000xf32, #tpu.memory_space<hbm>> -> memref<1000000xf32, #tpu.memory_space<hbm>>
    %dma_wait3A_705 = arith.constant 0 : i32
    %dma_wait3A_706 = tpu.memref_slice %dma_wait3A_704[%dma_wait3A_705] : memref<1000000xf32, #tpu.memory_space<hbm>> -> memref<1000000xf32, #tpu.memory_space<hbm>>
    tpu.wait_indirect_dma semaphore(%arg18 : memref<!tpu.dma_semaphore, #tpu.memory_space<semaphore_mem>>) src(%dma_wait3A_706 : memref<1000000xf32, #tpu.memory_space<hbm>>) dst(%dma_wait3A_698 : memref<128xf32, #tpu.memory_space<vmem>>)
    %dma_wait3A_707 = arith.constant 1 : i32
    %dma_wait3A_708 = arith.constant 3 : i32
    %dma_wait3A_709 = arith.constant 1 : i32
    %dma_wait3A_710 = arith.constant 0 : i32
    %dma_wait3A_711 = tpu.memref_slice %arg17[%dma_wait3A_709, %dma_wait3A_710] : memref<10x512xf32, #tpu.memory_space<vmem>> -> memref<1x512xf32, #tpu.memory_space<vmem>>
    %dma_wait3A_712 = tpu.memref_squeeze %dma_wait3A_711 : memref<1x512xf32, #tpu.memory_space<vmem>> -> memref<512xf32, #tpu.memory_space<vmem>>
    %dma_wait3A_713 = arith.constant 384 : i32
    %dma_wait3A_714 = tpu.memref_slice %dma_wait3A_712[%dma_wait3A_713] : memref<512xf32, #tpu.memory_space<vmem>> -> memref<128xf32, #tpu.memory_space<vmem>>
    %dma_wait3A_715 = arith.constant 0 : i32
    %dma_wait3A_716 = tpu.memref_slice %arg16[%dma_wait3A_708, %dma_wait3A_715] : memref<4x128xi32, #tpu.memory_space<vmem>> -> memref<1x128xi32, #tpu.memory_space<vmem>>
    %dma_wait3A_717 = tpu.memref_squeeze %dma_wait3A_716 : memref<1x128xi32, #tpu.memory_space<vmem>> -> memref<128xi32, #tpu.memory_space<vmem>>
    %dma_wait3A_718 = arith.constant 0 : i32
    %dma_wait3A_719 = tpu.memref_slice %arg3[%dma_wait3A_707, %dma_wait3A_718] : memref<4x1000000xf32, #tpu.memory_space<hbm>> -> memref<1x1000000xf32, #tpu.memory_space<hbm>>
    %dma_wait3A_720 = tpu.memref_squeeze %dma_wait3A_719 : memref<1x1000000xf32, #tpu.memory_space<hbm>> -> memref<1000000xf32, #tpu.memory_space<hbm>>
    %dma_wait3A_721 = arith.constant 0 : i32
    %dma_wait3A_722 = tpu.memref_slice %dma_wait3A_720[%dma_wait3A_721] : memref<1000000xf32, #tpu.memory_space<hbm>> -> memref<1000000xf32, #tpu.memory_space<hbm>>
    tpu.wait_indirect_dma semaphore(%arg18 : memref<!tpu.dma_semaphore, #tpu.memory_space<semaphore_mem>>) src(%dma_wait3A_722 : memref<1000000xf32, #tpu.memory_space<hbm>>) dst(%dma_wait3A_714 : memref<128xf32, #tpu.memory_space<vmem>>)
    %dma_wait3A_723 = arith.constant 2 : i32
    %dma_wait3A_724 = arith.constant 0 : i32
    %dma_wait3A_725 = arith.constant 2 : i32
    %dma_wait3A_726 = arith.constant 0 : i32
    %dma_wait3A_727 = tpu.memref_slice %arg17[%dma_wait3A_725, %dma_wait3A_726] : memref<10x512xf32, #tpu.memory_space<vmem>> -> memref<1x512xf32, #tpu.memory_space<vmem>>
    %dma_wait3A_728 = tpu.memref_squeeze %dma_wait3A_727 : memref<1x512xf32, #tpu.memory_space<vmem>> -> memref<512xf32, #tpu.memory_space<vmem>>
    %dma_wait3A_729 = arith.constant 0 : i32
    %dma_wait3A_730 = tpu.memref_slice %dma_wait3A_728[%dma_wait3A_729] : memref<512xf32, #tpu.memory_space<vmem>> -> memref<128xf32, #tpu.memory_space<vmem>>
    %dma_wait3A_731 = arith.constant 0 : i32
    %dma_wait3A_732 = tpu.memref_slice %arg16[%dma_wait3A_724, %dma_wait3A_731] : memref<4x128xi32, #tpu.memory_space<vmem>> -> memref<1x128xi32, #tpu.memory_space<vmem>>
    %dma_wait3A_733 = tpu.memref_squeeze %dma_wait3A_732 : memref<1x128xi32, #tpu.memory_space<vmem>> -> memref<128xi32, #tpu.memory_space<vmem>>
    %dma_wait3A_734 = arith.constant 0 : i32
    %dma_wait3A_735 = tpu.memref_slice %arg3[%dma_wait3A_723, %dma_wait3A_734] : memref<4x1000000xf32, #tpu.memory_space<hbm>> -> memref<1x1000000xf32, #tpu.memory_space<hbm>>
    %dma_wait3A_736 = tpu.memref_squeeze %dma_wait3A_735 : memref<1x1000000xf32, #tpu.memory_space<hbm>> -> memref<1000000xf32, #tpu.memory_space<hbm>>
    %dma_wait3A_737 = arith.constant 0 : i32
    %dma_wait3A_738 = tpu.memref_slice %dma_wait3A_736[%dma_wait3A_737] : memref<1000000xf32, #tpu.memory_space<hbm>> -> memref<1000000xf32, #tpu.memory_space<hbm>>
    tpu.wait_indirect_dma semaphore(%arg18 : memref<!tpu.dma_semaphore, #tpu.memory_space<semaphore_mem>>) src(%dma_wait3A_738 : memref<1000000xf32, #tpu.memory_space<hbm>>) dst(%dma_wait3A_730 : memref<128xf32, #tpu.memory_space<vmem>>)
    %dma_wait3A_739 = arith.constant 2 : i32
    %dma_wait3A_740 = arith.constant 1 : i32
    %dma_wait3A_741 = arith.constant 2 : i32
    %dma_wait3A_742 = arith.constant 0 : i32
    %dma_wait3A_743 = tpu.memref_slice %arg17[%dma_wait3A_741, %dma_wait3A_742] : memref<10x512xf32, #tpu.memory_space<vmem>> -> memref<1x512xf32, #tpu.memory_space<vmem>>
    %dma_wait3A_744 = tpu.memref_squeeze %dma_wait3A_743 : memref<1x512xf32, #tpu.memory_space<vmem>> -> memref<512xf32, #tpu.memory_space<vmem>>
    %dma_wait3A_745 = arith.constant 128 : i32
    %dma_wait3A_746 = tpu.memref_slice %dma_wait3A_744[%dma_wait3A_745] : memref<512xf32, #tpu.memory_space<vmem>> -> memref<128xf32, #tpu.memory_space<vmem>>
    %dma_wait3A_747 = arith.constant 0 : i32
    %dma_wait3A_748 = tpu.memref_slice %arg16[%dma_wait3A_740, %dma_wait3A_747] : memref<4x128xi32, #tpu.memory_space<vmem>> -> memref<1x128xi32, #tpu.memory_space<vmem>>
    %dma_wait3A_749 = tpu.memref_squeeze %dma_wait3A_748 : memref<1x128xi32, #tpu.memory_space<vmem>> -> memref<128xi32, #tpu.memory_space<vmem>>
    %dma_wait3A_750 = arith.constant 0 : i32
    %dma_wait3A_751 = tpu.memref_slice %arg3[%dma_wait3A_739, %dma_wait3A_750] : memref<4x1000000xf32, #tpu.memory_space<hbm>> -> memref<1x1000000xf32, #tpu.memory_space<hbm>>
    %dma_wait3A_752 = tpu.memref_squeeze %dma_wait3A_751 : memref<1x1000000xf32, #tpu.memory_space<hbm>> -> memref<1000000xf32, #tpu.memory_space<hbm>>
    %dma_wait3A_753 = arith.constant 0 : i32
    %dma_wait3A_754 = tpu.memref_slice %dma_wait3A_752[%dma_wait3A_753] : memref<1000000xf32, #tpu.memory_space<hbm>> -> memref<1000000xf32, #tpu.memory_space<hbm>>
    tpu.wait_indirect_dma semaphore(%arg18 : memref<!tpu.dma_semaphore, #tpu.memory_space<semaphore_mem>>) src(%dma_wait3A_754 : memref<1000000xf32, #tpu.memory_space<hbm>>) dst(%dma_wait3A_746 : memref<128xf32, #tpu.memory_space<vmem>>)
    %dma_wait3A_755 = arith.constant 2 : i32
    %dma_wait3A_756 = arith.constant 2 : i32
    %dma_wait3A_757 = arith.constant 2 : i32
    %dma_wait3A_758 = arith.constant 0 : i32
    %dma_wait3A_759 = tpu.memref_slice %arg17[%dma_wait3A_757, %dma_wait3A_758] : memref<10x512xf32, #tpu.memory_space<vmem>> -> memref<1x512xf32, #tpu.memory_space<vmem>>
    %dma_wait3A_760 = tpu.memref_squeeze %dma_wait3A_759 : memref<1x512xf32, #tpu.memory_space<vmem>> -> memref<512xf32, #tpu.memory_space<vmem>>
    %dma_wait3A_761 = arith.constant 256 : i32
    %dma_wait3A_762 = tpu.memref_slice %dma_wait3A_760[%dma_wait3A_761] : memref<512xf32, #tpu.memory_space<vmem>> -> memref<128xf32, #tpu.memory_space<vmem>>
    %dma_wait3A_763 = arith.constant 0 : i32
    %dma_wait3A_764 = tpu.memref_slice %arg16[%dma_wait3A_756, %dma_wait3A_763] : memref<4x128xi32, #tpu.memory_space<vmem>> -> memref<1x128xi32, #tpu.memory_space<vmem>>
    %dma_wait3A_765 = tpu.memref_squeeze %dma_wait3A_764 : memref<1x128xi32, #tpu.memory_space<vmem>> -> memref<128xi32, #tpu.memory_space<vmem>>
    %dma_wait3A_766 = arith.constant 0 : i32
    %dma_wait3A_767 = tpu.memref_slice %arg3[%dma_wait3A_755, %dma_wait3A_766] : memref<4x1000000xf32, #tpu.memory_space<hbm>> -> memref<1x1000000xf32, #tpu.memory_space<hbm>>
    %dma_wait3A_768 = tpu.memref_squeeze %dma_wait3A_767 : memref<1x1000000xf32, #tpu.memory_space<hbm>> -> memref<1000000xf32, #tpu.memory_space<hbm>>
    %dma_wait3A_769 = arith.constant 0 : i32
    %dma_wait3A_770 = tpu.memref_slice %dma_wait3A_768[%dma_wait3A_769] : memref<1000000xf32, #tpu.memory_space<hbm>> -> memref<1000000xf32, #tpu.memory_space<hbm>>
    tpu.wait_indirect_dma semaphore(%arg18 : memref<!tpu.dma_semaphore, #tpu.memory_space<semaphore_mem>>) src(%dma_wait3A_770 : memref<1000000xf32, #tpu.memory_space<hbm>>) dst(%dma_wait3A_762 : memref<128xf32, #tpu.memory_space<vmem>>)
    %dma_wait3A_771 = arith.constant 2 : i32
    %dma_wait3A_772 = arith.constant 3 : i32
    %dma_wait3A_773 = arith.constant 2 : i32
    %dma_wait3A_774 = arith.constant 0 : i32
    %dma_wait3A_775 = tpu.memref_slice %arg17[%dma_wait3A_773, %dma_wait3A_774] : memref<10x512xf32, #tpu.memory_space<vmem>> -> memref<1x512xf32, #tpu.memory_space<vmem>>
    %dma_wait3A_776 = tpu.memref_squeeze %dma_wait3A_775 : memref<1x512xf32, #tpu.memory_space<vmem>> -> memref<512xf32, #tpu.memory_space<vmem>>
    %dma_wait3A_777 = arith.constant 384 : i32
    %dma_wait3A_778 = tpu.memref_slice %dma_wait3A_776[%dma_wait3A_777] : memref<512xf32, #tpu.memory_space<vmem>> -> memref<128xf32, #tpu.memory_space<vmem>>
    %dma_wait3A_779 = arith.constant 0 : i32
    %dma_wait3A_780 = tpu.memref_slice %arg16[%dma_wait3A_772, %dma_wait3A_779] : memref<4x128xi32, #tpu.memory_space<vmem>> -> memref<1x128xi32, #tpu.memory_space<vmem>>
    %dma_wait3A_781 = tpu.memref_squeeze %dma_wait3A_780 : memref<1x128xi32, #tpu.memory_space<vmem>> -> memref<128xi32, #tpu.memory_space<vmem>>
    %dma_wait3A_782 = arith.constant 0 : i32
    %dma_wait3A_783 = tpu.memref_slice %arg3[%dma_wait3A_771, %dma_wait3A_782] : memref<4x1000000xf32, #tpu.memory_space<hbm>> -> memref<1x1000000xf32, #tpu.memory_space<hbm>>
    %dma_wait3A_784 = tpu.memref_squeeze %dma_wait3A_783 : memref<1x1000000xf32, #tpu.memory_space<hbm>> -> memref<1000000xf32, #tpu.memory_space<hbm>>
    %dma_wait3A_785 = arith.constant 0 : i32
    %dma_wait3A_786 = tpu.memref_slice %dma_wait3A_784[%dma_wait3A_785] : memref<1000000xf32, #tpu.memory_space<hbm>> -> memref<1000000xf32, #tpu.memory_space<hbm>>
    tpu.wait_indirect_dma semaphore(%arg18 : memref<!tpu.dma_semaphore, #tpu.memory_space<semaphore_mem>>) src(%dma_wait3A_786 : memref<1000000xf32, #tpu.memory_space<hbm>>) dst(%dma_wait3A_778 : memref<128xf32, #tpu.memory_space<vmem>>)
    %dma_wait3A_787 = arith.constant 3 : i32
    %dma_wait3A_788 = arith.constant 0 : i32
    %dma_wait3A_789 = arith.constant 3 : i32
    %dma_wait3A_790 = arith.constant 0 : i32
    %dma_wait3A_791 = tpu.memref_slice %arg17[%dma_wait3A_789, %dma_wait3A_790] : memref<10x512xf32, #tpu.memory_space<vmem>> -> memref<1x512xf32, #tpu.memory_space<vmem>>
    %dma_wait3A_792 = tpu.memref_squeeze %dma_wait3A_791 : memref<1x512xf32, #tpu.memory_space<vmem>> -> memref<512xf32, #tpu.memory_space<vmem>>
    %dma_wait3A_793 = arith.constant 0 : i32
    %dma_wait3A_794 = tpu.memref_slice %dma_wait3A_792[%dma_wait3A_793] : memref<512xf32, #tpu.memory_space<vmem>> -> memref<128xf32, #tpu.memory_space<vmem>>
    %dma_wait3A_795 = arith.constant 0 : i32
    %dma_wait3A_796 = tpu.memref_slice %arg16[%dma_wait3A_788, %dma_wait3A_795] : memref<4x128xi32, #tpu.memory_space<vmem>> -> memref<1x128xi32, #tpu.memory_space<vmem>>
    %dma_wait3A_797 = tpu.memref_squeeze %dma_wait3A_796 : memref<1x128xi32, #tpu.memory_space<vmem>> -> memref<128xi32, #tpu.memory_space<vmem>>
    %dma_wait3A_798 = arith.constant 0 : i32
    %dma_wait3A_799 = tpu.memref_slice %arg3[%dma_wait3A_787, %dma_wait3A_798] : memref<4x1000000xf32, #tpu.memory_space<hbm>> -> memref<1x1000000xf32, #tpu.memory_space<hbm>>
    %dma_wait3A_800 = tpu.memref_squeeze %dma_wait3A_799 : memref<1x1000000xf32, #tpu.memory_space<hbm>> -> memref<1000000xf32, #tpu.memory_space<hbm>>
    %dma_wait3A_801 = arith.constant 0 : i32
    %dma_wait3A_802 = tpu.memref_slice %dma_wait3A_800[%dma_wait3A_801] : memref<1000000xf32, #tpu.memory_space<hbm>> -> memref<1000000xf32, #tpu.memory_space<hbm>>
    tpu.wait_indirect_dma semaphore(%arg18 : memref<!tpu.dma_semaphore, #tpu.memory_space<semaphore_mem>>) src(%dma_wait3A_802 : memref<1000000xf32, #tpu.memory_space<hbm>>) dst(%dma_wait3A_794 : memref<128xf32, #tpu.memory_space<vmem>>)
    %dma_wait3A_803 = arith.constant 3 : i32
    %dma_wait3A_804 = arith.constant 1 : i32
    %dma_wait3A_805 = arith.constant 3 : i32
    %dma_wait3A_806 = arith.constant 0 : i32
    %dma_wait3A_807 = tpu.memref_slice %arg17[%dma_wait3A_805, %dma_wait3A_806] : memref<10x512xf32, #tpu.memory_space<vmem>> -> memref<1x512xf32, #tpu.memory_space<vmem>>
    %dma_wait3A_808 = tpu.memref_squeeze %dma_wait3A_807 : memref<1x512xf32, #tpu.memory_space<vmem>> -> memref<512xf32, #tpu.memory_space<vmem>>
    %dma_wait3A_809 = arith.constant 128 : i32
    %dma_wait3A_810 = tpu.memref_slice %dma_wait3A_808[%dma_wait3A_809] : memref<512xf32, #tpu.memory_space<vmem>> -> memref<128xf32, #tpu.memory_space<vmem>>
    %dma_wait3A_811 = arith.constant 0 : i32
    %dma_wait3A_812 = tpu.memref_slice %arg16[%dma_wait3A_804, %dma_wait3A_811] : memref<4x128xi32, #tpu.memory_space<vmem>> -> memref<1x128xi32, #tpu.memory_space<vmem>>
    %dma_wait3A_813 = tpu.memref_squeeze %dma_wait3A_812 : memref<1x128xi32, #tpu.memory_space<vmem>> -> memref<128xi32, #tpu.memory_space<vmem>>
    %dma_wait3A_814 = arith.constant 0 : i32
    %dma_wait3A_815 = tpu.memref_slice %arg3[%dma_wait3A_803, %dma_wait3A_814] : memref<4x1000000xf32, #tpu.memory_space<hbm>> -> memref<1x1000000xf32, #tpu.memory_space<hbm>>
    %dma_wait3A_816 = tpu.memref_squeeze %dma_wait3A_815 : memref<1x1000000xf32, #tpu.memory_space<hbm>> -> memref<1000000xf32, #tpu.memory_space<hbm>>
    %dma_wait3A_817 = arith.constant 0 : i32
    %dma_wait3A_818 = tpu.memref_slice %dma_wait3A_816[%dma_wait3A_817] : memref<1000000xf32, #tpu.memory_space<hbm>> -> memref<1000000xf32, #tpu.memory_space<hbm>>
    tpu.wait_indirect_dma semaphore(%arg18 : memref<!tpu.dma_semaphore, #tpu.memory_space<semaphore_mem>>) src(%dma_wait3A_818 : memref<1000000xf32, #tpu.memory_space<hbm>>) dst(%dma_wait3A_810 : memref<128xf32, #tpu.memory_space<vmem>>)
    %dma_wait3A_819 = arith.constant 3 : i32
    %dma_wait3A_820 = arith.constant 2 : i32
    %dma_wait3A_821 = arith.constant 3 : i32
    %dma_wait3A_822 = arith.constant 0 : i32
    %dma_wait3A_823 = tpu.memref_slice %arg17[%dma_wait3A_821, %dma_wait3A_822] : memref<10x512xf32, #tpu.memory_space<vmem>> -> memref<1x512xf32, #tpu.memory_space<vmem>>
    %dma_wait3A_824 = tpu.memref_squeeze %dma_wait3A_823 : memref<1x512xf32, #tpu.memory_space<vmem>> -> memref<512xf32, #tpu.memory_space<vmem>>
    %dma_wait3A_825 = arith.constant 256 : i32
    %dma_wait3A_826 = tpu.memref_slice %dma_wait3A_824[%dma_wait3A_825] : memref<512xf32, #tpu.memory_space<vmem>> -> memref<128xf32, #tpu.memory_space<vmem>>
    %dma_wait3A_827 = arith.constant 0 : i32
    %dma_wait3A_828 = tpu.memref_slice %arg16[%dma_wait3A_820, %dma_wait3A_827] : memref<4x128xi32, #tpu.memory_space<vmem>> -> memref<1x128xi32, #tpu.memory_space<vmem>>
    %dma_wait3A_829 = tpu.memref_squeeze %dma_wait3A_828 : memref<1x128xi32, #tpu.memory_space<vmem>> -> memref<128xi32, #tpu.memory_space<vmem>>
    %dma_wait3A_830 = arith.constant 0 : i32
    %dma_wait3A_831 = tpu.memref_slice %arg3[%dma_wait3A_819, %dma_wait3A_830] : memref<4x1000000xf32, #tpu.memory_space<hbm>> -> memref<1x1000000xf32, #tpu.memory_space<hbm>>
    %dma_wait3A_832 = tpu.memref_squeeze %dma_wait3A_831 : memref<1x1000000xf32, #tpu.memory_space<hbm>> -> memref<1000000xf32, #tpu.memory_space<hbm>>
    %dma_wait3A_833 = arith.constant 0 : i32
    %dma_wait3A_834 = tpu.memref_slice %dma_wait3A_832[%dma_wait3A_833] : memref<1000000xf32, #tpu.memory_space<hbm>> -> memref<1000000xf32, #tpu.memory_space<hbm>>
    tpu.wait_indirect_dma semaphore(%arg18 : memref<!tpu.dma_semaphore, #tpu.memory_space<semaphore_mem>>) src(%dma_wait3A_834 : memref<1000000xf32, #tpu.memory_space<hbm>>) dst(%dma_wait3A_826 : memref<128xf32, #tpu.memory_space<vmem>>)
    %dma_wait3A_835 = arith.constant 3 : i32
    %dma_wait3A_836 = arith.constant 3 : i32
    %dma_wait3A_837 = arith.constant 3 : i32
    %dma_wait3A_838 = arith.constant 0 : i32
    %dma_wait3A_839 = tpu.memref_slice %arg17[%dma_wait3A_837, %dma_wait3A_838] : memref<10x512xf32, #tpu.memory_space<vmem>> -> memref<1x512xf32, #tpu.memory_space<vmem>>
    %dma_wait3A_840 = tpu.memref_squeeze %dma_wait3A_839 : memref<1x512xf32, #tpu.memory_space<vmem>> -> memref<512xf32, #tpu.memory_space<vmem>>
    %dma_wait3A_841 = arith.constant 384 : i32
    %dma_wait3A_842 = tpu.memref_slice %dma_wait3A_840[%dma_wait3A_841] : memref<512xf32, #tpu.memory_space<vmem>> -> memref<128xf32, #tpu.memory_space<vmem>>
    %dma_wait3A_843 = arith.constant 0 : i32
    %dma_wait3A_844 = tpu.memref_slice %arg16[%dma_wait3A_836, %dma_wait3A_843] : memref<4x128xi32, #tpu.memory_space<vmem>> -> memref<1x128xi32, #tpu.memory_space<vmem>>
    %dma_wait3A_845 = tpu.memref_squeeze %dma_wait3A_844 : memref<1x128xi32, #tpu.memory_space<vmem>> -> memref<128xi32, #tpu.memory_space<vmem>>
    %dma_wait3A_846 = arith.constant 0 : i32
    %dma_wait3A_847 = tpu.memref_slice %arg3[%dma_wait3A_835, %dma_wait3A_846] : memref<4x1000000xf32, #tpu.memory_space<hbm>> -> memref<1x1000000xf32, #tpu.memory_space<hbm>>
    %dma_wait3A_848 = tpu.memref_squeeze %dma_wait3A_847 : memref<1x1000000xf32, #tpu.memory_space<hbm>> -> memref<1000000xf32, #tpu.memory_space<hbm>>
    %dma_wait3A_849 = arith.constant 0 : i32
    %dma_wait3A_850 = tpu.memref_slice %dma_wait3A_848[%dma_wait3A_849] : memref<1000000xf32, #tpu.memory_space<hbm>> -> memref<1000000xf32, #tpu.memory_space<hbm>>
    tpu.wait_indirect_dma semaphore(%arg18 : memref<!tpu.dma_semaphore, #tpu.memory_space<semaphore_mem>>) src(%dma_wait3A_850 : memref<1000000xf32, #tpu.memory_space<hbm>>) dst(%dma_wait3A_842 : memref<128xf32, #tpu.memory_space<vmem>>)
    %dma_wait3A_851 = arith.constant 0 : i32
    %dma_wait3A_852 = arith.constant 4 : i32
    %dma_wait3A_853 = arith.constant 0 : i32
    %dma_wait3A_854 = tpu.memref_slice %arg17[%dma_wait3A_852, %dma_wait3A_853] : memref<10x512xf32, #tpu.memory_space<vmem>> -> memref<1x512xf32, #tpu.memory_space<vmem>>
    %dma_wait3A_855 = tpu.memref_squeeze %dma_wait3A_854 : memref<1x512xf32, #tpu.memory_space<vmem>> -> memref<512xf32, #tpu.memory_space<vmem>>
    %dma_wait3A_856 = arith.constant 0 : i32
    %dma_wait3A_857 = tpu.memref_slice %dma_wait3A_855[%dma_wait3A_856] : memref<512xf32, #tpu.memory_space<vmem>> -> memref<128xf32, #tpu.memory_space<vmem>>
    %dma_wait3A_858 = arith.constant 0 : i32
    %dma_wait3A_859 = tpu.memref_slice %arg16[%dma_wait3A_851, %dma_wait3A_858] : memref<4x128xi32, #tpu.memory_space<vmem>> -> memref<1x128xi32, #tpu.memory_space<vmem>>
    %dma_wait3A_860 = tpu.memref_squeeze %dma_wait3A_859 : memref<1x128xi32, #tpu.memory_space<vmem>> -> memref<128xi32, #tpu.memory_space<vmem>>
    %dma_wait3A_861 = arith.constant 0 : i32
    %dma_wait3A_862 = tpu.memref_slice %arg4[%dma_wait3A_861] : memref<3000192xf32, #tpu.memory_space<hbm>> -> memref<1000064xf32, #tpu.memory_space<hbm>>
    %dma_wait3A_863 = arith.constant 0 : i32
    %dma_wait3A_864 = tpu.memref_slice %dma_wait3A_862[%dma_wait3A_863] : memref<1000064xf32, #tpu.memory_space<hbm>> -> memref<1000064xf32, #tpu.memory_space<hbm>>
    tpu.wait_indirect_dma semaphore(%arg18 : memref<!tpu.dma_semaphore, #tpu.memory_space<semaphore_mem>>) src(%dma_wait3A_864 : memref<1000064xf32, #tpu.memory_space<hbm>>) dst(%dma_wait3A_857 : memref<128xf32, #tpu.memory_space<vmem>>)
    %dma_wait3A_865 = arith.constant 1 : i32
    %dma_wait3A_866 = arith.constant 4 : i32
    %dma_wait3A_867 = arith.constant 0 : i32
    %dma_wait3A_868 = tpu.memref_slice %arg17[%dma_wait3A_866, %dma_wait3A_867] : memref<10x512xf32, #tpu.memory_space<vmem>> -> memref<1x512xf32, #tpu.memory_space<vmem>>
    %dma_wait3A_869 = tpu.memref_squeeze %dma_wait3A_868 : memref<1x512xf32, #tpu.memory_space<vmem>> -> memref<512xf32, #tpu.memory_space<vmem>>
    %dma_wait3A_870 = arith.constant 128 : i32
    %dma_wait3A_871 = tpu.memref_slice %dma_wait3A_869[%dma_wait3A_870] : memref<512xf32, #tpu.memory_space<vmem>> -> memref<128xf32, #tpu.memory_space<vmem>>
    %dma_wait3A_872 = arith.constant 0 : i32
    %dma_wait3A_873 = tpu.memref_slice %arg16[%dma_wait3A_865, %dma_wait3A_872] : memref<4x128xi32, #tpu.memory_space<vmem>> -> memref<1x128xi32, #tpu.memory_space<vmem>>
    %dma_wait3A_874 = tpu.memref_squeeze %dma_wait3A_873 : memref<1x128xi32, #tpu.memory_space<vmem>> -> memref<128xi32, #tpu.memory_space<vmem>>
    %dma_wait3A_875 = arith.constant 0 : i32
    %dma_wait3A_876 = tpu.memref_slice %arg4[%dma_wait3A_875] : memref<3000192xf32, #tpu.memory_space<hbm>> -> memref<1000064xf32, #tpu.memory_space<hbm>>
    %dma_wait3A_877 = arith.constant 0 : i32
    %dma_wait3A_878 = tpu.memref_slice %dma_wait3A_876[%dma_wait3A_877] : memref<1000064xf32, #tpu.memory_space<hbm>> -> memref<1000064xf32, #tpu.memory_space<hbm>>
    tpu.wait_indirect_dma semaphore(%arg18 : memref<!tpu.dma_semaphore, #tpu.memory_space<semaphore_mem>>) src(%dma_wait3A_878 : memref<1000064xf32, #tpu.memory_space<hbm>>) dst(%dma_wait3A_871 : memref<128xf32, #tpu.memory_space<vmem>>)
    %dma_wait3A_879 = arith.constant 2 : i32
    %dma_wait3A_880 = arith.constant 4 : i32
    %dma_wait3A_881 = arith.constant 0 : i32
    %dma_wait3A_882 = tpu.memref_slice %arg17[%dma_wait3A_880, %dma_wait3A_881] : memref<10x512xf32, #tpu.memory_space<vmem>> -> memref<1x512xf32, #tpu.memory_space<vmem>>
    %dma_wait3A_883 = tpu.memref_squeeze %dma_wait3A_882 : memref<1x512xf32, #tpu.memory_space<vmem>> -> memref<512xf32, #tpu.memory_space<vmem>>
    %dma_wait3A_884 = arith.constant 256 : i32
    %dma_wait3A_885 = tpu.memref_slice %dma_wait3A_883[%dma_wait3A_884] : memref<512xf32, #tpu.memory_space<vmem>> -> memref<128xf32, #tpu.memory_space<vmem>>
    %dma_wait3A_886 = arith.constant 0 : i32
    %dma_wait3A_887 = tpu.memref_slice %arg16[%dma_wait3A_879, %dma_wait3A_886] : memref<4x128xi32, #tpu.memory_space<vmem>> -> memref<1x128xi32, #tpu.memory_space<vmem>>
    %dma_wait3A_888 = tpu.memref_squeeze %dma_wait3A_887 : memref<1x128xi32, #tpu.memory_space<vmem>> -> memref<128xi32, #tpu.memory_space<vmem>>
    %dma_wait3A_889 = arith.constant 0 : i32
    %dma_wait3A_890 = tpu.memref_slice %arg4[%dma_wait3A_889] : memref<3000192xf32, #tpu.memory_space<hbm>> -> memref<1000064xf32, #tpu.memory_space<hbm>>
    %dma_wait3A_891 = arith.constant 0 : i32
    %dma_wait3A_892 = tpu.memref_slice %dma_wait3A_890[%dma_wait3A_891] : memref<1000064xf32, #tpu.memory_space<hbm>> -> memref<1000064xf32, #tpu.memory_space<hbm>>
    tpu.wait_indirect_dma semaphore(%arg18 : memref<!tpu.dma_semaphore, #tpu.memory_space<semaphore_mem>>) src(%dma_wait3A_892 : memref<1000064xf32, #tpu.memory_space<hbm>>) dst(%dma_wait3A_885 : memref<128xf32, #tpu.memory_space<vmem>>)
    %dma_wait3A_893 = arith.constant 3 : i32
    %dma_wait3A_894 = arith.constant 4 : i32
    %dma_wait3A_895 = arith.constant 0 : i32
    %dma_wait3A_896 = tpu.memref_slice %arg17[%dma_wait3A_894, %dma_wait3A_895] : memref<10x512xf32, #tpu.memory_space<vmem>> -> memref<1x512xf32, #tpu.memory_space<vmem>>
    %dma_wait3A_897 = tpu.memref_squeeze %dma_wait3A_896 : memref<1x512xf32, #tpu.memory_space<vmem>> -> memref<512xf32, #tpu.memory_space<vmem>>
    %dma_wait3A_898 = arith.constant 384 : i32
    %dma_wait3A_899 = tpu.memref_slice %dma_wait3A_897[%dma_wait3A_898] : memref<512xf32, #tpu.memory_space<vmem>> -> memref<128xf32, #tpu.memory_space<vmem>>
    %dma_wait3A_900 = arith.constant 0 : i32
    %dma_wait3A_901 = tpu.memref_slice %arg16[%dma_wait3A_893, %dma_wait3A_900] : memref<4x128xi32, #tpu.memory_space<vmem>> -> memref<1x128xi32, #tpu.memory_space<vmem>>
    %dma_wait3A_902 = tpu.memref_squeeze %dma_wait3A_901 : memref<1x128xi32, #tpu.memory_space<vmem>> -> memref<128xi32, #tpu.memory_space<vmem>>
    %dma_wait3A_903 = arith.constant 0 : i32
    %dma_wait3A_904 = tpu.memref_slice %arg4[%dma_wait3A_903] : memref<3000192xf32, #tpu.memory_space<hbm>> -> memref<1000064xf32, #tpu.memory_space<hbm>>
    %dma_wait3A_905 = arith.constant 0 : i32
    %dma_wait3A_906 = tpu.memref_slice %dma_wait3A_904[%dma_wait3A_905] : memref<1000064xf32, #tpu.memory_space<hbm>> -> memref<1000064xf32, #tpu.memory_space<hbm>>
    tpu.wait_indirect_dma semaphore(%arg18 : memref<!tpu.dma_semaphore, #tpu.memory_space<semaphore_mem>>) src(%dma_wait3A_906 : memref<1000064xf32, #tpu.memory_space<hbm>>) dst(%dma_wait3A_899 : memref<128xf32, #tpu.memory_space<vmem>>)
    %dma_wait3A_907 = arith.constant 0 : i32
    %dma_wait3A_908 = arith.constant 5 : i32
    %dma_wait3A_909 = arith.constant 0 : i32
    %dma_wait3A_910 = tpu.memref_slice %arg17[%dma_wait3A_908, %dma_wait3A_909] : memref<10x512xf32, #tpu.memory_space<vmem>> -> memref<1x512xf32, #tpu.memory_space<vmem>>
    %dma_wait3A_911 = tpu.memref_squeeze %dma_wait3A_910 : memref<1x512xf32, #tpu.memory_space<vmem>> -> memref<512xf32, #tpu.memory_space<vmem>>
    %dma_wait3A_912 = arith.constant 0 : i32
    %dma_wait3A_913 = tpu.memref_slice %dma_wait3A_911[%dma_wait3A_912] : memref<512xf32, #tpu.memory_space<vmem>> -> memref<128xf32, #tpu.memory_space<vmem>>
    %dma_wait3A_914 = arith.constant 0 : i32
    %dma_wait3A_915 = tpu.memref_slice %arg16[%dma_wait3A_907, %dma_wait3A_914] : memref<4x128xi32, #tpu.memory_space<vmem>> -> memref<1x128xi32, #tpu.memory_space<vmem>>
    %dma_wait3A_916 = tpu.memref_squeeze %dma_wait3A_915 : memref<1x128xi32, #tpu.memory_space<vmem>> -> memref<128xi32, #tpu.memory_space<vmem>>
    %dma_wait3A_917 = arith.constant 1000064 : i32
    %dma_wait3A_918 = tpu.memref_slice %arg4[%dma_wait3A_917] : memref<3000192xf32, #tpu.memory_space<hbm>> -> memref<1000064xf32, #tpu.memory_space<hbm>>
    %dma_wait3A_919 = arith.constant 0 : i32
    %dma_wait3A_920 = tpu.memref_slice %dma_wait3A_918[%dma_wait3A_919] : memref<1000064xf32, #tpu.memory_space<hbm>> -> memref<1000064xf32, #tpu.memory_space<hbm>>
    tpu.wait_indirect_dma semaphore(%arg18 : memref<!tpu.dma_semaphore, #tpu.memory_space<semaphore_mem>>) src(%dma_wait3A_920 : memref<1000064xf32, #tpu.memory_space<hbm>>) dst(%dma_wait3A_913 : memref<128xf32, #tpu.memory_space<vmem>>)
    %dma_wait3A_921 = arith.constant 1 : i32
    %dma_wait3A_922 = arith.constant 5 : i32
    %dma_wait3A_923 = arith.constant 0 : i32
    %dma_wait3A_924 = tpu.memref_slice %arg17[%dma_wait3A_922, %dma_wait3A_923] : memref<10x512xf32, #tpu.memory_space<vmem>> -> memref<1x512xf32, #tpu.memory_space<vmem>>
    %dma_wait3A_925 = tpu.memref_squeeze %dma_wait3A_924 : memref<1x512xf32, #tpu.memory_space<vmem>> -> memref<512xf32, #tpu.memory_space<vmem>>
    %dma_wait3A_926 = arith.constant 128 : i32
    %dma_wait3A_927 = tpu.memref_slice %dma_wait3A_925[%dma_wait3A_926] : memref<512xf32, #tpu.memory_space<vmem>> -> memref<128xf32, #tpu.memory_space<vmem>>
    %dma_wait3A_928 = arith.constant 0 : i32
    %dma_wait3A_929 = tpu.memref_slice %arg16[%dma_wait3A_921, %dma_wait3A_928] : memref<4x128xi32, #tpu.memory_space<vmem>> -> memref<1x128xi32, #tpu.memory_space<vmem>>
    %dma_wait3A_930 = tpu.memref_squeeze %dma_wait3A_929 : memref<1x128xi32, #tpu.memory_space<vmem>> -> memref<128xi32, #tpu.memory_space<vmem>>
    %dma_wait3A_931 = arith.constant 1000064 : i32
    %dma_wait3A_932 = tpu.memref_slice %arg4[%dma_wait3A_931] : memref<3000192xf32, #tpu.memory_space<hbm>> -> memref<1000064xf32, #tpu.memory_space<hbm>>
    %dma_wait3A_933 = arith.constant 0 : i32
    %dma_wait3A_934 = tpu.memref_slice %dma_wait3A_932[%dma_wait3A_933] : memref<1000064xf32, #tpu.memory_space<hbm>> -> memref<1000064xf32, #tpu.memory_space<hbm>>
    tpu.wait_indirect_dma semaphore(%arg18 : memref<!tpu.dma_semaphore, #tpu.memory_space<semaphore_mem>>) src(%dma_wait3A_934 : memref<1000064xf32, #tpu.memory_space<hbm>>) dst(%dma_wait3A_927 : memref<128xf32, #tpu.memory_space<vmem>>)
    %dma_wait3A_935 = arith.constant 2 : i32
    %dma_wait3A_936 = arith.constant 5 : i32
    %dma_wait3A_937 = arith.constant 0 : i32
    %dma_wait3A_938 = tpu.memref_slice %arg17[%dma_wait3A_936, %dma_wait3A_937] : memref<10x512xf32, #tpu.memory_space<vmem>> -> memref<1x512xf32, #tpu.memory_space<vmem>>
    %dma_wait3A_939 = tpu.memref_squeeze %dma_wait3A_938 : memref<1x512xf32, #tpu.memory_space<vmem>> -> memref<512xf32, #tpu.memory_space<vmem>>
    %dma_wait3A_940 = arith.constant 256 : i32
    %dma_wait3A_941 = tpu.memref_slice %dma_wait3A_939[%dma_wait3A_940] : memref<512xf32, #tpu.memory_space<vmem>> -> memref<128xf32, #tpu.memory_space<vmem>>
    %dma_wait3A_942 = arith.constant 0 : i32
    %dma_wait3A_943 = tpu.memref_slice %arg16[%dma_wait3A_935, %dma_wait3A_942] : memref<4x128xi32, #tpu.memory_space<vmem>> -> memref<1x128xi32, #tpu.memory_space<vmem>>
    %dma_wait3A_944 = tpu.memref_squeeze %dma_wait3A_943 : memref<1x128xi32, #tpu.memory_space<vmem>> -> memref<128xi32, #tpu.memory_space<vmem>>
    %dma_wait3A_945 = arith.constant 1000064 : i32
    %dma_wait3A_946 = tpu.memref_slice %arg4[%dma_wait3A_945] : memref<3000192xf32, #tpu.memory_space<hbm>> -> memref<1000064xf32, #tpu.memory_space<hbm>>
    %dma_wait3A_947 = arith.constant 0 : i32
    %dma_wait3A_948 = tpu.memref_slice %dma_wait3A_946[%dma_wait3A_947] : memref<1000064xf32, #tpu.memory_space<hbm>> -> memref<1000064xf32, #tpu.memory_space<hbm>>
    tpu.wait_indirect_dma semaphore(%arg18 : memref<!tpu.dma_semaphore, #tpu.memory_space<semaphore_mem>>) src(%dma_wait3A_948 : memref<1000064xf32, #tpu.memory_space<hbm>>) dst(%dma_wait3A_941 : memref<128xf32, #tpu.memory_space<vmem>>)
    %dma_wait3A_949 = arith.constant 3 : i32
    %dma_wait3A_950 = arith.constant 5 : i32
    %dma_wait3A_951 = arith.constant 0 : i32
    %dma_wait3A_952 = tpu.memref_slice %arg17[%dma_wait3A_950, %dma_wait3A_951] : memref<10x512xf32, #tpu.memory_space<vmem>> -> memref<1x512xf32, #tpu.memory_space<vmem>>
    %dma_wait3A_953 = tpu.memref_squeeze %dma_wait3A_952 : memref<1x512xf32, #tpu.memory_space<vmem>> -> memref<512xf32, #tpu.memory_space<vmem>>
    %dma_wait3A_954 = arith.constant 384 : i32
    %dma_wait3A_955 = tpu.memref_slice %dma_wait3A_953[%dma_wait3A_954] : memref<512xf32, #tpu.memory_space<vmem>> -> memref<128xf32, #tpu.memory_space<vmem>>
    %dma_wait3A_956 = arith.constant 0 : i32
    %dma_wait3A_957 = tpu.memref_slice %arg16[%dma_wait3A_949, %dma_wait3A_956] : memref<4x128xi32, #tpu.memory_space<vmem>> -> memref<1x128xi32, #tpu.memory_space<vmem>>
    %dma_wait3A_958 = tpu.memref_squeeze %dma_wait3A_957 : memref<1x128xi32, #tpu.memory_space<vmem>> -> memref<128xi32, #tpu.memory_space<vmem>>
    %dma_wait3A_959 = arith.constant 1000064 : i32
    %dma_wait3A_960 = tpu.memref_slice %arg4[%dma_wait3A_959] : memref<3000192xf32, #tpu.memory_space<hbm>> -> memref<1000064xf32, #tpu.memory_space<hbm>>
    %dma_wait3A_961 = arith.constant 0 : i32
    %dma_wait3A_962 = tpu.memref_slice %dma_wait3A_960[%dma_wait3A_961] : memref<1000064xf32, #tpu.memory_space<hbm>> -> memref<1000064xf32, #tpu.memory_space<hbm>>
    tpu.wait_indirect_dma semaphore(%arg18 : memref<!tpu.dma_semaphore, #tpu.memory_space<semaphore_mem>>) src(%dma_wait3A_962 : memref<1000064xf32, #tpu.memory_space<hbm>>) dst(%dma_wait3A_955 : memref<128xf32, #tpu.memory_space<vmem>>)
    %dma_wait3A_963 = arith.constant 0 : i32
    %dma_wait3A_964 = arith.constant 6 : i32
    %dma_wait3A_965 = arith.constant 0 : i32
    %dma_wait3A_966 = tpu.memref_slice %arg17[%dma_wait3A_964, %dma_wait3A_965] : memref<10x512xf32, #tpu.memory_space<vmem>> -> memref<1x512xf32, #tpu.memory_space<vmem>>
    %dma_wait3A_967 = tpu.memref_squeeze %dma_wait3A_966 : memref<1x512xf32, #tpu.memory_space<vmem>> -> memref<512xf32, #tpu.memory_space<vmem>>
    %dma_wait3A_968 = arith.constant 0 : i32
    %dma_wait3A_969 = tpu.memref_slice %dma_wait3A_967[%dma_wait3A_968] : memref<512xf32, #tpu.memory_space<vmem>> -> memref<128xf32, #tpu.memory_space<vmem>>
    %dma_wait3A_970 = arith.constant 0 : i32
    %dma_wait3A_971 = tpu.memref_slice %arg16[%dma_wait3A_963, %dma_wait3A_970] : memref<4x128xi32, #tpu.memory_space<vmem>> -> memref<1x128xi32, #tpu.memory_space<vmem>>
    %dma_wait3A_972 = tpu.memref_squeeze %dma_wait3A_971 : memref<1x128xi32, #tpu.memory_space<vmem>> -> memref<128xi32, #tpu.memory_space<vmem>>
    %dma_wait3A_973 = arith.constant 2000128 : i32
    %dma_wait3A_974 = tpu.memref_slice %arg4[%dma_wait3A_973] : memref<3000192xf32, #tpu.memory_space<hbm>> -> memref<1000064xf32, #tpu.memory_space<hbm>>
    %dma_wait3A_975 = arith.constant 0 : i32
    %dma_wait3A_976 = tpu.memref_slice %dma_wait3A_974[%dma_wait3A_975] : memref<1000064xf32, #tpu.memory_space<hbm>> -> memref<1000064xf32, #tpu.memory_space<hbm>>
    tpu.wait_indirect_dma semaphore(%arg18 : memref<!tpu.dma_semaphore, #tpu.memory_space<semaphore_mem>>) src(%dma_wait3A_976 : memref<1000064xf32, #tpu.memory_space<hbm>>) dst(%dma_wait3A_969 : memref<128xf32, #tpu.memory_space<vmem>>)
    %dma_wait3A_977 = arith.constant 1 : i32
    %dma_wait3A_978 = arith.constant 6 : i32
    %dma_wait3A_979 = arith.constant 0 : i32
    %dma_wait3A_980 = tpu.memref_slice %arg17[%dma_wait3A_978, %dma_wait3A_979] : memref<10x512xf32, #tpu.memory_space<vmem>> -> memref<1x512xf32, #tpu.memory_space<vmem>>
    %dma_wait3A_981 = tpu.memref_squeeze %dma_wait3A_980 : memref<1x512xf32, #tpu.memory_space<vmem>> -> memref<512xf32, #tpu.memory_space<vmem>>
    %dma_wait3A_982 = arith.constant 128 : i32
    %dma_wait3A_983 = tpu.memref_slice %dma_wait3A_981[%dma_wait3A_982] : memref<512xf32, #tpu.memory_space<vmem>> -> memref<128xf32, #tpu.memory_space<vmem>>
    %dma_wait3A_984 = arith.constant 0 : i32
    %dma_wait3A_985 = tpu.memref_slice %arg16[%dma_wait3A_977, %dma_wait3A_984] : memref<4x128xi32, #tpu.memory_space<vmem>> -> memref<1x128xi32, #tpu.memory_space<vmem>>
    %dma_wait3A_986 = tpu.memref_squeeze %dma_wait3A_985 : memref<1x128xi32, #tpu.memory_space<vmem>> -> memref<128xi32, #tpu.memory_space<vmem>>
    %dma_wait3A_987 = arith.constant 2000128 : i32
    %dma_wait3A_988 = tpu.memref_slice %arg4[%dma_wait3A_987] : memref<3000192xf32, #tpu.memory_space<hbm>> -> memref<1000064xf32, #tpu.memory_space<hbm>>
    %dma_wait3A_989 = arith.constant 0 : i32
    %dma_wait3A_990 = tpu.memref_slice %dma_wait3A_988[%dma_wait3A_989] : memref<1000064xf32, #tpu.memory_space<hbm>> -> memref<1000064xf32, #tpu.memory_space<hbm>>
    tpu.wait_indirect_dma semaphore(%arg18 : memref<!tpu.dma_semaphore, #tpu.memory_space<semaphore_mem>>) src(%dma_wait3A_990 : memref<1000064xf32, #tpu.memory_space<hbm>>) dst(%dma_wait3A_983 : memref<128xf32, #tpu.memory_space<vmem>>)
    %dma_wait3A_991 = arith.constant 2 : i32
    %dma_wait3A_992 = arith.constant 6 : i32
    %dma_wait3A_993 = arith.constant 0 : i32
    %dma_wait3A_994 = tpu.memref_slice %arg17[%dma_wait3A_992, %dma_wait3A_993] : memref<10x512xf32, #tpu.memory_space<vmem>> -> memref<1x512xf32, #tpu.memory_space<vmem>>
    %dma_wait3A_995 = tpu.memref_squeeze %dma_wait3A_994 : memref<1x512xf32, #tpu.memory_space<vmem>> -> memref<512xf32, #tpu.memory_space<vmem>>
    %dma_wait3A_996 = arith.constant 256 : i32
    %dma_wait3A_997 = tpu.memref_slice %dma_wait3A_995[%dma_wait3A_996] : memref<512xf32, #tpu.memory_space<vmem>> -> memref<128xf32, #tpu.memory_space<vmem>>
    %dma_wait3A_998 = arith.constant 0 : i32
    %dma_wait3A_999 = tpu.memref_slice %arg16[%dma_wait3A_991, %dma_wait3A_998] : memref<4x128xi32, #tpu.memory_space<vmem>> -> memref<1x128xi32, #tpu.memory_space<vmem>>
    %dma_wait3A_1000 = tpu.memref_squeeze %dma_wait3A_999 : memref<1x128xi32, #tpu.memory_space<vmem>> -> memref<128xi32, #tpu.memory_space<vmem>>
    %dma_wait3A_1001 = arith.constant 2000128 : i32
    %dma_wait3A_1002 = tpu.memref_slice %arg4[%dma_wait3A_1001] : memref<3000192xf32, #tpu.memory_space<hbm>> -> memref<1000064xf32, #tpu.memory_space<hbm>>
    %dma_wait3A_1003 = arith.constant 0 : i32
    %dma_wait3A_1004 = tpu.memref_slice %dma_wait3A_1002[%dma_wait3A_1003] : memref<1000064xf32, #tpu.memory_space<hbm>> -> memref<1000064xf32, #tpu.memory_space<hbm>>
    tpu.wait_indirect_dma semaphore(%arg18 : memref<!tpu.dma_semaphore, #tpu.memory_space<semaphore_mem>>) src(%dma_wait3A_1004 : memref<1000064xf32, #tpu.memory_space<hbm>>) dst(%dma_wait3A_997 : memref<128xf32, #tpu.memory_space<vmem>>)
    %dma_wait3A_1005 = arith.constant 3 : i32
    %dma_wait3A_1006 = arith.constant 6 : i32
    %dma_wait3A_1007 = arith.constant 0 : i32
    %dma_wait3A_1008 = tpu.memref_slice %arg17[%dma_wait3A_1006, %dma_wait3A_1007] : memref<10x512xf32, #tpu.memory_space<vmem>> -> memref<1x512xf32, #tpu.memory_space<vmem>>
    %dma_wait3A_1009 = tpu.memref_squeeze %dma_wait3A_1008 : memref<1x512xf32, #tpu.memory_space<vmem>> -> memref<512xf32, #tpu.memory_space<vmem>>
    %dma_wait3A_1010 = arith.constant 384 : i32
    %dma_wait3A_1011 = tpu.memref_slice %dma_wait3A_1009[%dma_wait3A_1010] : memref<512xf32, #tpu.memory_space<vmem>> -> memref<128xf32, #tpu.memory_space<vmem>>
    %dma_wait3A_1012 = arith.constant 0 : i32
    %dma_wait3A_1013 = tpu.memref_slice %arg16[%dma_wait3A_1005, %dma_wait3A_1012] : memref<4x128xi32, #tpu.memory_space<vmem>> -> memref<1x128xi32, #tpu.memory_space<vmem>>
    %dma_wait3A_1014 = tpu.memref_squeeze %dma_wait3A_1013 : memref<1x128xi32, #tpu.memory_space<vmem>> -> memref<128xi32, #tpu.memory_space<vmem>>
    %dma_wait3A_1015 = arith.constant 2000128 : i32
    %dma_wait3A_1016 = tpu.memref_slice %arg4[%dma_wait3A_1015] : memref<3000192xf32, #tpu.memory_space<hbm>> -> memref<1000064xf32, #tpu.memory_space<hbm>>
    %dma_wait3A_1017 = arith.constant 0 : i32
    %dma_wait3A_1018 = tpu.memref_slice %dma_wait3A_1016[%dma_wait3A_1017] : memref<1000064xf32, #tpu.memory_space<hbm>> -> memref<1000064xf32, #tpu.memory_space<hbm>>
    tpu.wait_indirect_dma semaphore(%arg18 : memref<!tpu.dma_semaphore, #tpu.memory_space<semaphore_mem>>) src(%dma_wait3A_1018 : memref<1000064xf32, #tpu.memory_space<hbm>>) dst(%dma_wait3A_1011 : memref<128xf32, #tpu.memory_space<vmem>>)
    %dma_wait3A_1019 = arith.constant 0 : i32
    %dma_wait3A_1020 = arith.constant 7 : i32
    %dma_wait3A_1021 = arith.constant 0 : i32
    %dma_wait3A_1022 = tpu.memref_slice %arg17[%dma_wait3A_1020, %dma_wait3A_1021] : memref<10x512xf32, #tpu.memory_space<vmem>> -> memref<1x512xf32, #tpu.memory_space<vmem>>
    %dma_wait3A_1023 = tpu.memref_squeeze %dma_wait3A_1022 : memref<1x512xf32, #tpu.memory_space<vmem>> -> memref<512xf32, #tpu.memory_space<vmem>>
    %dma_wait3A_1024 = arith.constant 0 : i32
    %dma_wait3A_1025 = tpu.memref_slice %dma_wait3A_1023[%dma_wait3A_1024] : memref<512xf32, #tpu.memory_space<vmem>> -> memref<128xf32, #tpu.memory_space<vmem>>
    %dma_wait3A_1026 = arith.constant 0 : i32
    %dma_wait3A_1027 = tpu.memref_slice %arg16[%dma_wait3A_1019, %dma_wait3A_1026] : memref<4x128xi32, #tpu.memory_space<vmem>> -> memref<1x128xi32, #tpu.memory_space<vmem>>
    %dma_wait3A_1028 = tpu.memref_squeeze %dma_wait3A_1027 : memref<1x128xi32, #tpu.memory_space<vmem>> -> memref<128xi32, #tpu.memory_space<vmem>>
    %dma_wait3A_1029 = arith.constant 0 : i32
    %dma_wait3A_1030 = tpu.memref_slice %arg5[%dma_wait3A_1029] : memref<3000192xf32, #tpu.memory_space<hbm>> -> memref<1000064xf32, #tpu.memory_space<hbm>>
    %dma_wait3A_1031 = arith.constant 0 : i32
    %dma_wait3A_1032 = tpu.memref_slice %dma_wait3A_1030[%dma_wait3A_1031] : memref<1000064xf32, #tpu.memory_space<hbm>> -> memref<1000064xf32, #tpu.memory_space<hbm>>
    tpu.wait_indirect_dma semaphore(%arg18 : memref<!tpu.dma_semaphore, #tpu.memory_space<semaphore_mem>>) src(%dma_wait3A_1032 : memref<1000064xf32, #tpu.memory_space<hbm>>) dst(%dma_wait3A_1025 : memref<128xf32, #tpu.memory_space<vmem>>)
    %dma_wait3A_1033 = arith.constant 1 : i32
    %dma_wait3A_1034 = arith.constant 7 : i32
    %dma_wait3A_1035 = arith.constant 0 : i32
    %dma_wait3A_1036 = tpu.memref_slice %arg17[%dma_wait3A_1034, %dma_wait3A_1035] : memref<10x512xf32, #tpu.memory_space<vmem>> -> memref<1x512xf32, #tpu.memory_space<vmem>>
    %dma_wait3A_1037 = tpu.memref_squeeze %dma_wait3A_1036 : memref<1x512xf32, #tpu.memory_space<vmem>> -> memref<512xf32, #tpu.memory_space<vmem>>
    %dma_wait3A_1038 = arith.constant 128 : i32
    %dma_wait3A_1039 = tpu.memref_slice %dma_wait3A_1037[%dma_wait3A_1038] : memref<512xf32, #tpu.memory_space<vmem>> -> memref<128xf32, #tpu.memory_space<vmem>>
    %dma_wait3A_1040 = arith.constant 0 : i32
    %dma_wait3A_1041 = tpu.memref_slice %arg16[%dma_wait3A_1033, %dma_wait3A_1040] : memref<4x128xi32, #tpu.memory_space<vmem>> -> memref<1x128xi32, #tpu.memory_space<vmem>>
    %dma_wait3A_1042 = tpu.memref_squeeze %dma_wait3A_1041 : memref<1x128xi32, #tpu.memory_space<vmem>> -> memref<128xi32, #tpu.memory_space<vmem>>
    %dma_wait3A_1043 = arith.constant 0 : i32
    %dma_wait3A_1044 = tpu.memref_slice %arg5[%dma_wait3A_1043] : memref<3000192xf32, #tpu.memory_space<hbm>> -> memref<1000064xf32, #tpu.memory_space<hbm>>
    %dma_wait3A_1045 = arith.constant 0 : i32
    %dma_wait3A_1046 = tpu.memref_slice %dma_wait3A_1044[%dma_wait3A_1045] : memref<1000064xf32, #tpu.memory_space<hbm>> -> memref<1000064xf32, #tpu.memory_space<hbm>>
    tpu.wait_indirect_dma semaphore(%arg18 : memref<!tpu.dma_semaphore, #tpu.memory_space<semaphore_mem>>) src(%dma_wait3A_1046 : memref<1000064xf32, #tpu.memory_space<hbm>>) dst(%dma_wait3A_1039 : memref<128xf32, #tpu.memory_space<vmem>>)
    %dma_wait3A_1047 = arith.constant 2 : i32
    %dma_wait3A_1048 = arith.constant 7 : i32
    %dma_wait3A_1049 = arith.constant 0 : i32
    %dma_wait3A_1050 = tpu.memref_slice %arg17[%dma_wait3A_1048, %dma_wait3A_1049] : memref<10x512xf32, #tpu.memory_space<vmem>> -> memref<1x512xf32, #tpu.memory_space<vmem>>
    %dma_wait3A_1051 = tpu.memref_squeeze %dma_wait3A_1050 : memref<1x512xf32, #tpu.memory_space<vmem>> -> memref<512xf32, #tpu.memory_space<vmem>>
    %dma_wait3A_1052 = arith.constant 256 : i32
    %dma_wait3A_1053 = tpu.memref_slice %dma_wait3A_1051[%dma_wait3A_1052] : memref<512xf32, #tpu.memory_space<vmem>> -> memref<128xf32, #tpu.memory_space<vmem>>
    %dma_wait3A_1054 = arith.constant 0 : i32
    %dma_wait3A_1055 = tpu.memref_slice %arg16[%dma_wait3A_1047, %dma_wait3A_1054] : memref<4x128xi32, #tpu.memory_space<vmem>> -> memref<1x128xi32, #tpu.memory_space<vmem>>
    %dma_wait3A_1056 = tpu.memref_squeeze %dma_wait3A_1055 : memref<1x128xi32, #tpu.memory_space<vmem>> -> memref<128xi32, #tpu.memory_space<vmem>>
    %dma_wait3A_1057 = arith.constant 0 : i32
    %dma_wait3A_1058 = tpu.memref_slice %arg5[%dma_wait3A_1057] : memref<3000192xf32, #tpu.memory_space<hbm>> -> memref<1000064xf32, #tpu.memory_space<hbm>>
    %dma_wait3A_1059 = arith.constant 0 : i32
    %dma_wait3A_1060 = tpu.memref_slice %dma_wait3A_1058[%dma_wait3A_1059] : memref<1000064xf32, #tpu.memory_space<hbm>> -> memref<1000064xf32, #tpu.memory_space<hbm>>
    tpu.wait_indirect_dma semaphore(%arg18 : memref<!tpu.dma_semaphore, #tpu.memory_space<semaphore_mem>>) src(%dma_wait3A_1060 : memref<1000064xf32, #tpu.memory_space<hbm>>) dst(%dma_wait3A_1053 : memref<128xf32, #tpu.memory_space<vmem>>)
    %dma_wait3A_1061 = arith.constant 3 : i32
    %dma_wait3A_1062 = arith.constant 7 : i32
    %dma_wait3A_1063 = arith.constant 0 : i32
    %dma_wait3A_1064 = tpu.memref_slice %arg17[%dma_wait3A_1062, %dma_wait3A_1063] : memref<10x512xf32, #tpu.memory_space<vmem>> -> memref<1x512xf32, #tpu.memory_space<vmem>>
    %dma_wait3A_1065 = tpu.memref_squeeze %dma_wait3A_1064 : memref<1x512xf32, #tpu.memory_space<vmem>> -> memref<512xf32, #tpu.memory_space<vmem>>
    %dma_wait3A_1066 = arith.constant 384 : i32
    %dma_wait3A_1067 = tpu.memref_slice %dma_wait3A_1065[%dma_wait3A_1066] : memref<512xf32, #tpu.memory_space<vmem>> -> memref<128xf32, #tpu.memory_space<vmem>>
    %dma_wait3A_1068 = arith.constant 0 : i32
    %dma_wait3A_1069 = tpu.memref_slice %arg16[%dma_wait3A_1061, %dma_wait3A_1068] : memref<4x128xi32, #tpu.memory_space<vmem>> -> memref<1x128xi32, #tpu.memory_space<vmem>>
    %dma_wait3A_1070 = tpu.memref_squeeze %dma_wait3A_1069 : memref<1x128xi32, #tpu.memory_space<vmem>> -> memref<128xi32, #tpu.memory_space<vmem>>
    %dma_wait3A_1071 = arith.constant 0 : i32
    %dma_wait3A_1072 = tpu.memref_slice %arg5[%dma_wait3A_1071] : memref<3000192xf32, #tpu.memory_space<hbm>> -> memref<1000064xf32, #tpu.memory_space<hbm>>
    %dma_wait3A_1073 = arith.constant 0 : i32
    %dma_wait3A_1074 = tpu.memref_slice %dma_wait3A_1072[%dma_wait3A_1073] : memref<1000064xf32, #tpu.memory_space<hbm>> -> memref<1000064xf32, #tpu.memory_space<hbm>>
    tpu.wait_indirect_dma semaphore(%arg18 : memref<!tpu.dma_semaphore, #tpu.memory_space<semaphore_mem>>) src(%dma_wait3A_1074 : memref<1000064xf32, #tpu.memory_space<hbm>>) dst(%dma_wait3A_1067 : memref<128xf32, #tpu.memory_space<vmem>>)
    %dma_wait3A_1075 = arith.constant 0 : i32
    %dma_wait3A_1076 = arith.constant 8 : i32
    %dma_wait3A_1077 = arith.constant 0 : i32
    %dma_wait3A_1078 = tpu.memref_slice %arg17[%dma_wait3A_1076, %dma_wait3A_1077] : memref<10x512xf32, #tpu.memory_space<vmem>> -> memref<1x512xf32, #tpu.memory_space<vmem>>
    %dma_wait3A_1079 = tpu.memref_squeeze %dma_wait3A_1078 : memref<1x512xf32, #tpu.memory_space<vmem>> -> memref<512xf32, #tpu.memory_space<vmem>>
    %dma_wait3A_1080 = arith.constant 0 : i32
    %dma_wait3A_1081 = tpu.memref_slice %dma_wait3A_1079[%dma_wait3A_1080] : memref<512xf32, #tpu.memory_space<vmem>> -> memref<128xf32, #tpu.memory_space<vmem>>
    %dma_wait3A_1082 = arith.constant 0 : i32
    %dma_wait3A_1083 = tpu.memref_slice %arg16[%dma_wait3A_1075, %dma_wait3A_1082] : memref<4x128xi32, #tpu.memory_space<vmem>> -> memref<1x128xi32, #tpu.memory_space<vmem>>
    %dma_wait3A_1084 = tpu.memref_squeeze %dma_wait3A_1083 : memref<1x128xi32, #tpu.memory_space<vmem>> -> memref<128xi32, #tpu.memory_space<vmem>>
    %dma_wait3A_1085 = arith.constant 1000064 : i32
    %dma_wait3A_1086 = tpu.memref_slice %arg5[%dma_wait3A_1085] : memref<3000192xf32, #tpu.memory_space<hbm>> -> memref<1000064xf32, #tpu.memory_space<hbm>>
    %dma_wait3A_1087 = arith.constant 0 : i32
    %dma_wait3A_1088 = tpu.memref_slice %dma_wait3A_1086[%dma_wait3A_1087] : memref<1000064xf32, #tpu.memory_space<hbm>> -> memref<1000064xf32, #tpu.memory_space<hbm>>
    tpu.wait_indirect_dma semaphore(%arg18 : memref<!tpu.dma_semaphore, #tpu.memory_space<semaphore_mem>>) src(%dma_wait3A_1088 : memref<1000064xf32, #tpu.memory_space<hbm>>) dst(%dma_wait3A_1081 : memref<128xf32, #tpu.memory_space<vmem>>)
    %dma_wait3A_1089 = arith.constant 1 : i32
    %dma_wait3A_1090 = arith.constant 8 : i32
    %dma_wait3A_1091 = arith.constant 0 : i32
    %dma_wait3A_1092 = tpu.memref_slice %arg17[%dma_wait3A_1090, %dma_wait3A_1091] : memref<10x512xf32, #tpu.memory_space<vmem>> -> memref<1x512xf32, #tpu.memory_space<vmem>>
    %dma_wait3A_1093 = tpu.memref_squeeze %dma_wait3A_1092 : memref<1x512xf32, #tpu.memory_space<vmem>> -> memref<512xf32, #tpu.memory_space<vmem>>
    %dma_wait3A_1094 = arith.constant 128 : i32
    %dma_wait3A_1095 = tpu.memref_slice %dma_wait3A_1093[%dma_wait3A_1094] : memref<512xf32, #tpu.memory_space<vmem>> -> memref<128xf32, #tpu.memory_space<vmem>>
    %dma_wait3A_1096 = arith.constant 0 : i32
    %dma_wait3A_1097 = tpu.memref_slice %arg16[%dma_wait3A_1089, %dma_wait3A_1096] : memref<4x128xi32, #tpu.memory_space<vmem>> -> memref<1x128xi32, #tpu.memory_space<vmem>>
    %dma_wait3A_1098 = tpu.memref_squeeze %dma_wait3A_1097 : memref<1x128xi32, #tpu.memory_space<vmem>> -> memref<128xi32, #tpu.memory_space<vmem>>
    %dma_wait3A_1099 = arith.constant 1000064 : i32
    %dma_wait3A_1100 = tpu.memref_slice %arg5[%dma_wait3A_1099] : memref<3000192xf32, #tpu.memory_space<hbm>> -> memref<1000064xf32, #tpu.memory_space<hbm>>
    %dma_wait3A_1101 = arith.constant 0 : i32
    %dma_wait3A_1102 = tpu.memref_slice %dma_wait3A_1100[%dma_wait3A_1101] : memref<1000064xf32, #tpu.memory_space<hbm>> -> memref<1000064xf32, #tpu.memory_space<hbm>>
    tpu.wait_indirect_dma semaphore(%arg18 : memref<!tpu.dma_semaphore, #tpu.memory_space<semaphore_mem>>) src(%dma_wait3A_1102 : memref<1000064xf32, #tpu.memory_space<hbm>>) dst(%dma_wait3A_1095 : memref<128xf32, #tpu.memory_space<vmem>>)
    %dma_wait3A_1103 = arith.constant 2 : i32
    %dma_wait3A_1104 = arith.constant 8 : i32
    %dma_wait3A_1105 = arith.constant 0 : i32
    %dma_wait3A_1106 = tpu.memref_slice %arg17[%dma_wait3A_1104, %dma_wait3A_1105] : memref<10x512xf32, #tpu.memory_space<vmem>> -> memref<1x512xf32, #tpu.memory_space<vmem>>
    %dma_wait3A_1107 = tpu.memref_squeeze %dma_wait3A_1106 : memref<1x512xf32, #tpu.memory_space<vmem>> -> memref<512xf32, #tpu.memory_space<vmem>>
    %dma_wait3A_1108 = arith.constant 256 : i32
    %dma_wait3A_1109 = tpu.memref_slice %dma_wait3A_1107[%dma_wait3A_1108] : memref<512xf32, #tpu.memory_space<vmem>> -> memref<128xf32, #tpu.memory_space<vmem>>
    %dma_wait3A_1110 = arith.constant 0 : i32
    %dma_wait3A_1111 = tpu.memref_slice %arg16[%dma_wait3A_1103, %dma_wait3A_1110] : memref<4x128xi32, #tpu.memory_space<vmem>> -> memref<1x128xi32, #tpu.memory_space<vmem>>
    %dma_wait3A_1112 = tpu.memref_squeeze %dma_wait3A_1111 : memref<1x128xi32, #tpu.memory_space<vmem>> -> memref<128xi32, #tpu.memory_space<vmem>>
    %dma_wait3A_1113 = arith.constant 1000064 : i32
    %dma_wait3A_1114 = tpu.memref_slice %arg5[%dma_wait3A_1113] : memref<3000192xf32, #tpu.memory_space<hbm>> -> memref<1000064xf32, #tpu.memory_space<hbm>>
    %dma_wait3A_1115 = arith.constant 0 : i32
    %dma_wait3A_1116 = tpu.memref_slice %dma_wait3A_1114[%dma_wait3A_1115] : memref<1000064xf32, #tpu.memory_space<hbm>> -> memref<1000064xf32, #tpu.memory_space<hbm>>
    tpu.wait_indirect_dma semaphore(%arg18 : memref<!tpu.dma_semaphore, #tpu.memory_space<semaphore_mem>>) src(%dma_wait3A_1116 : memref<1000064xf32, #tpu.memory_space<hbm>>) dst(%dma_wait3A_1109 : memref<128xf32, #tpu.memory_space<vmem>>)
    %dma_wait3A_1117 = arith.constant 3 : i32
    %dma_wait3A_1118 = arith.constant 8 : i32
    %dma_wait3A_1119 = arith.constant 0 : i32
    %dma_wait3A_1120 = tpu.memref_slice %arg17[%dma_wait3A_1118, %dma_wait3A_1119] : memref<10x512xf32, #tpu.memory_space<vmem>> -> memref<1x512xf32, #tpu.memory_space<vmem>>
    %dma_wait3A_1121 = tpu.memref_squeeze %dma_wait3A_1120 : memref<1x512xf32, #tpu.memory_space<vmem>> -> memref<512xf32, #tpu.memory_space<vmem>>
    %dma_wait3A_1122 = arith.constant 384 : i32
    %dma_wait3A_1123 = tpu.memref_slice %dma_wait3A_1121[%dma_wait3A_1122] : memref<512xf32, #tpu.memory_space<vmem>> -> memref<128xf32, #tpu.memory_space<vmem>>
    %dma_wait3A_1124 = arith.constant 0 : i32
    %dma_wait3A_1125 = tpu.memref_slice %arg16[%dma_wait3A_1117, %dma_wait3A_1124] : memref<4x128xi32, #tpu.memory_space<vmem>> -> memref<1x128xi32, #tpu.memory_space<vmem>>
    %dma_wait3A_1126 = tpu.memref_squeeze %dma_wait3A_1125 : memref<1x128xi32, #tpu.memory_space<vmem>> -> memref<128xi32, #tpu.memory_space<vmem>>
    %dma_wait3A_1127 = arith.constant 1000064 : i32
    %dma_wait3A_1128 = tpu.memref_slice %arg5[%dma_wait3A_1127] : memref<3000192xf32, #tpu.memory_space<hbm>> -> memref<1000064xf32, #tpu.memory_space<hbm>>
    %dma_wait3A_1129 = arith.constant 0 : i32
    %dma_wait3A_1130 = tpu.memref_slice %dma_wait3A_1128[%dma_wait3A_1129] : memref<1000064xf32, #tpu.memory_space<hbm>> -> memref<1000064xf32, #tpu.memory_space<hbm>>
    tpu.wait_indirect_dma semaphore(%arg18 : memref<!tpu.dma_semaphore, #tpu.memory_space<semaphore_mem>>) src(%dma_wait3A_1130 : memref<1000064xf32, #tpu.memory_space<hbm>>) dst(%dma_wait3A_1123 : memref<128xf32, #tpu.memory_space<vmem>>)
    %dma_wait3A_1131 = arith.constant 0 : i32
    %dma_wait3A_1132 = arith.constant 9 : i32
    %dma_wait3A_1133 = arith.constant 0 : i32
    %dma_wait3A_1134 = tpu.memref_slice %arg17[%dma_wait3A_1132, %dma_wait3A_1133] : memref<10x512xf32, #tpu.memory_space<vmem>> -> memref<1x512xf32, #tpu.memory_space<vmem>>
    %dma_wait3A_1135 = tpu.memref_squeeze %dma_wait3A_1134 : memref<1x512xf32, #tpu.memory_space<vmem>> -> memref<512xf32, #tpu.memory_space<vmem>>
    %dma_wait3A_1136 = arith.constant 0 : i32
    %dma_wait3A_1137 = tpu.memref_slice %dma_wait3A_1135[%dma_wait3A_1136] : memref<512xf32, #tpu.memory_space<vmem>> -> memref<128xf32, #tpu.memory_space<vmem>>
    %dma_wait3A_1138 = arith.constant 0 : i32
    %dma_wait3A_1139 = tpu.memref_slice %arg16[%dma_wait3A_1131, %dma_wait3A_1138] : memref<4x128xi32, #tpu.memory_space<vmem>> -> memref<1x128xi32, #tpu.memory_space<vmem>>
    %dma_wait3A_1140 = tpu.memref_squeeze %dma_wait3A_1139 : memref<1x128xi32, #tpu.memory_space<vmem>> -> memref<128xi32, #tpu.memory_space<vmem>>
    %dma_wait3A_1141 = arith.constant 2000128 : i32
    %dma_wait3A_1142 = tpu.memref_slice %arg5[%dma_wait3A_1141] : memref<3000192xf32, #tpu.memory_space<hbm>> -> memref<1000064xf32, #tpu.memory_space<hbm>>
    %dma_wait3A_1143 = arith.constant 0 : i32
    %dma_wait3A_1144 = tpu.memref_slice %dma_wait3A_1142[%dma_wait3A_1143] : memref<1000064xf32, #tpu.memory_space<hbm>> -> memref<1000064xf32, #tpu.memory_space<hbm>>
    tpu.wait_indirect_dma semaphore(%arg18 : memref<!tpu.dma_semaphore, #tpu.memory_space<semaphore_mem>>) src(%dma_wait3A_1144 : memref<1000064xf32, #tpu.memory_space<hbm>>) dst(%dma_wait3A_1137 : memref<128xf32, #tpu.memory_space<vmem>>)
    %dma_wait3A_1145 = arith.constant 1 : i32
    %dma_wait3A_1146 = arith.constant 9 : i32
    %dma_wait3A_1147 = arith.constant 0 : i32
    %dma_wait3A_1148 = tpu.memref_slice %arg17[%dma_wait3A_1146, %dma_wait3A_1147] : memref<10x512xf32, #tpu.memory_space<vmem>> -> memref<1x512xf32, #tpu.memory_space<vmem>>
    %dma_wait3A_1149 = tpu.memref_squeeze %dma_wait3A_1148 : memref<1x512xf32, #tpu.memory_space<vmem>> -> memref<512xf32, #tpu.memory_space<vmem>>
    %dma_wait3A_1150 = arith.constant 128 : i32
    %dma_wait3A_1151 = tpu.memref_slice %dma_wait3A_1149[%dma_wait3A_1150] : memref<512xf32, #tpu.memory_space<vmem>> -> memref<128xf32, #tpu.memory_space<vmem>>
    %dma_wait3A_1152 = arith.constant 0 : i32
    %dma_wait3A_1153 = tpu.memref_slice %arg16[%dma_wait3A_1145, %dma_wait3A_1152] : memref<4x128xi32, #tpu.memory_space<vmem>> -> memref<1x128xi32, #tpu.memory_space<vmem>>
    %dma_wait3A_1154 = tpu.memref_squeeze %dma_wait3A_1153 : memref<1x128xi32, #tpu.memory_space<vmem>> -> memref<128xi32, #tpu.memory_space<vmem>>
    %dma_wait3A_1155 = arith.constant 2000128 : i32
    %dma_wait3A_1156 = tpu.memref_slice %arg5[%dma_wait3A_1155] : memref<3000192xf32, #tpu.memory_space<hbm>> -> memref<1000064xf32, #tpu.memory_space<hbm>>
    %dma_wait3A_1157 = arith.constant 0 : i32
    %dma_wait3A_1158 = tpu.memref_slice %dma_wait3A_1156[%dma_wait3A_1157] : memref<1000064xf32, #tpu.memory_space<hbm>> -> memref<1000064xf32, #tpu.memory_space<hbm>>
    tpu.wait_indirect_dma semaphore(%arg18 : memref<!tpu.dma_semaphore, #tpu.memory_space<semaphore_mem>>) src(%dma_wait3A_1158 : memref<1000064xf32, #tpu.memory_space<hbm>>) dst(%dma_wait3A_1151 : memref<128xf32, #tpu.memory_space<vmem>>)
    %dma_wait3A_1159 = arith.constant 2 : i32
    %dma_wait3A_1160 = arith.constant 9 : i32
    %dma_wait3A_1161 = arith.constant 0 : i32
    %dma_wait3A_1162 = tpu.memref_slice %arg17[%dma_wait3A_1160, %dma_wait3A_1161] : memref<10x512xf32, #tpu.memory_space<vmem>> -> memref<1x512xf32, #tpu.memory_space<vmem>>
    %dma_wait3A_1163 = tpu.memref_squeeze %dma_wait3A_1162 : memref<1x512xf32, #tpu.memory_space<vmem>> -> memref<512xf32, #tpu.memory_space<vmem>>
    %dma_wait3A_1164 = arith.constant 256 : i32
    %dma_wait3A_1165 = tpu.memref_slice %dma_wait3A_1163[%dma_wait3A_1164] : memref<512xf32, #tpu.memory_space<vmem>> -> memref<128xf32, #tpu.memory_space<vmem>>
    %dma_wait3A_1166 = arith.constant 0 : i32
    %dma_wait3A_1167 = tpu.memref_slice %arg16[%dma_wait3A_1159, %dma_wait3A_1166] : memref<4x128xi32, #tpu.memory_space<vmem>> -> memref<1x128xi32, #tpu.memory_space<vmem>>
    %dma_wait3A_1168 = tpu.memref_squeeze %dma_wait3A_1167 : memref<1x128xi32, #tpu.memory_space<vmem>> -> memref<128xi32, #tpu.memory_space<vmem>>
    %dma_wait3A_1169 = arith.constant 2000128 : i32
    %dma_wait3A_1170 = tpu.memref_slice %arg5[%dma_wait3A_1169] : memref<3000192xf32, #tpu.memory_space<hbm>> -> memref<1000064xf32, #tpu.memory_space<hbm>>
    %dma_wait3A_1171 = arith.constant 0 : i32
    %dma_wait3A_1172 = tpu.memref_slice %dma_wait3A_1170[%dma_wait3A_1171] : memref<1000064xf32, #tpu.memory_space<hbm>> -> memref<1000064xf32, #tpu.memory_space<hbm>>
    tpu.wait_indirect_dma semaphore(%arg18 : memref<!tpu.dma_semaphore, #tpu.memory_space<semaphore_mem>>) src(%dma_wait3A_1172 : memref<1000064xf32, #tpu.memory_space<hbm>>) dst(%dma_wait3A_1165 : memref<128xf32, #tpu.memory_space<vmem>>)
    %dma_wait3A_1173 = arith.constant 3 : i32
    %dma_wait3A_1174 = arith.constant 9 : i32
    %dma_wait3A_1175 = arith.constant 0 : i32
    %dma_wait3A_1176 = tpu.memref_slice %arg17[%dma_wait3A_1174, %dma_wait3A_1175] : memref<10x512xf32, #tpu.memory_space<vmem>> -> memref<1x512xf32, #tpu.memory_space<vmem>>
    %dma_wait3A_1177 = tpu.memref_squeeze %dma_wait3A_1176 : memref<1x512xf32, #tpu.memory_space<vmem>> -> memref<512xf32, #tpu.memory_space<vmem>>
    %dma_wait3A_1178 = arith.constant 384 : i32
    %dma_wait3A_1179 = tpu.memref_slice %dma_wait3A_1177[%dma_wait3A_1178] : memref<512xf32, #tpu.memory_space<vmem>> -> memref<128xf32, #tpu.memory_space<vmem>>
    %dma_wait3A_1180 = arith.constant 0 : i32
    %dma_wait3A_1181 = tpu.memref_slice %arg16[%dma_wait3A_1173, %dma_wait3A_1180] : memref<4x128xi32, #tpu.memory_space<vmem>> -> memref<1x128xi32, #tpu.memory_space<vmem>>
    %dma_wait3A_1182 = tpu.memref_squeeze %dma_wait3A_1181 : memref<1x128xi32, #tpu.memory_space<vmem>> -> memref<128xi32, #tpu.memory_space<vmem>>
    %dma_wait3A_1183 = arith.constant 2000128 : i32
    %dma_wait3A_1184 = tpu.memref_slice %arg5[%dma_wait3A_1183] : memref<3000192xf32, #tpu.memory_space<hbm>> -> memref<1000064xf32, #tpu.memory_space<hbm>>
    %dma_wait3A_1185 = arith.constant 0 : i32
    %dma_wait3A_1186 = tpu.memref_slice %dma_wait3A_1184[%dma_wait3A_1185] : memref<1000064xf32, #tpu.memory_space<hbm>> -> memref<1000064xf32, #tpu.memory_space<hbm>>
    tpu.wait_indirect_dma semaphore(%arg18 : memref<!tpu.dma_semaphore, #tpu.memory_space<semaphore_mem>>) src(%dma_wait3A_1186 : memref<1000064xf32, #tpu.memory_space<hbm>>) dst(%dma_wait3A_1179 : memref<128xf32, #tpu.memory_space<vmem>>)
    %dma_start3A_1187 = arith.constant 0 : i32
    %dma_start3A_1188 = arith.constant 0 : i32
    %dma_start3A_1189 = tpu.memref_slice %arg17[%dma_start3A_1187, %dma_start3A_1188] : memref<10x512xf32, #tpu.memory_space<vmem>> -> memref<1x512xf32, #tpu.memory_space<vmem>>
    %dma_start3A_1190 = tpu.memref_squeeze %dma_start3A_1189 : memref<1x512xf32, #tpu.memory_space<vmem>> -> memref<512xf32, #tpu.memory_space<vmem>>
    %dma_start3A_1191 = tpu.memref_slice %arg6[%mul3A_2] : memref<16384xf32, #tpu.memory_space<hbm>> -> memref<512xf32, #tpu.memory_space<hbm>>
    %dma_start3A_1192 = tpu.memref_slice %arg6[%mul3A_2] : memref<16384xf32, #tpu.memory_space<hbm>> -> memref<512xf32, #tpu.memory_space<hbm>>
    %dma_start3A_1193 = arith.constant 0 : i32
    %dma_start3A_1194 = tpu.memref_slice %arg17[%dma_start3A_1187, %dma_start3A_1193] : memref<10x512xf32, #tpu.memory_space<vmem>> -> memref<1x512xf32, #tpu.memory_space<vmem>>
    %dma_start3A_1195 = tpu.memref_squeeze %dma_start3A_1194 : memref<1x512xf32, #tpu.memory_space<vmem>> -> memref<512xf32, #tpu.memory_space<vmem>>
    tpu.enqueue_dma source(%dma_start3A_1195 : memref<512xf32, #tpu.memory_space<vmem>>) target(%dma_start3A_1192 : memref<512xf32, #tpu.memory_space<hbm>>) target_semaphore(%arg18 : memref<!tpu.dma_semaphore, #tpu.memory_space<semaphore_mem>>)
    %dma_start3A_1196 = arith.constant 1 : i32
    %dma_start3A_1197 = arith.constant 0 : i32
    %dma_start3A_1198 = tpu.memref_slice %arg17[%dma_start3A_1196, %dma_start3A_1197] : memref<10x512xf32, #tpu.memory_space<vmem>> -> memref<1x512xf32, #tpu.memory_space<vmem>>
    %dma_start3A_1199 = tpu.memref_squeeze %dma_start3A_1198 : memref<1x512xf32, #tpu.memory_space<vmem>> -> memref<512xf32, #tpu.memory_space<vmem>>
    %dma_start3A_1200 = tpu.memref_slice %arg7[%mul3A_2] : memref<16384xf32, #tpu.memory_space<hbm>> -> memref<512xf32, #tpu.memory_space<hbm>>
    %dma_start3A_1201 = tpu.memref_slice %arg7[%mul3A_2] : memref<16384xf32, #tpu.memory_space<hbm>> -> memref<512xf32, #tpu.memory_space<hbm>>
    %dma_start3A_1202 = arith.constant 0 : i32
    %dma_start3A_1203 = tpu.memref_slice %arg17[%dma_start3A_1196, %dma_start3A_1202] : memref<10x512xf32, #tpu.memory_space<vmem>> -> memref<1x512xf32, #tpu.memory_space<vmem>>
    %dma_start3A_1204 = tpu.memref_squeeze %dma_start3A_1203 : memref<1x512xf32, #tpu.memory_space<vmem>> -> memref<512xf32, #tpu.memory_space<vmem>>
    tpu.enqueue_dma source(%dma_start3A_1204 : memref<512xf32, #tpu.memory_space<vmem>>) target(%dma_start3A_1201 : memref<512xf32, #tpu.memory_space<hbm>>) target_semaphore(%arg18 : memref<!tpu.dma_semaphore, #tpu.memory_space<semaphore_mem>>)
    %dma_start3A_1205 = arith.constant 2 : i32
    %dma_start3A_1206 = arith.constant 0 : i32
    %dma_start3A_1207 = tpu.memref_slice %arg17[%dma_start3A_1205, %dma_start3A_1206] : memref<10x512xf32, #tpu.memory_space<vmem>> -> memref<1x512xf32, #tpu.memory_space<vmem>>
    %dma_start3A_1208 = tpu.memref_squeeze %dma_start3A_1207 : memref<1x512xf32, #tpu.memory_space<vmem>> -> memref<512xf32, #tpu.memory_space<vmem>>
    %dma_start3A_1209 = tpu.memref_slice %arg8[%mul3A_2] : memref<16384xf32, #tpu.memory_space<hbm>> -> memref<512xf32, #tpu.memory_space<hbm>>
    %dma_start3A_1210 = tpu.memref_slice %arg8[%mul3A_2] : memref<16384xf32, #tpu.memory_space<hbm>> -> memref<512xf32, #tpu.memory_space<hbm>>
    %dma_start3A_1211 = arith.constant 0 : i32
    %dma_start3A_1212 = tpu.memref_slice %arg17[%dma_start3A_1205, %dma_start3A_1211] : memref<10x512xf32, #tpu.memory_space<vmem>> -> memref<1x512xf32, #tpu.memory_space<vmem>>
    %dma_start3A_1213 = tpu.memref_squeeze %dma_start3A_1212 : memref<1x512xf32, #tpu.memory_space<vmem>> -> memref<512xf32, #tpu.memory_space<vmem>>
    tpu.enqueue_dma source(%dma_start3A_1213 : memref<512xf32, #tpu.memory_space<vmem>>) target(%dma_start3A_1210 : memref<512xf32, #tpu.memory_space<hbm>>) target_semaphore(%arg18 : memref<!tpu.dma_semaphore, #tpu.memory_space<semaphore_mem>>)
    %dma_start3A_1214 = arith.constant 3 : i32
    %dma_start3A_1215 = arith.constant 0 : i32
    %dma_start3A_1216 = tpu.memref_slice %arg17[%dma_start3A_1214, %dma_start3A_1215] : memref<10x512xf32, #tpu.memory_space<vmem>> -> memref<1x512xf32, #tpu.memory_space<vmem>>
    %dma_start3A_1217 = tpu.memref_squeeze %dma_start3A_1216 : memref<1x512xf32, #tpu.memory_space<vmem>> -> memref<512xf32, #tpu.memory_space<vmem>>
    %dma_start3A_1218 = tpu.memref_slice %arg9[%mul3A_2] : memref<16384xf32, #tpu.memory_space<hbm>> -> memref<512xf32, #tpu.memory_space<hbm>>
    %dma_start3A_1219 = tpu.memref_slice %arg9[%mul3A_2] : memref<16384xf32, #tpu.memory_space<hbm>> -> memref<512xf32, #tpu.memory_space<hbm>>
    %dma_start3A_1220 = arith.constant 0 : i32
    %dma_start3A_1221 = tpu.memref_slice %arg17[%dma_start3A_1214, %dma_start3A_1220] : memref<10x512xf32, #tpu.memory_space<vmem>> -> memref<1x512xf32, #tpu.memory_space<vmem>>
    %dma_start3A_1222 = tpu.memref_squeeze %dma_start3A_1221 : memref<1x512xf32, #tpu.memory_space<vmem>> -> memref<512xf32, #tpu.memory_space<vmem>>
    tpu.enqueue_dma source(%dma_start3A_1222 : memref<512xf32, #tpu.memory_space<vmem>>) target(%dma_start3A_1219 : memref<512xf32, #tpu.memory_space<hbm>>) target_semaphore(%arg18 : memref<!tpu.dma_semaphore, #tpu.memory_space<semaphore_mem>>)
    %dma_start3A_1223 = arith.constant 4 : i32
    %dma_start3A_1224 = arith.constant 0 : i32
    %dma_start3A_1225 = tpu.memref_slice %arg17[%dma_start3A_1223, %dma_start3A_1224] : memref<10x512xf32, #tpu.memory_space<vmem>> -> memref<1x512xf32, #tpu.memory_space<vmem>>
    %dma_start3A_1226 = tpu.memref_squeeze %dma_start3A_1225 : memref<1x512xf32, #tpu.memory_space<vmem>> -> memref<512xf32, #tpu.memory_space<vmem>>
    %dma_start3A_1227 = tpu.memref_slice %arg10[%mul3A_2] : memref<16384xf32, #tpu.memory_space<hbm>> -> memref<512xf32, #tpu.memory_space<hbm>>
    %dma_start3A_1228 = tpu.memref_slice %arg10[%mul3A_2] : memref<16384xf32, #tpu.memory_space<hbm>> -> memref<512xf32, #tpu.memory_space<hbm>>
    %dma_start3A_1229 = arith.constant 0 : i32
    %dma_start3A_1230 = tpu.memref_slice %arg17[%dma_start3A_1223, %dma_start3A_1229] : memref<10x512xf32, #tpu.memory_space<vmem>> -> memref<1x512xf32, #tpu.memory_space<vmem>>
    %dma_start3A_1231 = tpu.memref_squeeze %dma_start3A_1230 : memref<1x512xf32, #tpu.memory_space<vmem>> -> memref<512xf32, #tpu.memory_space<vmem>>
    tpu.enqueue_dma source(%dma_start3A_1231 : memref<512xf32, #tpu.memory_space<vmem>>) target(%dma_start3A_1228 : memref<512xf32, #tpu.memory_space<hbm>>) target_semaphore(%arg18 : memref<!tpu.dma_semaphore, #tpu.memory_space<semaphore_mem>>)
    %dma_start3A_1232 = arith.constant 5 : i32
    %dma_start3A_1233 = arith.constant 0 : i32
    %dma_start3A_1234 = tpu.memref_slice %arg17[%dma_start3A_1232, %dma_start3A_1233] : memref<10x512xf32, #tpu.memory_space<vmem>> -> memref<1x512xf32, #tpu.memory_space<vmem>>
    %dma_start3A_1235 = tpu.memref_squeeze %dma_start3A_1234 : memref<1x512xf32, #tpu.memory_space<vmem>> -> memref<512xf32, #tpu.memory_space<vmem>>
    %dma_start3A_1236 = tpu.memref_slice %arg11[%mul3A_2] : memref<16384xf32, #tpu.memory_space<hbm>> -> memref<512xf32, #tpu.memory_space<hbm>>
    %dma_start3A_1237 = tpu.memref_slice %arg11[%mul3A_2] : memref<16384xf32, #tpu.memory_space<hbm>> -> memref<512xf32, #tpu.memory_space<hbm>>
    %dma_start3A_1238 = arith.constant 0 : i32
    %dma_start3A_1239 = tpu.memref_slice %arg17[%dma_start3A_1232, %dma_start3A_1238] : memref<10x512xf32, #tpu.memory_space<vmem>> -> memref<1x512xf32, #tpu.memory_space<vmem>>
    %dma_start3A_1240 = tpu.memref_squeeze %dma_start3A_1239 : memref<1x512xf32, #tpu.memory_space<vmem>> -> memref<512xf32, #tpu.memory_space<vmem>>
    tpu.enqueue_dma source(%dma_start3A_1240 : memref<512xf32, #tpu.memory_space<vmem>>) target(%dma_start3A_1237 : memref<512xf32, #tpu.memory_space<hbm>>) target_semaphore(%arg18 : memref<!tpu.dma_semaphore, #tpu.memory_space<semaphore_mem>>)
    %dma_start3A_1241 = arith.constant 6 : i32
    %dma_start3A_1242 = arith.constant 0 : i32
    %dma_start3A_1243 = tpu.memref_slice %arg17[%dma_start3A_1241, %dma_start3A_1242] : memref<10x512xf32, #tpu.memory_space<vmem>> -> memref<1x512xf32, #tpu.memory_space<vmem>>
    %dma_start3A_1244 = tpu.memref_squeeze %dma_start3A_1243 : memref<1x512xf32, #tpu.memory_space<vmem>> -> memref<512xf32, #tpu.memory_space<vmem>>
    %dma_start3A_1245 = tpu.memref_slice %arg12[%mul3A_2] : memref<16384xf32, #tpu.memory_space<hbm>> -> memref<512xf32, #tpu.memory_space<hbm>>
    %dma_start3A_1246 = tpu.memref_slice %arg12[%mul3A_2] : memref<16384xf32, #tpu.memory_space<hbm>> -> memref<512xf32, #tpu.memory_space<hbm>>
    %dma_start3A_1247 = arith.constant 0 : i32
    %dma_start3A_1248 = tpu.memref_slice %arg17[%dma_start3A_1241, %dma_start3A_1247] : memref<10x512xf32, #tpu.memory_space<vmem>> -> memref<1x512xf32, #tpu.memory_space<vmem>>
    %dma_start3A_1249 = tpu.memref_squeeze %dma_start3A_1248 : memref<1x512xf32, #tpu.memory_space<vmem>> -> memref<512xf32, #tpu.memory_space<vmem>>
    tpu.enqueue_dma source(%dma_start3A_1249 : memref<512xf32, #tpu.memory_space<vmem>>) target(%dma_start3A_1246 : memref<512xf32, #tpu.memory_space<hbm>>) target_semaphore(%arg18 : memref<!tpu.dma_semaphore, #tpu.memory_space<semaphore_mem>>)
    %dma_start3A_1250 = arith.constant 7 : i32
    %dma_start3A_1251 = arith.constant 0 : i32
    %dma_start3A_1252 = tpu.memref_slice %arg17[%dma_start3A_1250, %dma_start3A_1251] : memref<10x512xf32, #tpu.memory_space<vmem>> -> memref<1x512xf32, #tpu.memory_space<vmem>>
    %dma_start3A_1253 = tpu.memref_squeeze %dma_start3A_1252 : memref<1x512xf32, #tpu.memory_space<vmem>> -> memref<512xf32, #tpu.memory_space<vmem>>
    %dma_start3A_1254 = tpu.memref_slice %arg13[%mul3A_2] : memref<16384xf32, #tpu.memory_space<hbm>> -> memref<512xf32, #tpu.memory_space<hbm>>
    %dma_start3A_1255 = tpu.memref_slice %arg13[%mul3A_2] : memref<16384xf32, #tpu.memory_space<hbm>> -> memref<512xf32, #tpu.memory_space<hbm>>
    %dma_start3A_1256 = arith.constant 0 : i32
    %dma_start3A_1257 = tpu.memref_slice %arg17[%dma_start3A_1250, %dma_start3A_1256] : memref<10x512xf32, #tpu.memory_space<vmem>> -> memref<1x512xf32, #tpu.memory_space<vmem>>
    %dma_start3A_1258 = tpu.memref_squeeze %dma_start3A_1257 : memref<1x512xf32, #tpu.memory_space<vmem>> -> memref<512xf32, #tpu.memory_space<vmem>>
    tpu.enqueue_dma source(%dma_start3A_1258 : memref<512xf32, #tpu.memory_space<vmem>>) target(%dma_start3A_1255 : memref<512xf32, #tpu.memory_space<hbm>>) target_semaphore(%arg18 : memref<!tpu.dma_semaphore, #tpu.memory_space<semaphore_mem>>)
    %dma_start3A_1259 = arith.constant 8 : i32
    %dma_start3A_1260 = arith.constant 0 : i32
    %dma_start3A_1261 = tpu.memref_slice %arg17[%dma_start3A_1259, %dma_start3A_1260] : memref<10x512xf32, #tpu.memory_space<vmem>> -> memref<1x512xf32, #tpu.memory_space<vmem>>
    %dma_start3A_1262 = tpu.memref_squeeze %dma_start3A_1261 : memref<1x512xf32, #tpu.memory_space<vmem>> -> memref<512xf32, #tpu.memory_space<vmem>>
    %dma_start3A_1263 = tpu.memref_slice %arg14[%mul3A_2] : memref<16384xf32, #tpu.memory_space<hbm>> -> memref<512xf32, #tpu.memory_space<hbm>>
    %dma_start3A_1264 = tpu.memref_slice %arg14[%mul3A_2] : memref<16384xf32, #tpu.memory_space<hbm>> -> memref<512xf32, #tpu.memory_space<hbm>>
    %dma_start3A_1265 = arith.constant 0 : i32
    %dma_start3A_1266 = tpu.memref_slice %arg17[%dma_start3A_1259, %dma_start3A_1265] : memref<10x512xf32, #tpu.memory_space<vmem>> -> memref<1x512xf32, #tpu.memory_space<vmem>>
    %dma_start3A_1267 = tpu.memref_squeeze %dma_start3A_1266 : memref<1x512xf32, #tpu.memory_space<vmem>> -> memref<512xf32, #tpu.memory_space<vmem>>
    tpu.enqueue_dma source(%dma_start3A_1267 : memref<512xf32, #tpu.memory_space<vmem>>) target(%dma_start3A_1264 : memref<512xf32, #tpu.memory_space<hbm>>) target_semaphore(%arg18 : memref<!tpu.dma_semaphore, #tpu.memory_space<semaphore_mem>>)
    %dma_start3A_1268 = arith.constant 9 : i32
    %dma_start3A_1269 = arith.constant 0 : i32
    %dma_start3A_1270 = tpu.memref_slice %arg17[%dma_start3A_1268, %dma_start3A_1269] : memref<10x512xf32, #tpu.memory_space<vmem>> -> memref<1x512xf32, #tpu.memory_space<vmem>>
    %dma_start3A_1271 = tpu.memref_squeeze %dma_start3A_1270 : memref<1x512xf32, #tpu.memory_space<vmem>> -> memref<512xf32, #tpu.memory_space<vmem>>
    %dma_start3A_1272 = tpu.memref_slice %arg15[%mul3A_2] : memref<16384xf32, #tpu.memory_space<hbm>> -> memref<512xf32, #tpu.memory_space<hbm>>
    %dma_start3A_1273 = tpu.memref_slice %arg15[%mul3A_2] : memref<16384xf32, #tpu.memory_space<hbm>> -> memref<512xf32, #tpu.memory_space<hbm>>
    %dma_start3A_1274 = arith.constant 0 : i32
    %dma_start3A_1275 = tpu.memref_slice %arg17[%dma_start3A_1268, %dma_start3A_1274] : memref<10x512xf32, #tpu.memory_space<vmem>> -> memref<1x512xf32, #tpu.memory_space<vmem>>
    %dma_start3A_1276 = tpu.memref_squeeze %dma_start3A_1275 : memref<1x512xf32, #tpu.memory_space<vmem>> -> memref<512xf32, #tpu.memory_space<vmem>>
    tpu.enqueue_dma source(%dma_start3A_1276 : memref<512xf32, #tpu.memory_space<vmem>>) target(%dma_start3A_1273 : memref<512xf32, #tpu.memory_space<hbm>>) target_semaphore(%arg18 : memref<!tpu.dma_semaphore, #tpu.memory_space<semaphore_mem>>)
    %dma_wait3A_1277 = arith.constant 0 : i32
    %dma_wait3A_1278 = arith.constant 0 : i32
    %dma_wait3A_1279 = tpu.memref_slice %arg17[%dma_wait3A_1277, %dma_wait3A_1278] : memref<10x512xf32, #tpu.memory_space<vmem>> -> memref<1x512xf32, #tpu.memory_space<vmem>>
    %dma_wait3A_1280 = tpu.memref_squeeze %dma_wait3A_1279 : memref<1x512xf32, #tpu.memory_space<vmem>> -> memref<512xf32, #tpu.memory_space<vmem>>
    %dma_wait3A_1281 = tpu.memref_slice %arg6[%mul3A_2] : memref<16384xf32, #tpu.memory_space<hbm>> -> memref<512xf32, #tpu.memory_space<hbm>>
    %dma_wait3A_1282 = tpu.memref_slice %arg6[%mul3A_2] : memref<16384xf32, #tpu.memory_space<hbm>> -> memref<512xf32, #tpu.memory_space<hbm>>
    %dma_wait3A_1283 = arith.constant 0 : i32
    %dma_wait3A_1284 = tpu.memref_slice %arg17[%dma_wait3A_1277, %dma_wait3A_1283] : memref<10x512xf32, #tpu.memory_space<vmem>> -> memref<1x512xf32, #tpu.memory_space<vmem>>
    %dma_wait3A_1285 = tpu.memref_squeeze %dma_wait3A_1284 : memref<1x512xf32, #tpu.memory_space<vmem>> -> memref<512xf32, #tpu.memory_space<vmem>>
    tpu.wait_dma2 semaphore(%arg18 : memref<!tpu.dma_semaphore, #tpu.memory_space<semaphore_mem>>) src(%dma_wait3A_1285 : memref<512xf32, #tpu.memory_space<vmem>>) dst(%dma_wait3A_1282 : memref<512xf32, #tpu.memory_space<hbm>>)
    %dma_wait3A_1286 = arith.constant 1 : i32
    %dma_wait3A_1287 = arith.constant 0 : i32
    %dma_wait3A_1288 = tpu.memref_slice %arg17[%dma_wait3A_1286, %dma_wait3A_1287] : memref<10x512xf32, #tpu.memory_space<vmem>> -> memref<1x512xf32, #tpu.memory_space<vmem>>
    %dma_wait3A_1289 = tpu.memref_squeeze %dma_wait3A_1288 : memref<1x512xf32, #tpu.memory_space<vmem>> -> memref<512xf32, #tpu.memory_space<vmem>>
    %dma_wait3A_1290 = tpu.memref_slice %arg7[%mul3A_2] : memref<16384xf32, #tpu.memory_space<hbm>> -> memref<512xf32, #tpu.memory_space<hbm>>
    %dma_wait3A_1291 = tpu.memref_slice %arg7[%mul3A_2] : memref<16384xf32, #tpu.memory_space<hbm>> -> memref<512xf32, #tpu.memory_space<hbm>>
    %dma_wait3A_1292 = arith.constant 0 : i32
    %dma_wait3A_1293 = tpu.memref_slice %arg17[%dma_wait3A_1286, %dma_wait3A_1292] : memref<10x512xf32, #tpu.memory_space<vmem>> -> memref<1x512xf32, #tpu.memory_space<vmem>>
    %dma_wait3A_1294 = tpu.memref_squeeze %dma_wait3A_1293 : memref<1x512xf32, #tpu.memory_space<vmem>> -> memref<512xf32, #tpu.memory_space<vmem>>
    tpu.wait_dma2 semaphore(%arg18 : memref<!tpu.dma_semaphore, #tpu.memory_space<semaphore_mem>>) src(%dma_wait3A_1294 : memref<512xf32, #tpu.memory_space<vmem>>) dst(%dma_wait3A_1291 : memref<512xf32, #tpu.memory_space<hbm>>)
    %dma_wait3A_1295 = arith.constant 2 : i32
    %dma_wait3A_1296 = arith.constant 0 : i32
    %dma_wait3A_1297 = tpu.memref_slice %arg17[%dma_wait3A_1295, %dma_wait3A_1296] : memref<10x512xf32, #tpu.memory_space<vmem>> -> memref<1x512xf32, #tpu.memory_space<vmem>>
    %dma_wait3A_1298 = tpu.memref_squeeze %dma_wait3A_1297 : memref<1x512xf32, #tpu.memory_space<vmem>> -> memref<512xf32, #tpu.memory_space<vmem>>
    %dma_wait3A_1299 = tpu.memref_slice %arg8[%mul3A_2] : memref<16384xf32, #tpu.memory_space<hbm>> -> memref<512xf32, #tpu.memory_space<hbm>>
    %dma_wait3A_1300 = tpu.memref_slice %arg8[%mul3A_2] : memref<16384xf32, #tpu.memory_space<hbm>> -> memref<512xf32, #tpu.memory_space<hbm>>
    %dma_wait3A_1301 = arith.constant 0 : i32
    %dma_wait3A_1302 = tpu.memref_slice %arg17[%dma_wait3A_1295, %dma_wait3A_1301] : memref<10x512xf32, #tpu.memory_space<vmem>> -> memref<1x512xf32, #tpu.memory_space<vmem>>
    %dma_wait3A_1303 = tpu.memref_squeeze %dma_wait3A_1302 : memref<1x512xf32, #tpu.memory_space<vmem>> -> memref<512xf32, #tpu.memory_space<vmem>>
    tpu.wait_dma2 semaphore(%arg18 : memref<!tpu.dma_semaphore, #tpu.memory_space<semaphore_mem>>) src(%dma_wait3A_1303 : memref<512xf32, #tpu.memory_space<vmem>>) dst(%dma_wait3A_1300 : memref<512xf32, #tpu.memory_space<hbm>>)
    %dma_wait3A_1304 = arith.constant 3 : i32
    %dma_wait3A_1305 = arith.constant 0 : i32
    %dma_wait3A_1306 = tpu.memref_slice %arg17[%dma_wait3A_1304, %dma_wait3A_1305] : memref<10x512xf32, #tpu.memory_space<vmem>> -> memref<1x512xf32, #tpu.memory_space<vmem>>
    %dma_wait3A_1307 = tpu.memref_squeeze %dma_wait3A_1306 : memref<1x512xf32, #tpu.memory_space<vmem>> -> memref<512xf32, #tpu.memory_space<vmem>>
    %dma_wait3A_1308 = tpu.memref_slice %arg9[%mul3A_2] : memref<16384xf32, #tpu.memory_space<hbm>> -> memref<512xf32, #tpu.memory_space<hbm>>
    %dma_wait3A_1309 = tpu.memref_slice %arg9[%mul3A_2] : memref<16384xf32, #tpu.memory_space<hbm>> -> memref<512xf32, #tpu.memory_space<hbm>>
    %dma_wait3A_1310 = arith.constant 0 : i32
    %dma_wait3A_1311 = tpu.memref_slice %arg17[%dma_wait3A_1304, %dma_wait3A_1310] : memref<10x512xf32, #tpu.memory_space<vmem>> -> memref<1x512xf32, #tpu.memory_space<vmem>>
    %dma_wait3A_1312 = tpu.memref_squeeze %dma_wait3A_1311 : memref<1x512xf32, #tpu.memory_space<vmem>> -> memref<512xf32, #tpu.memory_space<vmem>>
    tpu.wait_dma2 semaphore(%arg18 : memref<!tpu.dma_semaphore, #tpu.memory_space<semaphore_mem>>) src(%dma_wait3A_1312 : memref<512xf32, #tpu.memory_space<vmem>>) dst(%dma_wait3A_1309 : memref<512xf32, #tpu.memory_space<hbm>>)
    %dma_wait3A_1313 = arith.constant 4 : i32
    %dma_wait3A_1314 = arith.constant 0 : i32
    %dma_wait3A_1315 = tpu.memref_slice %arg17[%dma_wait3A_1313, %dma_wait3A_1314] : memref<10x512xf32, #tpu.memory_space<vmem>> -> memref<1x512xf32, #tpu.memory_space<vmem>>
    %dma_wait3A_1316 = tpu.memref_squeeze %dma_wait3A_1315 : memref<1x512xf32, #tpu.memory_space<vmem>> -> memref<512xf32, #tpu.memory_space<vmem>>
    %dma_wait3A_1317 = tpu.memref_slice %arg10[%mul3A_2] : memref<16384xf32, #tpu.memory_space<hbm>> -> memref<512xf32, #tpu.memory_space<hbm>>
    %dma_wait3A_1318 = tpu.memref_slice %arg10[%mul3A_2] : memref<16384xf32, #tpu.memory_space<hbm>> -> memref<512xf32, #tpu.memory_space<hbm>>
    %dma_wait3A_1319 = arith.constant 0 : i32
    %dma_wait3A_1320 = tpu.memref_slice %arg17[%dma_wait3A_1313, %dma_wait3A_1319] : memref<10x512xf32, #tpu.memory_space<vmem>> -> memref<1x512xf32, #tpu.memory_space<vmem>>
    %dma_wait3A_1321 = tpu.memref_squeeze %dma_wait3A_1320 : memref<1x512xf32, #tpu.memory_space<vmem>> -> memref<512xf32, #tpu.memory_space<vmem>>
    tpu.wait_dma2 semaphore(%arg18 : memref<!tpu.dma_semaphore, #tpu.memory_space<semaphore_mem>>) src(%dma_wait3A_1321 : memref<512xf32, #tpu.memory_space<vmem>>) dst(%dma_wait3A_1318 : memref<512xf32, #tpu.memory_space<hbm>>)
    %dma_wait3A_1322 = arith.constant 5 : i32
    %dma_wait3A_1323 = arith.constant 0 : i32
    %dma_wait3A_1324 = tpu.memref_slice %arg17[%dma_wait3A_1322, %dma_wait3A_1323] : memref<10x512xf32, #tpu.memory_space<vmem>> -> memref<1x512xf32, #tpu.memory_space<vmem>>
    %dma_wait3A_1325 = tpu.memref_squeeze %dma_wait3A_1324 : memref<1x512xf32, #tpu.memory_space<vmem>> -> memref<512xf32, #tpu.memory_space<vmem>>
    %dma_wait3A_1326 = tpu.memref_slice %arg11[%mul3A_2] : memref<16384xf32, #tpu.memory_space<hbm>> -> memref<512xf32, #tpu.memory_space<hbm>>
    %dma_wait3A_1327 = tpu.memref_slice %arg11[%mul3A_2] : memref<16384xf32, #tpu.memory_space<hbm>> -> memref<512xf32, #tpu.memory_space<hbm>>
    %dma_wait3A_1328 = arith.constant 0 : i32
    %dma_wait3A_1329 = tpu.memref_slice %arg17[%dma_wait3A_1322, %dma_wait3A_1328] : memref<10x512xf32, #tpu.memory_space<vmem>> -> memref<1x512xf32, #tpu.memory_space<vmem>>
    %dma_wait3A_1330 = tpu.memref_squeeze %dma_wait3A_1329 : memref<1x512xf32, #tpu.memory_space<vmem>> -> memref<512xf32, #tpu.memory_space<vmem>>
    tpu.wait_dma2 semaphore(%arg18 : memref<!tpu.dma_semaphore, #tpu.memory_space<semaphore_mem>>) src(%dma_wait3A_1330 : memref<512xf32, #tpu.memory_space<vmem>>) dst(%dma_wait3A_1327 : memref<512xf32, #tpu.memory_space<hbm>>)
    %dma_wait3A_1331 = arith.constant 6 : i32
    %dma_wait3A_1332 = arith.constant 0 : i32
    %dma_wait3A_1333 = tpu.memref_slice %arg17[%dma_wait3A_1331, %dma_wait3A_1332] : memref<10x512xf32, #tpu.memory_space<vmem>> -> memref<1x512xf32, #tpu.memory_space<vmem>>
    %dma_wait3A_1334 = tpu.memref_squeeze %dma_wait3A_1333 : memref<1x512xf32, #tpu.memory_space<vmem>> -> memref<512xf32, #tpu.memory_space<vmem>>
    %dma_wait3A_1335 = tpu.memref_slice %arg12[%mul3A_2] : memref<16384xf32, #tpu.memory_space<hbm>> -> memref<512xf32, #tpu.memory_space<hbm>>
    %dma_wait3A_1336 = tpu.memref_slice %arg12[%mul3A_2] : memref<16384xf32, #tpu.memory_space<hbm>> -> memref<512xf32, #tpu.memory_space<hbm>>
    %dma_wait3A_1337 = arith.constant 0 : i32
    %dma_wait3A_1338 = tpu.memref_slice %arg17[%dma_wait3A_1331, %dma_wait3A_1337] : memref<10x512xf32, #tpu.memory_space<vmem>> -> memref<1x512xf32, #tpu.memory_space<vmem>>
    %dma_wait3A_1339 = tpu.memref_squeeze %dma_wait3A_1338 : memref<1x512xf32, #tpu.memory_space<vmem>> -> memref<512xf32, #tpu.memory_space<vmem>>
    tpu.wait_dma2 semaphore(%arg18 : memref<!tpu.dma_semaphore, #tpu.memory_space<semaphore_mem>>) src(%dma_wait3A_1339 : memref<512xf32, #tpu.memory_space<vmem>>) dst(%dma_wait3A_1336 : memref<512xf32, #tpu.memory_space<hbm>>)
    %dma_wait3A_1340 = arith.constant 7 : i32
    %dma_wait3A_1341 = arith.constant 0 : i32
    %dma_wait3A_1342 = tpu.memref_slice %arg17[%dma_wait3A_1340, %dma_wait3A_1341] : memref<10x512xf32, #tpu.memory_space<vmem>> -> memref<1x512xf32, #tpu.memory_space<vmem>>
    %dma_wait3A_1343 = tpu.memref_squeeze %dma_wait3A_1342 : memref<1x512xf32, #tpu.memory_space<vmem>> -> memref<512xf32, #tpu.memory_space<vmem>>
    %dma_wait3A_1344 = tpu.memref_slice %arg13[%mul3A_2] : memref<16384xf32, #tpu.memory_space<hbm>> -> memref<512xf32, #tpu.memory_space<hbm>>
    %dma_wait3A_1345 = tpu.memref_slice %arg13[%mul3A_2] : memref<16384xf32, #tpu.memory_space<hbm>> -> memref<512xf32, #tpu.memory_space<hbm>>
    %dma_wait3A_1346 = arith.constant 0 : i32
    %dma_wait3A_1347 = tpu.memref_slice %arg17[%dma_wait3A_1340, %dma_wait3A_1346] : memref<10x512xf32, #tpu.memory_space<vmem>> -> memref<1x512xf32, #tpu.memory_space<vmem>>
    %dma_wait3A_1348 = tpu.memref_squeeze %dma_wait3A_1347 : memref<1x512xf32, #tpu.memory_space<vmem>> -> memref<512xf32, #tpu.memory_space<vmem>>
    tpu.wait_dma2 semaphore(%arg18 : memref<!tpu.dma_semaphore, #tpu.memory_space<semaphore_mem>>) src(%dma_wait3A_1348 : memref<512xf32, #tpu.memory_space<vmem>>) dst(%dma_wait3A_1345 : memref<512xf32, #tpu.memory_space<hbm>>)
    %dma_wait3A_1349 = arith.constant 8 : i32
    %dma_wait3A_1350 = arith.constant 0 : i32
    %dma_wait3A_1351 = tpu.memref_slice %arg17[%dma_wait3A_1349, %dma_wait3A_1350] : memref<10x512xf32, #tpu.memory_space<vmem>> -> memref<1x512xf32, #tpu.memory_space<vmem>>
    %dma_wait3A_1352 = tpu.memref_squeeze %dma_wait3A_1351 : memref<1x512xf32, #tpu.memory_space<vmem>> -> memref<512xf32, #tpu.memory_space<vmem>>
    %dma_wait3A_1353 = tpu.memref_slice %arg14[%mul3A_2] : memref<16384xf32, #tpu.memory_space<hbm>> -> memref<512xf32, #tpu.memory_space<hbm>>
    %dma_wait3A_1354 = tpu.memref_slice %arg14[%mul3A_2] : memref<16384xf32, #tpu.memory_space<hbm>> -> memref<512xf32, #tpu.memory_space<hbm>>
    %dma_wait3A_1355 = arith.constant 0 : i32
    %dma_wait3A_1356 = tpu.memref_slice %arg17[%dma_wait3A_1349, %dma_wait3A_1355] : memref<10x512xf32, #tpu.memory_space<vmem>> -> memref<1x512xf32, #tpu.memory_space<vmem>>
    %dma_wait3A_1357 = tpu.memref_squeeze %dma_wait3A_1356 : memref<1x512xf32, #tpu.memory_space<vmem>> -> memref<512xf32, #tpu.memory_space<vmem>>
    tpu.wait_dma2 semaphore(%arg18 : memref<!tpu.dma_semaphore, #tpu.memory_space<semaphore_mem>>) src(%dma_wait3A_1357 : memref<512xf32, #tpu.memory_space<vmem>>) dst(%dma_wait3A_1354 : memref<512xf32, #tpu.memory_space<hbm>>)
    %dma_wait3A_1358 = arith.constant 9 : i32
    %dma_wait3A_1359 = arith.constant 0 : i32
    %dma_wait3A_1360 = tpu.memref_slice %arg17[%dma_wait3A_1358, %dma_wait3A_1359] : memref<10x512xf32, #tpu.memory_space<vmem>> -> memref<1x512xf32, #tpu.memory_space<vmem>>
    %dma_wait3A_1361 = tpu.memref_squeeze %dma_wait3A_1360 : memref<1x512xf32, #tpu.memory_space<vmem>> -> memref<512xf32, #tpu.memory_space<vmem>>
    %dma_wait3A_1362 = tpu.memref_slice %arg15[%mul3A_2] : memref<16384xf32, #tpu.memory_space<hbm>> -> memref<512xf32, #tpu.memory_space<hbm>>
    %dma_wait3A_1363 = tpu.memref_slice %arg15[%mul3A_2] : memref<16384xf32, #tpu.memory_space<hbm>> -> memref<512xf32, #tpu.memory_space<hbm>>
    %dma_wait3A_1364 = arith.constant 0 : i32
    %dma_wait3A_1365 = tpu.memref_slice %arg17[%dma_wait3A_1358, %dma_wait3A_1364] : memref<10x512xf32, #tpu.memory_space<vmem>> -> memref<1x512xf32, #tpu.memory_space<vmem>>
    %dma_wait3A_1366 = tpu.memref_squeeze %dma_wait3A_1365 : memref<1x512xf32, #tpu.memory_space<vmem>> -> memref<512xf32, #tpu.memory_space<vmem>>
    tpu.wait_dma2 semaphore(%arg18 : memref<!tpu.dma_semaphore, #tpu.memory_space<semaphore_mem>>) src(%dma_wait3A_1366 : memref<512xf32, #tpu.memory_space<vmem>>) dst(%dma_wait3A_1363 : memref<512xf32, #tpu.memory_space<hbm>>)
    return
  }
}

</mosaic_0001>

<sc_bundles>
// kernel: _run.4.cloned.1.call-start
scs
__scs_entry_jumppad:
0x0: {  	(pc) =	sbr.rel $0x88, $3  }
0x1: {  	(tag) =	ssettag $0x0;
	lr =	simm.s32 $0x1  }
0x2: {  	[smem:$0x3F9D] =	sst lr;
	_ =	strace $0xD0000000  }
0x3: {  	_ = 	snop  }
0x4: {  	_ = 	snop  }
0x5: {  	_ = 	snop  }
0x6: {  	_ = 	snop  }
0x7: {  	_ = 	snop  }
__scs_overlays_trampoline_lowered:
0x8: {  	[smem:$0x3FAC] =	sst s0  }
0x9: {  	[smem:$0x3FAD] =	sst s1  }
0xa: {  	[smem:$0x3FAE] =	sst s2  }
0xb: {  	[smem:$0x3FAF] =	sst s3  }
0xc: {  	[smem:$0x3FB0] =	sst s4  }
0xd: {  	[smem:$0x3FB1] =	sst s5  }
0xe: {  	[smem:$0x3FB2] =	sst s6  }
0xf: {  	[smem:$0x3FB3] =	sst s7  }
0x10: {  	[smem:$0x3FB4] =	sst s8  }
0x11: {  	[smem:$0x3FB5] =	sst s9;
	s0 =	simm.s32 @!p0 $0x0  }
0x12: {  	s1 =	sld [smem:$0x3F9B];
	s0 =	simm.s32 @p0 $0x1  }
0x13: {  	[smem:$0x3FB6] =	sst s0;
	s0 =	simm.s32 @!p1 $0x0  }
0x14: {  	s2 =	sld [smem:$0x3F9A];
	s0 =	simm.s32 @p1 $0x1  }
0x15: {  	[smem:$0x3FB7] =	sst s0;
	s0 =	simm.s32 @!p2 $0x0  }
0x16: {  	s3 =	sld [smem:$0x3FDB];
	s0 =	simm.s32 @p2 $0x1  }
0x17: {  	s4 =	simm.s32 $0x1BF5;
	[smem:$0x3FB9] =	sst s0  }
0x18: {  	s0 =	sld [smem:$0x3F9C];
	_ =	swait.ge [sflag:s4], $0x0  }
0x19: {  	s7 =	sld [smem:$0x3F9D]  }
0x1a: {  	s8 =	sadd.s32 $0xFFFFE003, lr  }
0x1b: {  	s9 =	sadd.s32 $0xFFFFFEF7, lr;
	s5 =	simm.s32 $0xFFFFFFFF;
	p2 =	slt.u32 s8, $0xFFFFF086  }
0x1c: {  	p1 =	slt.u32 s9, $0xF7A;
	s5 =	simm.s32 @!p2 $0x0  }
0x1d: {  	s5 =	simm.s32 @p1 $0x1;
	p0 =	seq.s32 s7, s2  }
0x1e: {  	s7 =	smul.u32 @!p0 $0xF7A, s2;
	p2 =	seq.s32 @!p0 s5, $0x0  }
0x1f: {  	s9 =	smul.u32 $0xF7A, s1;
	s8 =	simm.s32 @!p0 $0x1BF5;
	p2 =	por !p2, p0  }
0x20: {  	[sflag:s8] =	ssyncset.s32 @!p0 $0xFFFFF086;
	s6 =	sadd.s32 @!p0 s3, s7;
	s7 =	simm.s32 @!p0 $0x108  }
0x21: {  	s3 =	sadd.s32 s3, s9;
	s6 =	sadd.s32 @!p0 $0x88, s6;
	s7 =	simm.s32 @p2 $0x1082  }
0x22: {  	[simem:s7], [sflag:s8] =	dma.local @!p0 [hbm:s6], $0xF7A  }
0x23: {  	s9 =	sor.u32 $0xD0000000, s2;
	s6 =	simm.s32 $0x108;
	_ =	swait.ge @!p0 [sflag:s8], $0x0  }
0x24: {  	s3 =	sadd.s32 $0x88, s3;
	s6 =	simm.s32 @!p1 $0x1082;
	[sflag:s4] =	ssyncset.s32 $0xFFFFF086  }
0x25: {  	[simem:s6], [sflag:s4] =	dma.local [hbm:s3], $0xF7A  }
0x26: {  	[smem:$0x3F9D] =	sst s1;
	(tag) =	ssettag s2;
	_ =	strace s9  }
0x27: {  	s1 =	sld [smem:$0x3FAD]  }
0x28: {  	s2 =	sld [smem:$0x3FAE]  }
0x29: {  	s4 =	sld [smem:$0x3FB0]  }
0x2a: {  	p0 =	seq.s32 s5, $0x0;
	s5 =	sld [smem:$0x3FB1]  }
0x2b: {  	s6 =	sld [smem:$0x3FB2]  }
0x2c: {  	s7 =	sld [smem:$0x3FB3]  }
0x2d: {  	s3 =	simm.s32 $0x108;
	s8 =	sld [smem:$0x3FB4]  }
0x2e: {  	s3 =	simm.s32 @!p0 $0x1082;
	s9 =	sld [smem:$0x3FB5]  }
0x2f: {  	lr =	sadd.s32 s0, s3;
	s0 =	sld [smem:$0x3FAC]  }
0x30: {  	s3 =	sld [smem:$0x3FAF]  }
0x31: {  	[smem:$0x3FB8] =	sst s10  }
0x32: {  	s10 =	sld [smem:$0x3FB6];
	_ =	sdelay $0x3  }
0x33: {  	p0 =	seq.s32 s10, $0x1;
	s10 =	sld [smem:$0x3FB8];
	_ =	sdelay $0x3  }
0x34: {  	[smem:$0x3FB8] =	sst s10  }
0x35: {  	s10 =	sld [smem:$0x3FB7];
	_ =	sdelay $0x3  }
0x36: {  	p1 =	seq.s32 s10, $0x1;
	s10 =	sld [smem:$0x3FB8];
	_ =	sdelay $0x3  }
0x37: {  	[smem:$0x3FB8] =	sst s10  }
0x38: {  	s10 =	sld [smem:$0x3FB9]  }
0x39: {  	_ = 	snop;
	(pc) =	sbr.ind lr, $3  }
0x3a: {  	_ = 	snop  }
0x3b: {  	_ = 	snop  }
0x3c: {  	p2 =	seq.s32 s10, $0x1;
	s10 =	sld [smem:$0x3FB8]  }
0x3d: {  	_ =	shalt  }
0x3e: {  	_ =	shalt  }
0x3f: {  	_ =	shalt  }
0x40: {  	_ =	shalt  }
0x41: {  	_ =	shalt  }
0x42: {  	_ =	shalt  }
0x43: {  	_ =	shalt  }
0x44: {  	_ =	shalt  }
0x45: {  	_ =	shalt  }
0x46: {  	_ =	shalt  }
0x47: {  	_ =	shalt  }
0x48: {  	_ =	shalt  }
0x49: {  	_ =	shalt  }
0x4a: {  	_ =	shalt  }
0x4b: {  	_ =	shalt  }
0x4c: {  	_ =	shalt  }
0x4d: {  	_ =	shalt  }
0x4e: {  	_ =	shalt  }
0x4f: {  	_ =	shalt  }
0x50: {  	_ =	shalt  }
0x51: {  	_ =	shalt  }
0x52: {  	_ =	shalt  }
0x53: {  	_ =	shalt  }
0x54: {  	_ =	shalt  }
0x55: {  	_ =	shalt  }
0x56: {  	_ =	shalt  }
0x57: {  	_ =	shalt  }
0x58: {  	_ =	shalt  }
0x59: {  	_ =	shalt  }
0x5a: {  	_ =	shalt  }
0x5b: {  	_ =	shalt  }
0x5c: {  	_ =	shalt  }
0x5d: {  	_ =	shalt  }
0x5e: {  	_ =	shalt  }
0x5f: {  	_ =	shalt  }
0x60: {  	_ =	shalt  }
0x61: {  	_ =	shalt  }
0x62: {  	_ =	shalt  }
0x63: {  	_ =	shalt  }
0x64: {  	_ =	shalt  }
0x65: {  	_ =	shalt  }
0x66: {  	_ =	shalt  }
0x67: {  	_ =	shalt  }
0x68: {  	_ =	shalt  }
0x69: {  	_ =	shalt  }
0x6a: {  	_ =	shalt  }
0x6b: {  	_ =	shalt  }
0x6c: {  	_ =	shalt  }
0x6d: {  	_ =	shalt  }
0x6e: {  	_ =	shalt  }
0x6f: {  	_ =	shalt  }
0x70: {  	_ =	shalt  }
0x71: {  	_ =	shalt  }
0x72: {  	_ =	shalt  }
0x73: {  	_ =	shalt  }
0x74: {  	_ =	shalt  }
0x75: {  	_ =	shalt  }
0x76: {  	_ =	shalt  }
0x77: {  	_ =	shalt  }
0x78: {  	_ =	shalt  }
0x79: {  	_ =	shalt  }
0x7a: {  	_ =	shalt  }
0x7b: {  	_ =	shalt  }
0x7c: {  	_ =	shalt  }
0x7d: {  	_ =	shalt  }
0x7e: {  	_ =	shalt  }
0x7f: {  	_ =	shalt  }
0x80: {  	_ =	shalt  }
0x81: {  	_ =	shalt  }
0x82: {  	_ =	shalt  }
0x83: {  	_ =	shalt  }
0x84: {  	_ =	shalt  }
0x85: {  	_ =	shalt  }
0x86: {  	_ =	shalt  }
0x87: {  	_ =	shalt  }
.Lfunc_end0:
.L_simem_size_0:
called_computation_lowered:
.L_overlay_start_0:
0x88: {  	s2 =	sld [smem:$0x3FD9]  }
0x89: {  	s3 =	sld [smem:$0x3FFE];
	_ =	sdelay $0x1  }
0x8a: {  	s1 =	srdreg.scid  }
0x8b: {  	s0 =	sand.u32 $0x1, s1  }
0x8c: {  	s17 =	sshll.u32 s0, $0xA;
	s2 =	sadd.s32 s3, s2  }
0x8d: {  	s2 =	sadd.s32 s2, s17  }
0x8e: {  	[smem:$0x3FC4] =	sst s2  }
0x8f: {  	_ = 	snop  }
0x90: {  	s2 =	sld [smem:$0x3FC7]  }
0x91: {  	s18 =	sld [smem:$0x3FC6]  }
0x92: {  	s4 =	sld [smem:$0x3FD0];
	(tm) =	ssettm $0x1  }
0x93: {  	s5 =	sld [smem:$0x3FFB];
	_ =	sdelay $0x3  }
0x94: {  	_ =	strace s5  }
0x95: {  	s5 =	sld [smem:$0x3FFC];
	_ =	sdelay $0x3  }
0x96: {  	_ =	strace s5  }
0x97: {  	s5 =	sld [smem:$0x3FFD];
	_ =	sdelay $0x3  }
0x98: {  	_ =	strace s5  }
0x99: {  	_ =	strace $0x8FFFFFFF  }
0x9a: {  	s19 =	sld [smem:$0x3FDB];
	_ =	sdelay $0x1  }
0x9b: {  	s6 =	simm.s32 $_scs_section_size  }
0x9c: {  	s7 =	simm.s32 $_size__tile_overlayer_lowered;
	s8 =	simm.s32 $_tile_overlayer_lowered  }
0x9d: {  	s22 =	simm.s32 $0x1BFF;
	s21 =	sshll.u32 s8, $0x1;
	s5 =	sadd.s32 s6, s19  }
0x9e: {  	s9 =	simm.s32 $0x0;
	s20 =	sshll.u32 s7, $0x1;
	s7 =	sadd.s32 s21, s5  }
0x9f: {  	[timem:s9], [sflag:s22] =	dma.local [hbm:s7], s20  }
0xa0: {  	_ =	swait.ge [sflag:s22], s20  }
0xa1: {  	s6 =	ssub.s32 $0x0, s20;
	[sflag:s22] =	ssyncset.done $0x0  }
0xa2: {  	[sflag:s22] =	ssyncadd.s32 s6;
	_ =	sdelay $0x1  }
0xa3: {  	s23 =	simm.s32 $0x1B8B  }
0xa4: {  	_ =	swait.ge [sflag:s23], $0x1  }
0xa5: {  	[sflag:s23] =	ssyncset.done $0x0  }
0xa6: {  	s25 =	simm.s32 $0x1B8E;
	s24 =	sld [smem:$0x3FFE];
	[sflag:s23] =	ssyncadd.s32 $0xFFFFFFFF  }
0xa7: {  	s26 =	simm.s32 $execute0_lowered;
	[smem:$0x3FD2] =	sst s25  }
0xa8: {  	s7 =	sshll.u32 s26, $0x1;
	_ =	strace $0x80000046;
	[dreg:$0x1] =	wrdreg $0xFFFFFFFF  }
0xa9: {  	s28 =	simm.s32 $_size_execute0_lowered;
	s5 =	sadd.s32 s5, s7;
	[dreg:$0x0] =	wrdreg $0x0  }
0xaa: {  	s7 =	sshll.u32 s28, $0x1;
	[dreg:$0x2] =	wrdreg s5  }
0xab: {  	[dreg:$0x3] =	wrdreg s7  }
0xac: {  	[dreg:$0x4] =	wrdreg $0xC0  }
0xad: {  	_ =	task [dreg:s9], $0x5FFFF  }
0xae: {  	[dreg:$0x1] =	wrdreg $0xFFFFFFFF  }
0xaf: {  	[dreg:$0x0] =	wrdreg $0x60  }
0xb0: {  	[dreg:$0x2] =	wrdreg s2  }
0xb1: {  	[dreg:$0x3] =	wrdreg s18  }
0xb2: {  	[dreg:$0x4] =	wrdreg s24  }
0xb3: {  	[dreg:$0x5] =	wrdreg s4  }
0xb4: {  	[dreg:$0x6] =	wrdreg $0x9  }
0xb5: {  	_ =	task.clear_ibuf [dreg:s9], $0x7FFFF;
	_ =	strace $0x90000046  }
0xb6: {  	s29 =	simm.s32 $0x9;
	_ =	strace $0x80000048  }
0xb7: {  	_ =	swait.ge [sflag:s29], $0x1  }
0xb8: {  	[sflag:s29] =	ssyncadd.s32 $0xFFFFFFFF  }
0xb9: {  	_ =	strace $0x90000048  }
0xba: {  	_ =	sfence  }
0xbb: {  	s30 =	sld [smem:$0x0];
	_ =	sdelay $0x2  }
0xbc: {  	s31 =	sshll.u32 s1, $0xD;
	s1 =	sshrl.u32 s1, $0x2  }
0xbd: {  	s3 =	sand.u32 $0x4000, s31;
	s1 =	sadd.s32 s1, s30  }
0xbe: {  	s0 =	sor.u32 s3, s0;
	s1 =	sshll.u32 s1, $0x11  }
0xbf: {  	s0 =	sor.u32 s1, s0  }
0xc0: {  	s0 =	sadd.s32 $0x8F2B, s0  }
0xc1: {  	[sflag:s0] =	ssyncadd.remote.s32 $0x1  }
0xc2: {  	_ =	sfence.sel $0xFFFF  }
0xc3: {  	[dreg:$0x0] =	wrdreg $0xFFFFFFFF;
	(pc) =	sbr.abs _section_cstart, $3  }
0xc4: {  	[dreg:$0x1] =	wrdreg $0xFFFFFFFF  }
0xc5: {  	_ =	task.clear_ibuf [dreg:s9], $0x2FFFF;
	_ =	strace $0x9FFFFFFF  }
0xc6: {  	(tm) =	ssettm $0x7FFFFFFF  }
0xc7: {  	_ =	shalt  }
tec
execute0_lowered:
.L_overlay_start_1:
0x0: {  	(tag) =	ssettag $0x1  }
0x1: {  	s0 =	rddreg [dreg:$0x0]  }
0x2: {  	s1 =	rddreg [dreg:$0x1]  }
0x3: {  	s2 =	rddreg [dreg:$0x2];
	s4 =	srdreg.scid  }
0x4: {  	s14 =	stileid.u32;
	s3 =	simm.s32 $0x0;
	s4 =	sand.u32 $0x1, s4  }
0x5: {  	s5 =	sshll.u32 s14, $0x1;
	[smem:$0x7FF] =	sst s3;
	s28 =	sadd.s32 $0x1400, s2  }
0x6: {  	s15 =	sadd.s32 $0x5D000, s2;
	p2 =	sgt.u32 s14, $0x1;
	s14 =	simm.s32 $0x11280  }
0x7: {  	s6 =	sor.u32 s4, s5;
	_ =	strace $0x80000047;
	[dreg:$0x5] =	wrdreg s28  }
0x8: {  	s4 =	ssub.s32 $0x2, s4;
	s5 =	sadd.s32 $0x1600, s2;
	s7 =	smul.u32 $0x7A00, s6  }
0x9: {  	[dreg:$0x6] =	wrdreg s15;
	s8 =	smul.u32 $0x3D00, s6;
	s29 =	sshrl.u32 s4, $0x1  }
0xa: {  	s11 =	sshll.u32 s6, $0x7;
	p0 =	seq.s32 s6, $0x4;
	p1 =	sne.s32 s6, $0x5  }
0xb: {  	s4 =	ssub.s32 s4, s29;
	s13 =	sor.u32 $0xF4000, s11;
	s30 =	sadd.s32 s0, s8  }
0xc: {  	s11 =	sshrl.u32 s11, $0x3;
	s8 =	sadd.s32 s1, s8;
	[dreg:$0x7] =	wrdreg s30  }
0xd: {  	s31 =	sadd.s32 $0x1E80, s7;
	s19 =	sshrl.u32 s13, $0x1;
	[dreg:$0x8] =	wrdreg s8  }
0xe: {  	s8 =	sshrl.u32 s7, $0x3;
	s9 =	sshrl.u32 s31, $0x1;
	s20 =	sadd.s32 s1, s19  }
0xf: {  	s25 =	sshrl.u32 s31, $0x3;
	s10 =	sadd.s32 s0, s9;
	[dreg:$0x10] =	wrdreg s20  }
0x10: {  	s9 =	sadd.s32 s1, s9;
	s21 =	sadd.s32 $0x1E850, s8;
	[dreg:$0x9] =	wrdreg s10  }
0x11: {  	s23 =	sadd.s32 $0x3D0A0, s8;
	s26 =	sadd.s32 s5, s25;
	[dreg:$0xa] =	wrdreg s9  }
0x12: {  	s28 =	sadd.s32 $0x1EC20, s8;
	s20 =	sadd.s32 s15, s8;
	[dreg:$0x15] =	wrdreg s26  }
0x13: {  	s30 =	sadd.s32 $0x3D470, s8;
	s22 =	sadd.s32 s5, s21;
	[smem:$0x7F7] =	sst s20  }
0x14: {  	s9 =	sadd.s32 $0x3D00, s7;
	s24 =	sadd.s32 s5, s23;
	[dreg:$0x11] =	wrdreg s22  }
0x15: {  	s7 =	sadd.s32 $0x5B80, s7;
	s29 =	sadd.s32 s5, s28;
	[dreg:$0x13] =	wrdreg s24  }
0x16: {  	s31 =	sadd.s32 s5, s30;
	s16 =	sshrl.u32 s9, $0x1;
	[dreg:$0x17] =	wrdreg s29  }
0x17: {  	s20 =	simm.s32 $0x18C80;
	[dreg:$0x19] =	wrdreg s31;
	s12 =	sadd.s32 s0, s16  }
0x18: {  	s17 =	sshrl.u32 s7, $0x1;
	s10 =	sadd.s32 s1, s16;
	[dreg:$0xb] =	wrdreg s12  }
0x19: {  	s2 =	sshrl.u32 s9, $0x3;
	s18 =	sadd.s32 s0, s17;
	[dreg:$0xc] =	wrdreg s10  }
0x1a: {  	s9 =	sadd.s32 $0x1EFF0, s8;
	s0 =	sadd.s32 s0, s19;
	[dreg:$0xd] =	wrdreg s18  }
0x1b: {  	s22 =	sadd.s32 $0x3DC10, s8;
	s6 =	sadd.s32 s5, s2;
	[dreg:$0xf] =	wrdreg s0  }
0x1c: {  	s24 =	sadd.s32 $0x3D050, s11;
	s19 =	sadd.s32 s5, s8;
	[dreg:$0x1b] =	wrdreg s6  }
0x1d: {  	s11 =	sadd.s32 $0x5B8A0, s11;
	s29 =	sadd.s32 s15, s24;
	[smem:$0x7F6] =	sst s19  }
0x1e: {  	s31 =	sadd.s32 s15, s11;
	s12 =	sadd.s32 s1, s17;
	[smem:$0x7FB] =	sst s29  }
0x1f: {  	s0 =	sadd.s32 s15, s21;
	s10 =	sadd.s32 s5, s9;
	[smem:$0x7FD] =	sst s31  }
0x20: {  	s18 =	sshrl.u32 s7, $0x3;
	s21 =	sadd.s32 $0x1F3C0, s8;
	[dreg:$0xe] =	wrdreg s12  }
0x21: {  	s19 =	simm.s32 $0x16E00;
	[dreg:$0x12] =	wrdreg s0;
	s0 =	sadd.s32 s15, s23  }
0x22: {  	[dreg:$0x1d] =	wrdreg s10;
	s12 =	sadd.s32 $0x3D840, s8;
	s6 =	sadd.s32 s15, s18  }
0x23: {  	s7 =	sadd.s32 s5, s21;
	s8 =	sadd.s32 s15, s21;
	s10 =	sadd.s32 s15, s22  }
0x24: {  	s23 =	sshrl.u32 s13, $0x3;
	[dreg:$0x14] =	wrdreg s0;
	s0 =	sadd.s32 s15, s25  }
0x25: {  	s13 =	simm.s32 $0x7A00;
	s16 =	sadd.s32 s5, s12;
	[dreg:$0x16] =	wrdreg s0  }
0x26: {  	s21 =	simm.s32 $0x2;
	s17 =	sadd.s32 s15, s12;
	[dreg:$0x1f] =	wrdreg s16  }
0x27: {  	s25 =	sadd.s32 s5, s23;
	s26 =	sadd.s32 s15, s23;
	[smem:$0x7F5] =	sst s17  }
0x28: {  	s12 =	simm.s32 $0x1;
	s23 =	simm.s32 $0x0;
	[smem:$0x7F8] =	sst s25  }
0x29: {  	s0 =	sadd.s32 s15, s28;
	s16 =	sadd.s32 s5, s18;
	[smem:$0x7F9] =	sst s26  }
0x2a: {  	s28 =	sadd.s32 s5, s24;
	s17 =	simm.s32 $0x13100;
	[dreg:$0x18] =	wrdreg s0  }
.Ltmp0:
0x2b: {  	s0 =	sadd.s32 s15, s30;
	[smem:$0x7FA] =	sst s28;
	(pc) =	sbr.rel .LBB2_1-.Ltmp0, $4  }
0x2c: {  	s18 =	simm.s32 $0x14F80;
	s30 =	sadd.s32 s5, s11;
	[dreg:$0x1a] =	wrdreg s0  }
0x2d: {  	s11 =	smax.u32 s4, $0x1;
	s0 =	sadd.s32 s15, s2;
	[smem:$0x7FC] =	sst s30  }
0x2e: {  	s4 =	simm.s32 $0xF400;
	[dreg:$0x1c] =	wrdreg s0;
	s0 =	sadd.s32 s15, s9  }
0x2f: {  	s9 =	sadd.s32 s5, s22;
	s22 =	simm.s32 $0x3;
	[dreg:$0x1e] =	wrdreg s0  }
.LBB2_21:
0x30: {  	s25 =	rddreg [dreg:$0x3]  }
0x31: {  	s24 =	rddreg [dreg:$0x6]  }
.LBB2_22:
0x32: {  	s1 =	simm.s32 $0x1AB00  }
0x33: {  	[tilespmem:s1], [sflag:$0x3] =	stream.linear.gather [hbm4b:s25+s3], $0x180, $0x38;
	[tilespmem:$0x1AC80] =	vst v63  }
0x34: {  	_ =	swait.ge [sflag:s22], $0x180  }
0x35: {  	[sflag:s22] =	ssyncset.done $0x0  }
0x36: {  	s0 =	sadd.s32 $0x1E840, s24;
	[sflag:s22] =	ssyncadd.s32 $0xFFFFFE80  }
0x37: {  	[hbm4b:s0+s3] =	stream.linear.scatter [tilespmem:s1], [sflag:$0x3], $0x80, $0x38;
	[tilespmem:$0x1AC80] =	vst v63  }
0x38: {  	_ =	swait.ge [sflag:s22], $0x80  }
0x39: {  	[sflag:s22] =	ssyncset.done $0x0  }
0x3a: {  	s28 =	sadd.s32 $0x3D090, s24;
	s29 =	simm.s32 $0x1AB80;
	[sflag:s22] =	ssyncadd.s32 $0xFFFFFF80  }
0x3b: {  	[hbm4b:s28+s3] =	stream.linear.scatter [tilespmem:s29], [sflag:$0x3], $0x80, $0x38;
	[tilespmem:$0x1AC80] =	vst v63  }
0x3c: {  	_ =	swait.ge [sflag:s22], $0x80  }
0x3d: {  	[sflag:s22] =	ssyncset.done $0x0  }
0x3e: {  	s30 =	sadd.s32 $0x5B8E0, s24;
	s31 =	simm.s32 $0x1AC00;
	[sflag:s22] =	ssyncadd.s32 $0xFFFFFF80  }
0x3f: {  	[hbm4b:s30+s3] =	stream.linear.scatter [tilespmem:s31], [sflag:$0x3], $0x80, $0x38;
	[tilespmem:$0x1AC80] =	vst v63  }
0x40: {  	_ =	swait.ge [sflag:s22], $0x80  }
0x41: {  	[sflag:s22] =	ssyncset.done $0x0  }
0x42: {  	[sflag:s22] =	ssyncadd.s32 $0xFFFFFF80  }
.LBB2_23:
0x43: {  	s23 =	sadd.s32 $0x1, s23  }
0x44: {  	p3 =	sne.s32 s23, s11  }
.Ltmp1:
0x45: {  	_ = 	snop;
	(pc) =	sbr.rel @!p3 .LBB2_24-.Ltmp1, $1  }
0x46: {  	_ =	sdelay $0x3  }
.LBB2_1:
0x47: {  	s0 =	rddreg [dreg:$0x7]  }
0x48: {  	[tilespmem:s3], [sflag:$0x1] =	stream.linear.gather [hbm4b:s0+s3], $0x7A00, $0x38;
	[tilespmem:$0x1AC80] =	vst v63  }
0x49: {  	_ =	swait.ge [sflag:s12], $0x7A00  }
0x4a: {  	s24 =	sand.u32 $0x40, s3;
	s25 =	sand.u32 $0x7E00, s3;
	[sflag:s12] =	ssyncset.done $0x0  }
0x4b: {  	s26 =	sor.u32 s24, s25;
	s29 =	rddreg [dreg:$0x8];
	[sflag:s12] =	ssyncadd.s32 $0xFFFF8600  }
0x4c: {  	[tilespmem:s13], [sflag:$0x1] =	stream.linear.gather [hbm4b:s29+s3], $0x7A00, $0x38;
	[tilespmem:$0x1AC80] =	vst v63  }
0x4d: {  	v0 =	vld [tilespmem:s26+$0x0];
	_ =	sdelay $0x3  }
0x4e: {  	s28 =	simm.s32 $0x0  }
0x4f: {  	[tilespmem:s28+$0xF400] =	vst v0  }
0x50: {  	v0 =	vld [tilespmem:s26+$0x80]  }
0x51: {  	p3 =	por $0x0, $0x0;
	s26 =	simm.s32 $0x1  }
0x52: {  	s26 =	simm.s32 @!p3 $0x0  }
0x53: {  	s26 =	sshll.u32 s26, $0x6  }
0x54: {  	s26 =	sadd.s32 $0x0, s26  }
0x55: {  	s29 =	sor.u32 $0x100, s26;
	[tilespmem:s28+$0x11280] =	vst v0  }
0x56: {  	v0 =	vld [tilespmem:s29+$0x0];
	_ =	sdelay $0x3  }
0x57: {  	s1 =	sor.u32 $0x10, s24  }
0x58: {  	[tilespmem:s28+$0x13100] =	vst v0;
	s28 =	sor.u32 s1, s25  }
0x59: {  	v0 =	vld [tilespmem:s28+$0x0];
	_ =	sdelay $0x2  }
0x5a: {  	s30 =	sand.u32 $0x1F80, s3  }
0x5b: {  	s29 =	sor.u32 s30, s1  }
0x5c: {  	[tilespmem:s29+$0xF400] =	vst v0  }
0x5d: {  	v0 =	vld [tilespmem:s28+$0x80];
	_ =	sdelay $0x3  }
0x5e: {  	s28 =	sadd.s32 $0x10, s26  }
0x5f: {  	s28 =	sor.u32 $0x100, s28;
	[tilespmem:s29+$0x11280] =	vst v0  }
0x60: {  	v0 =	vld [tilespmem:s28+$0x0];
	_ =	sdelay $0x3  }
0x61: {  	s28 =	sor.u32 $0x20, s24  }
0x62: {  	s2 =	sor.u32 s28, s25;
	[tilespmem:s29+$0x13100] =	vst v0  }
0x63: {  	v0 =	vld [tilespmem:s2+$0x0];
	_ =	sdelay $0x3  }
0x64: {  	s28 =	sor.u32 s30, s28  }
0x65: {  	[tilespmem:s28+$0xF400] =	vst v0  }
0x66: {  	v0 =	vld [tilespmem:s2+$0x80];
	_ =	sdelay $0x3  }
0x67: {  	s15 =	sadd.s32 $0x20, s26  }
0x68: {  	s29 =	sor.u32 $0x100, s15;
	[tilespmem:s28+$0x11280] =	vst v0  }
0x69: {  	v0 =	vld [tilespmem:s29+$0x0];
	_ =	sdelay $0x3  }
0x6a: {  	s24 =	sor.u32 $0x30, s24  }
0x6b: {  	s25 =	sor.u32 s24, s25;
	[tilespmem:s28+$0x13100] =	vst v0  }
0x6c: {  	v0 =	vld [tilespmem:s25+$0x0];
	_ =	sdelay $0x3  }
0x6d: {  	s31 =	sor.u32 s30, s24  }
0x6e: {  	[tilespmem:s31+$0xF400] =	vst v0  }
0x6f: {  	v0 =	vld [tilespmem:s25+$0x80];
	_ =	sdelay $0x3  }
0x70: {  	s29 =	sadd.s32 $0x30, s26  }
0x71: {  	s26 =	sor.u32 $0x100, s29;
	[tilespmem:s31+$0x11280] =	vst v0  }
0x72: {  	v0 =	vld [tilespmem:s26+$0x0];
	_ =	sdelay $0x1  }
0x73: {  	s24 =	simm.s32 $0x40;
	s25 =	simm.s32 $0x100  }
0x74: {  	s30 =	simm.s32 $0x200;
	s28 =	sand.u32 $0x40, s24;
	s26 =	sand.u32 $0x7E00, s25  }
.LBB2_2:
0x75: {  	s0 =	sor.u32 s28, s26  }
0x76: {  	[tilespmem:s31+$0x13100] =	vst v0;
	p3 =	por !p3, !p3;
	s31 =	smov.u32 s30;
	s29 =	sadd.s32 $0x100, s30  }
0x77: {  	p4 =	sne.s32 s30, $0x7900;
	v0 =	vld [tilespmem:s0+$0x0];
	_ =	sdelay $0x3  }
0x78: {  	s1 =	sshra.s32 s25, $0x2  }
0x79: {  	[tilespmem:s1+$0xF400] =	vst v0  }
0x7a: {  	v0 =	vld [tilespmem:s0+$0x80]  }
0x7b: {  	s0 =	simm.s32 $0x1  }
0x7c: {  	s0 =	simm.s32 @!p3 $0x0  }
0x7d: {  	s0 =	sshll.u32 s0, $0x6  }
0x7e: {  	s0 =	sadd.s32 s0, s25;
	s25 =	smov.u32 s31  }
0x7f: {  	s30 =	sor.u32 $0x100, s0;
	s31 =	sadd.s32 $0x10, s0;
	s2 =	sadd.s32 $0x20, s0;
	[tilespmem:s1+$0x11280] =	vst v0  }
0x80: {  	v0 =	vld [tilespmem:s30+$0x0];
	s30 =	sadd.s32 $0x30, s0;
	_ =	sdelay $0x3  }
0x81: {  	s0 =	sor.u32 $0x10, s28  }
0x82: {  	[tilespmem:s1+$0x13100] =	vst v0;
	s1 =	sor.u32 s0, s26  }
0x83: {  	v0 =	vld [tilespmem:s1+$0x0];
	_ =	sdelay $0x2  }
0x84: {  	s15 =	sand.u32 $0x1F80, s24  }
0x85: {  	s0 =	sor.u32 s15, s0  }
0x86: {  	[tilespmem:s0+$0xF400] =	vst v0  }
0x87: {  	v0 =	vld [tilespmem:s1+$0x80];
	_ =	sdelay $0x4  }
0x88: {  	s1 =	sor.u32 $0x100, s31;
	[tilespmem:s0+$0x11280] =	vst v0  }
0x89: {  	v0 =	vld [tilespmem:s1+$0x0];
	_ =	sdelay $0x3  }
0x8a: {  	s1 =	sor.u32 $0x20, s28  }
0x8b: {  	[tilespmem:s0+$0x13100] =	vst v0;
	s0 =	sor.u32 s1, s26  }
0x8c: {  	v0 =	vld [tilespmem:s0+$0x0];
	_ =	sdelay $0x3  }
0x8d: {  	s1 =	sor.u32 s15, s1  }
0x8e: {  	[tilespmem:s1+$0xF400] =	vst v0  }
0x8f: {  	v0 =	vld [tilespmem:s0+$0x80];
	_ =	sdelay $0x4  }
0x90: {  	s0 =	sor.u32 $0x100, s2;
	[tilespmem:s1+$0x11280] =	vst v0  }
0x91: {  	v0 =	vld [tilespmem:s0+$0x0];
	_ =	sdelay $0x3  }
0x92: {  	s0 =	sor.u32 $0x30, s28  }
0x93: {  	[tilespmem:s1+$0x13100] =	vst v0;
	s1 =	sor.u32 s0, s26  }
0x94: {  	v0 =	vld [tilespmem:s1+$0x0];
	_ =	sdelay $0x3  }
0x95: {  	s31 =	sor.u32 s15, s0  }
0x96: {  	[tilespmem:s31+$0xF400] =	vst v0  }
0x97: {  	v0 =	vld [tilespmem:s1+$0x80];
	_ =	sdelay $0x4  }
0x98: {  	s0 =	sor.u32 $0x100, s30;
	[tilespmem:s31+$0x11280] =	vst v0  }
.Ltmp2:
0x99: {  	v0 =	vld [tilespmem:s0+$0x0];
	(pc) =	sbr.rel @p4 .LBB2_2-.Ltmp2, $3  }
0x9a: {  	_ =	sdelay $0x1  }
0x9b: {  	s24 =	sadd.s32 $0x40, s24  }
0x9c: {  	s28 =	sand.u32 $0x40, s24;
	s26 =	sand.u32 $0x7E00, s25;
	s30 =	smov.u32 s29  }
0x9d: {  	s0 =	sor.u32 s28, s26;
	[tilespmem:s31+$0x13100] =	vst v0  }
0x9e: {  	v0 =	vld [tilespmem:s0+$0x0];
	_ =	sdelay $0x3  }
0x9f: {  	s1 =	sshra.s32 s25, $0x2  }
0xa0: {  	[tilespmem:s1+$0xF400] =	vst v0  }
0xa1: {  	v0 =	vld [tilespmem:s0+$0x80]  }
0xa2: {  	p3 =	por !p3, !p3;
	s0 =	simm.s32 $0x1  }
0xa3: {  	s0 =	simm.s32 @!p3 $0x0  }
0xa4: {  	s0 =	sshll.u32 s0, $0x6  }
0xa5: {  	s0 =	sadd.s32 s0, s25  }
0xa6: {  	s2 =	sor.u32 $0x100, s0;
	[tilespmem:s1+$0x11280] =	vst v0  }
0xa7: {  	v0 =	vld [tilespmem:s2+$0x0];
	_ =	sdelay $0x3  }
0xa8: {  	s25 =	sor.u32 $0x10, s28  }
0xa9: {  	s29 =	sor.u32 s25, s26;
	[tilespmem:s1+$0x13100] =	vst v0  }
0xaa: {  	v0 =	vld [tilespmem:s29+$0x0];
	_ =	sdelay $0x2  }
0xab: {  	s15 =	sand.u32 $0x1F80, s24  }
0xac: {  	s2 =	sor.u32 s15, s25  }
0xad: {  	[tilespmem:s2+$0xF400] =	vst v0  }
0xae: {  	v0 =	vld [tilespmem:s29+$0x80];
	_ =	sdelay $0x3  }
0xaf: {  	s24 =	sadd.s32 $0x10, s0  }
0xb0: {  	s1 =	sor.u32 $0x100, s24;
	[tilespmem:s2+$0x11280] =	vst v0  }
0xb1: {  	v0 =	vld [tilespmem:s1+$0x0];
	_ =	sdelay $0x3  }
0xb2: {  	s25 =	sor.u32 $0x20, s28  }
0xb3: {  	s29 =	sor.u32 s25, s26;
	[tilespmem:s2+$0x13100] =	vst v0  }
0xb4: {  	v0 =	vld [tilespmem:s29+$0x0];
	_ =	sdelay $0x3  }
0xb5: {  	s1 =	sor.u32 s15, s25  }
0xb6: {  	[tilespmem:s1+$0xF400] =	vst v0  }
0xb7: {  	v0 =	vld [tilespmem:s29+$0x80];
	_ =	sdelay $0x3  }
0xb8: {  	s24 =	sadd.s32 $0x20, s0  }
0xb9: {  	s2 =	sor.u32 $0x100, s24;
	[tilespmem:s1+$0x11280] =	vst v0  }
0xba: {  	v0 =	vld [tilespmem:s2+$0x0];
	_ =	sdelay $0x3  }
0xbb: {  	s25 =	sor.u32 $0x30, s28  }
0xbc: {  	s26 =	sor.u32 s25, s26;
	[tilespmem:s1+$0x13100] =	vst v0  }
0xbd: {  	v0 =	vld [tilespmem:s26+$0x0];
	_ =	sdelay $0x3  }
0xbe: {  	s2 =	sor.u32 s15, s25  }
0xbf: {  	[tilespmem:s2+$0xF400] =	vst v0  }
0xc0: {  	v0 =	vld [tilespmem:s26+$0x80];
	_ =	sdelay $0x3  }
0xc1: {  	s0 =	sadd.s32 $0x30, s0  }
0xc2: {  	s0 =	sor.u32 $0x100, s0;
	[tilespmem:s2+$0x11280] =	vst v0  }
0xc3: {  	v0 =	vld [tilespmem:s0+$0x0];
	_ =	sdelay $0x2  }
0xc4: {  	s29 =	sld [smem:$0x7F6];
	_ =	sdelay $0x1  }
0xc5: {  	s0 =	simm.s32 $0x0;
	[tilespmem:s2+$0x13100] =	vst v0  }
0xc6: {  	[hbm4b:s29+s0] =	stream.linear.scatter [tilespmem:s4], [sflag:$0x2], $0x1E80, $0x38;
	[tilespmem:$0x1AC80] =	vst v63  }
0xc7: {  	s2 =	rddreg [dreg:$0x11]  }
0xc8: {  	[hbm4b:s2+s0] =	stream.linear.scatter [tilespmem:s14], [sflag:$0x2], $0x1E80, $0x38;
	[tilespmem:$0x1AC80] =	vst v63  }
0xc9: {  	s15 =	rddreg [dreg:$0x13]  }
0xca: {  	[hbm4b:s15+s0] =	stream.linear.scatter [tilespmem:s17], [sflag:$0x2], $0x1E80, $0x38;
	[tilespmem:$0x1AC80] =	vst v63  }
0xcb: {  	s25 =	sand.u32 $0x7E00, s0;
	_ =	swait.ge [sflag:s12], $0x7A00  }
0xcc: {  	s1 =	sadd.s32 $0x7A00, s25;
	s2 =	sand.u32 $0x40, s0;
	[sflag:s12] =	ssyncset.done $0x0  }
0xcd: {  	s26 =	sor.u32 s2, s1;
	s24 =	rddreg [dreg:$0x9];
	[sflag:s12] =	ssyncadd.s32 $0xFFFF8600  }
0xce: {  	[tilespmem:s0], [sflag:$0x1] =	stream.linear.gather [hbm4b:s24+s0], $0x7A00, $0x38;
	[tilespmem:$0x1AC80] =	vst v63  }
0xcf: {  	v0 =	vld [tilespmem:s26+$0x0];
	_ =	sdelay $0x3  }
0xd0: {  	s24 =	simm.s32 $0x0  }
0xd1: {  	[tilespmem:s24+$0x14F80] =	vst v0  }
0xd2: {  	v0 =	vld [tilespmem:s26+$0x80]  }
0xd3: {  	p3 =	por $0x0, $0x0;
	s15 =	simm.s32 $0x1  }
0xd4: {  	s15 =	simm.s32 @!p3 $0x0  }
0xd5: {  	s15 =	sshll.u32 s15, $0x6  }
0xd6: {  	s15 =	sadd.s32 $0x0, s15  }
0xd7: {  	s29 =	sor.u32 $0x100, s15;
	[tilespmem:s24+$0x16E00] =	vst v0  }
0xd8: {  	v0 =	vld [tilespmem:s29+$0x7A00];
	_ =	sdelay $0x3  }
0xd9: {  	s26 =	sor.u32 $0x10, s2  }
0xda: {  	s29 =	sor.u32 s26, s1;
	[tilespmem:s24+$0x18C80] =	vst v0  }
0xdb: {  	v0 =	vld [tilespmem:s29+$0x0];
	_ =	sdelay $0x2  }
0xdc: {  	s0 =	sand.u32 $0x1F80, s0  }
0xdd: {  	s25 =	sor.u32 s0, s26  }
0xde: {  	[tilespmem:s25+$0x14F80] =	vst v0  }
0xdf: {  	v0 =	vld [tilespmem:s29+$0x80];
	_ =	sdelay $0x3  }
0xe0: {  	s26 =	sadd.s32 $0x10, s15  }
0xe1: {  	s24 =	sor.u32 $0x100, s26;
	[tilespmem:s25+$0x16E00] =	vst v0  }
0xe2: {  	v0 =	vld [tilespmem:s24+$0x7A00];
	_ =	sdelay $0x3  }
0xe3: {  	s29 =	sor.u32 $0x20, s2  }
0xe4: {  	s26 =	sor.u32 s29, s1;
	[tilespmem:s25+$0x18C80] =	vst v0  }
0xe5: {  	v0 =	vld [tilespmem:s26+$0x0];
	_ =	sdelay $0x3  }
0xe6: {  	s24 =	sor.u32 s0, s29  }
0xe7: {  	[tilespmem:s24+$0x14F80] =	vst v0  }
0xe8: {  	v0 =	vld [tilespmem:s26+$0x80];
	_ =	sdelay $0x3  }
0xe9: {  	s29 =	sadd.s32 $0x20, s15  }
0xea: {  	s25 =	sor.u32 $0x100, s29;
	[tilespmem:s24+$0x16E00] =	vst v0  }
0xeb: {  	v0 =	vld [tilespmem:s25+$0x7A00];
	_ =	sdelay $0x3  }
0xec: {  	s2 =	sor.u32 $0x30, s2  }
0xed: {  	s1 =	sor.u32 s2, s1;
	[tilespmem:s24+$0x18C80] =	vst v0  }
0xee: {  	v0 =	vld [tilespmem:s1+$0x0];
	_ =	sdelay $0x3  }
0xef: {  	s31 =	sor.u32 s0, s2  }
0xf0: {  	[tilespmem:s31+$0x14F80] =	vst v0  }
0xf1: {  	v0 =	vld [tilespmem:s1+$0x80];
	_ =	sdelay $0x3  }
0xf2: {  	s26 =	sadd.s32 $0x30, s15  }
0xf3: {  	s0 =	sor.u32 $0x100, s26;
	[tilespmem:s31+$0x16E00] =	vst v0  }
0xf4: {  	v0 =	vld [tilespmem:s0+$0x7A00]  }
0xf5: {  	s25 =	simm.s32 $0x100  }
0xf6: {  	s29 =	sand.u32 $0x7E00, s25;
	s24 =	simm.s32 $0x40  }
0xf7: {  	s30 =	simm.s32 $0x200;
	s26 =	sadd.s32 $0x7A00, s29;
	s28 =	sand.u32 $0x40, s24  }
.LBB2_4:
0xf8: {  	s0 =	sor.u32 s28, s26  }
0xf9: {  	[tilespmem:s31+$0x18C80] =	vst v0;
	p3 =	por !p3, !p3;
	s1 =	smov.u32 s30;
	s29 =	sadd.s32 $0x100, s30  }
0xfa: {  	p4 =	sne.s32 s30, $0x7900;
	v0 =	vld [tilespmem:s0+$0x0];
	_ =	sdelay $0x3  }
0xfb: {  	s2 =	sshra.s32 s25, $0x2  }
0xfc: {  	[tilespmem:s2+$0x14F80] =	vst v0  }
0xfd: {  	v0 =	vld [tilespmem:s0+$0x80]  }
0xfe: {  	s0 =	simm.s32 $0x1  }
0xff: {  	s0 =	simm.s32 @!p3 $0x0  }
0x100: {  	s0 =	sshll.u32 s0, $0x6  }
0x101: {  	s0 =	sadd.s32 s0, s25;
	s25 =	smov.u32 s1  }
0x102: {  	s1 =	sor.u32 $0x100, s0;
	s15 =	sadd.s32 $0x10, s0;
	s31 =	sadd.s32 $0x20, s0;
	[tilespmem:s2+$0x16E00] =	vst v0  }
0x103: {  	s30 =	sadd.s32 $0x30, s0;
	v0 =	vld [tilespmem:s1+$0x7A00];
	_ =	sdelay $0x3  }
0x104: {  	s0 =	sor.u32 $0x10, s28  }
0x105: {  	s1 =	sor.u32 s0, s26;
	[tilespmem:s2+$0x18C80] =	vst v0  }
0x106: {  	v0 =	vld [tilespmem:s1+$0x0];
	_ =	sdelay $0x2  }
0x107: {  	s2 =	sand.u32 $0x1F80, s24  }
0x108: {  	s0 =	sor.u32 s2, s0  }
0x109: {  	[tilespmem:s0+$0x14F80] =	vst v0  }
0x10a: {  	v0 =	vld [tilespmem:s1+$0x80];
	_ =	sdelay $0x4  }
0x10b: {  	s1 =	sor.u32 $0x100, s15;
	[tilespmem:s0+$0x16E00] =	vst v0  }
0x10c: {  	v0 =	vld [tilespmem:s1+$0x7A00];
	_ =	sdelay $0x3  }
0x10d: {  	s1 =	sor.u32 $0x20, s28  }
0x10e: {  	[tilespmem:s0+$0x18C80] =	vst v0;
	s0 =	sor.u32 s1, s26  }
0x10f: {  	v0 =	vld [tilespmem:s0+$0x0];
	_ =	sdelay $0x3  }
0x110: {  	s1 =	sor.u32 s2, s1  }
0x111: {  	[tilespmem:s1+$0x14F80] =	vst v0  }
0x112: {  	v0 =	vld [tilespmem:s0+$0x80];
	_ =	sdelay $0x4  }
0x113: {  	s0 =	sor.u32 $0x100, s31;
	[tilespmem:s1+$0x16E00] =	vst v0  }
0x114: {  	v0 =	vld [tilespmem:s0+$0x7A00];
	_ =	sdelay $0x3  }
0x115: {  	s0 =	sor.u32 $0x30, s28  }
0x116: {  	[tilespmem:s1+$0x18C80] =	vst v0;
	s1 =	sor.u32 s0, s26  }
0x117: {  	v0 =	vld [tilespmem:s1+$0x0];
	_ =	sdelay $0x3  }
0x118: {  	s31 =	sor.u32 s2, s0  }
0x119: {  	[tilespmem:s31+$0x14F80] =	vst v0  }
0x11a: {  	v0 =	vld [tilespmem:s1+$0x80];
	_ =	sdelay $0x4  }
0x11b: {  	s0 =	sor.u32 $0x100, s30;
	[tilespmem:s31+$0x16E00] =	vst v0  }
.Ltmp3:
0x11c: {  	v0 =	vld [tilespmem:s0+$0x7A00];
	(pc) =	sbr.rel @p4 .LBB2_4-.Ltmp3, $3  }
0x11d: {  	_ =	sdelay $0x1  }
0x11e: {  	s24 =	sadd.s32 $0x40, s24;
	s0 =	sand.u32 $0x7E00, s25  }
0x11f: {  	s28 =	sand.u32 $0x40, s24;
	s30 =	smov.u32 s29;
	s26 =	sadd.s32 $0x7A00, s0  }
0x120: {  	s0 =	sor.u32 s28, s26;
	[tilespmem:s31+$0x18C80] =	vst v0  }
0x121: {  	v0 =	vld [tilespmem:s0+$0x0];
	_ =	sdelay $0x3  }
0x122: {  	s1 =	sshra.s32 s25, $0x2  }
0x123: {  	[tilespmem:s1+$0x14F80] =	vst v0  }
0x124: {  	v0 =	vld [tilespmem:s0+$0x80]  }
0x125: {  	p3 =	por !p3, !p3;
	s0 =	simm.s32 $0x1  }
0x126: {  	s0 =	simm.s32 @!p3 $0x0  }
0x127: {  	s0 =	sshll.u32 s0, $0x6  }
0x128: {  	s0 =	sadd.s32 s0, s25  }
0x129: {  	s2 =	sor.u32 $0x100, s0;
	[tilespmem:s1+$0x16E00] =	vst v0  }
0x12a: {  	v0 =	vld [tilespmem:s2+$0x7A00];
	_ =	sdelay $0x3  }
0x12b: {  	s25 =	sor.u32 $0x10, s28  }
0x12c: {  	s29 =	sor.u32 s25, s26;
	[tilespmem:s1+$0x18C80] =	vst v0  }
0x12d: {  	v0 =	vld [tilespmem:s29+$0x0];
	_ =	sdelay $0x2  }
0x12e: {  	s15 =	sand.u32 $0x1F80, s24  }
0x12f: {  	s2 =	sor.u32 s15, s25  }
0x130: {  	[tilespmem:s2+$0x14F80] =	vst v0  }
0x131: {  	v0 =	vld [tilespmem:s29+$0x80];
	_ =	sdelay $0x3  }
0x132: {  	s24 =	sadd.s32 $0x10, s0  }
0x133: {  	s1 =	sor.u32 $0x100, s24;
	[tilespmem:s2+$0x16E00] =	vst v0  }
0x134: {  	v0 =	vld [tilespmem:s1+$0x7A00];
	_ =	sdelay $0x3  }
0x135: {  	s25 =	sor.u32 $0x20, s28  }
0x136: {  	s29 =	sor.u32 s25, s26;
	[tilespmem:s2+$0x18C80] =	vst v0  }
0x137: {  	v0 =	vld [tilespmem:s29+$0x0];
	_ =	sdelay $0x3  }
0x138: {  	s1 =	sor.u32 s15, s25  }
0x139: {  	[tilespmem:s1+$0x14F80] =	vst v0  }
0x13a: {  	v0 =	vld [tilespmem:s29+$0x80];
	_ =	sdelay $0x3  }
0x13b: {  	s24 =	sadd.s32 $0x20, s0  }
0x13c: {  	s2 =	sor.u32 $0x100, s24;
	[tilespmem:s1+$0x16E00] =	vst v0  }
0x13d: {  	v0 =	vld [tilespmem:s2+$0x7A00];
	_ =	sdelay $0x3  }
0x13e: {  	s25 =	sor.u32 $0x30, s28  }
0x13f: {  	s26 =	sor.u32 s25, s26;
	[tilespmem:s1+$0x18C80] =	vst v0  }
0x140: {  	v0 =	vld [tilespmem:s26+$0x0];
	_ =	sdelay $0x3  }
0x141: {  	s2 =	sor.u32 s15, s25  }
0x142: {  	[tilespmem:s2+$0x14F80] =	vst v0  }
0x143: {  	v0 =	vld [tilespmem:s26+$0x80];
	_ =	sdelay $0x3  }
0x144: {  	s0 =	sadd.s32 $0x30, s0  }
0x145: {  	s0 =	sor.u32 $0x100, s0;
	[tilespmem:s2+$0x16E00] =	vst v0  }
0x146: {  	v0 =	vld [tilespmem:s0+$0x7A00];
	_ =	sdelay $0x2  }
0x147: {  	s29 =	sld [smem:$0x7F7];
	_ =	sdelay $0x1  }
0x148: {  	s0 =	simm.s32 $0x0;
	[tilespmem:s2+$0x18C80] =	vst v0  }
0x149: {  	[hbm4b:s29+s0] =	stream.linear.scatter [tilespmem:s18], [sflag:$0x2], $0x1E80, $0x38;
	[tilespmem:$0x1AC80] =	vst v63  }
0x14a: {  	s2 =	rddreg [dreg:$0x12]  }
0x14b: {  	[hbm4b:s2+s0] =	stream.linear.scatter [tilespmem:s19], [sflag:$0x2], $0x1E80, $0x38;
	[tilespmem:$0x1AC80] =	vst v63  }
0x14c: {  	s15 =	rddreg [dreg:$0x14]  }
0x14d: {  	[hbm4b:s15+s0] =	stream.linear.scatter [tilespmem:s20], [sflag:$0x2], $0x1E80, $0x38;
	[tilespmem:$0x1AC80] =	vst v63  }
0x14e: {  	_ =	swait.ge [sflag:s12], $0x7A00  }
0x14f: {  	[sflag:s12] =	ssyncset.done $0x0  }
0x150: {  	s24 =	rddreg [dreg:$0xa];
	[sflag:s12] =	ssyncadd.s32 $0xFFFF8600  }
0x151: {  	[tilespmem:s13], [sflag:$0x1] =	stream.linear.gather [hbm4b:s24+s0], $0x7A00, $0x38;
	[tilespmem:$0x1AC80] =	vst v63  }
0x152: {  	_ =	swait.ge [sflag:s21], $0x1E80  }
0x153: {  	[sflag:s21] =	ssyncset.done $0x0  }
0x154: {  	[sflag:s21] =	ssyncadd.s32 $0xFFFFE180  }
0x155: {  	_ =	swait.ge [sflag:s21], $0x1E80  }
0x156: {  	[sflag:s21] =	ssyncset.done $0x0  }
0x157: {  	[sflag:s21] =	ssyncadd.s32 $0xFFFFE180  }
0x158: {  	_ =	swait.ge [sflag:s21], $0x1E80  }
0x159: {  	s1 =	sand.u32 $0x40, s0;
	s2 =	sand.u32 $0x7E00, s0;
	[sflag:s21] =	ssyncset.done $0x0  }
0x15a: {  	s25 =	sor.u32 s1, s2;
	[sflag:s21] =	ssyncadd.s32 $0xFFFFE180  }
0x15b: {  	v0 =	vld [tilespmem:s25+$0x0];
	_ =	sdelay $0x3  }
0x15c: {  	s24 =	simm.s32 $0x0  }
0x15d: {  	[tilespmem:s24+$0xF400] =	vst v0  }
0x15e: {  	v0 =	vld [tilespmem:s25+$0x80]  }
0x15f: {  	p3 =	por $0x0, $0x0;
	s15 =	simm.s32 $0x1  }
0x160: {  	s15 =	simm.s32 @!p3 $0x0  }
0x161: {  	s15 =	sshll.u32 s15, $0x6  }
0x162: {  	s15 =	sadd.s32 $0x0, s15  }
0x163: {  	s26 =	sor.u32 $0x100, s15;
	[tilespmem:s24+$0x11280] =	vst v0  }
0x164: {  	v0 =	vld [tilespmem:s26+$0x0];
	_ =	sdelay $0x3  }
0x165: {  	s29 =	sor.u32 $0x10, s1  }
0x166: {  	s26 =	sor.u32 s29, s2;
	[tilespmem:s24+$0x13100] =	vst v0  }
0x167: {  	v0 =	vld [tilespmem:s26+$0x0];
	_ =	sdelay $0x2  }
0x168: {  	s0 =	sand.u32 $0x1F80, s0  }
0x169: {  	s25 =	sor.u32 s0, s29  }
0x16a: {  	[tilespmem:s25+$0xF400] =	vst v0  }
0x16b: {  	v0 =	vld [tilespmem:s26+$0x80];
	_ =	sdelay $0x3  }
0x16c: {  	s29 =	sadd.s32 $0x10, s15  }
0x16d: {  	s24 =	sor.u32 $0x100, s29;
	[tilespmem:s25+$0x11280] =	vst v0  }
0x16e: {  	v0 =	vld [tilespmem:s24+$0x0];
	_ =	sdelay $0x3  }
0x16f: {  	s26 =	sor.u32 $0x20, s1  }
0x170: {  	s29 =	sor.u32 s26, s2;
	[tilespmem:s25+$0x13100] =	vst v0  }
0x171: {  	v0 =	vld [tilespmem:s29+$0x0];
	_ =	sdelay $0x3  }
0x172: {  	s24 =	sor.u32 s0, s26  }
0x173: {  	[tilespmem:s24+$0xF400] =	vst v0  }
0x174: {  	v0 =	vld [tilespmem:s29+$0x80];
	_ =	sdelay $0x3  }
0x175: {  	s26 =	sadd.s32 $0x20, s15  }
0x176: {  	s25 =	sor.u32 $0x100, s26;
	[tilespmem:s24+$0x11280] =	vst v0  }
0x177: {  	v0 =	vld [tilespmem:s25+$0x0];
	_ =	sdelay $0x3  }
0x178: {  	s1 =	sor.u32 $0x30, s1  }
0x179: {  	s2 =	sor.u32 s1, s2;
	[tilespmem:s24+$0x13100] =	vst v0  }
0x17a: {  	v0 =	vld [tilespmem:s2+$0x0];
	_ =	sdelay $0x3  }
0x17b: {  	s31 =	sor.u32 s0, s1  }
0x17c: {  	[tilespmem:s31+$0xF400] =	vst v0  }
0x17d: {  	v0 =	vld [tilespmem:s2+$0x80];
	_ =	sdelay $0x3  }
0x17e: {  	s29 =	sadd.s32 $0x30, s15  }
0x17f: {  	s0 =	sor.u32 $0x100, s29;
	[tilespmem:s31+$0x11280] =	vst v0  }
0x180: {  	v0 =	vld [tilespmem:s0+$0x0];
	_ =	sdelay $0x1  }
0x181: {  	s25 =	simm.s32 $0x100;
	s24 =	simm.s32 $0x40  }
0x182: {  	s30 =	simm.s32 $0x200;
	s26 =	sand.u32 $0x7E00, s25;
	s28 =	sand.u32 $0x40, s24  }
.LBB2_6:
0x183: {  	s0 =	sor.u32 s28, s26  }
0x184: {  	[tilespmem:s31+$0x13100] =	vst v0;
	p3 =	por !p3, !p3;
	s1 =	smov.u32 s30;
	s29 =	sadd.s32 $0x100, s30  }
0x185: {  	p4 =	sne.s32 s30, $0x7900;
	v0 =	vld [tilespmem:s0+$0x0];
	_ =	sdelay $0x3  }
0x186: {  	s2 =	sshra.s32 s25, $0x2  }
0x187: {  	[tilespmem:s2+$0xF400] =	vst v0  }
0x188: {  	v0 =	vld [tilespmem:s0+$0x80]  }
0x189: {  	s0 =	simm.s32 $0x1  }
0x18a: {  	s0 =	simm.s32 @!p3 $0x0  }
0x18b: {  	s0 =	sshll.u32 s0, $0x6  }
0x18c: {  	s0 =	sadd.s32 s0, s25;
	s25 =	smov.u32 s1  }
0x18d: {  	s1 =	sor.u32 $0x100, s0;
	s15 =	sadd.s32 $0x10, s0;
	s31 =	sadd.s32 $0x20, s0;
	[tilespmem:s2+$0x11280] =	vst v0  }
0x18e: {  	s30 =	sadd.s32 $0x30, s0;
	v0 =	vld [tilespmem:s1+$0x0];
	_ =	sdelay $0x3  }
0x18f: {  	s0 =	sor.u32 $0x10, s28  }
0x190: {  	s1 =	sor.u32 s0, s26;
	[tilespmem:s2+$0x13100] =	vst v0  }
0x191: {  	v0 =	vld [tilespmem:s1+$0x0];
	_ =	sdelay $0x2  }
0x192: {  	s2 =	sand.u32 $0x1F80, s24  }
0x193: {  	s0 =	sor.u32 s2, s0  }
0x194: {  	[tilespmem:s0+$0xF400] =	vst v0  }
0x195: {  	v0 =	vld [tilespmem:s1+$0x80];
	_ =	sdelay $0x4  }
0x196: {  	s1 =	sor.u32 $0x100, s15;
	[tilespmem:s0+$0x11280] =	vst v0  }
0x197: {  	v0 =	vld [tilespmem:s1+$0x0];
	_ =	sdelay $0x3  }
0x198: {  	s1 =	sor.u32 $0x20, s28  }
0x199: {  	[tilespmem:s0+$0x13100] =	vst v0;
	s0 =	sor.u32 s1, s26  }
0x19a: {  	v0 =	vld [tilespmem:s0+$0x0];
	_ =	sdelay $0x3  }
0x19b: {  	s1 =	sor.u32 s2, s1  }
0x19c: {  	[tilespmem:s1+$0xF400] =	vst v0  }
0x19d: {  	v0 =	vld [tilespmem:s0+$0x80];
	_ =	sdelay $0x4  }
0x19e: {  	s0 =	sor.u32 $0x100, s31;
	[tilespmem:s1+$0x11280] =	vst v0  }
0x19f: {  	v0 =	vld [tilespmem:s0+$0x0];
	_ =	sdelay $0x3  }
0x1a0: {  	s0 =	sor.u32 $0x30, s28  }
0x1a1: {  	[tilespmem:s1+$0x13100] =	vst v0;
	s1 =	sor.u32 s0, s26  }
0x1a2: {  	v0 =	vld [tilespmem:s1+$0x0];
	_ =	sdelay $0x3  }
0x1a3: {  	s31 =	sor.u32 s2, s0  }
0x1a4: {  	[tilespmem:s31+$0xF400] =	vst v0  }
0x1a5: {  	v0 =	vld [tilespmem:s1+$0x80];
	_ =	sdelay $0x4  }
0x1a6: {  	s0 =	sor.u32 $0x100, s30;
	[tilespmem:s31+$0x11280] =	vst v0  }
.Ltmp4:
0x1a7: {  	v0 =	vld [tilespmem:s0+$0x0];
	(pc) =	sbr.rel @p4 .LBB2_6-.Ltmp4, $3  }
0x1a8: {  	_ =	sdelay $0x1  }
0x1a9: {  	s24 =	sadd.s32 $0x40, s24  }
0x1aa: {  	s28 =	sand.u32 $0x40, s24;
	s26 =	sand.u32 $0x7E00, s25;
	s30 =	smov.u32 s29  }
0x1ab: {  	s0 =	sor.u32 s28, s26;
	[tilespmem:s31+$0x13100] =	vst v0  }
0x1ac: {  	v0 =	vld [tilespmem:s0+$0x0];
	_ =	sdelay $0x3  }
0x1ad: {  	s1 =	sshra.s32 s25, $0x2  }
0x1ae: {  	[tilespmem:s1+$0xF400] =	vst v0  }
0x1af: {  	v0 =	vld [tilespmem:s0+$0x80]  }
0x1b0: {  	p3 =	por !p3, !p3;
	s0 =	simm.s32 $0x1  }
0x1b1: {  	s0 =	simm.s32 @!p3 $0x0  }
0x1b2: {  	s0 =	sshll.u32 s0, $0x6  }
0x1b3: {  	s0 =	sadd.s32 s0, s25  }
0x1b4: {  	s2 =	sor.u32 $0x100, s0;
	[tilespmem:s1+$0x11280] =	vst v0  }
0x1b5: {  	v0 =	vld [tilespmem:s2+$0x0];
	_ =	sdelay $0x3  }
0x1b6: {  	s25 =	sor.u32 $0x10, s28  }
0x1b7: {  	s29 =	sor.u32 s25, s26;
	[tilespmem:s1+$0x13100] =	vst v0  }
0x1b8: {  	v0 =	vld [tilespmem:s29+$0x0];
	_ =	sdelay $0x2  }
0x1b9: {  	s15 =	sand.u32 $0x1F80, s24  }
0x1ba: {  	s2 =	sor.u32 s15, s25  }
0x1bb: {  	[tilespmem:s2+$0xF400] =	vst v0  }
0x1bc: {  	v0 =	vld [tilespmem:s29+$0x80];
	_ =	sdelay $0x3  }
0x1bd: {  	s24 =	sadd.s32 $0x10, s0  }
0x1be: {  	s1 =	sor.u32 $0x100, s24;
	[tilespmem:s2+$0x11280] =	vst v0  }
0x1bf: {  	v0 =	vld [tilespmem:s1+$0x0];
	_ =	sdelay $0x3  }
0x1c0: {  	s25 =	sor.u32 $0x20, s28  }
0x1c1: {  	s29 =	sor.u32 s25, s26;
	[tilespmem:s2+$0x13100] =	vst v0  }
0x1c2: {  	v0 =	vld [tilespmem:s29+$0x0];
	_ =	sdelay $0x3  }
0x1c3: {  	s1 =	sor.u32 s15, s25  }
0x1c4: {  	[tilespmem:s1+$0xF400] =	vst v0  }
0x1c5: {  	v0 =	vld [tilespmem:s29+$0x80];
	_ =	sdelay $0x3  }
0x1c6: {  	s24 =	sadd.s32 $0x20, s0  }
0x1c7: {  	s2 =	sor.u32 $0x100, s24;
	[tilespmem:s1+$0x11280] =	vst v0  }
0x1c8: {  	v0 =	vld [tilespmem:s2+$0x0];
	_ =	sdelay $0x3  }
0x1c9: {  	s25 =	sor.u32 $0x30, s28  }
0x1ca: {  	s26 =	sor.u32 s25, s26;
	[tilespmem:s1+$0x13100] =	vst v0  }
0x1cb: {  	v0 =	vld [tilespmem:s26+$0x0];
	_ =	sdelay $0x3  }
0x1cc: {  	s2 =	sor.u32 s15, s25  }
0x1cd: {  	[tilespmem:s2+$0xF400] =	vst v0  }
0x1ce: {  	v0 =	vld [tilespmem:s26+$0x80];
	_ =	sdelay $0x3  }
0x1cf: {  	s0 =	sadd.s32 $0x30, s0  }
0x1d0: {  	s0 =	sor.u32 $0x100, s0;
	[tilespmem:s2+$0x11280] =	vst v0  }
0x1d1: {  	v0 =	vld [tilespmem:s0+$0x0];
	_ =	sdelay $0x4  }
0x1d2: {  	s29 =	rddreg [dreg:$0x15];
	s0 =	simm.s32 $0x0;
	[tilespmem:s2+$0x13100] =	vst v0  }
0x1d3: {  	[hbm4b:s29+s0] =	stream.linear.scatter [tilespmem:s4], [sflag:$0x2], $0x1E80, $0x38;
	[tilespmem:$0x1AC80] =	vst v63  }
0x1d4: {  	s2 =	rddreg [dreg:$0x17]  }
0x1d5: {  	[hbm4b:s2+s0] =	stream.linear.scatter [tilespmem:s14], [sflag:$0x2], $0x1E80, $0x38;
	[tilespmem:$0x1AC80] =	vst v63  }
0x1d6: {  	s15 =	rddreg [dreg:$0x19]  }
0x1d7: {  	[hbm4b:s15+s0] =	stream.linear.scatter [tilespmem:s17], [sflag:$0x2], $0x1E80, $0x38;
	[tilespmem:$0x1AC80] =	vst v63  }
0x1d8: {  	_ =	swait.ge [sflag:s12], $0x7A00  }
0x1d9: {  	[sflag:s12] =	ssyncset.done $0x0  }
0x1da: {  	s24 =	rddreg [dreg:$0xb];
	[sflag:s12] =	ssyncadd.s32 $0xFFFF8600  }
0x1db: {  	[tilespmem:s0], [sflag:$0x1] =	stream.linear.gather [hbm4b:s24+s0], $0x7A00, $0x38;
	[tilespmem:$0x1AC80] =	vst v63  }
0x1dc: {  	_ =	swait.ge [sflag:s21], $0x1E80  }
0x1dd: {  	[sflag:s21] =	ssyncset.done $0x0  }
0x1de: {  	[sflag:s21] =	ssyncadd.s32 $0xFFFFE180  }
0x1df: {  	_ =	swait.ge [sflag:s21], $0x1E80  }
0x1e0: {  	[sflag:s21] =	ssyncset.done $0x0  }
0x1e1: {  	[sflag:s21] =	ssyncadd.s32 $0xFFFFE180  }
0x1e2: {  	s25 =	sand.u32 $0x7E00, s0;
	_ =	swait.ge [sflag:s21], $0x1E80  }
0x1e3: {  	s1 =	sadd.s32 $0x7A00, s25;
	s2 =	sand.u32 $0x40, s0;
	[sflag:s21] =	ssyncset.done $0x0  }
0x1e4: {  	s26 =	sor.u32 s2, s1;
	[sflag:s21] =	ssyncadd.s32 $0xFFFFE180  }
0x1e5: {  	v0 =	vld [tilespmem:s26+$0x0];
	_ =	sdelay $0x3  }
0x1e6: {  	s24 =	simm.s32 $0x0  }
0x1e7: {  	[tilespmem:s24+$0x14F80] =	vst v0  }
0x1e8: {  	v0 =	vld [tilespmem:s26+$0x80]  }
0x1e9: {  	p3 =	por $0x0, $0x0;
	s15 =	simm.s32 $0x1  }
0x1ea: {  	s15 =	simm.s32 @!p3 $0x0  }
0x1eb: {  	s15 =	sshll.u32 s15, $0x6  }
0x1ec: {  	s15 =	sadd.s32 $0x0, s15  }
0x1ed: {  	s29 =	sor.u32 $0x100, s15;
	[tilespmem:s24+$0x16E00] =	vst v0  }
0x1ee: {  	v0 =	vld [tilespmem:s29+$0x7A00];
	_ =	sdelay $0x3  }
0x1ef: {  	s26 =	sor.u32 $0x10, s2  }
0x1f0: {  	s29 =	sor.u32 s26, s1;
	[tilespmem:s24+$0x18C80] =	vst v0  }
0x1f1: {  	v0 =	vld [tilespmem:s29+$0x0];
	_ =	sdelay $0x2  }
0x1f2: {  	s0 =	sand.u32 $0x1F80, s0  }
0x1f3: {  	s25 =	sor.u32 s0, s26  }
0x1f4: {  	[tilespmem:s25+$0x14F80] =	vst v0  }
0x1f5: {  	v0 =	vld [tilespmem:s29+$0x80];
	_ =	sdelay $0x3  }
0x1f6: {  	s26 =	sadd.s32 $0x10, s15  }
0x1f7: {  	s24 =	sor.u32 $0x100, s26;
	[tilespmem:s25+$0x16E00] =	vst v0  }
0x1f8: {  	v0 =	vld [tilespmem:s24+$0x7A00];
	_ =	sdelay $0x3  }
0x1f9: {  	s29 =	sor.u32 $0x20, s2  }
0x1fa: {  	s26 =	sor.u32 s29, s1;
	[tilespmem:s25+$0x18C80] =	vst v0  }
0x1fb: {  	v0 =	vld [tilespmem:s26+$0x0];
	_ =	sdelay $0x3  }
0x1fc: {  	s24 =	sor.u32 s0, s29  }
0x1fd: {  	[tilespmem:s24+$0x14F80] =	vst v0  }
0x1fe: {  	v0 =	vld [tilespmem:s26+$0x80];
	_ =	sdelay $0x3  }
0x1ff: {  	s29 =	sadd.s32 $0x20, s15  }
0x200: {  	s25 =	sor.u32 $0x100, s29;
	[tilespmem:s24+$0x16E00] =	vst v0  }
0x201: {  	v0 =	vld [tilespmem:s25+$0x7A00];
	_ =	sdelay $0x3  }
0x202: {  	s2 =	sor.u32 $0x30, s2  }
0x203: {  	s1 =	sor.u32 s2, s1;
	[tilespmem:s24+$0x18C80] =	vst v0  }
0x204: {  	v0 =	vld [tilespmem:s1+$0x0];
	_ =	sdelay $0x3  }
0x205: {  	s31 =	sor.u32 s0, s2  }
0x206: {  	[tilespmem:s31+$0x14F80] =	vst v0  }
0x207: {  	v0 =	vld [tilespmem:s1+$0x80];
	_ =	sdelay $0x3  }
0x208: {  	s26 =	sadd.s32 $0x30, s15  }
0x209: {  	s0 =	sor.u32 $0x100, s26;
	[tilespmem:s31+$0x16E00] =	vst v0  }
0x20a: {  	v0 =	vld [tilespmem:s0+$0x7A00]  }
0x20b: {  	s25 =	simm.s32 $0x100  }
0x20c: {  	s29 =	sand.u32 $0x7E00, s25;
	s24 =	simm.s32 $0x40  }
0x20d: {  	s30 =	simm.s32 $0x200;
	s26 =	sadd.s32 $0x7A00, s29;
	s28 =	sand.u32 $0x40, s24  }
.LBB2_8:
0x20e: {  	s0 =	sor.u32 s28, s26  }
0x20f: {  	[tilespmem:s31+$0x18C80] =	vst v0;
	p3 =	por !p3, !p3;
	s1 =	smov.u32 s30;
	s29 =	sadd.s32 $0x100, s30  }
0x210: {  	p4 =	sne.s32 s30, $0x7900;
	v0 =	vld [tilespmem:s0+$0x0];
	_ =	sdelay $0x3  }
0x211: {  	s2 =	sshra.s32 s25, $0x2  }
0x212: {  	[tilespmem:s2+$0x14F80] =	vst v0  }
0x213: {  	v0 =	vld [tilespmem:s0+$0x80]  }
0x214: {  	s0 =	simm.s32 $0x1  }
0x215: {  	s0 =	simm.s32 @!p3 $0x0  }
0x216: {  	s0 =	sshll.u32 s0, $0x6  }
0x217: {  	s0 =	sadd.s32 s0, s25;
	s25 =	smov.u32 s1  }
0x218: {  	s1 =	sor.u32 $0x100, s0;
	s15 =	sadd.s32 $0x10, s0;
	s31 =	sadd.s32 $0x20, s0;
	[tilespmem:s2+$0x16E00] =	vst v0  }
0x219: {  	s30 =	sadd.s32 $0x30, s0;
	v0 =	vld [tilespmem:s1+$0x7A00];
	_ =	sdelay $0x3  }
0x21a: {  	s0 =	sor.u32 $0x10, s28  }
0x21b: {  	s1 =	sor.u32 s0, s26;
	[tilespmem:s2+$0x18C80] =	vst v0  }
0x21c: {  	v0 =	vld [tilespmem:s1+$0x0];
	_ =	sdelay $0x2  }
0x21d: {  	s2 =	sand.u32 $0x1F80, s24  }
0x21e: {  	s0 =	sor.u32 s2, s0  }
0x21f: {  	[tilespmem:s0+$0x14F80] =	vst v0  }
0x220: {  	v0 =	vld [tilespmem:s1+$0x80];
	_ =	sdelay $0x4  }
0x221: {  	s1 =	sor.u32 $0x100, s15;
	[tilespmem:s0+$0x16E00] =	vst v0  }
0x222: {  	v0 =	vld [tilespmem:s1+$0x7A00];
	_ =	sdelay $0x3  }
0x223: {  	s1 =	sor.u32 $0x20, s28  }
0x224: {  	[tilespmem:s0+$0x18C80] =	vst v0;
	s0 =	sor.u32 s1, s26  }
0x225: {  	v0 =	vld [tilespmem:s0+$0x0];
	_ =	sdelay $0x3  }
0x226: {  	s1 =	sor.u32 s2, s1  }
0x227: {  	[tilespmem:s1+$0x14F80] =	vst v0  }
0x228: {  	v0 =	vld [tilespmem:s0+$0x80];
	_ =	sdelay $0x4  }
0x229: {  	s0 =	sor.u32 $0x100, s31;
	[tilespmem:s1+$0x16E00] =	vst v0  }
0x22a: {  	v0 =	vld [tilespmem:s0+$0x7A00];
	_ =	sdelay $0x3  }
0x22b: {  	s0 =	sor.u32 $0x30, s28  }
0x22c: {  	[tilespmem:s1+$0x18C80] =	vst v0;
	s1 =	sor.u32 s0, s26  }
0x22d: {  	v0 =	vld [tilespmem:s1+$0x0];
	_ =	sdelay $0x3  }
0x22e: {  	s31 =	sor.u32 s2, s0  }
0x22f: {  	[tilespmem:s31+$0x14F80] =	vst v0  }
0x230: {  	v0 =	vld [tilespmem:s1+$0x80];
	_ =	sdelay $0x4  }
0x231: {  	s0 =	sor.u32 $0x100, s30;
	[tilespmem:s31+$0x16E00] =	vst v0  }
.Ltmp5:
0x232: {  	v0 =	vld [tilespmem:s0+$0x7A00];
	(pc) =	sbr.rel @p4 .LBB2_8-.Ltmp5, $3  }
0x233: {  	_ =	sdelay $0x1  }
0x234: {  	s24 =	sadd.s32 $0x40, s24;
	s0 =	sand.u32 $0x7E00, s25  }
0x235: {  	s28 =	sand.u32 $0x40, s24;
	s30 =	smov.u32 s29;
	s26 =	sadd.s32 $0x7A00, s0  }
0x236: {  	s0 =	sor.u32 s28, s26;
	[tilespmem:s31+$0x18C80] =	vst v0  }
0x237: {  	v0 =	vld [tilespmem:s0+$0x0];
	_ =	sdelay $0x3  }
0x238: {  	s1 =	sshra.s32 s25, $0x2  }
0x239: {  	[tilespmem:s1+$0x14F80] =	vst v0  }
0x23a: {  	v0 =	vld [tilespmem:s0+$0x80]  }
0x23b: {  	p3 =	por !p3, !p3;
	s0 =	simm.s32 $0x1  }
0x23c: {  	s0 =	simm.s32 @!p3 $0x0  }
0x23d: {  	s0 =	sshll.u32 s0, $0x6  }
0x23e: {  	s0 =	sadd.s32 s0, s25  }
0x23f: {  	s2 =	sor.u32 $0x100, s0;
	[tilespmem:s1+$0x16E00] =	vst v0  }
0x240: {  	v0 =	vld [tilespmem:s2+$0x7A00];
	_ =	sdelay $0x3  }
0x241: {  	s25 =	sor.u32 $0x10, s28  }
0x242: {  	s29 =	sor.u32 s25, s26;
	[tilespmem:s1+$0x18C80] =	vst v0  }
0x243: {  	v0 =	vld [tilespmem:s29+$0x0];
	_ =	sdelay $0x2  }
0x244: {  	s15 =	sand.u32 $0x1F80, s24  }
0x245: {  	s2 =	sor.u32 s15, s25  }
0x246: {  	[tilespmem:s2+$0x14F80] =	vst v0  }
0x247: {  	v0 =	vld [tilespmem:s29+$0x80];
	_ =	sdelay $0x3  }
0x248: {  	s24 =	sadd.s32 $0x10, s0  }
0x249: {  	s1 =	sor.u32 $0x100, s24;
	[tilespmem:s2+$0x16E00] =	vst v0  }
0x24a: {  	v0 =	vld [tilespmem:s1+$0x7A00];
	_ =	sdelay $0x3  }
0x24b: {  	s25 =	sor.u32 $0x20, s28  }
0x24c: {  	s29 =	sor.u32 s25, s26;
	[tilespmem:s2+$0x18C80] =	vst v0  }
0x24d: {  	v0 =	vld [tilespmem:s29+$0x0];
	_ =	sdelay $0x3  }
0x24e: {  	s1 =	sor.u32 s15, s25  }
0x24f: {  	[tilespmem:s1+$0x14F80] =	vst v0  }
0x250: {  	v0 =	vld [tilespmem:s29+$0x80];
	_ =	sdelay $0x3  }
0x251: {  	s24 =	sadd.s32 $0x20, s0  }
0x252: {  	s2 =	sor.u32 $0x100, s24;
	[tilespmem:s1+$0x16E00] =	vst v0  }
0x253: {  	v0 =	vld [tilespmem:s2+$0x7A00];
	_ =	sdelay $0x3  }
0x254: {  	s25 =	sor.u32 $0x30, s28  }
0x255: {  	s26 =	sor.u32 s25, s26;
	[tilespmem:s1+$0x18C80] =	vst v0  }
0x256: {  	v0 =	vld [tilespmem:s26+$0x0];
	_ =	sdelay $0x3  }
0x257: {  	s2 =	sor.u32 s15, s25  }
0x258: {  	[tilespmem:s2+$0x14F80] =	vst v0  }
0x259: {  	v0 =	vld [tilespmem:s26+$0x80];
	_ =	sdelay $0x3  }
0x25a: {  	s0 =	sadd.s32 $0x30, s0  }
0x25b: {  	s0 =	sor.u32 $0x100, s0;
	[tilespmem:s2+$0x16E00] =	vst v0  }
0x25c: {  	v0 =	vld [tilespmem:s0+$0x7A00];
	_ =	sdelay $0x4  }
0x25d: {  	s29 =	rddreg [dreg:$0x16];
	s0 =	simm.s32 $0x0;
	[tilespmem:s2+$0x18C80] =	vst v0  }
0x25e: {  	[hbm4b:s29+s0] =	stream.linear.scatter [tilespmem:s18], [sflag:$0x2], $0x1E80, $0x38;
	[tilespmem:$0x1AC80] =	vst v63  }
0x25f: {  	s2 =	rddreg [dreg:$0x18]  }
0x260: {  	[hbm4b:s2+s0] =	stream.linear.scatter [tilespmem:s19], [sflag:$0x2], $0x1E80, $0x38;
	[tilespmem:$0x1AC80] =	vst v63  }
0x261: {  	s15 =	rddreg [dreg:$0x1a]  }
0x262: {  	[hbm4b:s15+s0] =	stream.linear.scatter [tilespmem:s20], [sflag:$0x2], $0x1E80, $0x38;
	[tilespmem:$0x1AC80] =	vst v63  }
0x263: {  	_ =	swait.ge [sflag:s12], $0x7A00  }
0x264: {  	[sflag:s12] =	ssyncset.done $0x0  }
0x265: {  	s24 =	rddreg [dreg:$0xc];
	[sflag:s12] =	ssyncadd.s32 $0xFFFF8600  }
0x266: {  	[tilespmem:s13], [sflag:$0x1] =	stream.linear.gather [hbm4b:s24+s0], $0x7A00, $0x38;
	[tilespmem:$0x1AC80] =	vst v63  }
0x267: {  	_ =	swait.ge [sflag:s21], $0x1E80  }
0x268: {  	[sflag:s21] =	ssyncset.done $0x0  }
0x269: {  	[sflag:s21] =	ssyncadd.s32 $0xFFFFE180  }
0x26a: {  	_ =	swait.ge [sflag:s21], $0x1E80  }
0x26b: {  	[sflag:s21] =	ssyncset.done $0x0  }
0x26c: {  	[sflag:s21] =	ssyncadd.s32 $0xFFFFE180  }
0x26d: {  	_ =	swait.ge [sflag:s21], $0x1E80  }
0x26e: {  	s1 =	sand.u32 $0x40, s0;
	s2 =	sand.u32 $0x7E00, s0;
	[sflag:s21] =	ssyncset.done $0x0  }
0x26f: {  	s25 =	sor.u32 s1, s2;
	[sflag:s21] =	ssyncadd.s32 $0xFFFFE180  }
0x270: {  	v0 =	vld [tilespmem:s25+$0x0];
	_ =	sdelay $0x3  }
0x271: {  	s24 =	simm.s32 $0x0  }
0x272: {  	[tilespmem:s24+$0xF400] =	vst v0  }
0x273: {  	v0 =	vld [tilespmem:s25+$0x80]  }
0x274: {  	p3 =	por $0x0, $0x0;
	s15 =	simm.s32 $0x1  }
0x275: {  	s15 =	simm.s32 @!p3 $0x0  }
0x276: {  	s15 =	sshll.u32 s15, $0x6  }
0x277: {  	s15 =	sadd.s32 $0x0, s15  }
0x278: {  	s26 =	sor.u32 $0x100, s15;
	[tilespmem:s24+$0x11280] =	vst v0  }
0x279: {  	v0 =	vld [tilespmem:s26+$0x0];
	_ =	sdelay $0x3  }
0x27a: {  	s29 =	sor.u32 $0x10, s1  }
0x27b: {  	s26 =	sor.u32 s29, s2;
	[tilespmem:s24+$0x13100] =	vst v0  }
0x27c: {  	v0 =	vld [tilespmem:s26+$0x0];
	_ =	sdelay $0x2  }
0x27d: {  	s0 =	sand.u32 $0x1F80, s0  }
0x27e: {  	s25 =	sor.u32 s0, s29  }
0x27f: {  	[tilespmem:s25+$0xF400] =	vst v0  }
0x280: {  	v0 =	vld [tilespmem:s26+$0x80];
	_ =	sdelay $0x3  }
0x281: {  	s29 =	sadd.s32 $0x10, s15  }
0x282: {  	s24 =	sor.u32 $0x100, s29;
	[tilespmem:s25+$0x11280] =	vst v0  }
0x283: {  	v0 =	vld [tilespmem:s24+$0x0];
	_ =	sdelay $0x3  }
0x284: {  	s26 =	sor.u32 $0x20, s1  }
0x285: {  	s29 =	sor.u32 s26, s2;
	[tilespmem:s25+$0x13100] =	vst v0  }
0x286: {  	v0 =	vld [tilespmem:s29+$0x0];
	_ =	sdelay $0x3  }
0x287: {  	s24 =	sor.u32 s0, s26  }
0x288: {  	[tilespmem:s24+$0xF400] =	vst v0  }
0x289: {  	v0 =	vld [tilespmem:s29+$0x80];
	_ =	sdelay $0x3  }
0x28a: {  	s26 =	sadd.s32 $0x20, s15  }
0x28b: {  	s25 =	sor.u32 $0x100, s26;
	[tilespmem:s24+$0x11280] =	vst v0  }
0x28c: {  	v0 =	vld [tilespmem:s25+$0x0];
	_ =	sdelay $0x3  }
0x28d: {  	s1 =	sor.u32 $0x30, s1  }
0x28e: {  	s2 =	sor.u32 s1, s2;
	[tilespmem:s24+$0x13100] =	vst v0  }
0x28f: {  	v0 =	vld [tilespmem:s2+$0x0];
	_ =	sdelay $0x3  }
0x290: {  	s31 =	sor.u32 s0, s1  }
0x291: {  	[tilespmem:s31+$0xF400] =	vst v0  }
0x292: {  	v0 =	vld [tilespmem:s2+$0x80];
	_ =	sdelay $0x3  }
0x293: {  	s29 =	sadd.s32 $0x30, s15  }
0x294: {  	s0 =	sor.u32 $0x100, s29;
	[tilespmem:s31+$0x11280] =	vst v0  }
0x295: {  	v0 =	vld [tilespmem:s0+$0x0];
	_ =	sdelay $0x1  }
0x296: {  	s25 =	simm.s32 $0x100;
	s24 =	simm.s32 $0x40  }
0x297: {  	s30 =	simm.s32 $0x200;
	s26 =	sand.u32 $0x7E00, s25;
	s28 =	sand.u32 $0x40, s24  }
.LBB2_10:
0x298: {  	s0 =	sor.u32 s28, s26  }
0x299: {  	[tilespmem:s31+$0x13100] =	vst v0;
	p3 =	por !p3, !p3;
	s1 =	smov.u32 s30;
	s29 =	sadd.s32 $0x100, s30  }
0x29a: {  	p4 =	sne.s32 s30, $0x7900;
	v0 =	vld [tilespmem:s0+$0x0];
	_ =	sdelay $0x3  }
0x29b: {  	s2 =	sshra.s32 s25, $0x2  }
0x29c: {  	[tilespmem:s2+$0xF400] =	vst v0  }
0x29d: {  	v0 =	vld [tilespmem:s0+$0x80]  }
0x29e: {  	s0 =	simm.s32 $0x1  }
0x29f: {  	s0 =	simm.s32 @!p3 $0x0  }
0x2a0: {  	s0 =	sshll.u32 s0, $0x6  }
0x2a1: {  	s0 =	sadd.s32 s0, s25;
	s25 =	smov.u32 s1  }
0x2a2: {  	s1 =	sor.u32 $0x100, s0;
	s15 =	sadd.s32 $0x10, s0;
	s31 =	sadd.s32 $0x20, s0;
	[tilespmem:s2+$0x11280] =	vst v0  }
0x2a3: {  	s30 =	sadd.s32 $0x30, s0;
	v0 =	vld [tilespmem:s1+$0x0];
	_ =	sdelay $0x3  }
0x2a4: {  	s0 =	sor.u32 $0x10, s28  }
0x2a5: {  	s1 =	sor.u32 s0, s26;
	[tilespmem:s2+$0x13100] =	vst v0  }
0x2a6: {  	v0 =	vld [tilespmem:s1+$0x0];
	_ =	sdelay $0x2  }
0x2a7: {  	s2 =	sand.u32 $0x1F80, s24  }
0x2a8: {  	s0 =	sor.u32 s2, s0  }
0x2a9: {  	[tilespmem:s0+$0xF400] =	vst v0  }
0x2aa: {  	v0 =	vld [tilespmem:s1+$0x80];
	_ =	sdelay $0x4  }
0x2ab: {  	s1 =	sor.u32 $0x100, s15;
	[tilespmem:s0+$0x11280] =	vst v0  }
0x2ac: {  	v0 =	vld [tilespmem:s1+$0x0];
	_ =	sdelay $0x3  }
0x2ad: {  	s1 =	sor.u32 $0x20, s28  }
0x2ae: {  	[tilespmem:s0+$0x13100] =	vst v0;
	s0 =	sor.u32 s1, s26  }
0x2af: {  	v0 =	vld [tilespmem:s0+$0x0];
	_ =	sdelay $0x3  }
0x2b0: {  	s1 =	sor.u32 s2, s1  }
0x2b1: {  	[tilespmem:s1+$0xF400] =	vst v0  }
0x2b2: {  	v0 =	vld [tilespmem:s0+$0x80];
	_ =	sdelay $0x4  }
0x2b3: {  	s0 =	sor.u32 $0x100, s31;
	[tilespmem:s1+$0x11280] =	vst v0  }
0x2b4: {  	v0 =	vld [tilespmem:s0+$0x0];
	_ =	sdelay $0x3  }
0x2b5: {  	s0 =	sor.u32 $0x30, s28  }
0x2b6: {  	[tilespmem:s1+$0x13100] =	vst v0;
	s1 =	sor.u32 s0, s26  }
0x2b7: {  	v0 =	vld [tilespmem:s1+$0x0];
	_ =	sdelay $0x3  }
0x2b8: {  	s31 =	sor.u32 s2, s0  }
0x2b9: {  	[tilespmem:s31+$0xF400] =	vst v0  }
0x2ba: {  	v0 =	vld [tilespmem:s1+$0x80];
	_ =	sdelay $0x4  }
0x2bb: {  	s0 =	sor.u32 $0x100, s30;
	[tilespmem:s31+$0x11280] =	vst v0  }
.Ltmp6:
0x2bc: {  	v0 =	vld [tilespmem:s0+$0x0];
	(pc) =	sbr.rel @p4 .LBB2_10-.Ltmp6, $3  }
0x2bd: {  	_ =	sdelay $0x1  }
0x2be: {  	s24 =	sadd.s32 $0x40, s24  }
0x2bf: {  	s28 =	sand.u32 $0x40, s24;
	s26 =	sand.u32 $0x7E00, s25;
	s30 =	smov.u32 s29  }
0x2c0: {  	s0 =	sor.u32 s28, s26;
	[tilespmem:s31+$0x13100] =	vst v0  }
0x2c1: {  	v0 =	vld [tilespmem:s0+$0x0];
	_ =	sdelay $0x3  }
0x2c2: {  	s1 =	sshra.s32 s25, $0x2  }
0x2c3: {  	[tilespmem:s1+$0xF400] =	vst v0  }
0x2c4: {  	v0 =	vld [tilespmem:s0+$0x80]  }
0x2c5: {  	p3 =	por !p3, !p3;
	s0 =	simm.s32 $0x1  }
0x2c6: {  	s0 =	simm.s32 @!p3 $0x0  }
0x2c7: {  	s0 =	sshll.u32 s0, $0x6  }
0x2c8: {  	s0 =	sadd.s32 s0, s25  }
0x2c9: {  	s2 =	sor.u32 $0x100, s0;
	[tilespmem:s1+$0x11280] =	vst v0  }
0x2ca: {  	v0 =	vld [tilespmem:s2+$0x0];
	_ =	sdelay $0x3  }
0x2cb: {  	s25 =	sor.u32 $0x10, s28  }
0x2cc: {  	s29 =	sor.u32 s25, s26;
	[tilespmem:s1+$0x13100] =	vst v0  }
0x2cd: {  	v0 =	vld [tilespmem:s29+$0x0];
	_ =	sdelay $0x2  }
0x2ce: {  	s15 =	sand.u32 $0x1F80, s24  }
0x2cf: {  	s2 =	sor.u32 s15, s25  }
0x2d0: {  	[tilespmem:s2+$0xF400] =	vst v0  }
0x2d1: {  	v0 =	vld [tilespmem:s29+$0x80];
	_ =	sdelay $0x3  }
0x2d2: {  	s24 =	sadd.s32 $0x10, s0  }
0x2d3: {  	s1 =	sor.u32 $0x100, s24;
	[tilespmem:s2+$0x11280] =	vst v0  }
0x2d4: {  	v0 =	vld [tilespmem:s1+$0x0];
	_ =	sdelay $0x3  }
0x2d5: {  	s25 =	sor.u32 $0x20, s28  }
0x2d6: {  	s29 =	sor.u32 s25, s26;
	[tilespmem:s2+$0x13100] =	vst v0  }
0x2d7: {  	v0 =	vld [tilespmem:s29+$0x0];
	_ =	sdelay $0x3  }
0x2d8: {  	s1 =	sor.u32 s15, s25  }
0x2d9: {  	[tilespmem:s1+$0xF400] =	vst v0  }
0x2da: {  	v0 =	vld [tilespmem:s29+$0x80];
	_ =	sdelay $0x3  }
0x2db: {  	s24 =	sadd.s32 $0x20, s0  }
0x2dc: {  	s2 =	sor.u32 $0x100, s24;
	[tilespmem:s1+$0x11280] =	vst v0  }
0x2dd: {  	v0 =	vld [tilespmem:s2+$0x0];
	_ =	sdelay $0x3  }
0x2de: {  	s25 =	sor.u32 $0x30, s28  }
0x2df: {  	s26 =	sor.u32 s25, s26;
	[tilespmem:s1+$0x13100] =	vst v0  }
0x2e0: {  	v0 =	vld [tilespmem:s26+$0x0];
	_ =	sdelay $0x3  }
0x2e1: {  	s2 =	sor.u32 s15, s25  }
0x2e2: {  	[tilespmem:s2+$0xF400] =	vst v0  }
0x2e3: {  	v0 =	vld [tilespmem:s26+$0x80];
	_ =	sdelay $0x3  }
0x2e4: {  	s0 =	sadd.s32 $0x30, s0  }
0x2e5: {  	s0 =	sor.u32 $0x100, s0;
	[tilespmem:s2+$0x11280] =	vst v0  }
0x2e6: {  	v0 =	vld [tilespmem:s0+$0x0];
	_ =	sdelay $0x4  }
0x2e7: {  	s29 =	rddreg [dreg:$0x1b];
	s0 =	simm.s32 $0x0;
	[tilespmem:s2+$0x13100] =	vst v0  }
0x2e8: {  	[hbm4b:s29+s0] =	stream.linear.scatter [tilespmem:s4], [sflag:$0x2], $0x1E80, $0x38;
	[tilespmem:$0x1AC80] =	vst v63  }
0x2e9: {  	s2 =	rddreg [dreg:$0x1d]  }
0x2ea: {  	[hbm4b:s2+s0] =	stream.linear.scatter [tilespmem:s14], [sflag:$0x2], $0x1E80, $0x38;
	[tilespmem:$0x1AC80] =	vst v63  }
0x2eb: {  	s15 =	rddreg [dreg:$0x1f]  }
0x2ec: {  	[hbm4b:s15+s0] =	stream.linear.scatter [tilespmem:s17], [sflag:$0x2], $0x1E80, $0x38;
	[tilespmem:$0x1AC80] =	vst v63  }
0x2ed: {  	_ =	swait.ge [sflag:s12], $0x7A00  }
0x2ee: {  	[sflag:s12] =	ssyncset.done $0x0  }
0x2ef: {  	s24 =	rddreg [dreg:$0xd];
	[sflag:s12] =	ssyncadd.s32 $0xFFFF8600  }
0x2f0: {  	[tilespmem:s0], [sflag:$0x1] =	stream.linear.gather [hbm4b:s24+s0], $0x7A00, $0x38;
	[tilespmem:$0x1AC80] =	vst v63  }
0x2f1: {  	_ =	swait.ge [sflag:s21], $0x1E80  }
0x2f2: {  	[sflag:s21] =	ssyncset.done $0x0  }
0x2f3: {  	[sflag:s21] =	ssyncadd.s32 $0xFFFFE180  }
0x2f4: {  	_ =	swait.ge [sflag:s21], $0x1E80  }
0x2f5: {  	[sflag:s21] =	ssyncset.done $0x0  }
0x2f6: {  	[sflag:s21] =	ssyncadd.s32 $0xFFFFE180  }
0x2f7: {  	s25 =	sand.u32 $0x7E00, s0;
	_ =	swait.ge [sflag:s21], $0x1E80  }
0x2f8: {  	s1 =	sadd.s32 $0x7A00, s25;
	s2 =	sand.u32 $0x40, s0;
	[sflag:s21] =	ssyncset.done $0x0  }
0x2f9: {  	s26 =	sor.u32 s2, s1;
	[sflag:s21] =	ssyncadd.s32 $0xFFFFE180  }
0x2fa: {  	v0 =	vld [tilespmem:s26+$0x0];
	_ =	sdelay $0x3  }
0x2fb: {  	s24 =	simm.s32 $0x0  }
0x2fc: {  	[tilespmem:s24+$0x14F80] =	vst v0  }
0x2fd: {  	v0 =	vld [tilespmem:s26+$0x80]  }
0x2fe: {  	p3 =	por $0x0, $0x0;
	s15 =	simm.s32 $0x1  }
0x2ff: {  	s15 =	simm.s32 @!p3 $0x0  }
0x300: {  	s15 =	sshll.u32 s15, $0x6  }
0x301: {  	s15 =	sadd.s32 $0x0, s15  }
0x302: {  	s29 =	sor.u32 $0x100, s15;
	[tilespmem:s24+$0x16E00] =	vst v0  }
0x303: {  	v0 =	vld [tilespmem:s29+$0x7A00];
	_ =	sdelay $0x3  }
0x304: {  	s26 =	sor.u32 $0x10, s2  }
0x305: {  	s29 =	sor.u32 s26, s1;
	[tilespmem:s24+$0x18C80] =	vst v0  }
0x306: {  	v0 =	vld [tilespmem:s29+$0x0];
	_ =	sdelay $0x2  }
0x307: {  	s0 =	sand.u32 $0x1F80, s0  }
0x308: {  	s25 =	sor.u32 s0, s26  }
0x309: {  	[tilespmem:s25+$0x14F80] =	vst v0  }
0x30a: {  	v0 =	vld [tilespmem:s29+$0x80];
	_ =	sdelay $0x3  }
0x30b: {  	s26 =	sadd.s32 $0x10, s15  }
0x30c: {  	s24 =	sor.u32 $0x100, s26;
	[tilespmem:s25+$0x16E00] =	vst v0  }
0x30d: {  	v0 =	vld [tilespmem:s24+$0x7A00];
	_ =	sdelay $0x3  }
0x30e: {  	s29 =	sor.u32 $0x20, s2  }
0x30f: {  	s26 =	sor.u32 s29, s1;
	[tilespmem:s25+$0x18C80] =	vst v0  }
0x310: {  	v0 =	vld [tilespmem:s26+$0x0];
	_ =	sdelay $0x3  }
0x311: {  	s24 =	sor.u32 s0, s29  }
0x312: {  	[tilespmem:s24+$0x14F80] =	vst v0  }
0x313: {  	v0 =	vld [tilespmem:s26+$0x80];
	_ =	sdelay $0x3  }
0x314: {  	s29 =	sadd.s32 $0x20, s15  }
0x315: {  	s25 =	sor.u32 $0x100, s29;
	[tilespmem:s24+$0x16E00] =	vst v0  }
0x316: {  	v0 =	vld [tilespmem:s25+$0x7A00];
	_ =	sdelay $0x3  }
0x317: {  	s2 =	sor.u32 $0x30, s2  }
0x318: {  	s1 =	sor.u32 s2, s1;
	[tilespmem:s24+$0x18C80] =	vst v0  }
0x319: {  	v0 =	vld [tilespmem:s1+$0x0];
	_ =	sdelay $0x3  }
0x31a: {  	s31 =	sor.u32 s0, s2  }
0x31b: {  	[tilespmem:s31+$0x14F80] =	vst v0  }
0x31c: {  	v0 =	vld [tilespmem:s1+$0x80];
	_ =	sdelay $0x3  }
0x31d: {  	s26 =	sadd.s32 $0x30, s15  }
0x31e: {  	s0 =	sor.u32 $0x100, s26;
	[tilespmem:s31+$0x16E00] =	vst v0  }
0x31f: {  	v0 =	vld [tilespmem:s0+$0x7A00]  }
0x320: {  	s25 =	simm.s32 $0x100  }
0x321: {  	s29 =	sand.u32 $0x7E00, s25;
	s24 =	simm.s32 $0x40  }
0x322: {  	s30 =	simm.s32 $0x200;
	s26 =	sadd.s32 $0x7A00, s29;
	s28 =	sand.u32 $0x40, s24  }
.LBB2_12:
0x323: {  	s0 =	sor.u32 s28, s26  }
0x324: {  	[tilespmem:s31+$0x18C80] =	vst v0;
	p3 =	por !p3, !p3;
	s1 =	smov.u32 s30;
	s29 =	sadd.s32 $0x100, s30  }
0x325: {  	p4 =	sne.s32 s30, $0x7900;
	v0 =	vld [tilespmem:s0+$0x0];
	_ =	sdelay $0x3  }
0x326: {  	s2 =	sshra.s32 s25, $0x2  }
0x327: {  	[tilespmem:s2+$0x14F80] =	vst v0  }
0x328: {  	v0 =	vld [tilespmem:s0+$0x80]  }
0x329: {  	s0 =	simm.s32 $0x1  }
0x32a: {  	s0 =	simm.s32 @!p3 $0x0  }
0x32b: {  	s0 =	sshll.u32 s0, $0x6  }
0x32c: {  	s0 =	sadd.s32 s0, s25;
	s25 =	smov.u32 s1  }
0x32d: {  	s1 =	sor.u32 $0x100, s0;
	s15 =	sadd.s32 $0x10, s0;
	s31 =	sadd.s32 $0x20, s0;
	[tilespmem:s2+$0x16E00] =	vst v0  }
0x32e: {  	s30 =	sadd.s32 $0x30, s0;
	v0 =	vld [tilespmem:s1+$0x7A00];
	_ =	sdelay $0x3  }
0x32f: {  	s0 =	sor.u32 $0x10, s28  }
0x330: {  	s1 =	sor.u32 s0, s26;
	[tilespmem:s2+$0x18C80] =	vst v0  }
0x331: {  	v0 =	vld [tilespmem:s1+$0x0];
	_ =	sdelay $0x2  }
0x332: {  	s2 =	sand.u32 $0x1F80, s24  }
0x333: {  	s0 =	sor.u32 s2, s0  }
0x334: {  	[tilespmem:s0+$0x14F80] =	vst v0  }
0x335: {  	v0 =	vld [tilespmem:s1+$0x80];
	_ =	sdelay $0x4  }
0x336: {  	s1 =	sor.u32 $0x100, s15;
	[tilespmem:s0+$0x16E00] =	vst v0  }
0x337: {  	v0 =	vld [tilespmem:s1+$0x7A00];
	_ =	sdelay $0x3  }
0x338: {  	s1 =	sor.u32 $0x20, s28  }
0x339: {  	[tilespmem:s0+$0x18C80] =	vst v0;
	s0 =	sor.u32 s1, s26  }
0x33a: {  	v0 =	vld [tilespmem:s0+$0x0];
	_ =	sdelay $0x3  }
0x33b: {  	s1 =	sor.u32 s2, s1  }
0x33c: {  	[tilespmem:s1+$0x14F80] =	vst v0  }
0x33d: {  	v0 =	vld [tilespmem:s0+$0x80];
	_ =	sdelay $0x4  }
0x33e: {  	s0 =	sor.u32 $0x100, s31;
	[tilespmem:s1+$0x16E00] =	vst v0  }
0x33f: {  	v0 =	vld [tilespmem:s0+$0x7A00];
	_ =	sdelay $0x3  }
0x340: {  	s0 =	sor.u32 $0x30, s28  }
0x341: {  	[tilespmem:s1+$0x18C80] =	vst v0;
	s1 =	sor.u32 s0, s26  }
0x342: {  	v0 =	vld [tilespmem:s1+$0x0];
	_ =	sdelay $0x3  }
0x343: {  	s31 =	sor.u32 s2, s0  }
0x344: {  	[tilespmem:s31+$0x14F80] =	vst v0  }
0x345: {  	v0 =	vld [tilespmem:s1+$0x80];
	_ =	sdelay $0x4  }
0x346: {  	s0 =	sor.u32 $0x100, s30;
	[tilespmem:s31+$0x16E00] =	vst v0  }
.Ltmp7:
0x347: {  	v0 =	vld [tilespmem:s0+$0x7A00];
	(pc) =	sbr.rel @p4 .LBB2_12-.Ltmp7, $3  }
0x348: {  	_ =	sdelay $0x1  }
0x349: {  	s24 =	sadd.s32 $0x40, s24;
	s0 =	sand.u32 $0x7E00, s25  }
0x34a: {  	s28 =	sand.u32 $0x40, s24;
	s30 =	smov.u32 s29;
	s26 =	sadd.s32 $0x7A00, s0  }
0x34b: {  	s0 =	sor.u32 s28, s26;
	[tilespmem:s31+$0x18C80] =	vst v0  }
0x34c: {  	v0 =	vld [tilespmem:s0+$0x0];
	_ =	sdelay $0x3  }
0x34d: {  	s1 =	sshra.s32 s25, $0x2  }
0x34e: {  	[tilespmem:s1+$0x14F80] =	vst v0  }
0x34f: {  	v0 =	vld [tilespmem:s0+$0x80]  }
0x350: {  	p3 =	por !p3, !p3;
	s0 =	simm.s32 $0x1  }
0x351: {  	s0 =	simm.s32 @!p3 $0x0  }
0x352: {  	s0 =	sshll.u32 s0, $0x6  }
0x353: {  	s0 =	sadd.s32 s0, s25  }
0x354: {  	s2 =	sor.u32 $0x100, s0;
	[tilespmem:s1+$0x16E00] =	vst v0  }
0x355: {  	v0 =	vld [tilespmem:s2+$0x7A00];
	_ =	sdelay $0x3  }
0x356: {  	s25 =	sor.u32 $0x10, s28  }
0x357: {  	s29 =	sor.u32 s25, s26;
	[tilespmem:s1+$0x18C80] =	vst v0  }
0x358: {  	v0 =	vld [tilespmem:s29+$0x0];
	_ =	sdelay $0x2  }
0x359: {  	s15 =	sand.u32 $0x1F80, s24  }
0x35a: {  	s2 =	sor.u32 s15, s25  }
0x35b: {  	[tilespmem:s2+$0x14F80] =	vst v0  }
0x35c: {  	v0 =	vld [tilespmem:s29+$0x80];
	_ =	sdelay $0x3  }
0x35d: {  	s24 =	sadd.s32 $0x10, s0  }
0x35e: {  	s1 =	sor.u32 $0x100, s24;
	[tilespmem:s2+$0x16E00] =	vst v0  }
0x35f: {  	v0 =	vld [tilespmem:s1+$0x7A00];
	_ =	sdelay $0x3  }
0x360: {  	s25 =	sor.u32 $0x20, s28  }
0x361: {  	s29 =	sor.u32 s25, s26;
	[tilespmem:s2+$0x18C80] =	vst v0  }
0x362: {  	v0 =	vld [tilespmem:s29+$0x0];
	_ =	sdelay $0x3  }
0x363: {  	s1 =	sor.u32 s15, s25  }
0x364: {  	[tilespmem:s1+$0x14F80] =	vst v0  }
0x365: {  	v0 =	vld [tilespmem:s29+$0x80];
	_ =	sdelay $0x3  }
0x366: {  	s24 =	sadd.s32 $0x20, s0  }
0x367: {  	s2 =	sor.u32 $0x100, s24;
	[tilespmem:s1+$0x16E00] =	vst v0  }
0x368: {  	v0 =	vld [tilespmem:s2+$0x7A00];
	_ =	sdelay $0x3  }
0x369: {  	s25 =	sor.u32 $0x30, s28  }
0x36a: {  	s26 =	sor.u32 s25, s26;
	[tilespmem:s1+$0x18C80] =	vst v0  }
0x36b: {  	v0 =	vld [tilespmem:s26+$0x0];
	_ =	sdelay $0x3  }
0x36c: {  	s2 =	sor.u32 s15, s25  }
0x36d: {  	[tilespmem:s2+$0x14F80] =	vst v0  }
0x36e: {  	v0 =	vld [tilespmem:s26+$0x80];
	_ =	sdelay $0x3  }
0x36f: {  	s0 =	sadd.s32 $0x30, s0  }
0x370: {  	s0 =	sor.u32 $0x100, s0;
	[tilespmem:s2+$0x16E00] =	vst v0  }
0x371: {  	v0 =	vld [tilespmem:s0+$0x7A00];
	_ =	sdelay $0x3  }
0x372: {  	s29 =	rddreg [dreg:$0x1c]  }
0x373: {  	s15 =	sld [smem:$0x7F5];
	s0 =	simm.s32 $0x0;
	[tilespmem:s2+$0x18C80] =	vst v0  }
0x374: {  	[hbm4b:s29+s0] =	stream.linear.scatter [tilespmem:s18], [sflag:$0x2], $0x1E80, $0x38;
	[tilespmem:$0x1AC80] =	vst v63  }
0x375: {  	s2 =	rddreg [dreg:$0x1e]  }
0x376: {  	[hbm4b:s2+s0] =	stream.linear.scatter [tilespmem:s19], [sflag:$0x2], $0x1E80, $0x38;
	[tilespmem:$0x1AC80] =	vst v63  }
0x377: {  	_ = 	snop  }
0x378: {  	[hbm4b:s15+s0] =	stream.linear.scatter [tilespmem:s20], [sflag:$0x2], $0x1E80, $0x38;
	[tilespmem:$0x1AC80] =	vst v63  }
0x379: {  	_ =	swait.ge [sflag:s12], $0x7A00  }
0x37a: {  	[sflag:s12] =	ssyncset.done $0x0  }
0x37b: {  	s24 =	rddreg [dreg:$0xe];
	[sflag:s12] =	ssyncadd.s32 $0xFFFF8600  }
0x37c: {  	[tilespmem:s13], [sflag:$0x1] =	stream.linear.gather [hbm4b:s24+s0], $0x7A00, $0x38;
	[tilespmem:$0x1AC80] =	vst v63  }
0x37d: {  	_ =	swait.ge [sflag:s21], $0x1E80  }
0x37e: {  	[sflag:s21] =	ssyncset.done $0x0  }
0x37f: {  	[sflag:s21] =	ssyncadd.s32 $0xFFFFE180  }
0x380: {  	_ =	swait.ge [sflag:s21], $0x1E80  }
0x381: {  	[sflag:s21] =	ssyncset.done $0x0  }
0x382: {  	[sflag:s21] =	ssyncadd.s32 $0xFFFFE180  }
0x383: {  	_ =	swait.ge [sflag:s21], $0x1E80  }
0x384: {  	s1 =	sand.u32 $0x40, s0;
	s2 =	sand.u32 $0x7E00, s0;
	[sflag:s21] =	ssyncset.done $0x0  }
0x385: {  	s25 =	sor.u32 s1, s2;
	[sflag:s21] =	ssyncadd.s32 $0xFFFFE180  }
0x386: {  	v0 =	vld [tilespmem:s25+$0x0];
	_ =	sdelay $0x3  }
0x387: {  	s24 =	simm.s32 $0x0  }
0x388: {  	[tilespmem:s24+$0xF400] =	vst v0  }
0x389: {  	v0 =	vld [tilespmem:s25+$0x80]  }
0x38a: {  	p3 =	por $0x0, $0x0;
	s15 =	simm.s32 $0x1  }
0x38b: {  	s15 =	simm.s32 @!p3 $0x0  }
0x38c: {  	s15 =	sshll.u32 s15, $0x6  }
0x38d: {  	s15 =	sadd.s32 $0x0, s15  }
0x38e: {  	s26 =	sor.u32 $0x100, s15;
	[tilespmem:s24+$0x11280] =	vst v0  }
0x38f: {  	v0 =	vld [tilespmem:s26+$0x0];
	_ =	sdelay $0x3  }
0x390: {  	s29 =	sor.u32 $0x10, s1  }
0x391: {  	s26 =	sor.u32 s29, s2;
	[tilespmem:s24+$0x13100] =	vst v0  }
0x392: {  	v0 =	vld [tilespmem:s26+$0x0];
	_ =	sdelay $0x2  }
0x393: {  	s0 =	sand.u32 $0x1F80, s0  }
0x394: {  	s25 =	sor.u32 s0, s29  }
0x395: {  	[tilespmem:s25+$0xF400] =	vst v0  }
0x396: {  	v0 =	vld [tilespmem:s26+$0x80];
	_ =	sdelay $0x3  }
0x397: {  	s29 =	sadd.s32 $0x10, s15  }
0x398: {  	s24 =	sor.u32 $0x100, s29;
	[tilespmem:s25+$0x11280] =	vst v0  }
0x399: {  	v0 =	vld [tilespmem:s24+$0x0];
	_ =	sdelay $0x3  }
0x39a: {  	s26 =	sor.u32 $0x20, s1  }
0x39b: {  	s29 =	sor.u32 s26, s2;
	[tilespmem:s25+$0x13100] =	vst v0  }
0x39c: {  	v0 =	vld [tilespmem:s29+$0x0];
	_ =	sdelay $0x3  }
0x39d: {  	s24 =	sor.u32 s0, s26  }
0x39e: {  	[tilespmem:s24+$0xF400] =	vst v0  }
0x39f: {  	v0 =	vld [tilespmem:s29+$0x80];
	_ =	sdelay $0x3  }
0x3a0: {  	s26 =	sadd.s32 $0x20, s15  }
0x3a1: {  	s25 =	sor.u32 $0x100, s26;
	[tilespmem:s24+$0x11280] =	vst v0  }
0x3a2: {  	v0 =	vld [tilespmem:s25+$0x0];
	_ =	sdelay $0x3  }
0x3a3: {  	s1 =	sor.u32 $0x30, s1  }
0x3a4: {  	s2 =	sor.u32 s1, s2;
	[tilespmem:s24+$0x13100] =	vst v0  }
0x3a5: {  	v0 =	vld [tilespmem:s2+$0x0];
	_ =	sdelay $0x3  }
0x3a6: {  	s31 =	sor.u32 s0, s1  }
0x3a7: {  	[tilespmem:s31+$0xF400] =	vst v0  }
0x3a8: {  	v0 =	vld [tilespmem:s2+$0x80];
	_ =	sdelay $0x3  }
0x3a9: {  	s29 =	sadd.s32 $0x30, s15  }
0x3aa: {  	s0 =	sor.u32 $0x100, s29;
	[tilespmem:s31+$0x11280] =	vst v0  }
0x3ab: {  	v0 =	vld [tilespmem:s0+$0x0];
	_ =	sdelay $0x1  }
0x3ac: {  	s25 =	simm.s32 $0x100;
	s24 =	simm.s32 $0x40  }
0x3ad: {  	s30 =	simm.s32 $0x200;
	s26 =	sand.u32 $0x7E00, s25;
	s28 =	sand.u32 $0x40, s24  }
.LBB2_14:
0x3ae: {  	s0 =	sor.u32 s28, s26  }
0x3af: {  	[tilespmem:s31+$0x13100] =	vst v0;
	p3 =	por !p3, !p3;
	s1 =	smov.u32 s30;
	s29 =	sadd.s32 $0x100, s30  }
0x3b0: {  	p4 =	sne.s32 s30, $0x7900;
	v0 =	vld [tilespmem:s0+$0x0];
	_ =	sdelay $0x3  }
0x3b1: {  	s2 =	sshra.s32 s25, $0x2  }
0x3b2: {  	[tilespmem:s2+$0xF400] =	vst v0  }
0x3b3: {  	v0 =	vld [tilespmem:s0+$0x80]  }
0x3b4: {  	s0 =	simm.s32 $0x1  }
0x3b5: {  	s0 =	simm.s32 @!p3 $0x0  }
0x3b6: {  	s0 =	sshll.u32 s0, $0x6  }
0x3b7: {  	s0 =	sadd.s32 s0, s25;
	s25 =	smov.u32 s1  }
0x3b8: {  	s1 =	sor.u32 $0x100, s0;
	s15 =	sadd.s32 $0x10, s0;
	s31 =	sadd.s32 $0x20, s0;
	[tilespmem:s2+$0x11280] =	vst v0  }
0x3b9: {  	s30 =	sadd.s32 $0x30, s0;
	v0 =	vld [tilespmem:s1+$0x0];
	_ =	sdelay $0x3  }
0x3ba: {  	s0 =	sor.u32 $0x10, s28  }
0x3bb: {  	s1 =	sor.u32 s0, s26;
	[tilespmem:s2+$0x13100] =	vst v0  }
0x3bc: {  	v0 =	vld [tilespmem:s1+$0x0];
	_ =	sdelay $0x2  }
0x3bd: {  	s2 =	sand.u32 $0x1F80, s24  }
0x3be: {  	s0 =	sor.u32 s2, s0  }
0x3bf: {  	[tilespmem:s0+$0xF400] =	vst v0  }
0x3c0: {  	v0 =	vld [tilespmem:s1+$0x80];
	_ =	sdelay $0x4  }
0x3c1: {  	s1 =	sor.u32 $0x100, s15;
	[tilespmem:s0+$0x11280] =	vst v0  }
0x3c2: {  	v0 =	vld [tilespmem:s1+$0x0];
	_ =	sdelay $0x3  }
0x3c3: {  	s1 =	sor.u32 $0x20, s28  }
0x3c4: {  	[tilespmem:s0+$0x13100] =	vst v0;
	s0 =	sor.u32 s1, s26  }
0x3c5: {  	v0 =	vld [tilespmem:s0+$0x0];
	_ =	sdelay $0x3  }
0x3c6: {  	s1 =	sor.u32 s2, s1  }
0x3c7: {  	[tilespmem:s1+$0xF400] =	vst v0  }
0x3c8: {  	v0 =	vld [tilespmem:s0+$0x80];
	_ =	sdelay $0x4  }
0x3c9: {  	s0 =	sor.u32 $0x100, s31;
	[tilespmem:s1+$0x11280] =	vst v0  }
0x3ca: {  	v0 =	vld [tilespmem:s0+$0x0];
	_ =	sdelay $0x3  }
0x3cb: {  	s0 =	sor.u32 $0x30, s28  }
0x3cc: {  	[tilespmem:s1+$0x13100] =	vst v0;
	s1 =	sor.u32 s0, s26  }
0x3cd: {  	v0 =	vld [tilespmem:s1+$0x0];
	_ =	sdelay $0x3  }
0x3ce: {  	s31 =	sor.u32 s2, s0  }
0x3cf: {  	[tilespmem:s31+$0xF400] =	vst v0  }
0x3d0: {  	v0 =	vld [tilespmem:s1+$0x80];
	_ =	sdelay $0x4  }
0x3d1: {  	s0 =	sor.u32 $0x100, s30;
	[tilespmem:s31+$0x11280] =	vst v0  }
.Ltmp8:
0x3d2: {  	v0 =	vld [tilespmem:s0+$0x0];
	(pc) =	sbr.rel @p4 .LBB2_14-.Ltmp8, $3  }
0x3d3: {  	_ =	sdelay $0x1  }
0x3d4: {  	s24 =	sadd.s32 $0x40, s24  }
0x3d5: {  	s28 =	sand.u32 $0x40, s24;
	s26 =	sand.u32 $0x7E00, s25;
	s30 =	smov.u32 s29  }
0x3d6: {  	s0 =	sor.u32 s28, s26;
	[tilespmem:s31+$0x13100] =	vst v0  }
0x3d7: {  	v0 =	vld [tilespmem:s0+$0x0];
	_ =	sdelay $0x3  }
0x3d8: {  	s1 =	sshra.s32 s25, $0x2  }
0x3d9: {  	[tilespmem:s1+$0xF400] =	vst v0  }
0x3da: {  	v0 =	vld [tilespmem:s0+$0x80]  }
0x3db: {  	p3 =	por !p3, !p3;
	s0 =	simm.s32 $0x1  }
0x3dc: {  	s0 =	simm.s32 @!p3 $0x0  }
0x3dd: {  	s0 =	sshll.u32 s0, $0x6  }
0x3de: {  	s0 =	sadd.s32 s0, s25  }
0x3df: {  	s2 =	sor.u32 $0x100, s0;
	[tilespmem:s1+$0x11280] =	vst v0  }
0x3e0: {  	v0 =	vld [tilespmem:s2+$0x0];
	_ =	sdelay $0x3  }
0x3e1: {  	s25 =	sor.u32 $0x10, s28  }
0x3e2: {  	s29 =	sor.u32 s25, s26;
	[tilespmem:s1+$0x13100] =	vst v0  }
0x3e3: {  	v0 =	vld [tilespmem:s29+$0x0];
	_ =	sdelay $0x2  }
0x3e4: {  	s15 =	sand.u32 $0x1F80, s24  }
0x3e5: {  	s2 =	sor.u32 s15, s25  }
0x3e6: {  	[tilespmem:s2+$0xF400] =	vst v0  }
0x3e7: {  	v0 =	vld [tilespmem:s29+$0x80];
	_ =	sdelay $0x3  }
0x3e8: {  	s25 =	sadd.s32 $0x10, s0  }
0x3e9: {  	s1 =	sor.u32 $0x100, s25;
	[tilespmem:s2+$0x11280] =	vst v0  }
0x3ea: {  	v0 =	vld [tilespmem:s1+$0x0];
	_ =	sdelay $0x3  }
0x3eb: {  	s29 =	sor.u32 $0x20, s28  }
0x3ec: {  	s24 =	sor.u32 s29, s26;
	[tilespmem:s2+$0x13100] =	vst v0  }
0x3ed: {  	v0 =	vld [tilespmem:s24+$0x0];
	_ =	sdelay $0x3  }
0x3ee: {  	s1 =	sor.u32 s15, s29  }
0x3ef: {  	[tilespmem:s1+$0xF400] =	vst v0  }
0x3f0: {  	v0 =	vld [tilespmem:s24+$0x80];
	_ =	sdelay $0x3  }
0x3f1: {  	s25 =	sadd.s32 $0x20, s0  }
0x3f2: {  	s2 =	sor.u32 $0x100, s25;
	[tilespmem:s1+$0x11280] =	vst v0  }
0x3f3: {  	v0 =	vld [tilespmem:s2+$0x0];
	_ =	sdelay $0x3  }
0x3f4: {  	s29 =	sor.u32 $0x30, s28  }
0x3f5: {  	s24 =	sor.u32 s29, s26;
	[tilespmem:s1+$0x13100] =	vst v0  }
0x3f6: {  	v0 =	vld [tilespmem:s24+$0x0];
	_ =	sdelay $0x3  }
0x3f7: {  	s2 =	sor.u32 s15, s29  }
0x3f8: {  	[tilespmem:s2+$0xF400] =	vst v0  }
0x3f9: {  	v0 =	vld [tilespmem:s24+$0x80];
	_ =	sdelay $0x3  }
0x3fa: {  	s0 =	sadd.s32 $0x30, s0  }
0x3fb: {  	s0 =	sor.u32 $0x100, s0;
	[tilespmem:s2+$0x11280] =	vst v0  }
0x3fc: {  	v0 =	vld [tilespmem:s0+$0x0];
	_ =	sdelay $0x4  }
0x3fd: {  	s0 =	simm.s32 $0x0;
	[tilespmem:s2+$0x13100] =	vst v0  }
0x3fe: {  	[hbm4b:s16+s0] =	stream.linear.scatter [tilespmem:s4], [sflag:$0x2], $0x1E80, $0x38;
	[tilespmem:$0x1AC80] =	vst v63  }
0x3ff: {  	_ = 	snop  }
0x400: {  	[hbm4b:s7+s0] =	stream.linear.scatter [tilespmem:s14], [sflag:$0x2], $0x1E80, $0x38;
	[tilespmem:$0x1AC80] =	vst v63  }
0x401: {  	_ = 	snop  }
0x402: {  	[hbm4b:s9+s0] =	stream.linear.scatter [tilespmem:s17], [sflag:$0x2], $0x1E80, $0x38;
	[tilespmem:$0x1AC80] =	vst v63  }
0x403: {  	_ =	swait.ge [sflag:s12], $0x7A00  }
0x404: {  	[sflag:s12] =	ssyncset.done $0x0  }
0x405: {  	[sflag:s12] =	ssyncadd.s32 $0xFFFF8600  }
0x406: {  	_ =	swait.ge [sflag:s21], $0x1E80  }
0x407: {  	[sflag:s21] =	ssyncset.done $0x0  }
0x408: {  	[sflag:s21] =	ssyncadd.s32 $0xFFFFE180  }
0x409: {  	_ =	swait.ge [sflag:s21], $0x1E80  }
0x40a: {  	[sflag:s21] =	ssyncset.done $0x0  }
0x40b: {  	[sflag:s21] =	ssyncadd.s32 $0xFFFFE180  }
0x40c: {  	s25 =	sand.u32 $0x7E00, s0;
	_ =	swait.ge [sflag:s21], $0x1E80  }
0x40d: {  	s1 =	sadd.s32 $0x7A00, s25;
	s2 =	sand.u32 $0x40, s0;
	[sflag:s21] =	ssyncset.done $0x0  }
0x40e: {  	s26 =	sor.u32 s2, s1;
	[sflag:s21] =	ssyncadd.s32 $0xFFFFE180  }
0x40f: {  	v0 =	vld [tilespmem:s26+$0x0];
	_ =	sdelay $0x3  }
0x410: {  	s24 =	simm.s32 $0x0  }
0x411: {  	[tilespmem:s24+$0x14F80] =	vst v0  }
0x412: {  	v0 =	vld [tilespmem:s26+$0x80]  }
0x413: {  	p3 =	por $0x0, $0x0;
	s15 =	simm.s32 $0x1  }
0x414: {  	s15 =	simm.s32 @!p3 $0x0  }
0x415: {  	s15 =	sshll.u32 s15, $0x6  }
0x416: {  	s15 =	sadd.s32 $0x0, s15  }
0x417: {  	s29 =	sor.u32 $0x100, s15;
	[tilespmem:s24+$0x16E00] =	vst v0  }
0x418: {  	v0 =	vld [tilespmem:s29+$0x7A00];
	_ =	sdelay $0x3  }
0x419: {  	s26 =	sor.u32 $0x10, s2  }
0x41a: {  	s29 =	sor.u32 s26, s1;
	[tilespmem:s24+$0x18C80] =	vst v0  }
0x41b: {  	v0 =	vld [tilespmem:s29+$0x0];
	_ =	sdelay $0x2  }
0x41c: {  	s0 =	sand.u32 $0x1F80, s0  }
0x41d: {  	s25 =	sor.u32 s0, s26  }
0x41e: {  	[tilespmem:s25+$0x14F80] =	vst v0  }
0x41f: {  	v0 =	vld [tilespmem:s29+$0x80];
	_ =	sdelay $0x3  }
0x420: {  	s26 =	sadd.s32 $0x10, s15  }
0x421: {  	s24 =	sor.u32 $0x100, s26;
	[tilespmem:s25+$0x16E00] =	vst v0  }
0x422: {  	v0 =	vld [tilespmem:s24+$0x7A00];
	_ =	sdelay $0x3  }
0x423: {  	s29 =	sor.u32 $0x20, s2  }
0x424: {  	s26 =	sor.u32 s29, s1;
	[tilespmem:s25+$0x18C80] =	vst v0  }
0x425: {  	v0 =	vld [tilespmem:s26+$0x0];
	_ =	sdelay $0x3  }
0x426: {  	s24 =	sor.u32 s0, s29  }
0x427: {  	[tilespmem:s24+$0x14F80] =	vst v0  }
0x428: {  	v0 =	vld [tilespmem:s26+$0x80];
	_ =	sdelay $0x3  }
0x429: {  	s29 =	sadd.s32 $0x20, s15  }
0x42a: {  	s25 =	sor.u32 $0x100, s29;
	[tilespmem:s24+$0x16E00] =	vst v0  }
0x42b: {  	v0 =	vld [tilespmem:s25+$0x7A00];
	_ =	sdelay $0x3  }
0x42c: {  	s2 =	sor.u32 $0x30, s2  }
0x42d: {  	s1 =	sor.u32 s2, s1;
	[tilespmem:s24+$0x18C80] =	vst v0  }
0x42e: {  	v0 =	vld [tilespmem:s1+$0x0];
	_ =	sdelay $0x3  }
0x42f: {  	s31 =	sor.u32 s0, s2  }
0x430: {  	[tilespmem:s31+$0x14F80] =	vst v0  }
0x431: {  	v0 =	vld [tilespmem:s1+$0x80];
	_ =	sdelay $0x3  }
0x432: {  	s26 =	sadd.s32 $0x30, s15  }
0x433: {  	s0 =	sor.u32 $0x100, s26;
	[tilespmem:s31+$0x16E00] =	vst v0  }
0x434: {  	v0 =	vld [tilespmem:s0+$0x7A00]  }
0x435: {  	s25 =	simm.s32 $0x100  }
0x436: {  	s29 =	sand.u32 $0x7E00, s25;
	s24 =	simm.s32 $0x40  }
0x437: {  	s30 =	simm.s32 $0x200;
	s26 =	sadd.s32 $0x7A00, s29;
	s28 =	sand.u32 $0x40, s24  }
.LBB2_16:
0x438: {  	s0 =	sor.u32 s28, s26  }
0x439: {  	[tilespmem:s31+$0x18C80] =	vst v0;
	p3 =	por !p3, !p3;
	s1 =	smov.u32 s30;
	s29 =	sadd.s32 $0x100, s30  }
0x43a: {  	p4 =	sne.s32 s30, $0x7900;
	v0 =	vld [tilespmem:s0+$0x0];
	_ =	sdelay $0x3  }
0x43b: {  	s2 =	sshra.s32 s25, $0x2  }
0x43c: {  	[tilespmem:s2+$0x14F80] =	vst v0  }
0x43d: {  	v0 =	vld [tilespmem:s0+$0x80]  }
0x43e: {  	s0 =	simm.s32 $0x1  }
0x43f: {  	s0 =	simm.s32 @!p3 $0x0  }
0x440: {  	s0 =	sshll.u32 s0, $0x6  }
0x441: {  	s0 =	sadd.s32 s0, s25;
	s25 =	smov.u32 s1  }
0x442: {  	s1 =	sor.u32 $0x100, s0;
	s15 =	sadd.s32 $0x10, s0;
	s31 =	sadd.s32 $0x20, s0;
	[tilespmem:s2+$0x16E00] =	vst v0  }
0x443: {  	s30 =	sadd.s32 $0x30, s0;
	v0 =	vld [tilespmem:s1+$0x7A00];
	_ =	sdelay $0x3  }
0x444: {  	s0 =	sor.u32 $0x10, s28  }
0x445: {  	s1 =	sor.u32 s0, s26;
	[tilespmem:s2+$0x18C80] =	vst v0  }
0x446: {  	v0 =	vld [tilespmem:s1+$0x0];
	_ =	sdelay $0x2  }
0x447: {  	s2 =	sand.u32 $0x1F80, s24  }
0x448: {  	s0 =	sor.u32 s2, s0  }
0x449: {  	[tilespmem:s0+$0x14F80] =	vst v0  }
0x44a: {  	v0 =	vld [tilespmem:s1+$0x80];
	_ =	sdelay $0x4  }
0x44b: {  	s1 =	sor.u32 $0x100, s15;
	[tilespmem:s0+$0x16E00] =	vst v0  }
0x44c: {  	v0 =	vld [tilespmem:s1+$0x7A00];
	_ =	sdelay $0x3  }
0x44d: {  	s1 =	sor.u32 $0x20, s28  }
0x44e: {  	[tilespmem:s0+$0x18C80] =	vst v0;
	s0 =	sor.u32 s1, s26  }
0x44f: {  	v0 =	vld [tilespmem:s0+$0x0];
	_ =	sdelay $0x3  }
0x450: {  	s1 =	sor.u32 s2, s1  }
0x451: {  	[tilespmem:s1+$0x14F80] =	vst v0  }
0x452: {  	v0 =	vld [tilespmem:s0+$0x80];
	_ =	sdelay $0x4  }
0x453: {  	s0 =	sor.u32 $0x100, s31;
	[tilespmem:s1+$0x16E00] =	vst v0  }
0x454: {  	v0 =	vld [tilespmem:s0+$0x7A00];
	_ =	sdelay $0x3  }
0x455: {  	s0 =	sor.u32 $0x30, s28  }
0x456: {  	[tilespmem:s1+$0x18C80] =	vst v0;
	s1 =	sor.u32 s0, s26  }
0x457: {  	v0 =	vld [tilespmem:s1+$0x0];
	_ =	sdelay $0x3  }
0x458: {  	s31 =	sor.u32 s2, s0  }
0x459: {  	[tilespmem:s31+$0x14F80] =	vst v0  }
0x45a: {  	v0 =	vld [tilespmem:s1+$0x80];
	_ =	sdelay $0x4  }
0x45b: {  	s0 =	sor.u32 $0x100, s30;
	[tilespmem:s31+$0x16E00] =	vst v0  }
.Ltmp9:
0x45c: {  	v0 =	vld [tilespmem:s0+$0x7A00];
	(pc) =	sbr.rel @p4 .LBB2_16-.Ltmp9, $3  }
0x45d: {  	_ =	sdelay $0x1  }
0x45e: {  	s24 =	sadd.s32 $0x40, s24;
	s0 =	sand.u32 $0x7E00, s25  }
0x45f: {  	s28 =	sand.u32 $0x40, s24;
	s30 =	smov.u32 s29;
	s26 =	sadd.s32 $0x7A00, s0  }
0x460: {  	s0 =	sor.u32 s28, s26;
	[tilespmem:s31+$0x18C80] =	vst v0  }
0x461: {  	v0 =	vld [tilespmem:s0+$0x0];
	_ =	sdelay $0x3  }
0x462: {  	s1 =	sshra.s32 s25, $0x2  }
0x463: {  	[tilespmem:s1+$0x14F80] =	vst v0  }
0x464: {  	v0 =	vld [tilespmem:s0+$0x80]  }
0x465: {  	p3 =	por !p3, !p3;
	s0 =	simm.s32 $0x1  }
0x466: {  	s0 =	simm.s32 @!p3 $0x0  }
0x467: {  	s0 =	sshll.u32 s0, $0x6  }
0x468: {  	s0 =	sadd.s32 s0, s25  }
0x469: {  	s2 =	sor.u32 $0x100, s0;
	[tilespmem:s1+$0x16E00] =	vst v0  }
0x46a: {  	v0 =	vld [tilespmem:s2+$0x7A00];
	_ =	sdelay $0x3  }
0x46b: {  	s29 =	sor.u32 $0x10, s28  }
0x46c: {  	s30 =	sor.u32 s29, s26;
	[tilespmem:s1+$0x18C80] =	vst v0  }
0x46d: {  	v0 =	vld [tilespmem:s30+$0x0];
	_ =	sdelay $0x2  }
0x46e: {  	s15 =	sand.u32 $0x1F80, s24  }
0x46f: {  	s2 =	sor.u32 s15, s29  }
0x470: {  	[tilespmem:s2+$0x14F80] =	vst v0  }
0x471: {  	v0 =	vld [tilespmem:s30+$0x80];
	_ =	sdelay $0x3  }
0x472: {  	s31 =	sadd.s32 $0x10, s0  }
0x473: {  	s1 =	sor.u32 $0x100, s31;
	[tilespmem:s2+$0x16E00] =	vst v0  }
0x474: {  	v0 =	vld [tilespmem:s1+$0x7A00];
	_ =	sdelay $0x3  }
0x475: {  	s24 =	sor.u32 $0x20, s28  }
0x476: {  	s25 =	sor.u32 s24, s26;
	[tilespmem:s2+$0x18C80] =	vst v0  }
0x477: {  	v0 =	vld [tilespmem:s25+$0x0];
	_ =	sdelay $0x3  }
0x478: {  	s1 =	sor.u32 s15, s24  }
0x479: {  	[tilespmem:s1+$0x14F80] =	vst v0  }
0x47a: {  	v0 =	vld [tilespmem:s25+$0x80];
	_ =	sdelay $0x3  }
0x47b: {  	s29 =	sadd.s32 $0x20, s0  }
0x47c: {  	s2 =	sor.u32 $0x100, s29;
	[tilespmem:s1+$0x16E00] =	vst v0  }
0x47d: {  	v0 =	vld [tilespmem:s2+$0x7A00];
	_ =	sdelay $0x3  }
0x47e: {  	s30 =	sor.u32 $0x30, s28  }
0x47f: {  	s31 =	sor.u32 s30, s26;
	[tilespmem:s1+$0x18C80] =	vst v0  }
0x480: {  	v0 =	vld [tilespmem:s31+$0x0];
	_ =	sdelay $0x3  }
0x481: {  	s2 =	sor.u32 s15, s30  }
0x482: {  	[tilespmem:s2+$0x14F80] =	vst v0  }
0x483: {  	v0 =	vld [tilespmem:s31+$0x80];
	_ =	sdelay $0x3  }
0x484: {  	s0 =	sadd.s32 $0x30, s0  }
0x485: {  	s0 =	sor.u32 $0x100, s0;
	[tilespmem:s2+$0x16E00] =	vst v0  }
0x486: {  	v0 =	vld [tilespmem:s0+$0x7A00];
	_ =	sdelay $0x4  }
0x487: {  	[tilespmem:s2+$0x18C80] =	vst v0  }
0x488: {  	[hbm4b:s6+s3] =	stream.linear.scatter [tilespmem:s18], [sflag:$0x2], $0x1E80, $0x38;
	[tilespmem:$0x1AC80] =	vst v63  }
0x489: {  	_ = 	snop  }
0x48a: {  	[hbm4b:s8+s3] =	stream.linear.scatter [tilespmem:s19], [sflag:$0x2], $0x1E80, $0x38;
	[tilespmem:$0x1AC80] =	vst v63  }
0x48b: {  	_ = 	snop  }
0x48c: {  	[hbm4b:s10+s3] =	stream.linear.scatter [tilespmem:s20], [sflag:$0x2], $0x1E80, $0x38;
	[tilespmem:$0x1AC80] =	vst v63  }
0x48d: {  	_ =	swait.ge [sflag:s21], $0x1E80  }
0x48e: {  	[sflag:s21] =	ssyncset.done $0x0  }
0x48f: {  	[sflag:s21] =	ssyncadd.s32 $0xFFFFE180  }
0x490: {  	_ =	swait.ge [sflag:s21], $0x1E80  }
0x491: {  	[sflag:s21] =	ssyncset.done $0x0  }
0x492: {  	[sflag:s21] =	ssyncadd.s32 $0xFFFFE180  }
0x493: {  	_ =	swait.ge [sflag:s21], $0x1E80  }
0x494: {  	[sflag:s21] =	ssyncset.done $0x0  }
0x495: {  	[sflag:s21] =	ssyncadd.s32 $0xFFFFE180  }
0x496: {  	_ =	swait.ge [sflag:s21], $0x1E80  }
0x497: {  	[sflag:s21] =	ssyncset.done $0x0  }
0x498: {  	[sflag:s21] =	ssyncadd.s32 $0xFFFFE180  }
0x499: {  	_ =	swait.ge [sflag:s21], $0x1E80  }
.Ltmp10:
0x49a: {  	[sflag:s21] =	ssyncset.done $0x0;
	(pc) =	sbr.rel @p2 .LBB2_19-.Ltmp10, $4  }
0x49b: {  	[sflag:s21] =	ssyncadd.s32 $0xFFFFE180  }
0x49c: {  	_ =	swait.ge [sflag:s21], $0x1E80  }
0x49d: {  	[sflag:s21] =	ssyncset.done $0x0  }
0x49e: {  	[sflag:s21] =	ssyncadd.s32 $0xFFFFE180  }
0x49f: {  	s0 =	rddreg [dreg:$0xf]  }
0x4a0: {  	[tilespmem:s3], [sflag:$0x3] =	stream.linear.gather [hbm4b:s0+s3], $0x200, $0x38;
	[tilespmem:$0x1AC80] =	vst v63  }
0x4a1: {  	_ =	swait.ge [sflag:s22], $0x200  }
0x4a2: {  	[sflag:s22] =	ssyncset.done $0x0  }
0x4a3: {  	[sflag:s22] =	ssyncadd.s32 $0xFFFFFE00  }
0x4a4: {  	v0 =	vld [tilespmem:$0x0]  }
0x4a5: {  	v1 =	vld [tilespmem:$0x80]  }
0x4a6: {  	v2 =	vld [tilespmem:$0x100]  }
0x4a7: {  	v3 =	vld [tilespmem:$0x10]  }
0x4a8: {  	v4 =	vld [tilespmem:$0x90]  }
0x4a9: {  	v21 =	vld [tilespmem:$0x110];
	[tilespmem:$0xF400] =	vst v0  }
0x4aa: {  	v22 =	vld [tilespmem:$0x20];
	[tilespmem:$0x11280] =	vst v1  }
0x4ab: {  	v23 =	vld [tilespmem:$0xA0];
	[tilespmem:$0x13100] =	vst v2  }
0x4ac: {  	v24 =	vld [tilespmem:$0x120];
	[tilespmem:$0xF410] =	vst v3  }
0x4ad: {  	v25 =	vld [tilespmem:$0x30];
	[tilespmem:$0x11290] =	vst v4  }
0x4ae: {  	v26 =	vld [tilespmem:$0xB0];
	[tilespmem:$0x13110] =	vst v21  }
0x4af: {  	v27 =	vld [tilespmem:$0x130];
	[tilespmem:$0xF420] =	vst v22  }
0x4b0: {  	v28 =	vld [tilespmem:$0x40];
	[tilespmem:$0x112A0] =	vst v23  }
0x4b1: {  	v29 =	vld [tilespmem:$0xC0];
	[tilespmem:$0x13120] =	vst v24  }
0x4b2: {  	v30 =	vld [tilespmem:$0x140];
	[tilespmem:$0xF430] =	vst v25  }
0x4b3: {  	v31 =	vld [tilespmem:$0x50];
	[tilespmem:$0x112B0] =	vst v26  }
0x4b4: {  	v32 =	vld [tilespmem:$0xD0];
	[tilespmem:$0x13130] =	vst v27  }
0x4b5: {  	v33 =	vld [tilespmem:$0x150];
	[tilespmem:$0xF440] =	vst v28  }
0x4b6: {  	v34 =	vld [tilespmem:$0x60];
	[tilespmem:$0x112C0] =	vst v29  }
0x4b7: {  	v35 =	vld [tilespmem:$0xE0];
	[tilespmem:$0x13140] =	vst v30  }
0x4b8: {  	v36 =	vld [tilespmem:$0x160];
	[tilespmem:$0xF450] =	vst v31  }
0x4b9: {  	v37 =	vld [tilespmem:$0x70];
	[tilespmem:$0x112D0] =	vst v32  }
0x4ba: {  	v38 =	vld [tilespmem:$0xF0];
	[tilespmem:$0x13150] =	vst v33  }
0x4bb: {  	v39 =	vld [tilespmem:$0x170];
	[tilespmem:$0xF460] =	vst v34  }
0x4bc: {  	[tilespmem:$0x112E0] =	vst v35  }
0x4bd: {  	[tilespmem:$0x13160] =	vst v36  }
0x4be: {  	s24 =	sld [smem:$0x7F8];
	[tilespmem:$0xF470] =	vst v37  }
0x4bf: {  	[tilespmem:$0x112F0] =	vst v38  }
0x4c0: {  	[tilespmem:$0x13170] =	vst v39  }
0x4c1: {  	[hbm4b:s24+s3] =	stream.linear.scatter [tilespmem:s4], [sflag:$0x3], $0x80, $0x38;
	[tilespmem:$0x1AC80] =	vst v63  }
0x4c2: {  	_ =	swait.ge [sflag:s22], $0x80  }
0x4c3: {  	s25 =	sld [smem:$0x7FA]  }
0x4c4: {  	[sflag:s22] =	ssyncset.done $0x0  }
0x4c5: {  	[sflag:s22] =	ssyncadd.s32 $0xFFFFFF80  }
0x4c6: {  	[hbm4b:s25+s3] =	stream.linear.scatter [tilespmem:s14], [sflag:$0x3], $0x80, $0x38;
	[tilespmem:$0x1AC80] =	vst v63  }
0x4c7: {  	_ =	swait.ge [sflag:s22], $0x80  }
0x4c8: {  	s26 =	sld [smem:$0x7FC]  }
0x4c9: {  	[sflag:s22] =	ssyncset.done $0x0  }
0x4ca: {  	[sflag:s22] =	ssyncadd.s32 $0xFFFFFF80  }
0x4cb: {  	[hbm4b:s26+s3] =	stream.linear.scatter [tilespmem:s17], [sflag:$0x3], $0x80, $0x38;
	[tilespmem:$0x1AC80] =	vst v63  }
0x4cc: {  	_ =	swait.ge [sflag:s22], $0x80  }
0x4cd: {  	[sflag:s22] =	ssyncset.done $0x0  }
0x4ce: {  	s28 =	rddreg [dreg:$0x10];
	[sflag:s22] =	ssyncadd.s32 $0xFFFFFF80  }
0x4cf: {  	[tilespmem:s3], [sflag:$0x3] =	stream.linear.gather [hbm4b:s28+s3], $0x200, $0x38;
	[tilespmem:$0x1AC80] =	vst v63  }
0x4d0: {  	_ =	swait.ge [sflag:s22], $0x200  }
0x4d1: {  	[sflag:s22] =	ssyncset.done $0x0  }
0x4d2: {  	[sflag:s22] =	ssyncadd.s32 $0xFFFFFE00  }
0x4d3: {  	v40 =	vld [tilespmem:$0x0]  }
0x4d4: {  	v41 =	vld [tilespmem:$0x80]  }
0x4d5: {  	v42 =	vld [tilespmem:$0x100]  }
0x4d6: {  	v43 =	vld [tilespmem:$0x10]  }
0x4d7: {  	v44 =	vld [tilespmem:$0x90]  }
0x4d8: {  	v45 =	vld [tilespmem:$0x110];
	[tilespmem:$0xF400] =	vst v40  }
0x4d9: {  	v46 =	vld [tilespmem:$0x20];
	[tilespmem:$0x11280] =	vst v41  }
0x4da: {  	v47 =	vld [tilespmem:$0xA0];
	[tilespmem:$0x13100] =	vst v42  }
0x4db: {  	v48 =	vld [tilespmem:$0x120];
	[tilespmem:$0xF410] =	vst v43  }
0x4dc: {  	v49 =	vld [tilespmem:$0x30];
	[tilespmem:$0x11290] =	vst v44  }
0x4dd: {  	v50 =	vld [tilespmem:$0xB0];
	[tilespmem:$0x13110] =	vst v45  }
0x4de: {  	v51 =	vld [tilespmem:$0x130];
	[tilespmem:$0xF420] =	vst v46  }
0x4df: {  	v52 =	vld [tilespmem:$0x40];
	[tilespmem:$0x112A0] =	vst v47  }
0x4e0: {  	v53 =	vld [tilespmem:$0xC0];
	[tilespmem:$0x13120] =	vst v48  }
0x4e1: {  	v54 =	vld [tilespmem:$0x140];
	[tilespmem:$0xF430] =	vst v49  }
0x4e2: {  	v55 =	vld [tilespmem:$0x50];
	[tilespmem:$0x112B0] =	vst v50  }
0x4e3: {  	v56 =	vld [tilespmem:$0xD0];
	[tilespmem:$0x13130] =	vst v51  }
0x4e4: {  	v57 =	vld [tilespmem:$0x150];
	[tilespmem:$0xF440] =	vst v52  }
0x4e5: {  	v58 =	vld [tilespmem:$0x60];
	[tilespmem:$0x112C0] =	vst v53  }
0x4e6: {  	v59 =	vld [tilespmem:$0xE0];
	[tilespmem:$0x13140] =	vst v54  }
0x4e7: {  	v60 =	vld [tilespmem:$0x160];
	[tilespmem:$0xF450] =	vst v55  }
0x4e8: {  	v61 =	vld [tilespmem:$0x70];
	[tilespmem:$0x112D0] =	vst v56  }
0x4e9: {  	v62 =	vld [tilespmem:$0xF0];
	[tilespmem:$0x13150] =	vst v57  }
0x4ea: {  	v63 =	vld [tilespmem:$0x170];
	[tilespmem:$0xF460] =	vst v58  }
0x4eb: {  	[tilespmem:$0x112E0] =	vst v59  }
0x4ec: {  	[tilespmem:$0x13160] =	vst v60  }
0x4ed: {  	s29 =	sld [smem:$0x7F9];
	[tilespmem:$0xF470] =	vst v61  }
0x4ee: {  	[tilespmem:$0x112F0] =	vst v62  }
0x4ef: {  	[tilespmem:$0x13170] =	vst v63  }
0x4f0: {  	[hbm4b:s29+s3] =	stream.linear.scatter [tilespmem:s4], [sflag:$0x3], $0x80, $0x38;
	[tilespmem:$0x1AC80] =	vst v63  }
0x4f1: {  	_ =	swait.ge [sflag:s22], $0x80  }
0x4f2: {  	s30 =	sld [smem:$0x7FB]  }
0x4f3: {  	[sflag:s22] =	ssyncset.done $0x0  }
0x4f4: {  	[sflag:s22] =	ssyncadd.s32 $0xFFFFFF80  }
0x4f5: {  	[hbm4b:s30+s3] =	stream.linear.scatter [tilespmem:s14], [sflag:$0x3], $0x80, $0x38;
	[tilespmem:$0x1AC80] =	vst v63  }
0x4f6: {  	_ =	swait.ge [sflag:s22], $0x80  }
0x4f7: {  	s31 =	sld [smem:$0x7FD]  }
0x4f8: {  	[sflag:s22] =	ssyncset.done $0x0  }
0x4f9: {  	[sflag:s22] =	ssyncadd.s32 $0xFFFFFF80  }
0x4fa: {  	[hbm4b:s31+s3] =	stream.linear.scatter [tilespmem:s17], [sflag:$0x3], $0x80, $0x38;
	[tilespmem:$0x1AC80] =	vst v63  }
0x4fb: {  	_ =	swait.ge [sflag:s22], $0x80  }
0x4fc: {  	[sflag:s22] =	ssyncset.done $0x0  }
0x4fd: {  	[sflag:s22] =	ssyncadd.s32 $0xFFFFFF80  }
.LBB2_19:
.Ltmp11:
0x4fe: {  	(pc) =	sbr.rel @p0 .LBB2_22-.Ltmp11, $2  }
0x4ff: {  	_ =	sdelay $0x2  }
0x500: {  	s25 =	rddreg [dreg:$0x5];
	s24 =	smov.u32 s5  }
.Ltmp12:
0x501: {  	(pc) =	sbr.rel @!p1 .LBB2_21-.Ltmp12, $4  }
.Ltmp13:
0x502: {  	(pc) =	sbr.rel @p1 .LBB2_23-.Ltmp13, $4  }
0x503: {  	_ = 	snop  }
0x504: {  	_ = 	snop  }
0x505: {  	_ = 	snop  }
0x506: {  	_ = 	snop  }
.LBB2_24:
0x507: {  	_ =	sfence.sel $0x180000  }
0x508: {  	[bflag:$0x0] =	sbarrier.arrive $0xFFFF  }
0x509: {  	_ =	strace $0x90000047  }
0x50a: {  	s0 =	stileid.u32;
	[bflag:$0x2] =	sbarrier.arrive $0xFFFF  }
0x50b: {  	p0 =	sne.s32 s0, $0x0;
	s0 =	rddreg [dreg:$0x4]  }
0x50c: {  	s0 =	sadd.s32 @!p0 $0x100000, s0  }
0x50d: {  	[sflag:s0] =	ssyncadd.tile.s32 @!p0 $0x1;
	_ =	shalt  }
.Lfunc_end2:
_tile_overlayer_lowered:
.L_overlay_start_2:
0x50e: {  	(tag) =	ssettag $0x2  }
0x50f: {  	s0 =	rddreg [dreg:$0x0];
	s2 =	stileid.u32  }
0x510: {  	s1 =	rddreg [dreg:$0x1];
	p0 =	sne.s32 s2, $0x0  }
0x511: {  	s3 =	rddreg [dreg:$0x2];
	[bflag:$0x3] =	sbarrier.arrive $0xFFFF;
	s2 =	simm.s32 @!p0 $0x1C03  }
0x512: {  	[timem:s3], [sflag:s2] =	dma.local @!p0 [hbm:s0], s1  }
0x513: {  	s0 =	simm.s32 @!p0 $0x3  }
0x514: {  	_ =	swait.ge @!p0 [sflag:s0], s1  }
0x515: {  	s1 =	ssub.s32 @!p0 $0x0, s1;
	[sflag:s0] =	ssyncset.done @!p0 $0x0  }
0x516: {  	[sflag:s0] =	ssyncadd.s32 @!p0 s1  }
0x517: {  	[bflag:$0x3] =	sbarrier.arrive $0xFFFF  }
0x518: {  	_ =	shalt  }

// kernel: _run.7.cloned.1.call-start
scs
__scs_entry_jumppad:
0x0: {  	(pc) =	sbr.rel $0x88, $3  }
0x1: {  	(tag) =	ssettag $0x0;
	lr =	simm.s32 $0x1  }
0x2: {  	[smem:$0x3F9D] =	sst lr;
	_ =	strace $0xD0000000  }
0x3: {  	_ = 	snop  }
0x4: {  	_ = 	snop  }
0x5: {  	_ = 	snop  }
0x6: {  	_ = 	snop  }
0x7: {  	_ = 	snop  }
__scs_overlays_trampoline_lowered:
0x8: {  	[smem:$0x3FAC] =	sst s0  }
0x9: {  	[smem:$0x3FAD] =	sst s1  }
0xa: {  	[smem:$0x3FAE] =	sst s2  }
0xb: {  	[smem:$0x3FAF] =	sst s3  }
0xc: {  	[smem:$0x3FB0] =	sst s4  }
0xd: {  	[smem:$0x3FB1] =	sst s5  }
0xe: {  	[smem:$0x3FB2] =	sst s6  }
0xf: {  	[smem:$0x3FB3] =	sst s7  }
0x10: {  	[smem:$0x3FB4] =	sst s8  }
0x11: {  	[smem:$0x3FB5] =	sst s9;
	s0 =	simm.s32 @!p0 $0x0  }
0x12: {  	s1 =	sld [smem:$0x3F9B];
	s0 =	simm.s32 @p0 $0x1  }
0x13: {  	[smem:$0x3FB6] =	sst s0;
	s0 =	simm.s32 @!p1 $0x0  }
0x14: {  	s2 =	sld [smem:$0x3F9A];
	s0 =	simm.s32 @p1 $0x1  }
0x15: {  	[smem:$0x3FB7] =	sst s0;
	s0 =	simm.s32 @!p2 $0x0  }
0x16: {  	s3 =	sld [smem:$0x3FDB];
	s0 =	simm.s32 @p2 $0x1  }
0x17: {  	s4 =	simm.s32 $0x1BF5;
	[smem:$0x3FB9] =	sst s0  }
0x18: {  	s0 =	sld [smem:$0x3F9C];
	_ =	swait.ge [sflag:s4], $0x0  }
0x19: {  	s7 =	sld [smem:$0x3F9D]  }
0x1a: {  	s8 =	sadd.s32 $0xFFFFE003, lr  }
0x1b: {  	s9 =	sadd.s32 $0xFFFFFEF7, lr;
	s5 =	simm.s32 $0xFFFFFFFF;
	p2 =	slt.u32 s8, $0xFFFFF086  }
0x1c: {  	p1 =	slt.u32 s9, $0xF7A;
	s5 =	simm.s32 @!p2 $0x0  }
0x1d: {  	s5 =	simm.s32 @p1 $0x1;
	p0 =	seq.s32 s7, s2  }
0x1e: {  	s7 =	smul.u32 @!p0 $0xF7A, s2;
	p2 =	seq.s32 @!p0 s5, $0x0  }
0x1f: {  	s9 =	smul.u32 $0xF7A, s1;
	s8 =	simm.s32 @!p0 $0x1BF5;
	p2 =	por !p2, p0  }
0x20: {  	[sflag:s8] =	ssyncset.s32 @!p0 $0xFFFFF086;
	s6 =	sadd.s32 @!p0 s3, s7;
	s7 =	simm.s32 @!p0 $0x108  }
0x21: {  	s3 =	sadd.s32 s3, s9;
	s6 =	sadd.s32 @!p0 $0x88, s6;
	s7 =	simm.s32 @p2 $0x1082  }
0x22: {  	[simem:s7], [sflag:s8] =	dma.local @!p0 [hbm:s6], $0xF7A  }
0x23: {  	s9 =	sor.u32 $0xD0000000, s2;
	s6 =	simm.s32 $0x108;
	_ =	swait.ge @!p0 [sflag:s8], $0x0  }
0x24: {  	s3 =	sadd.s32 $0x88, s3;
	s6 =	simm.s32 @!p1 $0x1082;
	[sflag:s4] =	ssyncset.s32 $0xFFFFF086  }
0x25: {  	[simem:s6], [sflag:s4] =	dma.local [hbm:s3], $0xF7A  }
0x26: {  	[smem:$0x3F9D] =	sst s1;
	(tag) =	ssettag s2;
	_ =	strace s9  }
0x27: {  	s1 =	sld [smem:$0x3FAD]  }
0x28: {  	s2 =	sld [smem:$0x3FAE]  }
0x29: {  	s4 =	sld [smem:$0x3FB0]  }
0x2a: {  	p0 =	seq.s32 s5, $0x0;
	s5 =	sld [smem:$0x3FB1]  }
0x2b: {  	s6 =	sld [smem:$0x3FB2]  }
0x2c: {  	s7 =	sld [smem:$0x3FB3]  }
0x2d: {  	s3 =	simm.s32 $0x108;
	s8 =	sld [smem:$0x3FB4]  }
0x2e: {  	s3 =	simm.s32 @!p0 $0x1082;
	s9 =	sld [smem:$0x3FB5]  }
0x2f: {  	lr =	sadd.s32 s0, s3;
	s0 =	sld [smem:$0x3FAC]  }
0x30: {  	s3 =	sld [smem:$0x3FAF]  }
0x31: {  	[smem:$0x3FB8] =	sst s10  }
0x32: {  	s10 =	sld [smem:$0x3FB6];
	_ =	sdelay $0x3  }
0x33: {  	p0 =	seq.s32 s10, $0x1;
	s10 =	sld [smem:$0x3FB8];
	_ =	sdelay $0x3  }
0x34: {  	[smem:$0x3FB8] =	sst s10  }
0x35: {  	s10 =	sld [smem:$0x3FB7];
	_ =	sdelay $0x3  }
0x36: {  	p1 =	seq.s32 s10, $0x1;
	s10 =	sld [smem:$0x3FB8];
	_ =	sdelay $0x3  }
0x37: {  	[smem:$0x3FB8] =	sst s10  }
0x38: {  	s10 =	sld [smem:$0x3FB9]  }
0x39: {  	_ = 	snop;
	(pc) =	sbr.ind lr, $3  }
0x3a: {  	_ = 	snop  }
0x3b: {  	_ = 	snop  }
0x3c: {  	p2 =	seq.s32 s10, $0x1;
	s10 =	sld [smem:$0x3FB8]  }
0x3d: {  	_ =	shalt  }
0x3e: {  	_ =	shalt  }
0x3f: {  	_ =	shalt  }
0x40: {  	_ =	shalt  }
0x41: {  	_ =	shalt  }
0x42: {  	_ =	shalt  }
0x43: {  	_ =	shalt  }
0x44: {  	_ =	shalt  }
0x45: {  	_ =	shalt  }
0x46: {  	_ =	shalt  }
0x47: {  	_ =	shalt  }
0x48: {  	_ =	shalt  }
0x49: {  	_ =	shalt  }
0x4a: {  	_ =	shalt  }
0x4b: {  	_ =	shalt  }
0x4c: {  	_ =	shalt  }
0x4d: {  	_ =	shalt  }
0x4e: {  	_ =	shalt  }
0x4f: {  	_ =	shalt  }
0x50: {  	_ =	shalt  }
0x51: {  	_ =	shalt  }
0x52: {  	_ =	shalt  }
0x53: {  	_ =	shalt  }
0x54: {  	_ =	shalt  }
0x55: {  	_ =	shalt  }
0x56: {  	_ =	shalt  }
0x57: {  	_ =	shalt  }
0x58: {  	_ =	shalt  }
0x59: {  	_ =	shalt  }
0x5a: {  	_ =	shalt  }
0x5b: {  	_ =	shalt  }
0x5c: {  	_ =	shalt  }
0x5d: {  	_ =	shalt  }
0x5e: {  	_ =	shalt  }
0x5f: {  	_ =	shalt  }
0x60: {  	_ =	shalt  }
0x61: {  	_ =	shalt  }
0x62: {  	_ =	shalt  }
0x63: {  	_ =	shalt  }
0x64: {  	_ =	shalt  }
0x65: {  	_ =	shalt  }
0x66: {  	_ =	shalt  }
0x67: {  	_ =	shalt  }
0x68: {  	_ =	shalt  }
0x69: {  	_ =	shalt  }
0x6a: {  	_ =	shalt  }
0x6b: {  	_ =	shalt  }
0x6c: {  	_ =	shalt  }
0x6d: {  	_ =	shalt  }
0x6e: {  	_ =	shalt  }
0x6f: {  	_ =	shalt  }
0x70: {  	_ =	shalt  }
0x71: {  	_ =	shalt  }
0x72: {  	_ =	shalt  }
0x73: {  	_ =	shalt  }
0x74: {  	_ =	shalt  }
0x75: {  	_ =	shalt  }
0x76: {  	_ =	shalt  }
0x77: {  	_ =	shalt  }
0x78: {  	_ =	shalt  }
0x79: {  	_ =	shalt  }
0x7a: {  	_ =	shalt  }
0x7b: {  	_ =	shalt  }
0x7c: {  	_ =	shalt  }
0x7d: {  	_ =	shalt  }
0x7e: {  	_ =	shalt  }
0x7f: {  	_ =	shalt  }
0x80: {  	_ =	shalt  }
0x81: {  	_ =	shalt  }
0x82: {  	_ =	shalt  }
0x83: {  	_ =	shalt  }
0x84: {  	_ =	shalt  }
0x85: {  	_ =	shalt  }
0x86: {  	_ =	shalt  }
0x87: {  	_ =	shalt  }
.Lfunc_end0:
.L_simem_size_0:
called_computation.1_lowered:
.L_overlay_start_0:
0x88: {  	s2 =	sld [smem:$0x3FD9]  }
0x89: {  	s3 =	sld [smem:$0x3FFE];
	_ =	sdelay $0x1  }
0x8a: {  	s1 =	srdreg.scid  }
0x8b: {  	s0 =	sand.u32 $0x1, s1  }
0x8c: {  	s17 =	sshll.u32 s0, $0xA;
	s2 =	sadd.s32 s3, s2  }
0x8d: {  	s2 =	sadd.s32 s2, s17  }
0x8e: {  	[smem:$0x3FC4] =	sst s2  }
0x8f: {  	_ = 	snop  }
0x90: {  	s2 =	sld [smem:$0x3FC9];
	(tm) =	ssettm $0x1  }
0x91: {  	s18 =	sld [smem:$0x3FFB];
	_ =	sdelay $0x3  }
0x92: {  	_ =	strace s18  }
0x93: {  	s3 =	sld [smem:$0x3FFC];
	_ =	sdelay $0x3  }
0x94: {  	_ =	strace s3  }
0x95: {  	s3 =	sld [smem:$0x3FFD];
	_ =	sdelay $0x3  }
0x96: {  	_ =	strace s3  }
0x97: {  	_ =	strace $0x8FFFFFFF  }
0x98: {  	s19 =	sld [smem:$0x3FDB];
	_ =	sdelay $0x1  }
0x99: {  	s4 =	simm.s32 $_scs_section_size  }
0x9a: {  	s5 =	simm.s32 $_size__tile_overlayer_lowered;
	s6 =	simm.s32 $_tile_overlayer_lowered  }
0x9b: {  	s22 =	simm.s32 $0x1BFF;
	s21 =	sshll.u32 s6, $0x1;
	s3 =	sadd.s32 s4, s19  }
0x9c: {  	s7 =	simm.s32 $0x0;
	s20 =	sshll.u32 s5, $0x1;
	s5 =	sadd.s32 s21, s3  }
0x9d: {  	[timem:s7], [sflag:s22] =	dma.local [hbm:s5], s20  }
0x9e: {  	_ =	swait.ge [sflag:s22], s20  }
0x9f: {  	s4 =	ssub.s32 $0x0, s20;
	[sflag:s22] =	ssyncset.done $0x0  }
0xa0: {  	[sflag:s22] =	ssyncadd.s32 s4;
	_ =	sdelay $0x1  }
0xa1: {  	s23 =	simm.s32 $0x1B8B  }
0xa2: {  	_ =	swait.ge [sflag:s23], $0x1  }
0xa3: {  	[sflag:s23] =	ssyncset.done $0x0  }
0xa4: {  	s25 =	simm.s32 $0x1B8E;
	s24 =	sld [smem:$0x3FFE];
	[sflag:s23] =	ssyncadd.s32 $0xFFFFFFFF  }
0xa5: {  	s26 =	simm.s32 $execute0_lowered;
	[smem:$0x3FD2] =	sst s25  }
0xa6: {  	s5 =	sshll.u32 s26, $0x1;
	_ =	strace $0x80000049;
	[dreg:$0x1] =	wrdreg $0xFFFFFFFF  }
0xa7: {  	s28 =	simm.s32 $_size_execute0_lowered;
	s3 =	sadd.s32 s3, s5;
	[dreg:$0x0] =	wrdreg $0x0  }
0xa8: {  	s5 =	sshll.u32 s28, $0x1;
	[dreg:$0x2] =	wrdreg s3  }
0xa9: {  	[dreg:$0x3] =	wrdreg s5  }
0xaa: {  	[dreg:$0x4] =	wrdreg $0xC0  }
0xab: {  	_ =	task [dreg:s7], $0x5FFFF  }
0xac: {  	[dreg:$0x1] =	wrdreg $0xFFFFFFFF  }
0xad: {  	[dreg:$0x0] =	wrdreg $0x60  }
0xae: {  	[dreg:$0x2] =	wrdreg s2  }
0xaf: {  	[dreg:$0x3] =	wrdreg s24  }
0xb0: {  	[dreg:$0x4] =	wrdreg $0x9  }
0xb1: {  	_ =	task.clear_ibuf [dreg:s7], $0x5FFFF;
	_ =	strace $0x90000049  }
0xb2: {  	s29 =	simm.s32 $0x9;
	_ =	strace $0x8000004B  }
0xb3: {  	_ =	swait.ge [sflag:s29], $0x1  }
0xb4: {  	[sflag:s29] =	ssyncadd.s32 $0xFFFFFFFF  }
0xb5: {  	_ =	strace $0x9000004B  }
0xb6: {  	_ =	sfence  }
0xb7: {  	s30 =	sld [smem:$0x0];
	_ =	sdelay $0x2  }
0xb8: {  	s31 =	sshll.u32 s1, $0xD;
	s1 =	sshrl.u32 s1, $0x2  }
0xb9: {  	s3 =	sand.u32 $0x4000, s31;
	s1 =	sadd.s32 s1, s30  }
0xba: {  	s0 =	sor.u32 s3, s0;
	s1 =	sshll.u32 s1, $0x11  }
0xbb: {  	s0 =	sor.u32 s1, s0  }
0xbc: {  	s0 =	sadd.s32 $0x8F2B, s0  }
0xbd: {  	[sflag:s0] =	ssyncadd.remote.s32 $0x1  }
0xbe: {  	_ =	sfence.sel $0xFFFF  }
0xbf: {  	[dreg:$0x0] =	wrdreg $0xFFFFFFFF;
	(pc) =	sbr.abs _section_cstart, $3  }
0xc0: {  	[dreg:$0x1] =	wrdreg $0xFFFFFFFF  }
0xc1: {  	_ =	task.clear_ibuf [dreg:s7], $0x2FFFF;
	_ =	strace $0x9FFFFFFF  }
0xc2: {  	(tm) =	ssettm $0x7FFFFFFF  }
0xc3: {  	_ =	shalt  }
tec
execute0_lowered:
.L_overlay_start_1:
0x0: {  	(tag) =	ssettag $0x1  }
0x1: {  	s1 =	rddreg [dreg:$0x0]  }
0x2: {  	s0 =	rddreg [dreg:$0x1];
	s2 =	srdreg.scid  }
0x3: {  	s28 =	rddreg [dreg:$0x2];
	s3 =	sand.u32 $0x1, s2;
	s2 =	simm.s32 $0x0  }
0x4: {  	s21 =	simm.s32 $0x280;
	[smem:$0x7FF] =	sst s2  }
0x5: {  	s22 =	simm.s32 $0x300;
	_ =	strace $0x8000004A;
	[dreg:$0xe] =	wrdreg s21  }
0x6: {  	s24 =	simm.s32 $0x380;
	[dreg:$0xf] =	wrdreg s22  }
0x7: {  	s25 =	simm.s32 $0x480;
	[dreg:$0x10] =	wrdreg s24  }
0x8: {  	s26 =	simm.s32 $0x500;
	[dreg:$0x11] =	wrdreg s25  }
0x9: {  	s6 =	simm.s32 $0x680;
	[dreg:$0x12] =	wrdreg s26  }
0xa: {  	s7 =	simm.s32 $0x700;
	[dreg:$0x14] =	wrdreg s6  }
0xb: {  	s8 =	simm.s32 $0x780;
	[dreg:$0x15] =	wrdreg s7  }
0xc: {  	s4 =	stileid.u32;
	s9 =	simm.s32 $0x880;
	[dreg:$0x16] =	wrdreg s8  }
0xd: {  	s10 =	simm.s32 $0x900;
	s31 =	simm.s32 $0x2;
	[dreg:$0x17] =	wrdreg s9  }
0xe: {  	p0 =	por $0x0, $0x0;
	[dreg:$0x18] =	wrdreg s10;
	s21 =	simm.s32 $0xC80  }
0xf: {  	s30 =	simm.s32 $0x1500;
	s22 =	simm.s32 $0xD00;
	[dreg:$0x1d] =	wrdreg s21  }
0x10: {  	s29 =	simm.s32 $0x1580;
	s6 =	simm.s32 $0xF00;
	[dreg:$0x1e] =	wrdreg s22  }
0x11: {  	s4 =	sshll.u32 s4, $0x7;
	s7 =	simm.s32 $0xF80;
	[smem:$0x7F6] =	sst s6  }
0x12: {  	s23 =	sadd.s32 $0xB8A00, s0;
	s8 =	simm.s32 $0x1080;
	[smem:$0x7F7] =	sst s7  }
0x13: {  	s5 =	sshll.u32 s3, $0x6;
	s9 =	simm.s32 $0x1100;
	[smem:$0x7F8] =	sst s8  }
0x14: {  	s4 =	sor.u32 s5, s4;
	s10 =	simm.s32 $0x1180;
	[smem:$0x7F9] =	sst s9  }
0x15: {  	s3 =	ssub.s32 $0x2, s3;
	s1 =	sadd.s32 s1, s4;
	[smem:$0x7FA] =	sst s10  }
0x16: {  	s5 =	sadd.s32 s4, s0;
	s4 =	simm.s32 $0x580;
	[dreg:$0x3] =	wrdreg s1  }
0x17: {  	s26 =	sadd.s32 $0xD7248, s0;
	s11 =	sadd.s32 $0x132C00, s5;
	[dreg:$0x13] =	wrdreg s4  }
0x18: {  	s25 =	sadd.s32 $0xF5A90, s0;
	s12 =	sadd.s32 $0x133400, s5;
	[dreg:$0x4] =	wrdreg s11  }
0x19: {  	s24 =	sadd.s32 $0x1142D8, s0;
	s13 =	sadd.s32 $0x133C00, s5;
	[dreg:$0x5] =	wrdreg s12  }
0x1a: {  	s21 =	simm.s32 $0x100;
	s14 =	sadd.s32 $0x134400, s5;
	[dreg:$0x6] =	wrdreg s13  }
0x1b: {  	s22 =	simm.s32 $0x180;
	s15 =	sadd.s32 $0x134C00, s5;
	[dreg:$0x7] =	wrdreg s14  }
0x1c: {  	s6 =	simm.s32 $0x600;
	s16 =	sadd.s32 $0x135400, s5;
	[dreg:$0x8] =	wrdreg s15  }
0x1d: {  	s7 =	simm.s32 $0x800;
	s17 =	sadd.s32 $0x135C00, s5;
	[dreg:$0x9] =	wrdreg s16  }
0x1e: {  	s8 =	simm.s32 $0xA00;
	s18 =	sadd.s32 $0x136400, s5;
	[dreg:$0xa] =	wrdreg s17  }
0x1f: {  	s9 =	simm.s32 $0xC00;
	s19 =	sadd.s32 $0x136C00, s5;
	[dreg:$0xb] =	wrdreg s18  }
0x20: {  	s10 =	simm.s32 $0xE00;
	s20 =	sadd.s32 $0x137400, s5;
	[dreg:$0xc] =	wrdreg s19  }
0x21: {  	s5 =	sshrl.u32 s3, $0x1;
	s4 =	simm.s32 $0x200;
	[dreg:$0xd] =	wrdreg s20  }
0x22: {  	s15 =	sadd.s32 $0x1600, s0;
	s14 =	sadd.s32 $0x5D000, s0;
	s11 =	simm.s32 $0x980  }
0x23: {  	s3 =	ssub.s32 s3, s5;
	s12 =	simm.s32 $0xA80;
	[dreg:$0x19] =	wrdreg s11  }
0x24: {  	s20 =	sadd.s32 $0x1FE50, s0;
	s13 =	simm.s32 $0xB00;
	[dreg:$0x1a] =	wrdreg s12  }
0x25: {  	s19 =	sadd.s32 $0x3E6A0, s0;
	s18 =	simm.s32 $0xB80;
	[dreg:$0x1b] =	wrdreg s13  }
0x26: {  	s17 =	sadd.s32 $0x7B850, s0;
	s5 =	simm.s32 $0xE80;
	[dreg:$0x1c] =	wrdreg s18  }
0x27: {  	s1 =	smax.u32 s3, $0x1;
	s3 =	simm.s32 $0xD80;
	[smem:$0x7F5] =	sst s5  }
0x28: {  	s11 =	simm.s32 $0x1280;
	[dreg:$0x1f] =	wrdreg s3;
	p1 =	sne.s32 s1, $0x1  }
.Ltmp0:
0x29: {  	s12 =	simm.s32 $0x1300;
	[smem:$0x7FB] =	sst s11;
	(pc) =	sbr.rel @!p1 .LBB2_1-.Ltmp0, $4  }
0x2a: {  	s16 =	sadd.s32 $0x9A0A0, s0;
	s13 =	simm.s32 $0x1380;
	[smem:$0x7FC] =	sst s12  }
0x2b: {  	s18 =	simm.s32 $0x80;
	s5 =	simm.s32 $0x400;
	[smem:$0x7FD] =	sst s13  }
0x2c: {  	s11 =	simm.s32 $0x1000;
	s0 =	sadd.s32 $0xFFFFFFFF, s1;
	s12 =	simm.s32 $0x1200  }
0x2d: {  	s13 =	simm.s32 $0x1400;
	s3 =	simm.s32 $0x1;
	s1 =	rddreg [dreg:$0x3]  }
0x2e: {  	[tilespmem:s2], [sflag:$0x2] =	stream.linear.gather [hbm4b:s1+s2], $0x200, $0x38;
	[tilespmem:$0x1600] =	vst v63  }
0x2f: {  	_ =	swait.ge [sflag:s31], $0x200  }
0x30: {  	[sflag:s31] =	ssyncset.done $0x0  }
0x31: {  	[sflag:s31] =	ssyncadd.s32 $0xFFFFFE00  }
0x32: {  	[tilespmem:s4], [sflag:$0x1] =	stream.indirect.gather [hbm4b:s23+s18], $0x1, s2, s18, $0xb8;
	[tilespmem:$0x1600] =	vst v63  }
0x33: {  	s1 =	rddreg [dreg:$0xe]  }
0x34: {  	[tilespmem:s1], [sflag:$0x1] =	stream.indirect.gather [hbm4b:s23+s18], $0x1, s18, s18, $0xb8;
	[tilespmem:$0x1600] =	vst v63  }
0x35: {  	s28 =	smov.u32 s0;
	s0 =	rddreg [dreg:$0xf]  }
0x36: {  	[tilespmem:s0], [sflag:$0x1] =	stream.indirect.gather [hbm4b:s23+s18], $0x1, s21, s18, $0xb8;
	[tilespmem:$0x1600] =	vst v63  }
0x37: {  	s1 =	rddreg [dreg:$0x10]  }
0x38: {  	[tilespmem:s1], [sflag:$0x1] =	stream.indirect.gather [hbm4b:s23+s18], $0x1, s22, s18, $0xb8;
	[tilespmem:$0x1600] =	vst v63  }
0x39: {  	_ = 	snop  }
0x3a: {  	[tilespmem:s5], [sflag:$0x1] =	stream.indirect.gather [hbm4b:s26+s18], $0x1, s2, s18, $0xb8;
	[tilespmem:$0x1600] =	vst v63  }
0x3b: {  	s0 =	rddreg [dreg:$0x11]  }
0x3c: {  	[tilespmem:s0], [sflag:$0x1] =	stream.indirect.gather [hbm4b:s26+s18], $0x1, s18, s18, $0xb8;
	[tilespmem:$0x1600] =	vst v63  }
0x3d: {  	s1 =	rddreg [dreg:$0x12]  }
0x3e: {  	[tilespmem:s1], [sflag:$0x1] =	stream.indirect.gather [hbm4b:s26+s18], $0x1, s21, s18, $0xb8;
	[tilespmem:$0x1600] =	vst v63  }
0x3f: {  	s0 =	rddreg [dreg:$0x13]  }
0x40: {  	[tilespmem:s0], [sflag:$0x1] =	stream.indirect.gather [hbm4b:s26+s18], $0x1, s22, s18, $0xb8;
	[tilespmem:$0x1600] =	vst v63  }
0x41: {  	_ = 	snop  }
0x42: {  	[tilespmem:s6], [sflag:$0x1] =	stream.indirect.gather [hbm4b:s25+s18], $0x1, s2, s18, $0xb8;
	[tilespmem:$0x1600] =	vst v63  }
0x43: {  	s0 =	rddreg [dreg:$0x14]  }
0x44: {  	[tilespmem:s0], [sflag:$0x1] =	stream.indirect.gather [hbm4b:s25+s18], $0x1, s18, s18, $0xb8;
	[tilespmem:$0x1600] =	vst v63  }
0x45: {  	s1 =	rddreg [dreg:$0x15]  }
0x46: {  	[tilespmem:s1], [sflag:$0x1] =	stream.indirect.gather [hbm4b:s25+s18], $0x1, s21, s18, $0xb8;
	[tilespmem:$0x1600] =	vst v63  }
0x47: {  	s0 =	rddreg [dreg:$0x16]  }
0x48: {  	[tilespmem:s0], [sflag:$0x1] =	stream.indirect.gather [hbm4b:s25+s18], $0x1, s22, s18, $0xb8;
	[tilespmem:$0x1600] =	vst v63  }
0x49: {  	_ = 	snop  }
0x4a: {  	[tilespmem:s7], [sflag:$0x1] =	stream.indirect.gather [hbm4b:s24+s18], $0x1, s2, s18, $0xb8;
	[tilespmem:$0x1600] =	vst v63  }
0x4b: {  	s0 =	rddreg [dreg:$0x17]  }
0x4c: {  	[tilespmem:s0], [sflag:$0x1] =	stream.indirect.gather [hbm4b:s24+s18], $0x1, s18, s18, $0xb8;
	[tilespmem:$0x1600] =	vst v63  }
0x4d: {  	s1 =	rddreg [dreg:$0x18]  }
0x4e: {  	[tilespmem:s1], [sflag:$0x1] =	stream.indirect.gather [hbm4b:s24+s18], $0x1, s21, s18, $0xb8;
	[tilespmem:$0x1600] =	vst v63  }
0x4f: {  	s0 =	rddreg [dreg:$0x19]  }
0x50: {  	[tilespmem:s0], [sflag:$0x1] =	stream.indirect.gather [hbm4b:s24+s18], $0x1, s22, s18, $0xb8;
	[tilespmem:$0x1600] =	vst v63  }
0x51: {  	_ = 	snop  }
0x52: {  	[tilespmem:s8], [sflag:$0x1] =	stream.indirect.gather [hbm4b:s15+s18], $0x1, s2, s18, $0xb8;
	[tilespmem:$0x1600] =	vst v63  }
0x53: {  	s0 =	rddreg [dreg:$0x1a]  }
0x54: {  	[tilespmem:s0], [sflag:$0x1] =	stream.indirect.gather [hbm4b:s15+s18], $0x1, s18, s18, $0xb8;
	[tilespmem:$0x1600] =	vst v63  }
0x55: {  	s1 =	rddreg [dreg:$0x1b]  }
0x56: {  	[tilespmem:s1], [sflag:$0x1] =	stream.indirect.gather [hbm4b:s15+s18], $0x1, s21, s18, $0xb8;
	[tilespmem:$0x1600] =	vst v63  }
0x57: {  	s0 =	rddreg [dreg:$0x1c]  }
0x58: {  	[tilespmem:s0], [sflag:$0x1] =	stream.indirect.gather [hbm4b:s15+s18], $0x1, s22, s18, $0xb8;
	[tilespmem:$0x1600] =	vst v63  }
0x59: {  	_ = 	snop  }
0x5a: {  	[tilespmem:s9], [sflag:$0x1] =	stream.indirect.gather [hbm4b:s20+s18], $0x1, s2, s18, $0xb8;
	[tilespmem:$0x1600] =	vst v63  }
0x5b: {  	s0 =	rddreg [dreg:$0x1d]  }
0x5c: {  	[tilespmem:s0], [sflag:$0x1] =	stream.indirect.gather [hbm4b:s20+s18], $0x1, s18, s18, $0xb8;
	[tilespmem:$0x1600] =	vst v63  }
0x5d: {  	s1 =	rddreg [dreg:$0x1e]  }
0x5e: {  	[tilespmem:s1], [sflag:$0x1] =	stream.indirect.gather [hbm4b:s20+s18], $0x1, s21, s18, $0xb8;
	[tilespmem:$0x1600] =	vst v63  }
0x5f: {  	s0 =	rddreg [dreg:$0x1f]  }
0x60: {  	[tilespmem:s0], [sflag:$0x1] =	stream.indirect.gather [hbm4b:s20+s18], $0x1, s22, s18, $0xb8;
	[tilespmem:$0x1600] =	vst v63  }
0x61: {  	s0 =	sld [smem:$0x7F5]  }
0x62: {  	[tilespmem:s10], [sflag:$0x1] =	stream.indirect.gather [hbm4b:s19+s18], $0x1, s2, s18, $0xb8;
	[tilespmem:$0x1600] =	vst v63  }
0x63: {  	s1 =	sld [smem:$0x7F6]  }
0x64: {  	[tilespmem:s0], [sflag:$0x1] =	stream.indirect.gather [hbm4b:s19+s18], $0x1, s18, s18, $0xb8;
	[tilespmem:$0x1600] =	vst v63  }
0x65: {  	s0 =	sld [smem:$0x7F7]  }
0x66: {  	[tilespmem:s1], [sflag:$0x1] =	stream.indirect.gather [hbm4b:s19+s18], $0x1, s21, s18, $0xb8;
	[tilespmem:$0x1600] =	vst v63  }
0x67: {  	_ = 	snop  }
0x68: {  	[tilespmem:s0], [sflag:$0x1] =	stream.indirect.gather [hbm4b:s19+s18], $0x1, s22, s18, $0xb8;
	[tilespmem:$0x1600] =	vst v63  }
0x69: {  	s0 =	sld [smem:$0x7F8]  }
0x6a: {  	[tilespmem:s11], [sflag:$0x1] =	stream.indirect.gather [hbm4b:s14+s18], $0x1, s2, s18, $0xb8;
	[tilespmem:$0x1600] =	vst v63  }
0x6b: {  	s1 =	sld [smem:$0x7F9]  }
0x6c: {  	[tilespmem:s0], [sflag:$0x1] =	stream.indirect.gather [hbm4b:s14+s18], $0x1, s18, s18, $0xb8;
	[tilespmem:$0x1600] =	vst v63  }
0x6d: {  	s0 =	sld [smem:$0x7FA]  }
0x6e: {  	[tilespmem:s1], [sflag:$0x1] =	stream.indirect.gather [hbm4b:s14+s18], $0x1, s21, s18, $0xb8;
	[tilespmem:$0x1600] =	vst v63  }
0x6f: {  	_ = 	snop  }
0x70: {  	[tilespmem:s0], [sflag:$0x1] =	stream.indirect.gather [hbm4b:s14+s18], $0x1, s22, s18, $0xb8;
	[tilespmem:$0x1600] =	vst v63  }
0x71: {  	s0 =	sld [smem:$0x7FB]  }
0x72: {  	[tilespmem:s12], [sflag:$0x1] =	stream.indirect.gather [hbm4b:s17+s18], $0x1, s2, s18, $0xb8;
	[tilespmem:$0x1600] =	vst v63  }
0x73: {  	s1 =	sld [smem:$0x7FC]  }
0x74: {  	[tilespmem:s0], [sflag:$0x1] =	stream.indirect.gather [hbm4b:s17+s18], $0x1, s18, s18, $0xb8;
	[tilespmem:$0x1600] =	vst v63  }
0x75: {  	s0 =	sld [smem:$0x7FD]  }
0x76: {  	[tilespmem:s1], [sflag:$0x1] =	stream.indirect.gather [hbm4b:s17+s18], $0x1, s21, s18, $0xb8;
	[tilespmem:$0x1600] =	vst v63  }
0x77: {  	_ = 	snop  }
0x78: {  	[tilespmem:s0], [sflag:$0x1] =	stream.indirect.gather [hbm4b:s17+s18], $0x1, s22, s18, $0xb8;
	[tilespmem:$0x1600] =	vst v63  }
0x79: {  	_ = 	snop  }
0x7a: {  	[tilespmem:s13], [sflag:$0x1] =	stream.indirect.gather [hbm4b:s16+s18], $0x1, s2, s18, $0xb8;
	[tilespmem:$0x1600] =	vst v63  }
0x7b: {  	s1 =	simm.s32 $0x1480  }
0x7c: {  	[tilespmem:s1], [sflag:$0x1] =	stream.indirect.gather [hbm4b:s16+s18], $0x1, s18, s18, $0xb8;
	[tilespmem:$0x1600] =	vst v63  }
0x7d: {  	_ = 	snop  }
0x7e: {  	[tilespmem:s30], [sflag:$0x1] =	stream.indirect.gather [hbm4b:s16+s18], $0x1, s21, s18, $0xb8;
	[tilespmem:$0x1600] =	vst v63  }
0x7f: {  	_ = 	snop  }
0x80: {  	[tilespmem:s29], [sflag:$0x1] =	stream.indirect.gather [hbm4b:s16+s18], $0x1, s22, s18, $0xb8;
	[tilespmem:$0x1600] =	vst v63  }
0x81: {  	_ =	swait.ge [sflag:s3], $0x80  }
0x82: {  	[sflag:s3] =	ssyncset.done $0x0  }
0x83: {  	[sflag:s3] =	ssyncadd.s32 $0xFFFFFF80  }
0x84: {  	_ =	swait.ge [sflag:s3], $0x80  }
0x85: {  	[sflag:s3] =	ssyncset.done $0x0  }
0x86: {  	[sflag:s3] =	ssyncadd.s32 $0xFFFFFF80  }
0x87: {  	_ =	swait.ge [sflag:s3], $0x80  }
0x88: {  	[sflag:s3] =	ssyncset.done $0x0  }
0x89: {  	[sflag:s3] =	ssyncadd.s32 $0xFFFFFF80  }
0x8a: {  	_ =	swait.ge [sflag:s3], $0x80  }
0x8b: {  	[sflag:s3] =	ssyncset.done $0x0  }
0x8c: {  	[sflag:s3] =	ssyncadd.s32 $0xFFFFFF80  }
0x8d: {  	_ =	swait.ge [sflag:s3], $0x80  }
0x8e: {  	[sflag:s3] =	ssyncset.done $0x0  }
0x8f: {  	[sflag:s3] =	ssyncadd.s32 $0xFFFFFF80  }
0x90: {  	_ =	swait.ge [sflag:s3], $0x80  }
0x91: {  	[sflag:s3] =	ssyncset.done $0x0  }
0x92: {  	[sflag:s3] =	ssyncadd.s32 $0xFFFFFF80  }
0x93: {  	_ =	swait.ge [sflag:s3], $0x80  }
0x94: {  	[sflag:s3] =	ssyncset.done $0x0  }
0x95: {  	[sflag:s3] =	ssyncadd.s32 $0xFFFFFF80  }
0x96: {  	_ =	swait.ge [sflag:s3], $0x80  }
0x97: {  	[sflag:s3] =	ssyncset.done $0x0  }
0x98: {  	[sflag:s3] =	ssyncadd.s32 $0xFFFFFF80  }
0x99: {  	_ =	swait.ge [sflag:s3], $0x80  }
0x9a: {  	[sflag:s3] =	ssyncset.done $0x0  }
0x9b: {  	[sflag:s3] =	ssyncadd.s32 $0xFFFFFF80  }
0x9c: {  	_ =	swait.ge [sflag:s3], $0x80  }
0x9d: {  	[sflag:s3] =	ssyncset.done $0x0  }
0x9e: {  	[sflag:s3] =	ssyncadd.s32 $0xFFFFFF80  }
0x9f: {  	_ =	swait.ge [sflag:s3], $0x80  }
0xa0: {  	[sflag:s3] =	ssyncset.done $0x0  }
0xa1: {  	[sflag:s3] =	ssyncadd.s32 $0xFFFFFF80  }
0xa2: {  	_ =	swait.ge [sflag:s3], $0x80  }
0xa3: {  	[sflag:s3] =	ssyncset.done $0x0  }
0xa4: {  	[sflag:s3] =	ssyncadd.s32 $0xFFFFFF80  }
0xa5: {  	_ =	swait.ge [sflag:s3], $0x80  }
0xa6: {  	[sflag:s3] =	ssyncset.done $0x0  }
0xa7: {  	[sflag:s3] =	ssyncadd.s32 $0xFFFFFF80  }
0xa8: {  	_ =	swait.ge [sflag:s3], $0x80  }
0xa9: {  	[sflag:s3] =	ssyncset.done $0x0  }
0xaa: {  	[sflag:s3] =	ssyncadd.s32 $0xFFFFFF80  }
0xab: {  	_ =	swait.ge [sflag:s3], $0x80  }
0xac: {  	[sflag:s3] =	ssyncset.done $0x0  }
0xad: {  	[sflag:s3] =	ssyncadd.s32 $0xFFFFFF80  }
0xae: {  	_ =	swait.ge [sflag:s3], $0x80  }
0xaf: {  	[sflag:s3] =	ssyncset.done $0x0  }
0xb0: {  	[sflag:s3] =	ssyncadd.s32 $0xFFFFFF80  }
0xb1: {  	_ =	swait.ge [sflag:s3], $0x80  }
0xb2: {  	[sflag:s3] =	ssyncset.done $0x0  }
0xb3: {  	[sflag:s3] =	ssyncadd.s32 $0xFFFFFF80  }
0xb4: {  	_ =	swait.ge [sflag:s3], $0x80  }
0xb5: {  	[sflag:s3] =	ssyncset.done $0x0  }
0xb6: {  	[sflag:s3] =	ssyncadd.s32 $0xFFFFFF80  }
0xb7: {  	_ =	swait.ge [sflag:s3], $0x80  }
0xb8: {  	[sflag:s3] =	ssyncset.done $0x0  }
0xb9: {  	[sflag:s3] =	ssyncadd.s32 $0xFFFFFF80  }
0xba: {  	_ =	swait.ge [sflag:s3], $0x80  }
0xbb: {  	[sflag:s3] =	ssyncset.done $0x0  }
0xbc: {  	[sflag:s3] =	ssyncadd.s32 $0xFFFFFF80  }
0xbd: {  	_ =	swait.ge [sflag:s3], $0x80  }
0xbe: {  	[sflag:s3] =	ssyncset.done $0x0  }
0xbf: {  	[sflag:s3] =	ssyncadd.s32 $0xFFFFFF80  }
0xc0: {  	_ =	swait.ge [sflag:s3], $0x80  }
0xc1: {  	[sflag:s3] =	ssyncset.done $0x0  }
0xc2: {  	[sflag:s3] =	ssyncadd.s32 $0xFFFFFF80  }
0xc3: {  	_ =	swait.ge [sflag:s3], $0x80  }
0xc4: {  	[sflag:s3] =	ssyncset.done $0x0  }
0xc5: {  	[sflag:s3] =	ssyncadd.s32 $0xFFFFFF80  }
0xc6: {  	_ =	swait.ge [sflag:s3], $0x80  }
0xc7: {  	[sflag:s3] =	ssyncset.done $0x0  }
0xc8: {  	[sflag:s3] =	ssyncadd.s32 $0xFFFFFF80  }
0xc9: {  	_ =	swait.ge [sflag:s3], $0x80  }
0xca: {  	[sflag:s3] =	ssyncset.done $0x0  }
0xcb: {  	[sflag:s3] =	ssyncadd.s32 $0xFFFFFF80  }
0xcc: {  	_ =	swait.ge [sflag:s3], $0x80  }
0xcd: {  	[sflag:s3] =	ssyncset.done $0x0  }
0xce: {  	[sflag:s3] =	ssyncadd.s32 $0xFFFFFF80  }
0xcf: {  	_ =	swait.ge [sflag:s3], $0x80  }
0xd0: {  	[sflag:s3] =	ssyncset.done $0x0  }
0xd1: {  	[sflag:s3] =	ssyncadd.s32 $0xFFFFFF80  }
0xd2: {  	_ =	swait.ge [sflag:s3], $0x80  }
0xd3: {  	[sflag:s3] =	ssyncset.done $0x0  }
0xd4: {  	[sflag:s3] =	ssyncadd.s32 $0xFFFFFF80  }
0xd5: {  	_ =	swait.ge [sflag:s3], $0x80  }
0xd6: {  	[sflag:s3] =	ssyncset.done $0x0  }
0xd7: {  	[sflag:s3] =	ssyncadd.s32 $0xFFFFFF80  }
0xd8: {  	_ =	swait.ge [sflag:s3], $0x80  }
0xd9: {  	[sflag:s3] =	ssyncset.done $0x0  }
0xda: {  	[sflag:s3] =	ssyncadd.s32 $0xFFFFFF80  }
0xdb: {  	_ =	swait.ge [sflag:s3], $0x80  }
0xdc: {  	[sflag:s3] =	ssyncset.done $0x0  }
0xdd: {  	[sflag:s3] =	ssyncadd.s32 $0xFFFFFF80  }
0xde: {  	_ =	swait.ge [sflag:s3], $0x80  }
0xdf: {  	[sflag:s3] =	ssyncset.done $0x0  }
0xe0: {  	[sflag:s3] =	ssyncadd.s32 $0xFFFFFF80  }
0xe1: {  	_ =	swait.ge [sflag:s3], $0x80  }
0xe2: {  	[sflag:s3] =	ssyncset.done $0x0  }
0xe3: {  	[sflag:s3] =	ssyncadd.s32 $0xFFFFFF80  }
0xe4: {  	_ =	swait.ge [sflag:s3], $0x80  }
0xe5: {  	[sflag:s3] =	ssyncset.done $0x0  }
0xe6: {  	[sflag:s3] =	ssyncadd.s32 $0xFFFFFF80  }
0xe7: {  	_ =	swait.ge [sflag:s3], $0x80  }
0xe8: {  	[sflag:s3] =	ssyncset.done $0x0  }
0xe9: {  	[sflag:s3] =	ssyncadd.s32 $0xFFFFFF80  }
0xea: {  	_ =	swait.ge [sflag:s3], $0x80  }
0xeb: {  	[sflag:s3] =	ssyncset.done $0x0  }
0xec: {  	[sflag:s3] =	ssyncadd.s32 $0xFFFFFF80  }
0xed: {  	_ =	swait.ge [sflag:s3], $0x80  }
0xee: {  	[sflag:s3] =	ssyncset.done $0x0  }
0xef: {  	[sflag:s3] =	ssyncadd.s32 $0xFFFFFF80  }
0xf0: {  	_ =	swait.ge [sflag:s3], $0x80  }
0xf1: {  	[sflag:s3] =	ssyncset.done $0x0  }
0xf2: {  	[sflag:s3] =	ssyncadd.s32 $0xFFFFFF80  }
0xf3: {  	_ =	swait.ge [sflag:s3], $0x80  }
0xf4: {  	[sflag:s3] =	ssyncset.done $0x0  }
0xf5: {  	[sflag:s3] =	ssyncadd.s32 $0xFFFFFF80  }
0xf6: {  	_ =	swait.ge [sflag:s3], $0x80  }
0xf7: {  	[sflag:s3] =	ssyncset.done $0x0  }
0xf8: {  	s0 =	rddreg [dreg:$0x4];
	[sflag:s3] =	ssyncadd.s32 $0xFFFFFF80  }
0xf9: {  	[hbm4b:s0+s2] =	stream.linear.scatter [tilespmem:s4], [sflag:$0x1], $0x200, $0x38;
	[tilespmem:$0x1600] =	vst v63  }
0xfa: {  	s1 =	rddreg [dreg:$0x5]  }
0xfb: {  	[hbm4b:s1+s2] =	stream.linear.scatter [tilespmem:s5], [sflag:$0x1], $0x200, $0x38;
	[tilespmem:$0x1600] =	vst v63  }
0xfc: {  	s0 =	rddreg [dreg:$0x6]  }
0xfd: {  	[hbm4b:s0+s2] =	stream.linear.scatter [tilespmem:s6], [sflag:$0x1], $0x200, $0x38;
	[tilespmem:$0x1600] =	vst v63  }
0xfe: {  	s1 =	rddreg [dreg:$0x7]  }
0xff: {  	[hbm4b:s1+s2] =	stream.linear.scatter [tilespmem:s7], [sflag:$0x1], $0x200, $0x38;
	[tilespmem:$0x1600] =	vst v63  }
0x100: {  	s0 =	rddreg [dreg:$0x8]  }
0x101: {  	[hbm4b:s0+s2] =	stream.linear.scatter [tilespmem:s8], [sflag:$0x1], $0x200, $0x38;
	[tilespmem:$0x1600] =	vst v63  }
0x102: {  	s1 =	rddreg [dreg:$0x9]  }
0x103: {  	[hbm4b:s1+s2] =	stream.linear.scatter [tilespmem:s9], [sflag:$0x1], $0x200, $0x38;
	[tilespmem:$0x1600] =	vst v63  }
0x104: {  	s0 =	rddreg [dreg:$0xa]  }
0x105: {  	[hbm4b:s0+s2] =	stream.linear.scatter [tilespmem:s10], [sflag:$0x1], $0x200, $0x38;
	[tilespmem:$0x1600] =	vst v63  }
0x106: {  	s1 =	rddreg [dreg:$0xb]  }
0x107: {  	[hbm4b:s1+s2] =	stream.linear.scatter [tilespmem:s11], [sflag:$0x1], $0x200, $0x38;
	[tilespmem:$0x1600] =	vst v63  }
0x108: {  	s0 =	rddreg [dreg:$0xc]  }
0x109: {  	[hbm4b:s0+s2] =	stream.linear.scatter [tilespmem:s12], [sflag:$0x1], $0x200, $0x38;
	[tilespmem:$0x1600] =	vst v63  }
0x10a: {  	s1 =	rddreg [dreg:$0xd]  }
0x10b: {  	[hbm4b:s1+s2] =	stream.linear.scatter [tilespmem:s13], [sflag:$0x1], $0x200, $0x38;
	[tilespmem:$0x1600] =	vst v63  }
0x10c: {  	_ =	swait.ge [sflag:s3], $0x200  }
0x10d: {  	[sflag:s3] =	ssyncset.done $0x0  }
0x10e: {  	[sflag:s3] =	ssyncadd.s32 $0xFFFFFE00  }
0x10f: {  	_ =	swait.ge [sflag:s3], $0x200  }
0x110: {  	[sflag:s3] =	ssyncset.done $0x0  }
0x111: {  	[sflag:s3] =	ssyncadd.s32 $0xFFFFFE00  }
0x112: {  	_ =	swait.ge [sflag:s3], $0x200  }
0x113: {  	[sflag:s3] =	ssyncset.done $0x0  }
0x114: {  	[sflag:s3] =	ssyncadd.s32 $0xFFFFFE00  }
0x115: {  	_ =	swait.ge [sflag:s3], $0x200  }
0x116: {  	[sflag:s3] =	ssyncset.done $0x0  }
0x117: {  	[sflag:s3] =	ssyncadd.s32 $0xFFFFFE00  }
0x118: {  	_ =	swait.ge [sflag:s3], $0x200  }
0x119: {  	[sflag:s3] =	ssyncset.done $0x0  }
0x11a: {  	[sflag:s3] =	ssyncadd.s32 $0xFFFFFE00  }
0x11b: {  	_ =	swait.ge [sflag:s3], $0x200  }
0x11c: {  	[sflag:s3] =	ssyncset.done $0x0  }
0x11d: {  	[sflag:s3] =	ssyncadd.s32 $0xFFFFFE00  }
0x11e: {  	_ =	swait.ge [sflag:s3], $0x200  }
0x11f: {  	[sflag:s3] =	ssyncset.done $0x0  }
0x120: {  	[sflag:s3] =	ssyncadd.s32 $0xFFFFFE00  }
0x121: {  	_ =	swait.ge [sflag:s3], $0x200  }
0x122: {  	[sflag:s3] =	ssyncset.done $0x0  }
0x123: {  	p1 =	sne.s32 s28, $0x1;
	[sflag:s3] =	ssyncadd.s32 $0xFFFFFE00  }
.Ltmp1:
0x124: {  	_ =	swait.ge [sflag:s3], $0x200;
	(pc) =	sbr.rel @!p1 .LBB2_3-.Ltmp1, $4  }
0x125: {  	[sflag:s3] =	ssyncset.done $0x0  }
0x126: {  	[sflag:s3] =	ssyncadd.s32 $0xFFFFFE00  }
0x127: {  	p0 =	por $0x1, $0x1;
	_ =	swait.ge [sflag:s3], $0x200  }
0x128: {  	s0 =	sadd.s32 $0xFFFFFFFF, s28;
	s1 =	rddreg [dreg:$0x3];
	[sflag:s3] =	ssyncset.done $0x0  }
.LBB2_4:
0x129: {  	[sflag:s3] =	ssyncadd.s32 $0xFFFFFE00  }
0x12a: {  	[tilespmem:s2], [sflag:$0x2] =	stream.linear.gather [hbm4b:s1+s2], $0x200, $0x38;
	[tilespmem:$0x1600] =	vst v63  }
0x12b: {  	_ =	swait.ge [sflag:s31], $0x200  }
0x12c: {  	[sflag:s31] =	ssyncset.done $0x0  }
0x12d: {  	[sflag:s31] =	ssyncadd.s32 $0xFFFFFE00  }
0x12e: {  	[tilespmem:s4], [sflag:$0x1] =	stream.indirect.gather [hbm4b:s23+s18], $0x1, s2, s18, $0xb8;
	[tilespmem:$0x1600] =	vst v63  }
0x12f: {  	s1 =	rddreg [dreg:$0xe]  }
0x130: {  	[tilespmem:s1], [sflag:$0x1] =	stream.indirect.gather [hbm4b:s23+s18], $0x1, s18, s18, $0xb8;
	[tilespmem:$0x1600] =	vst v63  }
0x131: {  	s28 =	rddreg [dreg:$0xf]  }
0x132: {  	[tilespmem:s28], [sflag:$0x1] =	stream.indirect.gather [hbm4b:s23+s18], $0x1, s21, s18, $0xb8;
	[tilespmem:$0x1600] =	vst v63  }
0x133: {  	s1 =	rddreg [dreg:$0x10]  }
0x134: {  	[tilespmem:s1], [sflag:$0x1] =	stream.indirect.gather [hbm4b:s23+s18], $0x1, s22, s18, $0xb8;
	[tilespmem:$0x1600] =	vst v63  }
0x135: {  	_ = 	snop  }
0x136: {  	[tilespmem:s5], [sflag:$0x1] =	stream.indirect.gather [hbm4b:s26+s18], $0x1, s2, s18, $0xb8;
	[tilespmem:$0x1600] =	vst v63  }
0x137: {  	s1 =	rddreg [dreg:$0x11]  }
0x138: {  	[tilespmem:s1], [sflag:$0x1] =	stream.indirect.gather [hbm4b:s26+s18], $0x1, s18, s18, $0xb8;
	[tilespmem:$0x1600] =	vst v63  }
0x139: {  	s28 =	rddreg [dreg:$0x12]  }
0x13a: {  	[tilespmem:s28], [sflag:$0x1] =	stream.indirect.gather [hbm4b:s26+s18], $0x1, s21, s18, $0xb8;
	[tilespmem:$0x1600] =	vst v63  }
0x13b: {  	s1 =	rddreg [dreg:$0x13]  }
0x13c: {  	[tilespmem:s1], [sflag:$0x1] =	stream.indirect.gather [hbm4b:s26+s18], $0x1, s22, s18, $0xb8;
	[tilespmem:$0x1600] =	vst v63  }
0x13d: {  	_ = 	snop  }
0x13e: {  	[tilespmem:s6], [sflag:$0x1] =	stream.indirect.gather [hbm4b:s25+s18], $0x1, s2, s18, $0xb8;
	[tilespmem:$0x1600] =	vst v63  }
0x13f: {  	s1 =	rddreg [dreg:$0x14]  }
0x140: {  	[tilespmem:s1], [sflag:$0x1] =	stream.indirect.gather [hbm4b:s25+s18], $0x1, s18, s18, $0xb8;
	[tilespmem:$0x1600] =	vst v63  }
0x141: {  	s28 =	rddreg [dreg:$0x15]  }
0x142: {  	[tilespmem:s28], [sflag:$0x1] =	stream.indirect.gather [hbm4b:s25+s18], $0x1, s21, s18, $0xb8;
	[tilespmem:$0x1600] =	vst v63  }
0x143: {  	s1 =	rddreg [dreg:$0x16]  }
0x144: {  	[tilespmem:s1], [sflag:$0x1] =	stream.indirect.gather [hbm4b:s25+s18], $0x1, s22, s18, $0xb8;
	[tilespmem:$0x1600] =	vst v63  }
0x145: {  	_ = 	snop  }
0x146: {  	[tilespmem:s7], [sflag:$0x1] =	stream.indirect.gather [hbm4b:s24+s18], $0x1, s2, s18, $0xb8;
	[tilespmem:$0x1600] =	vst v63  }
0x147: {  	s1 =	rddreg [dreg:$0x17]  }
0x148: {  	[tilespmem:s1], [sflag:$0x1] =	stream.indirect.gather [hbm4b:s24+s18], $0x1, s18, s18, $0xb8;
	[tilespmem:$0x1600] =	vst v63  }
0x149: {  	s28 =	rddreg [dreg:$0x18]  }
0x14a: {  	[tilespmem:s28], [sflag:$0x1] =	stream.indirect.gather [hbm4b:s24+s18], $0x1, s21, s18, $0xb8;
	[tilespmem:$0x1600] =	vst v63  }
0x14b: {  	s1 =	rddreg [dreg:$0x19]  }
0x14c: {  	[tilespmem:s1], [sflag:$0x1] =	stream.indirect.gather [hbm4b:s24+s18], $0x1, s22, s18, $0xb8;
	[tilespmem:$0x1600] =	vst v63  }
0x14d: {  	_ = 	snop  }
0x14e: {  	[tilespmem:s8], [sflag:$0x1] =	stream.indirect.gather [hbm4b:s15+s18], $0x1, s2, s18, $0xb8;
	[tilespmem:$0x1600] =	vst v63  }
0x14f: {  	s1 =	rddreg [dreg:$0x1a]  }
0x150: {  	[tilespmem:s1], [sflag:$0x1] =	stream.indirect.gather [hbm4b:s15+s18], $0x1, s18, s18, $0xb8;
	[tilespmem:$0x1600] =	vst v63  }
0x151: {  	s28 =	rddreg [dreg:$0x1b]  }
0x152: {  	[tilespmem:s28], [sflag:$0x1] =	stream.indirect.gather [hbm4b:s15+s18], $0x1, s21, s18, $0xb8;
	[tilespmem:$0x1600] =	vst v63  }
0x153: {  	s1 =	rddreg [dreg:$0x1c]  }
0x154: {  	[tilespmem:s1], [sflag:$0x1] =	stream.indirect.gather [hbm4b:s15+s18], $0x1, s22, s18, $0xb8;
	[tilespmem:$0x1600] =	vst v63  }
0x155: {  	_ = 	snop  }
0x156: {  	[tilespmem:s9], [sflag:$0x1] =	stream.indirect.gather [hbm4b:s20+s18], $0x1, s2, s18, $0xb8;
	[tilespmem:$0x1600] =	vst v63  }
0x157: {  	s1 =	rddreg [dreg:$0x1d]  }
0x158: {  	[tilespmem:s1], [sflag:$0x1] =	stream.indirect.gather [hbm4b:s20+s18], $0x1, s18, s18, $0xb8;
	[tilespmem:$0x1600] =	vst v63  }
0x159: {  	s28 =	rddreg [dreg:$0x1e]  }
0x15a: {  	[tilespmem:s28], [sflag:$0x1] =	stream.indirect.gather [hbm4b:s20+s18], $0x1, s21, s18, $0xb8;
	[tilespmem:$0x1600] =	vst v63  }
0x15b: {  	s1 =	rddreg [dreg:$0x1f]  }
0x15c: {  	[tilespmem:s1], [sflag:$0x1] =	stream.indirect.gather [hbm4b:s20+s18], $0x1, s22, s18, $0xb8;
	[tilespmem:$0x1600] =	vst v63  }
0x15d: {  	s1 =	sld [smem:$0x7F5]  }
0x15e: {  	[tilespmem:s10], [sflag:$0x1] =	stream.indirect.gather [hbm4b:s19+s18], $0x1, s2, s18, $0xb8;
	[tilespmem:$0x1600] =	vst v63  }
0x15f: {  	s28 =	sld [smem:$0x7F6]  }
0x160: {  	[tilespmem:s1], [sflag:$0x1] =	stream.indirect.gather [hbm4b:s19+s18], $0x1, s18, s18, $0xb8;
	[tilespmem:$0x1600] =	vst v63  }
0x161: {  	s1 =	sld [smem:$0x7F7]  }
0x162: {  	[tilespmem:s28], [sflag:$0x1] =	stream.indirect.gather [hbm4b:s19+s18], $0x1, s21, s18, $0xb8;
	[tilespmem:$0x1600] =	vst v63  }
0x163: {  	_ = 	snop  }
0x164: {  	[tilespmem:s1], [sflag:$0x1] =	stream.indirect.gather [hbm4b:s19+s18], $0x1, s22, s18, $0xb8;
	[tilespmem:$0x1600] =	vst v63  }
0x165: {  	s1 =	sld [smem:$0x7F8]  }
0x166: {  	[tilespmem:s11], [sflag:$0x1] =	stream.indirect.gather [hbm4b:s14+s18], $0x1, s2, s18, $0xb8;
	[tilespmem:$0x1600] =	vst v63  }
0x167: {  	s28 =	sld [smem:$0x7F9]  }
0x168: {  	[tilespmem:s1], [sflag:$0x1] =	stream.indirect.gather [hbm4b:s14+s18], $0x1, s18, s18, $0xb8;
	[tilespmem:$0x1600] =	vst v63  }
0x169: {  	s1 =	sld [smem:$0x7FA]  }
0x16a: {  	[tilespmem:s28], [sflag:$0x1] =	stream.indirect.gather [hbm4b:s14+s18], $0x1, s21, s18, $0xb8;
	[tilespmem:$0x1600] =	vst v63  }
0x16b: {  	_ = 	snop  }
0x16c: {  	[tilespmem:s1], [sflag:$0x1] =	stream.indirect.gather [hbm4b:s14+s18], $0x1, s22, s18, $0xb8;
	[tilespmem:$0x1600] =	vst v63  }
0x16d: {  	s1 =	sld [smem:$0x7FB]  }
0x16e: {  	[tilespmem:s12], [sflag:$0x1] =	stream.indirect.gather [hbm4b:s17+s18], $0x1, s2, s18, $0xb8;
	[tilespmem:$0x1600] =	vst v63  }
0x16f: {  	s28 =	sld [smem:$0x7FC]  }
0x170: {  	[tilespmem:s1], [sflag:$0x1] =	stream.indirect.gather [hbm4b:s17+s18], $0x1, s18, s18, $0xb8;
	[tilespmem:$0x1600] =	vst v63  }
0x171: {  	s1 =	sld [smem:$0x7FD]  }
0x172: {  	[tilespmem:s28], [sflag:$0x1] =	stream.indirect.gather [hbm4b:s17+s18], $0x1, s21, s18, $0xb8;
	[tilespmem:$0x1600] =	vst v63  }
0x173: {  	_ = 	snop  }
0x174: {  	[tilespmem:s1], [sflag:$0x1] =	stream.indirect.gather [hbm4b:s17+s18], $0x1, s22, s18, $0xb8;
	[tilespmem:$0x1600] =	vst v63  }
0x175: {  	_ = 	snop  }
0x176: {  	[tilespmem:s13], [sflag:$0x1] =	stream.indirect.gather [hbm4b:s16+s18], $0x1, s2, s18, $0xb8;
	[tilespmem:$0x1600] =	vst v63  }
0x177: {  	s28 =	simm.s32 $0x1480  }
0x178: {  	[tilespmem:s28], [sflag:$0x1] =	stream.indirect.gather [hbm4b:s16+s18], $0x1, s18, s18, $0xb8;
	[tilespmem:$0x1600] =	vst v63  }
0x179: {  	_ = 	snop  }
0x17a: {  	[tilespmem:s30], [sflag:$0x1] =	stream.indirect.gather [hbm4b:s16+s18], $0x1, s21, s18, $0xb8;
	[tilespmem:$0x1600] =	vst v63  }
0x17b: {  	_ = 	snop  }
0x17c: {  	[tilespmem:s29], [sflag:$0x1] =	stream.indirect.gather [hbm4b:s16+s18], $0x1, s22, s18, $0xb8;
	[tilespmem:$0x1600] =	vst v63  }
0x17d: {  	_ =	swait.ge [sflag:s3], $0x80  }
0x17e: {  	[sflag:s3] =	ssyncset.done $0x0  }
0x17f: {  	[sflag:s3] =	ssyncadd.s32 $0xFFFFFF80  }
0x180: {  	_ =	swait.ge [sflag:s3], $0x80  }
0x181: {  	[sflag:s3] =	ssyncset.done $0x0  }
0x182: {  	[sflag:s3] =	ssyncadd.s32 $0xFFFFFF80  }
0x183: {  	_ =	swait.ge [sflag:s3], $0x80  }
0x184: {  	[sflag:s3] =	ssyncset.done $0x0  }
0x185: {  	[sflag:s3] =	ssyncadd.s32 $0xFFFFFF80  }
0x186: {  	_ =	swait.ge [sflag:s3], $0x80  }
0x187: {  	[sflag:s3] =	ssyncset.done $0x0  }
0x188: {  	[sflag:s3] =	ssyncadd.s32 $0xFFFFFF80  }
0x189: {  	_ =	swait.ge [sflag:s3], $0x80  }
0x18a: {  	[sflag:s3] =	ssyncset.done $0x0  }
0x18b: {  	[sflag:s3] =	ssyncadd.s32 $0xFFFFFF80  }
0x18c: {  	_ =	swait.ge [sflag:s3], $0x80  }
0x18d: {  	[sflag:s3] =	ssyncset.done $0x0  }
0x18e: {  	[sflag:s3] =	ssyncadd.s32 $0xFFFFFF80  }
0x18f: {  	_ =	swait.ge [sflag:s3], $0x80  }
0x190: {  	[sflag:s3] =	ssyncset.done $0x0  }
0x191: {  	[sflag:s3] =	ssyncadd.s32 $0xFFFFFF80  }
0x192: {  	_ =	swait.ge [sflag:s3], $0x80  }
0x193: {  	[sflag:s3] =	ssyncset.done $0x0  }
0x194: {  	[sflag:s3] =	ssyncadd.s32 $0xFFFFFF80  }
0x195: {  	_ =	swait.ge [sflag:s3], $0x80  }
0x196: {  	[sflag:s3] =	ssyncset.done $0x0  }
0x197: {  	[sflag:s3] =	ssyncadd.s32 $0xFFFFFF80  }
0x198: {  	_ =	swait.ge [sflag:s3], $0x80  }
0x199: {  	[sflag:s3] =	ssyncset.done $0x0  }
0x19a: {  	[sflag:s3] =	ssyncadd.s32 $0xFFFFFF80  }
0x19b: {  	_ =	swait.ge [sflag:s3], $0x80  }
0x19c: {  	[sflag:s3] =	ssyncset.done $0x0  }
0x19d: {  	[sflag:s3] =	ssyncadd.s32 $0xFFFFFF80  }
0x19e: {  	_ =	swait.ge [sflag:s3], $0x80  }
0x19f: {  	[sflag:s3] =	ssyncset.done $0x0  }
0x1a0: {  	[sflag:s3] =	ssyncadd.s32 $0xFFFFFF80  }
0x1a1: {  	_ =	swait.ge [sflag:s3], $0x80  }
0x1a2: {  	[sflag:s3] =	ssyncset.done $0x0  }
0x1a3: {  	[sflag:s3] =	ssyncadd.s32 $0xFFFFFF80  }
0x1a4: {  	_ =	swait.ge [sflag:s3], $0x80  }
0x1a5: {  	[sflag:s3] =	ssyncset.done $0x0  }
0x1a6: {  	[sflag:s3] =	ssyncadd.s32 $0xFFFFFF80  }
0x1a7: {  	_ =	swait.ge [sflag:s3], $0x80  }
0x1a8: {  	[sflag:s3] =	ssyncset.done $0x0  }
0x1a9: {  	[sflag:s3] =	ssyncadd.s32 $0xFFFFFF80  }
0x1aa: {  	_ =	swait.ge [sflag:s3], $0x80  }
0x1ab: {  	[sflag:s3] =	ssyncset.done $0x0  }
0x1ac: {  	[sflag:s3] =	ssyncadd.s32 $0xFFFFFF80  }
0x1ad: {  	_ =	swait.ge [sflag:s3], $0x80  }
0x1ae: {  	[sflag:s3] =	ssyncset.done $0x0  }
0x1af: {  	[sflag:s3] =	ssyncadd.s32 $0xFFFFFF80  }
0x1b0: {  	_ =	swait.ge [sflag:s3], $0x80  }
0x1b1: {  	[sflag:s3] =	ssyncset.done $0x0  }
0x1b2: {  	[sflag:s3] =	ssyncadd.s32 $0xFFFFFF80  }
0x1b3: {  	_ =	swait.ge [sflag:s3], $0x80  }
0x1b4: {  	[sflag:s3] =	ssyncset.done $0x0  }
0x1b5: {  	[sflag:s3] =	ssyncadd.s32 $0xFFFFFF80  }
0x1b6: {  	_ =	swait.ge [sflag:s3], $0x80  }
0x1b7: {  	[sflag:s3] =	ssyncset.done $0x0  }
0x1b8: {  	[sflag:s3] =	ssyncadd.s32 $0xFFFFFF80  }
0x1b9: {  	_ =	swait.ge [sflag:s3], $0x80  }
0x1ba: {  	[sflag:s3] =	ssyncset.done $0x0  }
0x1bb: {  	[sflag:s3] =	ssyncadd.s32 $0xFFFFFF80  }
0x1bc: {  	_ =	swait.ge [sflag:s3], $0x80  }
0x1bd: {  	[sflag:s3] =	ssyncset.done $0x0  }
0x1be: {  	[sflag:s3] =	ssyncadd.s32 $0xFFFFFF80  }
0x1bf: {  	_ =	swait.ge [sflag:s3], $0x80  }
0x1c0: {  	[sflag:s3] =	ssyncset.done $0x0  }
0x1c1: {  	[sflag:s3] =	ssyncadd.s32 $0xFFFFFF80  }
0x1c2: {  	_ =	swait.ge [sflag:s3], $0x80  }
0x1c3: {  	[sflag:s3] =	ssyncset.done $0x0  }
0x1c4: {  	[sflag:s3] =	ssyncadd.s32 $0xFFFFFF80  }
0x1c5: {  	_ =	swait.ge [sflag:s3], $0x80  }
0x1c6: {  	[sflag:s3] =	ssyncset.done $0x0  }
0x1c7: {  	[sflag:s3] =	ssyncadd.s32 $0xFFFFFF80  }
0x1c8: {  	_ =	swait.ge [sflag:s3], $0x80  }
0x1c9: {  	[sflag:s3] =	ssyncset.done $0x0  }
0x1ca: {  	[sflag:s3] =	ssyncadd.s32 $0xFFFFFF80  }
0x1cb: {  	_ =	swait.ge [sflag:s3], $0x80  }
0x1cc: {  	[sflag:s3] =	ssyncset.done $0x0  }
0x1cd: {  	[sflag:s3] =	ssyncadd.s32 $0xFFFFFF80  }
0x1ce: {  	_ =	swait.ge [sflag:s3], $0x80  }
0x1cf: {  	[sflag:s3] =	ssyncset.done $0x0  }
0x1d0: {  	[sflag:s3] =	ssyncadd.s32 $0xFFFFFF80  }
0x1d1: {  	_ =	swait.ge [sflag:s3], $0x80  }
0x1d2: {  	[sflag:s3] =	ssyncset.done $0x0  }
0x1d3: {  	[sflag:s3] =	ssyncadd.s32 $0xFFFFFF80  }
0x1d4: {  	_ =	swait.ge [sflag:s3], $0x80  }
0x1d5: {  	[sflag:s3] =	ssyncset.done $0x0  }
0x1d6: {  	[sflag:s3] =	ssyncadd.s32 $0xFFFFFF80  }
0x1d7: {  	_ =	swait.ge [sflag:s3], $0x80  }
0x1d8: {  	[sflag:s3] =	ssyncset.done $0x0  }
0x1d9: {  	[sflag:s3] =	ssyncadd.s32 $0xFFFFFF80  }
0x1da: {  	_ =	swait.ge [sflag:s3], $0x80  }
0x1db: {  	[sflag:s3] =	ssyncset.done $0x0  }
0x1dc: {  	[sflag:s3] =	ssyncadd.s32 $0xFFFFFF80  }
0x1dd: {  	_ =	swait.ge [sflag:s3], $0x80  }
0x1de: {  	[sflag:s3] =	ssyncset.done $0x0  }
0x1df: {  	[sflag:s3] =	ssyncadd.s32 $0xFFFFFF80  }
0x1e0: {  	_ =	swait.ge [sflag:s3], $0x80  }
0x1e1: {  	[sflag:s3] =	ssyncset.done $0x0  }
0x1e2: {  	[sflag:s3] =	ssyncadd.s32 $0xFFFFFF80  }
0x1e3: {  	_ =	swait.ge [sflag:s3], $0x80  }
0x1e4: {  	[sflag:s3] =	ssyncset.done $0x0  }
0x1e5: {  	[sflag:s3] =	ssyncadd.s32 $0xFFFFFF80  }
0x1e6: {  	_ =	swait.ge [sflag:s3], $0x80  }
0x1e7: {  	[sflag:s3] =	ssyncset.done $0x0  }
0x1e8: {  	[sflag:s3] =	ssyncadd.s32 $0xFFFFFF80  }
0x1e9: {  	_ =	swait.ge [sflag:s3], $0x80  }
0x1ea: {  	[sflag:s3] =	ssyncset.done $0x0  }
0x1eb: {  	[sflag:s3] =	ssyncadd.s32 $0xFFFFFF80  }
0x1ec: {  	_ =	swait.ge [sflag:s3], $0x80  }
0x1ed: {  	[sflag:s3] =	ssyncset.done $0x0  }
0x1ee: {  	[sflag:s3] =	ssyncadd.s32 $0xFFFFFF80  }
0x1ef: {  	_ =	swait.ge [sflag:s3], $0x80  }
0x1f0: {  	[sflag:s3] =	ssyncset.done $0x0  }
0x1f1: {  	[sflag:s3] =	ssyncadd.s32 $0xFFFFFF80  }
0x1f2: {  	_ =	swait.ge [sflag:s3], $0x80  }
0x1f3: {  	[sflag:s3] =	ssyncset.done $0x0  }
0x1f4: {  	s1 =	rddreg [dreg:$0x4];
	[sflag:s3] =	ssyncadd.s32 $0xFFFFFF80  }
0x1f5: {  	[hbm4b:s1+s2] =	stream.linear.scatter [tilespmem:s4], [sflag:$0x1], $0x200, $0x38;
	[tilespmem:$0x1600] =	vst v63  }
0x1f6: {  	s28 =	rddreg [dreg:$0x5]  }
0x1f7: {  	[hbm4b:s28+s2] =	stream.linear.scatter [tilespmem:s5], [sflag:$0x1], $0x200, $0x38;
	[tilespmem:$0x1600] =	vst v63  }
0x1f8: {  	s1 =	rddreg [dreg:$0x6]  }
0x1f9: {  	[hbm4b:s1+s2] =	stream.linear.scatter [tilespmem:s6], [sflag:$0x1], $0x200, $0x38;
	[tilespmem:$0x1600] =	vst v63  }
0x1fa: {  	s28 =	rddreg [dreg:$0x7]  }
0x1fb: {  	[hbm4b:s28+s2] =	stream.linear.scatter [tilespmem:s7], [sflag:$0x1], $0x200, $0x38;
	[tilespmem:$0x1600] =	vst v63  }
0x1fc: {  	s1 =	rddreg [dreg:$0x8]  }
0x1fd: {  	[hbm4b:s1+s2] =	stream.linear.scatter [tilespmem:s8], [sflag:$0x1], $0x200, $0x38;
	[tilespmem:$0x1600] =	vst v63  }
0x1fe: {  	s28 =	rddreg [dreg:$0x9]  }
0x1ff: {  	[hbm4b:s28+s2] =	stream.linear.scatter [tilespmem:s9], [sflag:$0x1], $0x200, $0x38;
	[tilespmem:$0x1600] =	vst v63  }
0x200: {  	s1 =	rddreg [dreg:$0xa]  }
0x201: {  	[hbm4b:s1+s2] =	stream.linear.scatter [tilespmem:s10], [sflag:$0x1], $0x200, $0x38;
	[tilespmem:$0x1600] =	vst v63  }
0x202: {  	s28 =	rddreg [dreg:$0xb]  }
0x203: {  	[hbm4b:s28+s2] =	stream.linear.scatter [tilespmem:s11], [sflag:$0x1], $0x200, $0x38;
	[tilespmem:$0x1600] =	vst v63  }
0x204: {  	s1 =	rddreg [dreg:$0xc]  }
0x205: {  	[hbm4b:s1+s2] =	stream.linear.scatter [tilespmem:s12], [sflag:$0x1], $0x200, $0x38;
	[tilespmem:$0x1600] =	vst v63  }
0x206: {  	s28 =	rddreg [dreg:$0xd]  }
0x207: {  	[hbm4b:s28+s2] =	stream.linear.scatter [tilespmem:s13], [sflag:$0x1], $0x200, $0x38;
	[tilespmem:$0x1600] =	vst v63  }
0x208: {  	_ =	swait.ge [sflag:s3], $0x200  }
0x209: {  	[sflag:s3] =	ssyncset.done $0x0  }
0x20a: {  	[sflag:s3] =	ssyncadd.s32 $0xFFFFFE00  }
0x20b: {  	_ =	swait.ge [sflag:s3], $0x200  }
0x20c: {  	[sflag:s3] =	ssyncset.done $0x0  }
0x20d: {  	[sflag:s3] =	ssyncadd.s32 $0xFFFFFE00  }
0x20e: {  	_ =	swait.ge [sflag:s3], $0x200  }
0x20f: {  	[sflag:s3] =	ssyncset.done $0x0  }
0x210: {  	[sflag:s3] =	ssyncadd.s32 $0xFFFFFE00  }
0x211: {  	_ =	swait.ge [sflag:s3], $0x200  }
0x212: {  	[sflag:s3] =	ssyncset.done $0x0  }
0x213: {  	[sflag:s3] =	ssyncadd.s32 $0xFFFFFE00  }
0x214: {  	_ =	swait.ge [sflag:s3], $0x200  }
0x215: {  	[sflag:s3] =	ssyncset.done $0x0  }
0x216: {  	[sflag:s3] =	ssyncadd.s32 $0xFFFFFE00  }
0x217: {  	_ =	swait.ge [sflag:s3], $0x200  }
0x218: {  	[sflag:s3] =	ssyncset.done $0x0  }
0x219: {  	[sflag:s3] =	ssyncadd.s32 $0xFFFFFE00  }
0x21a: {  	_ =	swait.ge [sflag:s3], $0x200  }
0x21b: {  	[sflag:s3] =	ssyncset.done $0x0  }
0x21c: {  	[sflag:s3] =	ssyncadd.s32 $0xFFFFFE00  }
0x21d: {  	_ =	swait.ge [sflag:s3], $0x200  }
0x21e: {  	[sflag:s3] =	ssyncset.done $0x0  }
0x21f: {  	p1 =	sne.s32 s0, $0x1;
	[sflag:s3] =	ssyncadd.s32 $0xFFFFFE00  }
.Ltmp2:
0x220: {  	_ =	swait.ge [sflag:s3], $0x200;
	(pc) =	sbr.rel @p1 .LBB2_4-.Ltmp2, $4  }
0x221: {  	[sflag:s3] =	ssyncset.done $0x0  }
0x222: {  	[sflag:s3] =	ssyncadd.s32 $0xFFFFFE00  }
0x223: {  	_ =	swait.ge [sflag:s3], $0x200  }
0x224: {  	s0 =	sadd.s32 $0xFFFFFFFF, s0;
	s1 =	rddreg [dreg:$0x3];
	[sflag:s3] =	ssyncset.done $0x0  }
0x225: {  	s30 =	simm.s32 $0x1500;
	s29 =	simm.s32 $0x1480;
	s28 =	rddreg [dreg:$0x2]  }
.LBB2_6:
0x226: {  	[sflag:s3] =	ssyncadd.s32 @p0 $0xFFFFFE00  }
0x227: {  	[tilespmem:s2], [sflag:$0x2] =	stream.linear.gather [hbm4b:s1+s2], $0x200, $0x38;
	[tilespmem:$0x1600] =	vst v63  }
0x228: {  	_ =	swait.ge [sflag:s31], $0x200  }
0x229: {  	[sflag:s31] =	ssyncset.done $0x0  }
0x22a: {  	[sflag:s31] =	ssyncadd.s32 $0xFFFFFE00  }
0x22b: {  	[tilespmem:s4], [sflag:$0x1] =	stream.indirect.gather [hbm4b:s23+s18], $0x1, s2, s18, $0xb8;
	[tilespmem:$0x1600] =	vst v63  }
0x22c: {  	s0 =	rddreg [dreg:$0xe]  }
0x22d: {  	[tilespmem:s0], [sflag:$0x1] =	stream.indirect.gather [hbm4b:s23+s18], $0x1, s18, s18, $0xb8;
	[tilespmem:$0x1600] =	vst v63  }
0x22e: {  	s1 =	rddreg [dreg:$0xf]  }
0x22f: {  	[tilespmem:s1], [sflag:$0x1] =	stream.indirect.gather [hbm4b:s23+s18], $0x1, s21, s18, $0xb8;
	[tilespmem:$0x1600] =	vst v63  }
0x230: {  	s31 =	rddreg [dreg:$0x10]  }
0x231: {  	[tilespmem:s31], [sflag:$0x1] =	stream.indirect.gather [hbm4b:s23+s18], $0x1, s22, s18, $0xb8;
	[tilespmem:$0x1600] =	vst v63  }
0x232: {  	_ = 	snop  }
0x233: {  	[tilespmem:s5], [sflag:$0x1] =	stream.indirect.gather [hbm4b:s26+s18], $0x1, s2, s18, $0xb8;
	[tilespmem:$0x1600] =	vst v63  }
0x234: {  	s23 =	rddreg [dreg:$0x11]  }
0x235: {  	[tilespmem:s23], [sflag:$0x1] =	stream.indirect.gather [hbm4b:s26+s18], $0x1, s18, s18, $0xb8;
	[tilespmem:$0x1600] =	vst v63  }
0x236: {  	s31 =	rddreg [dreg:$0x12]  }
0x237: {  	[tilespmem:s31], [sflag:$0x1] =	stream.indirect.gather [hbm4b:s26+s18], $0x1, s21, s18, $0xb8;
	[tilespmem:$0x1600] =	vst v63  }
0x238: {  	s23 =	rddreg [dreg:$0x13]  }
0x239: {  	[tilespmem:s23], [sflag:$0x1] =	stream.indirect.gather [hbm4b:s26+s18], $0x1, s22, s18, $0xb8;
	[tilespmem:$0x1600] =	vst v63  }
0x23a: {  	_ = 	snop  }
0x23b: {  	[tilespmem:s6], [sflag:$0x1] =	stream.indirect.gather [hbm4b:s25+s18], $0x1, s2, s18, $0xb8;
	[tilespmem:$0x1600] =	vst v63  }
0x23c: {  	s26 =	rddreg [dreg:$0x14]  }
0x23d: {  	[tilespmem:s26], [sflag:$0x1] =	stream.indirect.gather [hbm4b:s25+s18], $0x1, s18, s18, $0xb8;
	[tilespmem:$0x1600] =	vst v63  }
0x23e: {  	s31 =	rddreg [dreg:$0x15]  }
0x23f: {  	[tilespmem:s31], [sflag:$0x1] =	stream.indirect.gather [hbm4b:s25+s18], $0x1, s21, s18, $0xb8;
	[tilespmem:$0x1600] =	vst v63  }
0x240: {  	s23 =	rddreg [dreg:$0x16]  }
0x241: {  	[tilespmem:s23], [sflag:$0x1] =	stream.indirect.gather [hbm4b:s25+s18], $0x1, s22, s18, $0xb8;
	[tilespmem:$0x1600] =	vst v63  }
0x242: {  	_ = 	snop  }
0x243: {  	[tilespmem:s7], [sflag:$0x1] =	stream.indirect.gather [hbm4b:s24+s18], $0x1, s2, s18, $0xb8;
	[tilespmem:$0x1600] =	vst v63  }
0x244: {  	s25 =	rddreg [dreg:$0x17]  }
0x245: {  	[tilespmem:s25], [sflag:$0x1] =	stream.indirect.gather [hbm4b:s24+s18], $0x1, s18, s18, $0xb8;
	[tilespmem:$0x1600] =	vst v63  }
0x246: {  	s26 =	rddreg [dreg:$0x18]  }
0x247: {  	[tilespmem:s26], [sflag:$0x1] =	stream.indirect.gather [hbm4b:s24+s18], $0x1, s21, s18, $0xb8;
	[tilespmem:$0x1600] =	vst v63  }
0x248: {  	s31 =	rddreg [dreg:$0x19]  }
0x249: {  	[tilespmem:s31], [sflag:$0x1] =	stream.indirect.gather [hbm4b:s24+s18], $0x1, s22, s18, $0xb8;
	[tilespmem:$0x1600] =	vst v63  }
0x24a: {  	_ = 	snop  }
0x24b: {  	[tilespmem:s8], [sflag:$0x1] =	stream.indirect.gather [hbm4b:s15+s18], $0x1, s2, s18, $0xb8;
	[tilespmem:$0x1600] =	vst v63  }
0x24c: {  	s23 =	rddreg [dreg:$0x1a]  }
0x24d: {  	[tilespmem:s23], [sflag:$0x1] =	stream.indirect.gather [hbm4b:s15+s18], $0x1, s18, s18, $0xb8;
	[tilespmem:$0x1600] =	vst v63  }
0x24e: {  	s24 =	rddreg [dreg:$0x1b]  }
0x24f: {  	[tilespmem:s24], [sflag:$0x1] =	stream.indirect.gather [hbm4b:s15+s18], $0x1, s21, s18, $0xb8;
	[tilespmem:$0x1600] =	vst v63  }
0x250: {  	s25 =	rddreg [dreg:$0x1c]  }
0x251: {  	[tilespmem:s25], [sflag:$0x1] =	stream.indirect.gather [hbm4b:s15+s18], $0x1, s22, s18, $0xb8;
	[tilespmem:$0x1600] =	vst v63  }
0x252: {  	_ = 	snop  }
0x253: {  	[tilespmem:s9], [sflag:$0x1] =	stream.indirect.gather [hbm4b:s20+s18], $0x1, s2, s18, $0xb8;
	[tilespmem:$0x1600] =	vst v63  }
0x254: {  	s26 =	rddreg [dreg:$0x1d]  }
0x255: {  	[tilespmem:s26], [sflag:$0x1] =	stream.indirect.gather [hbm4b:s20+s18], $0x1, s18, s18, $0xb8;
	[tilespmem:$0x1600] =	vst v63  }
0x256: {  	s31 =	rddreg [dreg:$0x1e]  }
0x257: {  	[tilespmem:s31], [sflag:$0x1] =	stream.indirect.gather [hbm4b:s20+s18], $0x1, s21, s18, $0xb8;
	[tilespmem:$0x1600] =	vst v63  }
0x258: {  	s15 =	rddreg [dreg:$0x1f]  }
0x259: {  	[tilespmem:s15], [sflag:$0x1] =	stream.indirect.gather [hbm4b:s20+s18], $0x1, s22, s18, $0xb8;
	[tilespmem:$0x1600] =	vst v63  }
0x25a: {  	s20 =	sld [smem:$0x7F5]  }
0x25b: {  	[tilespmem:s10], [sflag:$0x1] =	stream.indirect.gather [hbm4b:s19+s18], $0x1, s2, s18, $0xb8;
	[tilespmem:$0x1600] =	vst v63  }
0x25c: {  	s23 =	sld [smem:$0x7F6]  }
0x25d: {  	[tilespmem:s20], [sflag:$0x1] =	stream.indirect.gather [hbm4b:s19+s18], $0x1, s18, s18, $0xb8;
	[tilespmem:$0x1600] =	vst v63  }
0x25e: {  	s24 =	sld [smem:$0x7F7]  }
0x25f: {  	[tilespmem:s23], [sflag:$0x1] =	stream.indirect.gather [hbm4b:s19+s18], $0x1, s21, s18, $0xb8;
	[tilespmem:$0x1600] =	vst v63  }
0x260: {  	_ = 	snop  }
0x261: {  	[tilespmem:s24], [sflag:$0x1] =	stream.indirect.gather [hbm4b:s19+s18], $0x1, s22, s18, $0xb8;
	[tilespmem:$0x1600] =	vst v63  }
0x262: {  	s25 =	sld [smem:$0x7F8]  }
0x263: {  	[tilespmem:s11], [sflag:$0x1] =	stream.indirect.gather [hbm4b:s14+s18], $0x1, s2, s18, $0xb8;
	[tilespmem:$0x1600] =	vst v63  }
0x264: {  	s26 =	sld [smem:$0x7F9]  }
0x265: {  	[tilespmem:s25], [sflag:$0x1] =	stream.indirect.gather [hbm4b:s14+s18], $0x1, s18, s18, $0xb8;
	[tilespmem:$0x1600] =	vst v63  }
0x266: {  	s31 =	sld [smem:$0x7FA]  }
0x267: {  	[tilespmem:s26], [sflag:$0x1] =	stream.indirect.gather [hbm4b:s14+s18], $0x1, s21, s18, $0xb8;
	[tilespmem:$0x1600] =	vst v63  }
0x268: {  	_ = 	snop  }
0x269: {  	[tilespmem:s31], [sflag:$0x1] =	stream.indirect.gather [hbm4b:s14+s18], $0x1, s22, s18, $0xb8;
	[tilespmem:$0x1600] =	vst v63  }
0x26a: {  	s1 =	sld [smem:$0x7FB]  }
0x26b: {  	[tilespmem:s12], [sflag:$0x1] =	stream.indirect.gather [hbm4b:s17+s18], $0x1, s2, s18, $0xb8;
	[tilespmem:$0x1600] =	vst v63  }
0x26c: {  	s14 =	sld [smem:$0x7FC]  }
0x26d: {  	[tilespmem:s1], [sflag:$0x1] =	stream.indirect.gather [hbm4b:s17+s18], $0x1, s18, s18, $0xb8;
	[tilespmem:$0x1600] =	vst v63  }
0x26e: {  	s15 =	sld [smem:$0x7FD]  }
0x26f: {  	[tilespmem:s14], [sflag:$0x1] =	stream.indirect.gather [hbm4b:s17+s18], $0x1, s21, s18, $0xb8;
	[tilespmem:$0x1600] =	vst v63  }
0x270: {  	_ = 	snop  }
0x271: {  	[tilespmem:s15], [sflag:$0x1] =	stream.indirect.gather [hbm4b:s17+s18], $0x1, s22, s18, $0xb8;
	[tilespmem:$0x1600] =	vst v63  }
0x272: {  	_ = 	snop  }
0x273: {  	[tilespmem:s13], [sflag:$0x1] =	stream.indirect.gather [hbm4b:s16+s18], $0x1, s2, s18, $0xb8;
	[tilespmem:$0x1600] =	vst v63  }
0x274: {  	_ = 	snop  }
0x275: {  	[tilespmem:s29], [sflag:$0x1] =	stream.indirect.gather [hbm4b:s16+s18], $0x1, s18, s18, $0xb8;
	[tilespmem:$0x1600] =	vst v63  }
0x276: {  	_ = 	snop  }
0x277: {  	[tilespmem:s30], [sflag:$0x1] =	stream.indirect.gather [hbm4b:s16+s18], $0x1, s21, s18, $0xb8;
	[tilespmem:$0x1600] =	vst v63  }
0x278: {  	s17 =	simm.s32 $0x1580  }
0x279: {  	[tilespmem:s17], [sflag:$0x1] =	stream.indirect.gather [hbm4b:s16+s18], $0x1, s22, s18, $0xb8;
	[tilespmem:$0x1600] =	vst v63  }
0x27a: {  	_ =	swait.ge [sflag:s3], $0x80  }
0x27b: {  	[sflag:s3] =	ssyncset.done $0x0  }
0x27c: {  	[sflag:s3] =	ssyncadd.s32 $0xFFFFFF80  }
0x27d: {  	_ =	swait.ge [sflag:s3], $0x80  }
0x27e: {  	[sflag:s3] =	ssyncset.done $0x0  }
0x27f: {  	[sflag:s3] =	ssyncadd.s32 $0xFFFFFF80  }
0x280: {  	_ =	swait.ge [sflag:s3], $0x80  }
0x281: {  	[sflag:s3] =	ssyncset.done $0x0  }
0x282: {  	[sflag:s3] =	ssyncadd.s32 $0xFFFFFF80  }
0x283: {  	_ =	swait.ge [sflag:s3], $0x80  }
0x284: {  	[sflag:s3] =	ssyncset.done $0x0  }
0x285: {  	[sflag:s3] =	ssyncadd.s32 $0xFFFFFF80  }
0x286: {  	_ =	swait.ge [sflag:s3], $0x80  }
0x287: {  	[sflag:s3] =	ssyncset.done $0x0  }
0x288: {  	[sflag:s3] =	ssyncadd.s32 $0xFFFFFF80  }
0x289: {  	_ =	swait.ge [sflag:s3], $0x80  }
0x28a: {  	[sflag:s3] =	ssyncset.done $0x0  }
0x28b: {  	[sflag:s3] =	ssyncadd.s32 $0xFFFFFF80  }
0x28c: {  	_ =	swait.ge [sflag:s3], $0x80  }
0x28d: {  	[sflag:s3] =	ssyncset.done $0x0  }
0x28e: {  	[sflag:s3] =	ssyncadd.s32 $0xFFFFFF80  }
0x28f: {  	_ =	swait.ge [sflag:s3], $0x80  }
0x290: {  	[sflag:s3] =	ssyncset.done $0x0  }
0x291: {  	[sflag:s3] =	ssyncadd.s32 $0xFFFFFF80  }
0x292: {  	_ =	swait.ge [sflag:s3], $0x80  }
0x293: {  	[sflag:s3] =	ssyncset.done $0x0  }
0x294: {  	[sflag:s3] =	ssyncadd.s32 $0xFFFFFF80  }
0x295: {  	_ =	swait.ge [sflag:s3], $0x80  }
0x296: {  	[sflag:s3] =	ssyncset.done $0x0  }
0x297: {  	[sflag:s3] =	ssyncadd.s32 $0xFFFFFF80  }
0x298: {  	_ =	swait.ge [sflag:s3], $0x80  }
0x299: {  	[sflag:s3] =	ssyncset.done $0x0  }
0x29a: {  	[sflag:s3] =	ssyncadd.s32 $0xFFFFFF80  }
0x29b: {  	_ =	swait.ge [sflag:s3], $0x80  }
0x29c: {  	[sflag:s3] =	ssyncset.done $0x0  }
0x29d: {  	[sflag:s3] =	ssyncadd.s32 $0xFFFFFF80  }
0x29e: {  	_ =	swait.ge [sflag:s3], $0x80  }
0x29f: {  	[sflag:s3] =	ssyncset.done $0x0  }
0x2a0: {  	[sflag:s3] =	ssyncadd.s32 $0xFFFFFF80  }
0x2a1: {  	_ =	swait.ge [sflag:s3], $0x80  }
0x2a2: {  	[sflag:s3] =	ssyncset.done $0x0  }
0x2a3: {  	[sflag:s3] =	ssyncadd.s32 $0xFFFFFF80  }
0x2a4: {  	_ =	swait.ge [sflag:s3], $0x80  }
0x2a5: {  	[sflag:s3] =	ssyncset.done $0x0  }
0x2a6: {  	[sflag:s3] =	ssyncadd.s32 $0xFFFFFF80  }
0x2a7: {  	_ =	swait.ge [sflag:s3], $0x80  }
0x2a8: {  	[sflag:s3] =	ssyncset.done $0x0  }
0x2a9: {  	[sflag:s3] =	ssyncadd.s32 $0xFFFFFF80  }
0x2aa: {  	_ =	swait.ge [sflag:s3], $0x80  }
0x2ab: {  	[sflag:s3] =	ssyncset.done $0x0  }
0x2ac: {  	[sflag:s3] =	ssyncadd.s32 $0xFFFFFF80  }
0x2ad: {  	_ =	swait.ge [sflag:s3], $0x80  }
0x2ae: {  	[sflag:s3] =	ssyncset.done $0x0  }
0x2af: {  	[sflag:s3] =	ssyncadd.s32 $0xFFFFFF80  }
0x2b0: {  	_ =	swait.ge [sflag:s3], $0x80  }
0x2b1: {  	[sflag:s3] =	ssyncset.done $0x0  }
0x2b2: {  	[sflag:s3] =	ssyncadd.s32 $0xFFFFFF80  }
0x2b3: {  	_ =	swait.ge [sflag:s3], $0x80  }
0x2b4: {  	[sflag:s3] =	ssyncset.done $0x0  }
0x2b5: {  	[sflag:s3] =	ssyncadd.s32 $0xFFFFFF80  }
0x2b6: {  	_ =	swait.ge [sflag:s3], $0x80  }
0x2b7: {  	[sflag:s3] =	ssyncset.done $0x0  }
0x2b8: {  	[sflag:s3] =	ssyncadd.s32 $0xFFFFFF80  }
0x2b9: {  	_ =	swait.ge [sflag:s3], $0x80  }
0x2ba: {  	[sflag:s3] =	ssyncset.done $0x0  }
0x2bb: {  	[sflag:s3] =	ssyncadd.s32 $0xFFFFFF80  }
0x2bc: {  	_ =	swait.ge [sflag:s3], $0x80  }
0x2bd: {  	[sflag:s3] =	ssyncset.done $0x0  }
0x2be: {  	[sflag:s3] =	ssyncadd.s32 $0xFFFFFF80  }
0x2bf: {  	_ =	swait.ge [sflag:s3], $0x80  }
0x2c0: {  	[sflag:s3] =	ssyncset.done $0x0  }
0x2c1: {  	[sflag:s3] =	ssyncadd.s32 $0xFFFFFF80  }
0x2c2: {  	_ =	swait.ge [sflag:s3], $0x80  }
0x2c3: {  	[sflag:s3] =	ssyncset.done $0x0  }
0x2c4: {  	[sflag:s3] =	ssyncadd.s32 $0xFFFFFF80  }
0x2c5: {  	_ =	swait.ge [sflag:s3], $0x80  }
0x2c6: {  	[sflag:s3] =	ssyncset.done $0x0  }
0x2c7: {  	[sflag:s3] =	ssyncadd.s32 $0xFFFFFF80  }
0x2c8: {  	_ =	swait.ge [sflag:s3], $0x80  }
0x2c9: {  	[sflag:s3] =	ssyncset.done $0x0  }
0x2ca: {  	[sflag:s3] =	ssyncadd.s32 $0xFFFFFF80  }
0x2cb: {  	_ =	swait.ge [sflag:s3], $0x80  }
0x2cc: {  	[sflag:s3] =	ssyncset.done $0x0  }
0x2cd: {  	[sflag:s3] =	ssyncadd.s32 $0xFFFFFF80  }
0x2ce: {  	_ =	swait.ge [sflag:s3], $0x80  }
0x2cf: {  	[sflag:s3] =	ssyncset.done $0x0  }
0x2d0: {  	[sflag:s3] =	ssyncadd.s32 $0xFFFFFF80  }
0x2d1: {  	_ =	swait.ge [sflag:s3], $0x80  }
0x2d2: {  	[sflag:s3] =	ssyncset.done $0x0  }
0x2d3: {  	[sflag:s3] =	ssyncadd.s32 $0xFFFFFF80  }
0x2d4: {  	_ =	swait.ge [sflag:s3], $0x80  }
0x2d5: {  	[sflag:s3] =	ssyncset.done $0x0  }
0x2d6: {  	[sflag:s3] =	ssyncadd.s32 $0xFFFFFF80  }
0x2d7: {  	_ =	swait.ge [sflag:s3], $0x80  }
0x2d8: {  	[sflag:s3] =	ssyncset.done $0x0  }
0x2d9: {  	[sflag:s3] =	ssyncadd.s32 $0xFFFFFF80  }
0x2da: {  	_ =	swait.ge [sflag:s3], $0x80  }
0x2db: {  	[sflag:s3] =	ssyncset.done $0x0  }
0x2dc: {  	[sflag:s3] =	ssyncadd.s32 $0xFFFFFF80  }
0x2dd: {  	_ =	swait.ge [sflag:s3], $0x80  }
0x2de: {  	[sflag:s3] =	ssyncset.done $0x0  }
0x2df: {  	[sflag:s3] =	ssyncadd.s32 $0xFFFFFF80  }
0x2e0: {  	_ =	swait.ge [sflag:s3], $0x80  }
0x2e1: {  	[sflag:s3] =	ssyncset.done $0x0  }
0x2e2: {  	[sflag:s3] =	ssyncadd.s32 $0xFFFFFF80  }
0x2e3: {  	_ =	swait.ge [sflag:s3], $0x80  }
0x2e4: {  	[sflag:s3] =	ssyncset.done $0x0  }
0x2e5: {  	[sflag:s3] =	ssyncadd.s32 $0xFFFFFF80  }
0x2e6: {  	_ =	swait.ge [sflag:s3], $0x80  }
0x2e7: {  	[sflag:s3] =	ssyncset.done $0x0  }
0x2e8: {  	[sflag:s3] =	ssyncadd.s32 $0xFFFFFF80  }
0x2e9: {  	_ =	swait.ge [sflag:s3], $0x80  }
0x2ea: {  	[sflag:s3] =	ssyncset.done $0x0  }
0x2eb: {  	[sflag:s3] =	ssyncadd.s32 $0xFFFFFF80  }
0x2ec: {  	_ =	swait.ge [sflag:s3], $0x80  }
0x2ed: {  	[sflag:s3] =	ssyncset.done $0x0  }
0x2ee: {  	[sflag:s3] =	ssyncadd.s32 $0xFFFFFF80  }
0x2ef: {  	_ =	swait.ge [sflag:s3], $0x80  }
0x2f0: {  	[sflag:s3] =	ssyncset.done $0x0  }
0x2f1: {  	s19 =	rddreg [dreg:$0x4];
	[sflag:s3] =	ssyncadd.s32 $0xFFFFFF80  }
0x2f2: {  	[hbm4b:s19+s2] =	stream.linear.scatter [tilespmem:s4], [sflag:$0x1], $0x200, $0x38;
	[tilespmem:$0x1600] =	vst v63  }
0x2f3: {  	s20 =	rddreg [dreg:$0x5]  }
0x2f4: {  	[hbm4b:s20+s2] =	stream.linear.scatter [tilespmem:s5], [sflag:$0x1], $0x200, $0x38;
	[tilespmem:$0x1600] =	vst v63  }
0x2f5: {  	s21 =	rddreg [dreg:$0x6]  }
0x2f6: {  	[hbm4b:s21+s2] =	stream.linear.scatter [tilespmem:s6], [sflag:$0x1], $0x200, $0x38;
	[tilespmem:$0x1600] =	vst v63  }
0x2f7: {  	s22 =	rddreg [dreg:$0x7]  }
0x2f8: {  	[hbm4b:s22+s2] =	stream.linear.scatter [tilespmem:s7], [sflag:$0x1], $0x200, $0x38;
	[tilespmem:$0x1600] =	vst v63  }
0x2f9: {  	s23 =	rddreg [dreg:$0x8]  }
0x2fa: {  	[hbm4b:s23+s2] =	stream.linear.scatter [tilespmem:s8], [sflag:$0x1], $0x200, $0x38;
	[tilespmem:$0x1600] =	vst v63  }
0x2fb: {  	s24 =	rddreg [dreg:$0x9]  }
0x2fc: {  	[hbm4b:s24+s2] =	stream.linear.scatter [tilespmem:s9], [sflag:$0x1], $0x200, $0x38;
	[tilespmem:$0x1600] =	vst v63  }
0x2fd: {  	s25 =	rddreg [dreg:$0xa]  }
0x2fe: {  	[hbm4b:s25+s2] =	stream.linear.scatter [tilespmem:s10], [sflag:$0x1], $0x200, $0x38;
	[tilespmem:$0x1600] =	vst v63  }
0x2ff: {  	s26 =	rddreg [dreg:$0xb]  }
0x300: {  	[hbm4b:s26+s2] =	stream.linear.scatter [tilespmem:s11], [sflag:$0x1], $0x200, $0x38;
	[tilespmem:$0x1600] =	vst v63  }
0x301: {  	s29 =	rddreg [dreg:$0xc]  }
0x302: {  	[hbm4b:s29+s2] =	stream.linear.scatter [tilespmem:s12], [sflag:$0x1], $0x200, $0x38;
	[tilespmem:$0x1600] =	vst v63  }
0x303: {  	s30 =	rddreg [dreg:$0xd]  }
0x304: {  	[hbm4b:s30+s2] =	stream.linear.scatter [tilespmem:s13], [sflag:$0x1], $0x200, $0x38;
	[tilespmem:$0x1600] =	vst v63  }
0x305: {  	_ =	swait.ge [sflag:s3], $0x200  }
0x306: {  	[sflag:s3] =	ssyncset.done $0x0  }
0x307: {  	[sflag:s3] =	ssyncadd.s32 $0xFFFFFE00  }
0x308: {  	_ =	swait.ge [sflag:s3], $0x200  }
0x309: {  	[sflag:s3] =	ssyncset.done $0x0  }
0x30a: {  	[sflag:s3] =	ssyncadd.s32 $0xFFFFFE00  }
0x30b: {  	_ =	swait.ge [sflag:s3], $0x200  }
0x30c: {  	[sflag:s3] =	ssyncset.done $0x0  }
0x30d: {  	[sflag:s3] =	ssyncadd.s32 $0xFFFFFE00  }
0x30e: {  	_ =	swait.ge [sflag:s3], $0x200  }
0x30f: {  	[sflag:s3] =	ssyncset.done $0x0  }
0x310: {  	[sflag:s3] =	ssyncadd.s32 $0xFFFFFE00  }
0x311: {  	_ =	swait.ge [sflag:s3], $0x200  }
0x312: {  	[sflag:s3] =	ssyncset.done $0x0  }
0x313: {  	[sflag:s3] =	ssyncadd.s32 $0xFFFFFE00  }
0x314: {  	_ =	swait.ge [sflag:s3], $0x200  }
0x315: {  	[sflag:s3] =	ssyncset.done $0x0  }
0x316: {  	[sflag:s3] =	ssyncadd.s32 $0xFFFFFE00  }
0x317: {  	_ =	swait.ge [sflag:s3], $0x200  }
0x318: {  	[sflag:s3] =	ssyncset.done $0x0  }
0x319: {  	[sflag:s3] =	ssyncadd.s32 $0xFFFFFE00  }
0x31a: {  	_ =	swait.ge [sflag:s3], $0x200  }
0x31b: {  	[sflag:s3] =	ssyncset.done $0x0  }
0x31c: {  	[sflag:s3] =	ssyncadd.s32 $0xFFFFFE00  }
0x31d: {  	_ =	swait.ge [sflag:s3], $0x200  }
0x31e: {  	[sflag:s3] =	ssyncset.done $0x0  }
0x31f: {  	[sflag:s3] =	ssyncadd.s32 $0xFFFFFE00  }
0x320: {  	_ =	swait.ge [sflag:s3], $0x200  }
0x321: {  	[sflag:s3] =	ssyncset.done $0x0  }
0x322: {  	[sflag:s3] =	ssyncadd.s32 $0xFFFFFE00  }
0x323: {  	_ =	sfence.sel $0x180000  }
0x324: {  	s31 =	stileid.u32;
	[bflag:$0x0] =	sbarrier.arrive $0xFFFF  }
0x325: {  	p0 =	sne.s32 s31, $0x0;
	_ =	strace $0x9000004A  }
0x326: {  	s0 =	sadd.s32 @!p0 $0x100000, s28;
	[bflag:$0x2] =	sbarrier.arrive $0xFFFF  }
0x327: {  	[sflag:s0] =	ssyncadd.tile.s32 @!p0 $0x1;
	_ =	shalt  }
.LBB2_1:
.Ltmp3:
0x328: {  	(pc) =	sbr.rel .LBB2_6-.Ltmp3, $2  }
0x329: {  	_ =	sdelay $0x2  }
0x32a: {  	s30 =	simm.s32 $0x1500;
	s29 =	simm.s32 $0x1480  }
.LBB2_3:
.Ltmp4:
0x32b: {  	(pc) =	sbr.rel .LBB2_6-.Ltmp4, $2  }
0x32c: {  	_ =	sdelay $0x2  }
0x32d: {  	s30 =	simm.s32 $0x1500;
	s29 =	simm.s32 $0x1480;
	s28 =	rddreg [dreg:$0x2]  }
.Lfunc_end2:
_tile_overlayer_lowered:
.L_overlay_start_2:
0x32e: {  	(tag) =	ssettag $0x2  }
0x32f: {  	s0 =	rddreg [dreg:$0x0];
	s2 =	stileid.u32  }
0x330: {  	s1 =	rddreg [dreg:$0x1];
	p0 =	sne.s32 s2, $0x0  }
0x331: {  	s3 =	rddreg [dreg:$0x2];
	[bflag:$0x3] =	sbarrier.arrive $0xFFFF;
	s2 =	simm.s32 @!p0 $0x1C02  }
0x332: {  	[timem:s3], [sflag:s2] =	dma.local @!p0 [hbm:s0], s1  }
0x333: {  	s0 =	simm.s32 @!p0 $0x2  }
0x334: {  	_ =	swait.ge @!p0 [sflag:s0], s1  }
0x335: {  	s1 =	ssub.s32 @!p0 $0x0, s1;
	[sflag:s0] =	ssyncset.done @!p0 $0x0  }
0x336: {  	[sflag:s0] =	ssyncadd.s32 @!p0 s1  }
0x337: {  	[bflag:$0x3] =	sbarrier.arrive $0xFFFF  }
0x338: {  	_ =	shalt  }

</sc_bundles>
